<compile_context>
chip_gen: v7x
topology: tpu7x:2x2x1
jax: 0.10.2.dev20260603
libtpu: 0.0.44.dev20260713+nightly
codegen_flags: <defaults>
</compile_context>

<pallas_src>
import functools

import jax
import jax.numpy as jnp
from jax import lax
from jax.experimental import pallas as pl
from jax.experimental.pallas import tpu as pltpu
from jax.experimental.pallas import tpu_sc as plsc

N_ORDER = 50000
N_DEVICE = 10000
N_TYPE = 64
H = 64

NC = 2
NS = 16
CH = 128
CL = 8
R = 4

HALF_O = N_ORDER // NC
ACC_O = 25088
ACC_D = 10112


def _elu(x):
    return jnp.where(x > 0, x, jnp.exp(jnp.minimum(x, 0.0)) - 1.0)



def _proj_body(xo, xd, xt, W_po, b_po, W_pd, b_pd, W_pt, b_pt,
               ho, hd, ht):
    ho[...] = _elu(jnp.dot(xo[...], W_po[...],
                           preferred_element_type=jnp.float32) + b_po[...])
    hd[...] = _elu(jnp.dot(xd[...], W_pd[...],
                           preferred_element_type=jnp.float32) + b_pd[...])
    ht[...] = _elu(xt[...] * W_pt[...] + b_pt[...])


def _project(xo, xd, xt, W_po, b_po, W_pd, b_pd, W_pt, b_pt):
    grid = 10
    bo, bd = N_ORDER // grid, N_DEVICE // grid
    return pl.pallas_call(
        _proj_body,
        grid=(grid,),
        in_specs=[
            pl.BlockSpec((bo, 5), lambda i: (i, 0)),
            pl.BlockSpec((bd, 6), lambda i: (i, 0)),
            pl.BlockSpec((N_TYPE, 1), lambda i: (0, 0)),
            pl.BlockSpec((5, H), lambda i: (0, 0)),
            pl.BlockSpec((H,), lambda i: (0,)),
            pl.BlockSpec((6, H), lambda i: (0, 0)),
            pl.BlockSpec((H,), lambda i: (0,)),
            pl.BlockSpec((1, H), lambda i: (0, 0)),
            pl.BlockSpec((H,), lambda i: (0,)),
        ],
        out_specs=[
            pl.BlockSpec((bo, H), lambda i: (i, 0)),
            pl.BlockSpec((bd, H), lambda i: (i, 0)),
            pl.BlockSpec((N_TYPE, H), lambda i: (0, 0)),
        ],
        out_shape=[
            jax.ShapeDtypeStruct((N_ORDER, H), jnp.float32),
            jax.ShapeDtypeStruct((N_DEVICE, H), jnp.float32),
            jax.ShapeDtypeStruct((N_TYPE, H), jnp.float32),
        ],
    )(xo, xd, xt, W_po, b_po, W_pd, b_pd, W_pt, b_pt)



ACC_CNT_O = 50176


def _pad_edges(src, dst, dst_fill):
    E = src.shape[0]
    mult = NC * NS * R * CH
    Ep = ((E + mult - 1) // mult) * mult
    if Ep != E:
        pad = Ep - E
        src = jnp.concatenate([src, jnp.zeros((pad,), jnp.int32)])
        dst = jnp.concatenate([dst, jnp.full((pad,), dst_fill, jnp.int32)])
    return src, dst


def _scan_pipe(rr, cpt, chunk0, base, remap, tab, s2, d2,
               sets, gsems, ssems, isems, acc, cnt, ones_v):
    n_super = cpt // rr
    W = rr * CH
    assert n_super == 2 or (n_super > 2 and (n_super - 2) % 3 in (0, 2)), \
        n_super
    T = (n_super - 2) // 3
    r = 0 if n_super == 2 else (n_super - 2) % 3

    def issue_idx(p, sup):
        e0 = (chunk0 + sup * rr) * CH
        if tab is not None:
            pltpu.async_copy(s2.at[pl.ds(e0, W)], sets[p][0], isems[p])
        pltpu.async_copy(d2.at[pl.ds(e0, W)], sets[p][1], isems[p])

    def wait_idx(p):
        if tab is not None:
            pltpu.make_async_copy(s2.at[pl.ds(0, W)], sets[p][0],
                                  isems[p]).wait()
        pltpu.make_async_copy(d2.at[pl.ds(0, W)], sets[p][1],
                              isems[p]).wait()

    def drain_scatter(p):
        if tab is not None:
            pltpu.make_async_copy(sets[p][2], acc.at[sets[p][1]],
                                  ssems[p]).wait()
        if cnt is not None:
            pltpu.make_async_copy(ones_v, cnt.at[sets[p][1]],
                                  ssems[p]).wait()

    def stage(p):
        idx_s, idx_d, rbuf = sets[p]
        wait_idx(p)
        gd = None
        if tab is not None:
            gd = pltpu.async_copy(tab.at[idx_s], rbuf, gsems[p])
        if remap:
            for i in range(W // 16):
                d = idx_d[pl.ds(i * 16, 16)] - base
                ok = (d >= 0) & (d < HALF_O)
                idx_d[pl.ds(i * 16, 16)] = jnp.where(ok, d, HALF_O)
        if gd is not None:
            gd.wait()
            pltpu.async_copy(rbuf, acc.at[idx_d], ssems[p], add=True)
        if cnt is not None:
            pltpu.async_copy(ones_v, cnt.at[idx_d], ssems[p], add=True)

    issue_idx(0, 0)
    issue_idx(1, 1)
    stage(0)
    if n_super > 2:
        issue_idx(2, 2)
    stage(1)
    drain_scatter(0)
    if n_super > 3:
        issue_idx(0, 3)

    if T > 0:
        def body(t, carry):
            for k in range(3):
                g = 2 + 3 * t + k
                p = (2 + k) % 3
                q = (p + 2) % 3
                stage(p)
                drain_scatter(q)
                issue_idx(q, jnp.minimum(g + 2, n_super - 1))
            return carry

        lax.fori_loop(0, T, body, 0)
        if r == 0:
            wait_idx((n_super - 3) % 3)
            wait_idx((n_super - 2) % 3)
        for j in range(r):
            g = n_super - r + j
            stage(g % 3)
            drain_scatter((g - 1) % 3)
    drain_scatter((n_super - 1) % 3)


HW = H // NC
ACC_FULL_O = 50176


def _order_sc(hd2, ht2, e_d2o, e_t2o):
    rr = 2
    cpt = [e[0].shape[0] // CH // NS for e in (e_d2o, e_t2o)]
    rpt = ACC_FULL_O // NS
    z32 = jnp.zeros((rpt, HW), jnp.float32)

    def body(hd_t, sd2o, dd2o, ht_t, st2o, dt2o, z32_t,
             out_d2o, out_t2o, *scr):
        sets = [scr[3 * j:3 * j + 3] for j in range(3)]
        gsems, ssems, isems = scr[9:12], scr[12:15], scr[15:18]
        c = lax.axis_index("c")
        s = lax.axis_index("s")
        phases = [(hd_t.at[c], sd2o, dd2o, cpt[0], out_d2o),
                  (ht_t.at[c], st2o, dt2o, cpt[1], out_t2o)]
        acc = scr[18]
        pltpu.sync_copy(z32_t.at[pl.ds(0, rpt)],
                        acc.at[pl.ds(s * rpt, rpt)])
        plsc.subcore_barrier()
        for pi, (tab, s2, d2, cp, out) in enumerate(phases):
            _scan_pipe(rr, cp, s * cp, 0, False, tab, s2, d2,
                       sets, gsems, ssems, isems, acc, None, None)
            plsc.subcore_barrier()
            pltpu.sync_copy(acc.at[pl.ds(s * rpt, rpt)],
                            out.at[c, pl.ds(s * rpt, rpt)])
            if pi + 1 < len(phases):
                pltpu.sync_copy(z32_t.at[pl.ds(0, rpt)],
                                acc.at[pl.ds(s * rpt, rpt)])
                plsc.subcore_barrier()

    mesh = plsc.VectorSubcoreMesh(core_axis_name="c", subcore_axis_name="s")
    W = rr * CH
    f = pl.kernel(
        body,
        out_type=[jax.ShapeDtypeStruct((NC, ACC_FULL_O, HW),
                                       jnp.float32)] * 2,
        mesh=mesh,
        scratch_types=(
            [pltpu.VMEM((W,), jnp.int32),
             pltpu.VMEM((W,), jnp.int32),
             pltpu.VMEM((W, HW), jnp.float32)] * 3
            + [pltpu.SemaphoreType.DMA] * 9
            + [pltpu.VMEM_SHARED((ACC_FULL_O, HW), jnp.float32)]),
        compiler_params=pltpu.CompilerParams(use_tc_tiling_on_sc=False),
    )
    return f(hd2, e_d2o[0], e_d2o[1], ht2, e_t2o[0], e_t2o[1], z32)


def _counts_sc(dd2o, dt2o):
    rr = 2
    cpt_co = [d.shape[0] // CH // (NC * NS) for d in (dd2o, dt2o)]
    rpto = ACC_CNT_O // NS
    W = rr * CH
    z8 = jnp.zeros((rpto, CL), jnp.float32)
    ones_hbm = jnp.ones((W, CL), jnp.float32)

    def body(dd2o_t, dt2o_t, z8_t, ones_t, o_cd2o, o_ct2o, *scr):
        sets = [(None, scr[j], None) for j in range(3)]
        ones_v = scr[3]
        ssems, isems = scr[4:7], scr[7:10]
        gsems = (None, None, None)
        cnt_o = scr[10]
        c = lax.axis_index("c")
        s = lax.axis_index("s")
        tile = s * NC + c
        pltpu.sync_copy(z8_t.at[pl.ds(0, rpto)],
                        cnt_o.at[pl.ds(s * rpto, rpto)])
        pltpu.sync_copy(ones_t, ones_v)
        plsc.subcore_barrier()
        cphases = [(dd2o_t, cpt_co[0], o_cd2o), (dt2o_t, cpt_co[1], o_ct2o)]
        for pi, (d2, cp, out_c) in enumerate(cphases):
            _scan_pipe(rr, cp, tile * cp, 0, False, None, None, d2,
                       sets, gsems, ssems, isems, None, cnt_o, ones_v)
            plsc.subcore_barrier()
            pltpu.sync_copy(cnt_o.at[pl.ds(s * rpto, rpto)],
                            out_c.at[c, pl.ds(s * rpto, rpto)])
            if pi + 1 < len(cphases):
                pltpu.sync_copy(z8_t.at[pl.ds(0, rpto)],
                                cnt_o.at[pl.ds(s * rpto, rpto)])
                plsc.subcore_barrier()

    mesh = plsc.VectorSubcoreMesh(core_axis_name="c", subcore_axis_name="s")
    f = pl.kernel(
        body,
        out_type=[jax.ShapeDtypeStruct((NC, ACC_CNT_O, CL),
                                       jnp.float32)] * 2,
        mesh=mesh,
        scratch_types=(
            [pltpu.VMEM((W,), jnp.int32)] * 3
            + [pltpu.VMEM((W, CL), jnp.float32)]
            + [pltpu.SemaphoreType.DMA] * 6
            + [pltpu.VMEM_SHARED((ACC_CNT_O, CL), jnp.float32)]),
        compiler_params=pltpu.CompilerParams(use_tc_tiling_on_sc=False),
    )
    return f(dd2o, dt2o, z8, ones_hbm)


def _device_sc(ho, hd, ht, e_o2d, e_d2d, e_t2d):
    rr = 2
    cpt = [e[0].shape[0] // CH // (NC * NS) for e in (e_o2d, e_d2d, e_t2d)]
    rptd = ACC_D // NS
    W = rr * CH
    z64 = jnp.zeros((rptd, H), jnp.float32)
    z8 = jnp.zeros((rptd, CL), jnp.float32)
    ones_hbm = jnp.ones((W, CL), jnp.float32)

    def body(ho_t, so2d, do2d, hd_t, sd2d, dd2d, ht_t, st2d, dt2d,
             z64_t, z8_t, ones_t,
             o_so2d, o_co2d, o_sd2d, o_cd2d, o_st2d, o_ct2d, *scr):
        sets = [scr[3 * j:3 * j + 3] for j in range(3)]
        ones_v = scr[9]
        gsems, ssems, isems = scr[10:13], scr[13:16], scr[16:19]
        acc, cnt = scr[19], scr[20]
        c = lax.axis_index("c")
        s = lax.axis_index("s")
        tile = s * NC + c
        pltpu.sync_copy(z64_t.at[pl.ds(0, rptd)],
                        acc.at[pl.ds(s * rptd, rptd)])
        pltpu.sync_copy(z8_t.at[pl.ds(0, rptd)],
                        cnt.at[pl.ds(s * rptd, rptd)])
        pltpu.sync_copy(ones_t, ones_v)
        plsc.subcore_barrier()

        phases = [(ho_t, so2d, do2d, cpt[0], o_so2d, o_co2d),
                  (hd_t, sd2d, dd2d, cpt[1], o_sd2d, o_cd2d),
                  (ht_t, st2d, dt2d, cpt[2], o_st2d, o_ct2d)]
        for pi, (tab, s2, d2, cp, out_s, out_c) in enumerate(phases):
            _scan_pipe(rr, cp, tile * cp, 0, False, tab, s2, d2,
                       sets, gsems, ssems, isems, acc, cnt, ones_v)
            plsc.subcore_barrier()
            pltpu.sync_copy(acc.at[pl.ds(s * rptd, rptd)],
                            out_s.at[c, pl.ds(s * rptd, rptd)])
            pltpu.sync_copy(cnt.at[pl.ds(s * rptd, rptd)],
                            out_c.at[c, pl.ds(s * rptd, rptd)])
            if pi + 1 < len(phases):
                pltpu.sync_copy(z64_t.at[pl.ds(0, rptd)],
                                acc.at[pl.ds(s * rptd, rptd)])
                pltpu.sync_copy(z8_t.at[pl.ds(0, rptd)],
                                cnt.at[pl.ds(s * rptd, rptd)])
                plsc.subcore_barrier()

    mesh = plsc.VectorSubcoreMesh(core_axis_name="c", subcore_axis_name="s")
    f = pl.kernel(
        body,
        out_type=[jax.ShapeDtypeStruct((NC, ACC_D, H), jnp.float32),
                  jax.ShapeDtypeStruct((NC, ACC_D, CL), jnp.float32)] * 3,
        mesh=mesh,
        scratch_types=(
            [pltpu.VMEM((W,), jnp.int32),
             pltpu.VMEM((W,), jnp.int32),
             pltpu.VMEM((W, H), jnp.float32)] * 3
            + [pltpu.VMEM((W, CL), jnp.float32)]
            + [pltpu.SemaphoreType.DMA] * 9
            + [pltpu.VMEM_SHARED((ACC_D, H), jnp.float32),
               pltpu.VMEM_SHARED((ACC_D, CL), jnp.float32)]),
        compiler_params=pltpu.CompilerParams(use_tc_tiling_on_sc=False),
    )
    return f(ho, e_o2d[0], e_o2d[1], hd, e_d2d[0], e_d2d[1],
             ht, e_t2d[0], e_t2d[1], z64, z8, ones_hbm)



def _layer_norm(x, g, b, eps=1e-5):
    mu = jnp.mean(x, axis=-1, keepdims=True)
    xc = x - mu
    var = jnp.mean(xc * xc, axis=-1, keepdims=True)
    return xc * lax.rsqrt(var + eps) * g + b


def _mean2(sum_ref, cnt_ref):
    s = sum_ref[0] + sum_ref[1]
    n = cnt_ref[0][:, 0:1] + cnt_ref[1][:, 0:1]
    return s / jnp.maximum(n, 1.0)


def _order_body(ho, sum_d, cnt_d, sum_t, cnt_t,
                W1, W2, W3, b_uo, g_o, be_o, out):
    n_d = cnt_d[0][:, 0:1] + cnt_d[1][:, 0:1]
    n_t = cnt_t[0][:, 0:1] + cnt_t[1][:, 0:1]
    agg_d = jnp.concatenate([sum_d[0], sum_d[1]],
                            axis=-1) / jnp.maximum(n_d, 1.0)
    agg_t = jnp.concatenate([sum_t[0], sum_t[1]],
                            axis=-1) / jnp.maximum(n_t, 1.0)
    h = ho[...]
    z = (jnp.dot(h, W1[...], preferred_element_type=jnp.float32)
         + jnp.dot(agg_d, W2[...], preferred_element_type=jnp.float32)
         + jnp.dot(agg_t, W3[...], preferred_element_type=jnp.float32)
         + b_uo[...])
    out[...] = _layer_norm(h + _elu(z), g_o[...], be_o[...])


def _order_update(ho, sums_d, cnts_d, sums_t, cnts_t, W_uo, b_uo, g_o, be_o):
    W1, W2, W3 = W_uo[:H], W_uo[H:2 * H], W_uo[2 * H:]
    grid = 50
    bm = N_ORDER // grid

    def agg_spec():
        return pl.BlockSpec((NC, bm, HW), lambda i: (0, i, 0))

    def cnt_spec():
        return pl.BlockSpec((NC, bm, CL), lambda i: (0, i, 0))

    return pl.pallas_call(
        _order_body,
        grid=(grid,),
        in_specs=[
            pl.BlockSpec((bm, H), lambda i: (i, 0)),
            agg_spec(), cnt_spec(), agg_spec(), cnt_spec(),
            pl.BlockSpec((H, H), lambda i: (0, 0)),
            pl.BlockSpec((H, H), lambda i: (0, 0)),
            pl.BlockSpec((H, H), lambda i: (0, 0)),
            pl.BlockSpec((H,), lambda i: (0,)),
            pl.BlockSpec((H,), lambda i: (0,)),
            pl.BlockSpec((H,), lambda i: (0,)),
        ],
        out_specs=pl.BlockSpec((bm, H), lambda i: (i, 0)),
        out_shape=jax.ShapeDtypeStruct((N_ORDER, H), jnp.float32),
    )(ho, sums_d, cnts_d, sums_t, cnts_t, W1, W2, W3, b_uo, g_o, be_o)


def _device_body(hd, sum_o, cnt_o, sum_d, cnt_d, sum_t, cnt_t,
                 V1, V2, V3, V4, b_ud, g_d, be_d, out):
    agg_o = _mean2(sum_o, cnt_o)
    agg_d = _mean2(sum_d, cnt_d)
    agg_t = _mean2(sum_t, cnt_t)
    h = hd[...]
    z = (jnp.dot(h, V1[...], preferred_element_type=jnp.float32)
         + jnp.dot(agg_o, V2[...], preferred_element_type=jnp.float32)
         + jnp.dot(agg_d, V3[...], preferred_element_type=jnp.float32)
         + jnp.dot(agg_t, V4[...], preferred_element_type=jnp.float32)
         + b_ud[...])
    out[...] = _layer_norm(h + _elu(z), g_d[...], be_d[...])


def _device_update(hd, so, co, sd, cd, st, ct, W_ud, b_ud, g_d, be_d):
    V1, V2, V3, V4 = (W_ud[:H], W_ud[H:2 * H],
                      W_ud[2 * H:3 * H], W_ud[3 * H:])
    grid = 10
    bm = N_DEVICE // grid

    def agg_spec():
        return pl.BlockSpec((NC, bm, H), lambda i: (0, i, 0))

    def cnt_spec():
        return pl.BlockSpec((NC, bm, CL), lambda i: (0, i, 0))

    return pl.pallas_call(
        _device_body,
        grid=(grid,),
        in_specs=[
            pl.BlockSpec((bm, H), lambda i: (i, 0)),
            agg_spec(), cnt_spec(), agg_spec(), cnt_spec(),
            agg_spec(), cnt_spec(),
            pl.BlockSpec((H, H), lambda i: (0, 0)),
            pl.BlockSpec((H, H), lambda i: (0, 0)),
            pl.BlockSpec((H, H), lambda i: (0, 0)),
            pl.BlockSpec((H, H), lambda i: (0, 0)),
            pl.BlockSpec((H,), lambda i: (0,)),
            pl.BlockSpec((H,), lambda i: (0,)),
            pl.BlockSpec((H,), lambda i: (0,)),
        ],
        out_specs=pl.BlockSpec((bm, H), lambda i: (i, 0)),
        out_shape=jax.ShapeDtypeStruct((N_DEVICE, H), jnp.float32),
    )(hd, so, co, sd, cd, st, ct, V1, V2, V3, V4, b_ud, g_d, be_d)



def kernel(x_order, x_device, x_type, src_d2o, dst_d2o, src_t2o, dst_t2o,
           src_o2d, dst_o2d, src_d2d, dst_d2d, src_t2d, dst_t2d,
           W_po, b_po, W_pd, b_pd, W_pt, b_pt, W_uo, b_uo, W_ud, b_ud,
           g_o, be_o, g_d, be_d):
    e_d2o = _pad_edges(src_d2o, dst_d2o, N_ORDER)
    e_t2o = _pad_edges(src_t2o, dst_t2o, N_ORDER)
    e_o2d = _pad_edges(src_o2d, dst_o2d, N_DEVICE)
    e_d2d = _pad_edges(src_d2d, dst_d2d, N_DEVICE)
    e_t2d = _pad_edges(src_t2d, dst_t2d, N_DEVICE)

    c_d2o, c_t2o = _counts_sc(e_d2o[1], e_t2o[1])
    ho, hd, ht = _project(x_order, x_device, x_type,
                          W_po, b_po, W_pd, b_pd, W_pt, b_pt)

    hd2 = jnp.stack([hd[:, :HW], hd[:, HW:]])
    ht2 = jnp.stack([ht[:, :HW], ht[:, HW:]])
    s_d2o, s_t2o = _order_sc(hd2, ht2, e_d2o, e_t2o)
    (s_o2d, c_o2d, s_d2d, c_d2d,
     s_t2d, c_t2d) = _device_sc(ho, hd, ht, e_o2d, e_d2d, e_t2d)

    ho_new = _order_update(ho, s_d2o, c_d2o, s_t2o, c_t2o,
                           W_uo, b_uo, g_o, be_o)
    hd_new = _device_update(hd, s_o2d, c_o2d, s_d2d, c_d2d, s_t2d, c_t2d,
                            W_ud, b_ud, g_d, be_d)
    return (ho_new, hd_new)

# --- scband reference (transcript-rebuilt; emitter-appended) ---
"""Pipeline reference for scband-improved-hetero-gnn-61649960566786 (READ-ONLY COPY).

The authoritative reference and input builder live on the scoring server;
editing this copy changes nothing except your own understanding.
"""

import jax, jax.numpy as jnp
import numpy as np

N_ORDER = 50000
N_DEVICE = 10000
N_TYPE = 64
H = 64
E_D2O = 800000
E_T2O = 50000
E_O2D = 800000
E_D2D = 160000
E_T2D = 10000


def setup_inputs(seed: int = 0):
    key = jax.random.key(seed)
    ks = jax.random.split(key, 24)
    inp = {}
    inp['x_order'] = jax.random.normal(ks[0], (N_ORDER, 5), jnp.float32)
    inp['x_device'] = jax.random.normal(ks[1], (N_DEVICE, 6), jnp.float32)
    inp['x_type'] = jax.random.normal(ks[2], (N_TYPE, 1), jnp.float32)
    inp['src_d2o'] = jax.random.randint(ks[3], (E_D2O,), 0, N_DEVICE, jnp.int32)
    inp['dst_d2o'] = jax.random.randint(ks[4], (E_D2O,), 0, N_ORDER, jnp.int32)
    inp['src_t2o'] = jax.random.randint(ks[5], (E_T2O,), 0, N_TYPE, jnp.int32)
    inp['dst_t2o'] = jax.random.randint(ks[6], (E_T2O,), 0, N_ORDER, jnp.int32)
    inp['src_o2d'] = jax.random.randint(ks[7], (E_O2D,), 0, N_ORDER, jnp.int32)
    inp['dst_o2d'] = jax.random.randint(ks[8], (E_O2D,), 0, N_DEVICE, jnp.int32)
    inp['src_d2d'] = jax.random.randint(ks[9], (E_D2D,), 0, N_DEVICE, jnp.int32)
    inp['dst_d2d'] = jax.random.randint(ks[10], (E_D2D,), 0, N_DEVICE, jnp.int32)
    inp['src_t2d'] = jax.random.randint(ks[11], (E_T2D,), 0, N_TYPE, jnp.int32)
    inp['dst_t2d'] = jax.random.randint(ks[12], (E_T2D,), 0, N_DEVICE, jnp.int32)

    def lin(k, fi, fo):
        return jax.random.normal(k, (fi, fo), jnp.float32) * (1.0 / np.sqrt(fi))

    inp['W_po'] = lin(ks[13], 5, H)
    inp['b_po'] = jnp.zeros((H,), jnp.float32)
    inp['W_pd'] = lin(ks[14], 6, H)
    inp['b_pd'] = jnp.zeros((H,), jnp.float32)
    inp['W_pt'] = lin(ks[15], 1, H)
    inp['b_pt'] = jnp.zeros((H,), jnp.float32)
    inp['W_uo'] = lin(ks[16], 3 * H, H)
    inp['b_uo'] = jnp.zeros((H,), jnp.float32)
    inp['W_ud'] = lin(ks[17], 4 * H, H)
    inp['b_ud'] = jnp.zeros((H,), jnp.float32)
    inp['g_o'] = jnp.ones((H,), jnp.float32)
    inp['be_o'] = jnp.zeros((H,), jnp.float32)
    inp['g_d'] = jnp.ones((H,), jnp.float32)
    inp['be_d'] = jnp.zeros((H,), jnp.float32)
    return inp


def _mean_agg(src_feat, src_idx, dst_idx, n_dst):
    d = src_feat.shape[1]
    agg = jnp.zeros((n_dst, d), src_feat.dtype).at[dst_idx].add(src_feat[src_idx])
    cnt = jnp.zeros((n_dst, 1), src_feat.dtype).at[dst_idx].add(1.0)
    cnt = jnp.clip(cnt, 1.0, None)
    return agg / cnt


def _layer_norm(x, g, b, eps=1e-5):
    mu = x.mean(axis=-1, keepdims=True)
    var = x.var(axis=-1, keepdims=True)
    return (x - mu) / jnp.sqrt(var + eps) * g + b


def reference(x_order, x_device, x_type, src_d2o, dst_d2o, src_t2o, dst_t2o,
              src_o2d, dst_o2d, src_d2d, dst_d2d, src_t2d, dst_t2d,
              W_po, b_po, W_pd, b_pd, W_pt, b_pt, W_uo, b_uo, W_ud, b_ud,
              g_o, be_o, g_d, be_d):
    ho = jax.nn.elu(x_order @ W_po + b_po)
    hd = jax.nn.elu(x_device @ W_pd + b_pd)
    ht = jax.nn.elu(x_type @ W_pt + b_pt)
    agg_o_from_d = _mean_agg(hd, src_d2o, dst_d2o, N_ORDER)
    agg_o_from_t = _mean_agg(ht, src_t2o, dst_t2o, N_ORDER)
    agg_d_from_o = _mean_agg(ho, src_o2d, dst_o2d, N_DEVICE)
    agg_d_from_d = _mean_agg(hd, src_d2d, dst_d2d, N_DEVICE)
    agg_d_from_t = _mean_agg(ht, src_t2d, dst_t2d, N_DEVICE)
    ho_msg = jnp.concatenate([ho, agg_o_from_d, agg_o_from_t], axis=-1)
    ho_new = ho + jax.nn.elu(ho_msg @ W_uo + b_uo)
    ho_new = _layer_norm(ho_new, g_o, be_o)
    hd_msg = jnp.concatenate([hd, agg_d_from_o, agg_d_from_d, agg_d_from_t], axis=-1)
    hd_new = hd + jax.nn.elu(hd_msg @ W_ud + b_ud)
    hd_new = _layer_norm(hd_new, g_d, be_d)
    return (ho_new, hd_new)

if __name__ == "__main__":
    import jax
    _d = setup_inputs()
    print(jax.jit(kernel)(*tuple(_d.values())))

</pallas_src>

<mosaic_0001>
#map = affine_map<(d0, d1) -> (0)>
#map1 = affine_map<(d0, d1) -> (0, 0)>
#map2 = affine_map<(d0, d1) -> (0, 0, 0)>
module attributes {stable_mosaic.version = 14 : i64} {
  func.func @body(%arg0: i32, %arg1: i32, %arg2: memref<802816xi32, #tpu.memory_space<hbm>>, %arg3: memref<65536xi32, #tpu.memory_space<hbm>>, %arg4: memref<3136x8xf32, #tpu.memory_space<hbm>>, %arg5: memref<256x8xf32, #tpu.memory_space<hbm>>, %arg6: memref<2x50176x8xf32, #tpu.memory_space<hbm>>, %arg7: memref<2x50176x8xf32, #tpu.memory_space<hbm>>, %arg8: memref<256xi32, #tpu.memory_space<vmem>>, %arg9: memref<256xi32, #tpu.memory_space<vmem>>, %arg10: memref<256xi32, #tpu.memory_space<vmem>>, %arg11: memref<256x8xf32, #tpu.memory_space<vmem>>, %arg12: memref<!tpu.dma_semaphore, #tpu.memory_space<semaphore_mem>>, %arg13: memref<!tpu.dma_semaphore, #tpu.memory_space<semaphore_mem>>, %arg14: memref<!tpu.dma_semaphore, #tpu.memory_space<semaphore_mem>>, %arg15: memref<!tpu.dma_semaphore, #tpu.memory_space<semaphore_mem>>, %arg16: memref<!tpu.dma_semaphore, #tpu.memory_space<semaphore_mem>>, %arg17: memref<!tpu.dma_semaphore, #tpu.memory_space<semaphore_mem>>, %arg18: memref<50176x8xf32, #tpu.memory_space<vmem_shared>>) attributes {dimension_semantics = [#tpu.dimension_semantics<core_parallel>, #tpu.dimension_semantics<subcore_parallel>], iteration_bounds = array<i64: 2, 16>, scalar_prefetch = 0 : i64, scratch_operands = 11 : i64, tpu.core_type = #tpu.core_type<sc_vector_subcore>, window_params = [{transform_indices = #map}, {transform_indices = #map}, {transform_indices = #map1}, {transform_indices = #map1}, {transform_indices = #map2}, {transform_indices = #map2}]} {
    %mul3A = arith.constant 2 : i32
    %mul3A_0 = arith.muli %arg1, %mul3A : i32
    %add3A = arith.addi %mul3A_0, %arg0 : i32
    %mul3A_1 = arith.constant 3136 : i32
    %mul3A_2 = arith.muli %arg1, %mul3A_1 : i32
    "tpu.region"() ({
      %run_scoped3A = tpu.sem_alloc : memref<!tpu.dma_semaphore, #tpu.memory_space<semaphore_mem>>
      %dma_start3A_133 = arith.constant 0 : i32
      %dma_start3A_134 = tpu.memref_slice %arg18[%mul3A_2, %dma_start3A_133] : memref<50176x8xf32, #tpu.memory_space<vmem_shared>> -> memref<3136x8xf32, #tpu.memory_space<vmem_shared>>
      %dma_start3A_135 = arith.constant 0 : i32
      %dma_start3A_136 = arith.constant 0 : i32
      %dma_start3A_137 = tpu.memref_slice %arg4[%dma_start3A_135, %dma_start3A_136] : memref<3136x8xf32, #tpu.memory_space<hbm>> -> memref<3136x8xf32, #tpu.memory_space<hbm>>
      tpu.enqueue_dma source(%dma_start3A_137 : memref<3136x8xf32, #tpu.memory_space<hbm>>) target(%dma_start3A_134 : memref<3136x8xf32, #tpu.memory_space<vmem_shared>>) target_semaphore(%run_scoped3A : memref<!tpu.dma_semaphore, #tpu.memory_space<semaphore_mem>>)
      %dma_wait3A_138 = arith.constant 0 : i32
      %dma_wait3A_139 = tpu.memref_slice %arg18[%mul3A_2, %dma_wait3A_138] : memref<50176x8xf32, #tpu.memory_space<vmem_shared>> -> memref<3136x8xf32, #tpu.memory_space<vmem_shared>>
      %dma_wait3A_140 = arith.constant 0 : i32
      %dma_wait3A_141 = arith.constant 0 : i32
      %dma_wait3A_142 = tpu.memref_slice %arg4[%dma_wait3A_140, %dma_wait3A_141] : memref<3136x8xf32, #tpu.memory_space<hbm>> -> memref<3136x8xf32, #tpu.memory_space<hbm>>
      tpu.wait_dma2 semaphore(%run_scoped3A : memref<!tpu.dma_semaphore, #tpu.memory_space<semaphore_mem>>) src(%dma_wait3A_142 : memref<3136x8xf32, #tpu.memory_space<hbm>>) dst(%dma_wait3A_139 : memref<3136x8xf32, #tpu.memory_space<vmem_shared>>)
      tpu.yield
    }) : () -> ()
    "tpu.region"() ({
      %run_scoped3A = tpu.sem_alloc : memref<!tpu.dma_semaphore, #tpu.memory_space<semaphore_mem>>
      tpu.enqueue_dma source(%arg5 : memref<256x8xf32, #tpu.memory_space<hbm>>) target(%arg11 : memref<256x8xf32, #tpu.memory_space<vmem>>) target_semaphore(%run_scoped3A : memref<!tpu.dma_semaphore, #tpu.memory_space<semaphore_mem>>)
      tpu.wait_dma2 semaphore(%run_scoped3A : memref<!tpu.dma_semaphore, #tpu.memory_space<semaphore_mem>>) src(%arg5 : memref<256x8xf32, #tpu.memory_space<hbm>>) dst(%arg11 : memref<256x8xf32, #tpu.memory_space<vmem>>)
      tpu.yield
    }) : () -> ()
    %barrier3A = arith.constant 0 : index
    tpu.barrier barrier_id(%barrier3A)
    %mul3A_3 = arith.constant 196 : i32
    %mul3A_4 = arith.muli %add3A, %mul3A_3 : i32
    %add3A_5 = arith.constant 0 : i32
    %add3A_6 = arith.addi %mul3A_4, %add3A_5 : i32
    %mul3A_7 = arith.constant 128 : i32
    %mul3A_8 = arith.muli %add3A_6, %mul3A_7 : i32
    %dma_start3A = tpu.memref_slice %arg2[%mul3A_8] : memref<802816xi32, #tpu.memory_space<hbm>> -> memref<256xi32, #tpu.memory_space<hbm>>
    %dma_start3A_9 = tpu.memref_slice %arg2[%mul3A_8] : memref<802816xi32, #tpu.memory_space<hbm>> -> memref<256xi32, #tpu.memory_space<hbm>>
    tpu.enqueue_dma source(%dma_start3A_9 : memref<256xi32, #tpu.memory_space<hbm>>) target(%arg8 : memref<256xi32, #tpu.memory_space<vmem>>) target_semaphore(%arg15 : memref<!tpu.dma_semaphore, #tpu.memory_space<semaphore_mem>>)
    %add3A_10 = arith.constant 2 : i32
    %add3A_11 = arith.addi %mul3A_4, %add3A_10 : i32
    %mul3A_12 = arith.constant 128 : i32
    %mul3A_13 = arith.muli %add3A_11, %mul3A_12 : i32
    %dma_start3A_14 = tpu.memref_slice %arg2[%mul3A_13] : memref<802816xi32, #tpu.memory_space<hbm>> -> memref<256xi32, #tpu.memory_space<hbm>>
    %dma_start3A_15 = tpu.memref_slice %arg2[%mul3A_13] : memref<802816xi32, #tpu.memory_space<hbm>> -> memref<256xi32, #tpu.memory_space<hbm>>
    tpu.enqueue_dma source(%dma_start3A_15 : memref<256xi32, #tpu.memory_space<hbm>>) target(%arg9 : memref<256xi32, #tpu.memory_space<vmem>>) target_semaphore(%arg16 : memref<!tpu.dma_semaphore, #tpu.memory_space<semaphore_mem>>)
    %dma_wait3A = arith.constant 0 : i32
    %dma_wait3A_16 = tpu.memref_slice %arg2[%dma_wait3A] : memref<802816xi32, #tpu.memory_space<hbm>> -> memref<256xi32, #tpu.memory_space<hbm>>
    %dma_wait3A_17 = arith.constant 0 : i32
    %dma_wait3A_18 = tpu.memref_slice %arg2[%dma_wait3A_17] : memref<802816xi32, #tpu.memory_space<hbm>> -> memref<256xi32, #tpu.memory_space<hbm>>
    tpu.wait_dma2 semaphore(%arg15 : memref<!tpu.dma_semaphore, #tpu.memory_space<semaphore_mem>>) src(%dma_wait3A_18 : memref<256xi32, #tpu.memory_space<hbm>>) dst(%arg8 : memref<256xi32, #tpu.memory_space<vmem>>)
    %dma_start3A_19 = arith.constant 0 : i32
    %dma_start3A_20 = arith.constant 0 : i32
    %dma_start3A_21 = tpu.memref_slice %arg18[%dma_start3A_19, %dma_start3A_20] : memref<50176x8xf32, #tpu.memory_space<vmem_shared>> -> memref<50176x8xf32, #tpu.memory_space<vmem_shared>>
    tpu.enqueue_indirect_dma source(%arg11 : memref<256x8xf32, #tpu.memory_space<vmem>>) target(%dma_start3A_21 : memref<50176x8xf32, #tpu.memory_space<vmem_shared>>) offsets(%arg8 : memref<256xi32, #tpu.memory_space<vmem>>) semaphore(%arg12 : memref<!tpu.dma_semaphore, #tpu.memory_space<semaphore_mem>>) {add = true}
    %add3A_22 = arith.constant 4 : i32
    %add3A_23 = arith.addi %mul3A_4, %add3A_22 : i32
    %mul3A_24 = arith.constant 128 : i32
    %mul3A_25 = arith.muli %add3A_23, %mul3A_24 : i32
    %dma_start3A_26 = tpu.memref_slice %arg2[%mul3A_25] : memref<802816xi32, #tpu.memory_space<hbm>> -> memref<256xi32, #tpu.memory_space<hbm>>
    %dma_start3A_27 = tpu.memref_slice %arg2[%mul3A_25] : memref<802816xi32, #tpu.memory_space<hbm>> -> memref<256xi32, #tpu.memory_space<hbm>>
    tpu.enqueue_dma source(%dma_start3A_27 : memref<256xi32, #tpu.memory_space<hbm>>) target(%arg10 : memref<256xi32, #tpu.memory_space<vmem>>) target_semaphore(%arg17 : memref<!tpu.dma_semaphore, #tpu.memory_space<semaphore_mem>>)
    %dma_wait3A_28 = arith.constant 0 : i32
    %dma_wait3A_29 = tpu.memref_slice %arg2[%dma_wait3A_28] : memref<802816xi32, #tpu.memory_space<hbm>> -> memref<256xi32, #tpu.memory_space<hbm>>
    %dma_wait3A_30 = arith.constant 0 : i32
    %dma_wait3A_31 = tpu.memref_slice %arg2[%dma_wait3A_30] : memref<802816xi32, #tpu.memory_space<hbm>> -> memref<256xi32, #tpu.memory_space<hbm>>
    tpu.wait_dma2 semaphore(%arg16 : memref<!tpu.dma_semaphore, #tpu.memory_space<semaphore_mem>>) src(%dma_wait3A_31 : memref<256xi32, #tpu.memory_space<hbm>>) dst(%arg9 : memref<256xi32, #tpu.memory_space<vmem>>)
    %dma_start3A_32 = arith.constant 0 : i32
    %dma_start3A_33 = arith.constant 0 : i32
    %dma_start3A_34 = tpu.memref_slice %arg18[%dma_start3A_32, %dma_start3A_33] : memref<50176x8xf32, #tpu.memory_space<vmem_shared>> -> memref<50176x8xf32, #tpu.memory_space<vmem_shared>>
    tpu.enqueue_indirect_dma source(%arg11 : memref<256x8xf32, #tpu.memory_space<vmem>>) target(%dma_start3A_34 : memref<50176x8xf32, #tpu.memory_space<vmem_shared>>) offsets(%arg9 : memref<256xi32, #tpu.memory_space<vmem>>) semaphore(%arg13 : memref<!tpu.dma_semaphore, #tpu.memory_space<semaphore_mem>>) {add = true}
    %dma_wait3A_35 = arith.constant 0 : i32
    %dma_wait3A_36 = arith.constant 0 : i32
    %dma_wait3A_37 = tpu.memref_slice %arg18[%dma_wait3A_35, %dma_wait3A_36] : memref<50176x8xf32, #tpu.memory_space<vmem_shared>> -> memref<50176x8xf32, #tpu.memory_space<vmem_shared>>
    tpu.wait_indirect_dma semaphore(%arg12 : memref<!tpu.dma_semaphore, #tpu.memory_space<semaphore_mem>>) src(%arg11 : memref<256x8xf32, #tpu.memory_space<vmem>>) dst(%dma_wait3A_37 : memref<50176x8xf32, #tpu.memory_space<vmem_shared>>)
    %add3A_38 = arith.constant 6 : i32
    %add3A_39 = arith.addi %mul3A_4, %add3A_38 : i32
    %mul3A_40 = arith.constant 128 : i32
    %mul3A_41 = arith.muli %add3A_39, %mul3A_40 : i32
    %dma_start3A_42 = tpu.memref_slice %arg2[%mul3A_41] : memref<802816xi32, #tpu.memory_space<hbm>> -> memref<256xi32, #tpu.memory_space<hbm>>
    %dma_start3A_43 = tpu.memref_slice %arg2[%mul3A_41] : memref<802816xi32, #tpu.memory_space<hbm>> -> memref<256xi32, #tpu.memory_space<hbm>>
    tpu.enqueue_dma source(%dma_start3A_43 : memref<256xi32, #tpu.memory_space<hbm>>) target(%arg8 : memref<256xi32, #tpu.memory_space<vmem>>) target_semaphore(%arg15 : memref<!tpu.dma_semaphore, #tpu.memory_space<semaphore_mem>>)
    %scan3A = arith.constant 0 : i32
    %scan3A_44 = arith.constant 0 : i32
    %scan3A_45 = arith.constant 32 : i32
    %scan3A_46 = arith.addi %scan3A_44, %scan3A_45 : i32
    %scan3A_47 = arith.constant 1 : i32
    scf.for %scan3A_133 = %scan3A_44 to %scan3A_46 step %scan3A_47  : i32 {
      %mul3A_134 = arith.constant 3 : i32
      %mul3A_135 = arith.muli %mul3A_134, %scan3A_133 : i32
      %add3A_136 = arith.constant 2 : i32
      %add3A_137 = arith.addi %add3A_136, %mul3A_135 : i32
      %add3A_138 = arith.constant 0 : i32
      %add3A_139 = arith.addi %add3A_137, %add3A_138 : i32
      %dma_wait3A_140 = arith.constant 0 : i32
      %dma_wait3A_141 = tpu.memref_slice %arg2[%dma_wait3A_140] : memref<802816xi32, #tpu.memory_space<hbm>> -> memref<256xi32, #tpu.memory_space<hbm>>
      %dma_wait3A_142 = arith.constant 0 : i32
      %dma_wait3A_143 = tpu.memref_slice %arg2[%dma_wait3A_142] : memref<802816xi32, #tpu.memory_space<hbm>> -> memref<256xi32, #tpu.memory_space<hbm>>
      tpu.wait_dma2 semaphore(%arg17 : memref<!tpu.dma_semaphore, #tpu.memory_space<semaphore_mem>>) src(%dma_wait3A_143 : memref<256xi32, #tpu.memory_space<hbm>>) dst(%arg10 : memref<256xi32, #tpu.memory_space<vmem>>)
      %dma_start3A_144 = arith.constant 0 : i32
      %dma_start3A_145 = arith.constant 0 : i32
      %dma_start3A_146 = tpu.memref_slice %arg18[%dma_start3A_144, %dma_start3A_145] : memref<50176x8xf32, #tpu.memory_space<vmem_shared>> -> memref<50176x8xf32, #tpu.memory_space<vmem_shared>>
      tpu.enqueue_indirect_dma source(%arg11 : memref<256x8xf32, #tpu.memory_space<vmem>>) target(%dma_start3A_146 : memref<50176x8xf32, #tpu.memory_space<vmem_shared>>) offsets(%arg10 : memref<256xi32, #tpu.memory_space<vmem>>) semaphore(%arg14 : memref<!tpu.dma_semaphore, #tpu.memory_space<semaphore_mem>>) {add = true}
      %dma_wait3A_147 = arith.constant 0 : i32
      %dma_wait3A_148 = arith.constant 0 : i32
      %dma_wait3A_149 = tpu.memref_slice %arg18[%dma_wait3A_147, %dma_wait3A_148] : memref<50176x8xf32, #tpu.memory_space<vmem_shared>> -> memref<50176x8xf32, #tpu.memory_space<vmem_shared>>
      tpu.wait_indirect_dma semaphore(%arg13 : memref<!tpu.dma_semaphore, #tpu.memory_space<semaphore_mem>>) src(%arg11 : memref<256x8xf32, #tpu.memory_space<vmem>>) dst(%dma_wait3A_149 : memref<50176x8xf32, #tpu.memory_space<vmem_shared>>)
      %add3A_150 = arith.constant 2 : i32
      %add3A_151 = arith.addi %add3A_139, %add3A_150 : i32
      %min3A = arith.constant 97 : i32
      %min3A_152 = arith.minsi %add3A_151, %min3A : i32
      %mul3A_153 = arith.constant 2 : i32
      %mul3A_154 = arith.muli %min3A_152, %mul3A_153 : i32
      %add3A_155 = arith.addi %mul3A_4, %mul3A_154 : i32
      %mul3A_156 = arith.constant 128 : i32
      %mul3A_157 = arith.muli %add3A_155, %mul3A_156 : i32
      %dma_start3A_158 = tpu.memref_slice %arg2[%mul3A_157] : memref<802816xi32, #tpu.memory_space<hbm>> -> memref<256xi32, #tpu.memory_space<hbm>>
      %dma_start3A_159 = tpu.memref_slice %arg2[%mul3A_157] : memref<802816xi32, #tpu.memory_space<hbm>> -> memref<256xi32, #tpu.memory_space<hbm>>
      tpu.enqueue_dma source(%dma_start3A_159 : memref<256xi32, #tpu.memory_space<hbm>>) target(%arg9 : memref<256xi32, #tpu.memory_space<vmem>>) target_semaphore(%arg16 : memref<!tpu.dma_semaphore, #tpu.memory_space<semaphore_mem>>)
      %mul3A_160 = arith.constant 3 : i32
      %mul3A_161 = arith.muli %mul3A_160, %scan3A_133 : i32
      %add3A_162 = arith.constant 2 : i32
      %add3A_163 = arith.addi %add3A_162, %mul3A_161 : i32
      %add3A_164 = arith.constant 1 : i32
      %add3A_165 = arith.addi %add3A_163, %add3A_164 : i32
      %dma_wait3A_166 = arith.constant 0 : i32
      %dma_wait3A_167 = tpu.memref_slice %arg2[%dma_wait3A_166] : memref<802816xi32, #tpu.memory_space<hbm>> -> memref<256xi32, #tpu.memory_space<hbm>>
      %dma_wait3A_168 = arith.constant 0 : i32
      %dma_wait3A_169 = tpu.memref_slice %arg2[%dma_wait3A_168] : memref<802816xi32, #tpu.memory_space<hbm>> -> memref<256xi32, #tpu.memory_space<hbm>>
      tpu.wait_dma2 semaphore(%arg15 : memref<!tpu.dma_semaphore, #tpu.memory_space<semaphore_mem>>) src(%dma_wait3A_169 : memref<256xi32, #tpu.memory_space<hbm>>) dst(%arg8 : memref<256xi32, #tpu.memory_space<vmem>>)
      %dma_start3A_170 = arith.constant 0 : i32
      %dma_start3A_171 = arith.constant 0 : i32
      %dma_start3A_172 = tpu.memref_slice %arg18[%dma_start3A_170, %dma_start3A_171] : memref<50176x8xf32, #tpu.memory_space<vmem_shared>> -> memref<50176x8xf32, #tpu.memory_space<vmem_shared>>
      tpu.enqueue_indirect_dma source(%arg11 : memref<256x8xf32, #tpu.memory_space<vmem>>) target(%dma_start3A_172 : memref<50176x8xf32, #tpu.memory_space<vmem_shared>>) offsets(%arg8 : memref<256xi32, #tpu.memory_space<vmem>>) semaphore(%arg12 : memref<!tpu.dma_semaphore, #tpu.memory_space<semaphore_mem>>) {add = true}
      %dma_wait3A_173 = arith.constant 0 : i32
      %dma_wait3A_174 = arith.constant 0 : i32
      %dma_wait3A_175 = tpu.memref_slice %arg18[%dma_wait3A_173, %dma_wait3A_174] : memref<50176x8xf32, #tpu.memory_space<vmem_shared>> -> memref<50176x8xf32, #tpu.memory_space<vmem_shared>>
      tpu.wait_indirect_dma semaphore(%arg14 : memref<!tpu.dma_semaphore, #tpu.memory_space<semaphore_mem>>) src(%arg11 : memref<256x8xf32, #tpu.memory_space<vmem>>) dst(%dma_wait3A_175 : memref<50176x8xf32, #tpu.memory_space<vmem_shared>>)
      %add3A_176 = arith.constant 2 : i32
      %add3A_177 = arith.addi %add3A_165, %add3A_176 : i32
      %min3A_178 = arith.constant 97 : i32
      %min3A_179 = arith.minsi %add3A_177, %min3A_178 : i32
      %mul3A_180 = arith.constant 2 : i32
      %mul3A_181 = arith.muli %min3A_179, %mul3A_180 : i32
      %add3A_182 = arith.addi %mul3A_4, %mul3A_181 : i32
      %mul3A_183 = arith.constant 128 : i32
      %mul3A_184 = arith.muli %add3A_182, %mul3A_183 : i32
      %dma_start3A_185 = tpu.memref_slice %arg2[%mul3A_184] : memref<802816xi32, #tpu.memory_space<hbm>> -> memref<256xi32, #tpu.memory_space<hbm>>
      %dma_start3A_186 = tpu.memref_slice %arg2[%mul3A_184] : memref<802816xi32, #tpu.memory_space<hbm>> -> memref<256xi32, #tpu.memory_space<hbm>>
      tpu.enqueue_dma source(%dma_start3A_186 : memref<256xi32, #tpu.memory_space<hbm>>) target(%arg10 : memref<256xi32, #tpu.memory_space<vmem>>) target_semaphore(%arg17 : memref<!tpu.dma_semaphore, #tpu.memory_space<semaphore_mem>>)
      %mul3A_187 = arith.constant 3 : i32
      %mul3A_188 = arith.muli %mul3A_187, %scan3A_133 : i32
      %add3A_189 = arith.constant 2 : i32
      %add3A_190 = arith.addi %add3A_189, %mul3A_188 : i32
      %add3A_191 = arith.constant 2 : i32
      %add3A_192 = arith.addi %add3A_190, %add3A_191 : i32
      %dma_wait3A_193 = arith.constant 0 : i32
      %dma_wait3A_194 = tpu.memref_slice %arg2[%dma_wait3A_193] : memref<802816xi32, #tpu.memory_space<hbm>> -> memref<256xi32, #tpu.memory_space<hbm>>
      %dma_wait3A_195 = arith.constant 0 : i32
      %dma_wait3A_196 = tpu.memref_slice %arg2[%dma_wait3A_195] : memref<802816xi32, #tpu.memory_space<hbm>> -> memref<256xi32, #tpu.memory_space<hbm>>
      tpu.wait_dma2 semaphore(%arg16 : memref<!tpu.dma_semaphore, #tpu.memory_space<semaphore_mem>>) src(%dma_wait3A_196 : memref<256xi32, #tpu.memory_space<hbm>>) dst(%arg9 : memref<256xi32, #tpu.memory_space<vmem>>)
      %dma_start3A_197 = arith.constant 0 : i32
      %dma_start3A_198 = arith.constant 0 : i32
      %dma_start3A_199 = tpu.memref_slice %arg18[%dma_start3A_197, %dma_start3A_198] : memref<50176x8xf32, #tpu.memory_space<vmem_shared>> -> memref<50176x8xf32, #tpu.memory_space<vmem_shared>>
      tpu.enqueue_indirect_dma source(%arg11 : memref<256x8xf32, #tpu.memory_space<vmem>>) target(%dma_start3A_199 : memref<50176x8xf32, #tpu.memory_space<vmem_shared>>) offsets(%arg9 : memref<256xi32, #tpu.memory_space<vmem>>) semaphore(%arg13 : memref<!tpu.dma_semaphore, #tpu.memory_space<semaphore_mem>>) {add = true}
      %dma_wait3A_200 = arith.constant 0 : i32
      %dma_wait3A_201 = arith.constant 0 : i32
      %dma_wait3A_202 = tpu.memref_slice %arg18[%dma_wait3A_200, %dma_wait3A_201] : memref<50176x8xf32, #tpu.memory_space<vmem_shared>> -> memref<50176x8xf32, #tpu.memory_space<vmem_shared>>
      tpu.wait_indirect_dma semaphore(%arg12 : memref<!tpu.dma_semaphore, #tpu.memory_space<semaphore_mem>>) src(%arg11 : memref<256x8xf32, #tpu.memory_space<vmem>>) dst(%dma_wait3A_202 : memref<50176x8xf32, #tpu.memory_space<vmem_shared>>)
      %add3A_203 = arith.constant 2 : i32
      %add3A_204 = arith.addi %add3A_192, %add3A_203 : i32
      %min3A_205 = arith.constant 97 : i32
      %min3A_206 = arith.minsi %add3A_204, %min3A_205 : i32
      %mul3A_207 = arith.constant 2 : i32
      %mul3A_208 = arith.muli %min3A_206, %mul3A_207 : i32
      %add3A_209 = arith.addi %mul3A_4, %mul3A_208 : i32
      %mul3A_210 = arith.constant 128 : i32
      %mul3A_211 = arith.muli %add3A_209, %mul3A_210 : i32
      %dma_start3A_212 = tpu.memref_slice %arg2[%mul3A_211] : memref<802816xi32, #tpu.memory_space<hbm>> -> memref<256xi32, #tpu.memory_space<hbm>>
      %dma_start3A_213 = tpu.memref_slice %arg2[%mul3A_211] : memref<802816xi32, #tpu.memory_space<hbm>> -> memref<256xi32, #tpu.memory_space<hbm>>
      tpu.enqueue_dma source(%dma_start3A_213 : memref<256xi32, #tpu.memory_space<hbm>>) target(%arg8 : memref<256xi32, #tpu.memory_space<vmem>>) target_semaphore(%arg15 : memref<!tpu.dma_semaphore, #tpu.memory_space<semaphore_mem>>)
    }
    %scan3A_48 = arith.constant 32 : i32
    %dma_wait3A_49 = arith.constant 0 : i32
    %dma_wait3A_50 = tpu.memref_slice %arg2[%dma_wait3A_49] : memref<802816xi32, #tpu.memory_space<hbm>> -> memref<256xi32, #tpu.memory_space<hbm>>
    %dma_wait3A_51 = arith.constant 0 : i32
    %dma_wait3A_52 = tpu.memref_slice %arg2[%dma_wait3A_51] : memref<802816xi32, #tpu.memory_space<hbm>> -> memref<256xi32, #tpu.memory_space<hbm>>
    tpu.wait_dma2 semaphore(%arg17 : memref<!tpu.dma_semaphore, #tpu.memory_space<semaphore_mem>>) src(%dma_wait3A_52 : memref<256xi32, #tpu.memory_space<hbm>>) dst(%arg10 : memref<256xi32, #tpu.memory_space<vmem>>)
    %dma_wait3A_53 = arith.constant 0 : i32
    %dma_wait3A_54 = tpu.memref_slice %arg2[%dma_wait3A_53] : memref<802816xi32, #tpu.memory_space<hbm>> -> memref<256xi32, #tpu.memory_space<hbm>>
    %dma_wait3A_55 = arith.constant 0 : i32
    %dma_wait3A_56 = tpu.memref_slice %arg2[%dma_wait3A_55] : memref<802816xi32, #tpu.memory_space<hbm>> -> memref<256xi32, #tpu.memory_space<hbm>>
    tpu.wait_dma2 semaphore(%arg15 : memref<!tpu.dma_semaphore, #tpu.memory_space<semaphore_mem>>) src(%dma_wait3A_56 : memref<256xi32, #tpu.memory_space<hbm>>) dst(%arg8 : memref<256xi32, #tpu.memory_space<vmem>>)
    %dma_wait3A_57 = arith.constant 0 : i32
    %dma_wait3A_58 = arith.constant 0 : i32
    %dma_wait3A_59 = tpu.memref_slice %arg18[%dma_wait3A_57, %dma_wait3A_58] : memref<50176x8xf32, #tpu.memory_space<vmem_shared>> -> memref<50176x8xf32, #tpu.memory_space<vmem_shared>>
    tpu.wait_indirect_dma semaphore(%arg13 : memref<!tpu.dma_semaphore, #tpu.memory_space<semaphore_mem>>) src(%arg11 : memref<256x8xf32, #tpu.memory_space<vmem>>) dst(%dma_wait3A_59 : memref<50176x8xf32, #tpu.memory_space<vmem_shared>>)
    %barrier3A_60 = arith.constant 0 : index
    tpu.barrier barrier_id(%barrier3A_60)
    %mul3A_61 = arith.constant 3136 : i32
    %mul3A_62 = arith.muli %arg1, %mul3A_61 : i32
    %mul3A_63 = arith.constant 3136 : i32
    %mul3A_64 = arith.muli %arg1, %mul3A_63 : i32
    "tpu.region"() ({
      %run_scoped3A = tpu.sem_alloc : memref<!tpu.dma_semaphore, #tpu.memory_space<semaphore_mem>>
      %dma_start3A_133 = arith.constant 0 : i32
      %dma_start3A_134 = tpu.memref_slice %arg6[%arg0, %mul3A_64, %dma_start3A_133] : memref<2x50176x8xf32, #tpu.memory_space<hbm>> -> memref<1x3136x8xf32, #tpu.memory_space<hbm>>
      %dma_start3A_135 = tpu.memref_squeeze %dma_start3A_134 : memref<1x3136x8xf32, #tpu.memory_space<hbm>> -> memref<3136x8xf32, #tpu.memory_space<hbm>>
      %dma_start3A_136 = arith.constant 0 : i32
      %dma_start3A_137 = tpu.memref_slice %arg18[%mul3A_62, %dma_start3A_136] : memref<50176x8xf32, #tpu.memory_space<vmem_shared>> -> memref<3136x8xf32, #tpu.memory_space<vmem_shared>>
      tpu.enqueue_dma source(%dma_start3A_137 : memref<3136x8xf32, #tpu.memory_space<vmem_shared>>) target(%dma_start3A_135 : memref<3136x8xf32, #tpu.memory_space<hbm>>) target_semaphore(%run_scoped3A : memref<!tpu.dma_semaphore, #tpu.memory_space<semaphore_mem>>)
      %dma_wait3A_138 = arith.constant 0 : i32
      %dma_wait3A_139 = tpu.memref_slice %arg6[%arg0, %mul3A_64, %dma_wait3A_138] : memref<2x50176x8xf32, #tpu.memory_space<hbm>> -> memref<1x3136x8xf32, #tpu.memory_space<hbm>>
      %dma_wait3A_140 = tpu.memref_squeeze %dma_wait3A_139 : memref<1x3136x8xf32, #tpu.memory_space<hbm>> -> memref<3136x8xf32, #tpu.memory_space<hbm>>
      %dma_wait3A_141 = arith.constant 0 : i32
      %dma_wait3A_142 = tpu.memref_slice %arg18[%mul3A_62, %dma_wait3A_141] : memref<50176x8xf32, #tpu.memory_space<vmem_shared>> -> memref<3136x8xf32, #tpu.memory_space<vmem_shared>>
      tpu.wait_dma2 semaphore(%run_scoped3A : memref<!tpu.dma_semaphore, #tpu.memory_space<semaphore_mem>>) src(%dma_wait3A_142 : memref<3136x8xf32, #tpu.memory_space<vmem_shared>>) dst(%dma_wait3A_140 : memref<3136x8xf32, #tpu.memory_space<hbm>>)
      tpu.yield
    }) : () -> ()
    %mul3A_65 = arith.constant 3136 : i32
    %mul3A_66 = arith.muli %arg1, %mul3A_65 : i32
    "tpu.region"() ({
      %run_scoped3A = tpu.sem_alloc : memref<!tpu.dma_semaphore, #tpu.memory_space<semaphore_mem>>
      %dma_start3A_133 = arith.constant 0 : i32
      %dma_start3A_134 = tpu.memref_slice %arg18[%mul3A_66, %dma_start3A_133] : memref<50176x8xf32, #tpu.memory_space<vmem_shared>> -> memref<3136x8xf32, #tpu.memory_space<vmem_shared>>
      %dma_start3A_135 = arith.constant 0 : i32
      %dma_start3A_136 = arith.constant 0 : i32
      %dma_start3A_137 = tpu.memref_slice %arg4[%dma_start3A_135, %dma_start3A_136] : memref<3136x8xf32, #tpu.memory_space<hbm>> -> memref<3136x8xf32, #tpu.memory_space<hbm>>
      tpu.enqueue_dma source(%dma_start3A_137 : memref<3136x8xf32, #tpu.memory_space<hbm>>) target(%dma_start3A_134 : memref<3136x8xf32, #tpu.memory_space<vmem_shared>>) target_semaphore(%run_scoped3A : memref<!tpu.dma_semaphore, #tpu.memory_space<semaphore_mem>>)
      %dma_wait3A_138 = arith.constant 0 : i32
      %dma_wait3A_139 = tpu.memref_slice %arg18[%mul3A_66, %dma_wait3A_138] : memref<50176x8xf32, #tpu.memory_space<vmem_shared>> -> memref<3136x8xf32, #tpu.memory_space<vmem_shared>>
      %dma_wait3A_140 = arith.constant 0 : i32
      %dma_wait3A_141 = arith.constant 0 : i32
      %dma_wait3A_142 = tpu.memref_slice %arg4[%dma_wait3A_140, %dma_wait3A_141] : memref<3136x8xf32, #tpu.memory_space<hbm>> -> memref<3136x8xf32, #tpu.memory_space<hbm>>
      tpu.wait_dma2 semaphore(%run_scoped3A : memref<!tpu.dma_semaphore, #tpu.memory_space<semaphore_mem>>) src(%dma_wait3A_142 : memref<3136x8xf32, #tpu.memory_space<hbm>>) dst(%dma_wait3A_139 : memref<3136x8xf32, #tpu.memory_space<vmem_shared>>)
      tpu.yield
    }) : () -> ()
    %barrier3A_67 = arith.constant 0 : index
    tpu.barrier barrier_id(%barrier3A_67)
    %mul3A_68 = arith.constant 16 : i32
    %mul3A_69 = arith.muli %add3A, %mul3A_68 : i32
    %add3A_70 = arith.constant 0 : i32
    %add3A_71 = arith.addi %mul3A_69, %add3A_70 : i32
    %mul3A_72 = arith.constant 128 : i32
    %mul3A_73 = arith.muli %add3A_71, %mul3A_72 : i32
    %dma_start3A_74 = tpu.memref_slice %arg3[%mul3A_73] : memref<65536xi32, #tpu.memory_space<hbm>> -> memref<256xi32, #tpu.memory_space<hbm>>
    %dma_start3A_75 = tpu.memref_slice %arg3[%mul3A_73] : memref<65536xi32, #tpu.memory_space<hbm>> -> memref<256xi32, #tpu.memory_space<hbm>>
    tpu.enqueue_dma source(%dma_start3A_75 : memref<256xi32, #tpu.memory_space<hbm>>) target(%arg8 : memref<256xi32, #tpu.memory_space<vmem>>) target_semaphore(%arg15 : memref<!tpu.dma_semaphore, #tpu.memory_space<semaphore_mem>>)
    %add3A_76 = arith.constant 2 : i32
    %add3A_77 = arith.addi %mul3A_69, %add3A_76 : i32
    %mul3A_78 = arith.constant 128 : i32
    %mul3A_79 = arith.muli %add3A_77, %mul3A_78 : i32
    %dma_start3A_80 = tpu.memref_slice %arg3[%mul3A_79] : memref<65536xi32, #tpu.memory_space<hbm>> -> memref<256xi32, #tpu.memory_space<hbm>>
    %dma_start3A_81 = tpu.memref_slice %arg3[%mul3A_79] : memref<65536xi32, #tpu.memory_space<hbm>> -> memref<256xi32, #tpu.memory_space<hbm>>
    tpu.enqueue_dma source(%dma_start3A_81 : memref<256xi32, #tpu.memory_space<hbm>>) target(%arg9 : memref<256xi32, #tpu.memory_space<vmem>>) target_semaphore(%arg16 : memref<!tpu.dma_semaphore, #tpu.memory_space<semaphore_mem>>)
    %dma_wait3A_82 = arith.constant 0 : i32
    %dma_wait3A_83 = tpu.memref_slice %arg3[%dma_wait3A_82] : memref<65536xi32, #tpu.memory_space<hbm>> -> memref<256xi32, #tpu.memory_space<hbm>>
    %dma_wait3A_84 = arith.constant 0 : i32
    %dma_wait3A_85 = tpu.memref_slice %arg3[%dma_wait3A_84] : memref<65536xi32, #tpu.memory_space<hbm>> -> memref<256xi32, #tpu.memory_space<hbm>>
    tpu.wait_dma2 semaphore(%arg15 : memref<!tpu.dma_semaphore, #tpu.memory_space<semaphore_mem>>) src(%dma_wait3A_85 : memref<256xi32, #tpu.memory_space<hbm>>) dst(%arg8 : memref<256xi32, #tpu.memory_space<vmem>>)
    %dma_start3A_86 = arith.constant 0 : i32
    %dma_start3A_87 = arith.constant 0 : i32
    %dma_start3A_88 = tpu.memref_slice %arg18[%dma_start3A_86, %dma_start3A_87] : memref<50176x8xf32, #tpu.memory_space<vmem_shared>> -> memref<50176x8xf32, #tpu.memory_space<vmem_shared>>
    tpu.enqueue_indirect_dma source(%arg11 : memref<256x8xf32, #tpu.memory_space<vmem>>) target(%dma_start3A_88 : memref<50176x8xf32, #tpu.memory_space<vmem_shared>>) offsets(%arg8 : memref<256xi32, #tpu.memory_space<vmem>>) semaphore(%arg12 : memref<!tpu.dma_semaphore, #tpu.memory_space<semaphore_mem>>) {add = true}
    %add3A_89 = arith.constant 4 : i32
    %add3A_90 = arith.addi %mul3A_69, %add3A_89 : i32
    %mul3A_91 = arith.constant 128 : i32
    %mul3A_92 = arith.muli %add3A_90, %mul3A_91 : i32
    %dma_start3A_93 = tpu.memref_slice %arg3[%mul3A_92] : memref<65536xi32, #tpu.memory_space<hbm>> -> memref<256xi32, #tpu.memory_space<hbm>>
    %dma_start3A_94 = tpu.memref_slice %arg3[%mul3A_92] : memref<65536xi32, #tpu.memory_space<hbm>> -> memref<256xi32, #tpu.memory_space<hbm>>
    tpu.enqueue_dma source(%dma_start3A_94 : memref<256xi32, #tpu.memory_space<hbm>>) target(%arg10 : memref<256xi32, #tpu.memory_space<vmem>>) target_semaphore(%arg17 : memref<!tpu.dma_semaphore, #tpu.memory_space<semaphore_mem>>)
    %dma_wait3A_95 = arith.constant 0 : i32
    %dma_wait3A_96 = tpu.memref_slice %arg3[%dma_wait3A_95] : memref<65536xi32, #tpu.memory_space<hbm>> -> memref<256xi32, #tpu.memory_space<hbm>>
    %dma_wait3A_97 = arith.constant 0 : i32
    %dma_wait3A_98 = tpu.memref_slice %arg3[%dma_wait3A_97] : memref<65536xi32, #tpu.memory_space<hbm>> -> memref<256xi32, #tpu.memory_space<hbm>>
    tpu.wait_dma2 semaphore(%arg16 : memref<!tpu.dma_semaphore, #tpu.memory_space<semaphore_mem>>) src(%dma_wait3A_98 : memref<256xi32, #tpu.memory_space<hbm>>) dst(%arg9 : memref<256xi32, #tpu.memory_space<vmem>>)
    %dma_start3A_99 = arith.constant 0 : i32
    %dma_start3A_100 = arith.constant 0 : i32
    %dma_start3A_101 = tpu.memref_slice %arg18[%dma_start3A_99, %dma_start3A_100] : memref<50176x8xf32, #tpu.memory_space<vmem_shared>> -> memref<50176x8xf32, #tpu.memory_space<vmem_shared>>
    tpu.enqueue_indirect_dma source(%arg11 : memref<256x8xf32, #tpu.memory_space<vmem>>) target(%dma_start3A_101 : memref<50176x8xf32, #tpu.memory_space<vmem_shared>>) offsets(%arg9 : memref<256xi32, #tpu.memory_space<vmem>>) semaphore(%arg13 : memref<!tpu.dma_semaphore, #tpu.memory_space<semaphore_mem>>) {add = true}
    %dma_wait3A_102 = arith.constant 0 : i32
    %dma_wait3A_103 = arith.constant 0 : i32
    %dma_wait3A_104 = tpu.memref_slice %arg18[%dma_wait3A_102, %dma_wait3A_103] : memref<50176x8xf32, #tpu.memory_space<vmem_shared>> -> memref<50176x8xf32, #tpu.memory_space<vmem_shared>>
    tpu.wait_indirect_dma semaphore(%arg12 : memref<!tpu.dma_semaphore, #tpu.memory_space<semaphore_mem>>) src(%arg11 : memref<256x8xf32, #tpu.memory_space<vmem>>) dst(%dma_wait3A_104 : memref<50176x8xf32, #tpu.memory_space<vmem_shared>>)
    %add3A_105 = arith.constant 6 : i32
    %add3A_106 = arith.addi %mul3A_69, %add3A_105 : i32
    %mul3A_107 = arith.constant 128 : i32
    %mul3A_108 = arith.muli %add3A_106, %mul3A_107 : i32
    %dma_start3A_109 = tpu.memref_slice %arg3[%mul3A_108] : memref<65536xi32, #tpu.memory_space<hbm>> -> memref<256xi32, #tpu.memory_space<hbm>>
    %dma_start3A_110 = tpu.memref_slice %arg3[%mul3A_108] : memref<65536xi32, #tpu.memory_space<hbm>> -> memref<256xi32, #tpu.memory_space<hbm>>
    tpu.enqueue_dma source(%dma_start3A_110 : memref<256xi32, #tpu.memory_space<hbm>>) target(%arg8 : memref<256xi32, #tpu.memory_space<vmem>>) target_semaphore(%arg15 : memref<!tpu.dma_semaphore, #tpu.memory_space<semaphore_mem>>)
    %scan3A_111 = arith.constant 0 : i32
    %scan3A_112 = arith.constant 0 : i32
    %scan3A_113 = arith.constant 2 : i32
    %scan3A_114 = arith.addi %scan3A_112, %scan3A_113 : i32
    %scan3A_115 = arith.constant 1 : i32
    scf.for %scan3A_133 = %scan3A_112 to %scan3A_114 step %scan3A_115  : i32 {
      %mul3A_134 = arith.constant 3 : i32
      %mul3A_135 = arith.muli %mul3A_134, %scan3A_133 : i32
      %add3A_136 = arith.constant 2 : i32
      %add3A_137 = arith.addi %add3A_136, %mul3A_135 : i32
      %add3A_138 = arith.constant 0 : i32
      %add3A_139 = arith.addi %add3A_137, %add3A_138 : i32
      %dma_wait3A_140 = arith.constant 0 : i32
      %dma_wait3A_141 = tpu.memref_slice %arg3[%dma_wait3A_140] : memref<65536xi32, #tpu.memory_space<hbm>> -> memref<256xi32, #tpu.memory_space<hbm>>
      %dma_wait3A_142 = arith.constant 0 : i32
      %dma_wait3A_143 = tpu.memref_slice %arg3[%dma_wait3A_142] : memref<65536xi32, #tpu.memory_space<hbm>> -> memref<256xi32, #tpu.memory_space<hbm>>
      tpu.wait_dma2 semaphore(%arg17 : memref<!tpu.dma_semaphore, #tpu.memory_space<semaphore_mem>>) src(%dma_wait3A_143 : memref<256xi32, #tpu.memory_space<hbm>>) dst(%arg10 : memref<256xi32, #tpu.memory_space<vmem>>)
      %dma_start3A_144 = arith.constant 0 : i32
      %dma_start3A_145 = arith.constant 0 : i32
      %dma_start3A_146 = tpu.memref_slice %arg18[%dma_start3A_144, %dma_start3A_145] : memref<50176x8xf32, #tpu.memory_space<vmem_shared>> -> memref<50176x8xf32, #tpu.memory_space<vmem_shared>>
      tpu.enqueue_indirect_dma source(%arg11 : memref<256x8xf32, #tpu.memory_space<vmem>>) target(%dma_start3A_146 : memref<50176x8xf32, #tpu.memory_space<vmem_shared>>) offsets(%arg10 : memref<256xi32, #tpu.memory_space<vmem>>) semaphore(%arg14 : memref<!tpu.dma_semaphore, #tpu.memory_space<semaphore_mem>>) {add = true}
      %dma_wait3A_147 = arith.constant 0 : i32
      %dma_wait3A_148 = arith.constant 0 : i32
      %dma_wait3A_149 = tpu.memref_slice %arg18[%dma_wait3A_147, %dma_wait3A_148] : memref<50176x8xf32, #tpu.memory_space<vmem_shared>> -> memref<50176x8xf32, #tpu.memory_space<vmem_shared>>
      tpu.wait_indirect_dma semaphore(%arg13 : memref<!tpu.dma_semaphore, #tpu.memory_space<semaphore_mem>>) src(%arg11 : memref<256x8xf32, #tpu.memory_space<vmem>>) dst(%dma_wait3A_149 : memref<50176x8xf32, #tpu.memory_space<vmem_shared>>)
      %add3A_150 = arith.constant 2 : i32
      %add3A_151 = arith.addi %add3A_139, %add3A_150 : i32
      %min3A = arith.constant 7 : i32
      %min3A_152 = arith.minsi %add3A_151, %min3A : i32
      %mul3A_153 = arith.constant 2 : i32
      %mul3A_154 = arith.muli %min3A_152, %mul3A_153 : i32
      %add3A_155 = arith.addi %mul3A_69, %mul3A_154 : i32
      %mul3A_156 = arith.constant 128 : i32
      %mul3A_157 = arith.muli %add3A_155, %mul3A_156 : i32
      %dma_start3A_158 = tpu.memref_slice %arg3[%mul3A_157] : memref<65536xi32, #tpu.memory_space<hbm>> -> memref<256xi32, #tpu.memory_space<hbm>>
      %dma_start3A_159 = tpu.memref_slice %arg3[%mul3A_157] : memref<65536xi32, #tpu.memory_space<hbm>> -> memref<256xi32, #tpu.memory_space<hbm>>
      tpu.enqueue_dma source(%dma_start3A_159 : memref<256xi32, #tpu.memory_space<hbm>>) target(%arg9 : memref<256xi32, #tpu.memory_space<vmem>>) target_semaphore(%arg16 : memref<!tpu.dma_semaphore, #tpu.memory_space<semaphore_mem>>)
      %mul3A_160 = arith.constant 3 : i32
      %mul3A_161 = arith.muli %mul3A_160, %scan3A_133 : i32
      %add3A_162 = arith.constant 2 : i32
      %add3A_163 = arith.addi %add3A_162, %mul3A_161 : i32
      %add3A_164 = arith.constant 1 : i32
      %add3A_165 = arith.addi %add3A_163, %add3A_164 : i32
      %dma_wait3A_166 = arith.constant 0 : i32
      %dma_wait3A_167 = tpu.memref_slice %arg3[%dma_wait3A_166] : memref<65536xi32, #tpu.memory_space<hbm>> -> memref<256xi32, #tpu.memory_space<hbm>>
      %dma_wait3A_168 = arith.constant 0 : i32
      %dma_wait3A_169 = tpu.memref_slice %arg3[%dma_wait3A_168] : memref<65536xi32, #tpu.memory_space<hbm>> -> memref<256xi32, #tpu.memory_space<hbm>>
      tpu.wait_dma2 semaphore(%arg15 : memref<!tpu.dma_semaphore, #tpu.memory_space<semaphore_mem>>) src(%dma_wait3A_169 : memref<256xi32, #tpu.memory_space<hbm>>) dst(%arg8 : memref<256xi32, #tpu.memory_space<vmem>>)
      %dma_start3A_170 = arith.constant 0 : i32
      %dma_start3A_171 = arith.constant 0 : i32
      %dma_start3A_172 = tpu.memref_slice %arg18[%dma_start3A_170, %dma_start3A_171] : memref<50176x8xf32, #tpu.memory_space<vmem_shared>> -> memref<50176x8xf32, #tpu.memory_space<vmem_shared>>
      tpu.enqueue_indirect_dma source(%arg11 : memref<256x8xf32, #tpu.memory_space<vmem>>) target(%dma_start3A_172 : memref<50176x8xf32, #tpu.memory_space<vmem_shared>>) offsets(%arg8 : memref<256xi32, #tpu.memory_space<vmem>>) semaphore(%arg12 : memref<!tpu.dma_semaphore, #tpu.memory_space<semaphore_mem>>) {add = true}
      %dma_wait3A_173 = arith.constant 0 : i32
      %dma_wait3A_174 = arith.constant 0 : i32
      %dma_wait3A_175 = tpu.memref_slice %arg18[%dma_wait3A_173, %dma_wait3A_174] : memref<50176x8xf32, #tpu.memory_space<vmem_shared>> -> memref<50176x8xf32, #tpu.memory_space<vmem_shared>>
      tpu.wait_indirect_dma semaphore(%arg14 : memref<!tpu.dma_semaphore, #tpu.memory_space<semaphore_mem>>) src(%arg11 : memref<256x8xf32, #tpu.memory_space<vmem>>) dst(%dma_wait3A_175 : memref<50176x8xf32, #tpu.memory_space<vmem_shared>>)
      %add3A_176 = arith.constant 2 : i32
      %add3A_177 = arith.addi %add3A_165, %add3A_176 : i32
      %min3A_178 = arith.constant 7 : i32
      %min3A_179 = arith.minsi %add3A_177, %min3A_178 : i32
      %mul3A_180 = arith.constant 2 : i32
      %mul3A_181 = arith.muli %min3A_179, %mul3A_180 : i32
      %add3A_182 = arith.addi %mul3A_69, %mul3A_181 : i32
      %mul3A_183 = arith.constant 128 : i32
      %mul3A_184 = arith.muli %add3A_182, %mul3A_183 : i32
      %dma_start3A_185 = tpu.memref_slice %arg3[%mul3A_184] : memref<65536xi32, #tpu.memory_space<hbm>> -> memref<256xi32, #tpu.memory_space<hbm>>
      %dma_start3A_186 = tpu.memref_slice %arg3[%mul3A_184] : memref<65536xi32, #tpu.memory_space<hbm>> -> memref<256xi32, #tpu.memory_space<hbm>>
      tpu.enqueue_dma source(%dma_start3A_186 : memref<256xi32, #tpu.memory_space<hbm>>) target(%arg10 : memref<256xi32, #tpu.memory_space<vmem>>) target_semaphore(%arg17 : memref<!tpu.dma_semaphore, #tpu.memory_space<semaphore_mem>>)
      %mul3A_187 = arith.constant 3 : i32
      %mul3A_188 = arith.muli %mul3A_187, %scan3A_133 : i32
      %add3A_189 = arith.constant 2 : i32
      %add3A_190 = arith.addi %add3A_189, %mul3A_188 : i32
      %add3A_191 = arith.constant 2 : i32
      %add3A_192 = arith.addi %add3A_190, %add3A_191 : i32
      %dma_wait3A_193 = arith.constant 0 : i32
      %dma_wait3A_194 = tpu.memref_slice %arg3[%dma_wait3A_193] : memref<65536xi32, #tpu.memory_space<hbm>> -> memref<256xi32, #tpu.memory_space<hbm>>
      %dma_wait3A_195 = arith.constant 0 : i32
      %dma_wait3A_196 = tpu.memref_slice %arg3[%dma_wait3A_195] : memref<65536xi32, #tpu.memory_space<hbm>> -> memref<256xi32, #tpu.memory_space<hbm>>
      tpu.wait_dma2 semaphore(%arg16 : memref<!tpu.dma_semaphore, #tpu.memory_space<semaphore_mem>>) src(%dma_wait3A_196 : memref<256xi32, #tpu.memory_space<hbm>>) dst(%arg9 : memref<256xi32, #tpu.memory_space<vmem>>)
      %dma_start3A_197 = arith.constant 0 : i32
      %dma_start3A_198 = arith.constant 0 : i32
      %dma_start3A_199 = tpu.memref_slice %arg18[%dma_start3A_197, %dma_start3A_198] : memref<50176x8xf32, #tpu.memory_space<vmem_shared>> -> memref<50176x8xf32, #tpu.memory_space<vmem_shared>>
      tpu.enqueue_indirect_dma source(%arg11 : memref<256x8xf32, #tpu.memory_space<vmem>>) target(%dma_start3A_199 : memref<50176x8xf32, #tpu.memory_space<vmem_shared>>) offsets(%arg9 : memref<256xi32, #tpu.memory_space<vmem>>) semaphore(%arg13 : memref<!tpu.dma_semaphore, #tpu.memory_space<semaphore_mem>>) {add = true}
      %dma_wait3A_200 = arith.constant 0 : i32
      %dma_wait3A_201 = arith.constant 0 : i32
      %dma_wait3A_202 = tpu.memref_slice %arg18[%dma_wait3A_200, %dma_wait3A_201] : memref<50176x8xf32, #tpu.memory_space<vmem_shared>> -> memref<50176x8xf32, #tpu.memory_space<vmem_shared>>
      tpu.wait_indirect_dma semaphore(%arg12 : memref<!tpu.dma_semaphore, #tpu.memory_space<semaphore_mem>>) src(%arg11 : memref<256x8xf32, #tpu.memory_space<vmem>>) dst(%dma_wait3A_202 : memref<50176x8xf32, #tpu.memory_space<vmem_shared>>)
      %add3A_203 = arith.constant 2 : i32
      %add3A_204 = arith.addi %add3A_192, %add3A_203 : i32
      %min3A_205 = arith.constant 7 : i32
      %min3A_206 = arith.minsi %add3A_204, %min3A_205 : i32
      %mul3A_207 = arith.constant 2 : i32
      %mul3A_208 = arith.muli %min3A_206, %mul3A_207 : i32
      %add3A_209 = arith.addi %mul3A_69, %mul3A_208 : i32
      %mul3A_210 = arith.constant 128 : i32
      %mul3A_211 = arith.muli %add3A_209, %mul3A_210 : i32
      %dma_start3A_212 = tpu.memref_slice %arg3[%mul3A_211] : memref<65536xi32, #tpu.memory_space<hbm>> -> memref<256xi32, #tpu.memory_space<hbm>>
      %dma_start3A_213 = tpu.memref_slice %arg3[%mul3A_211] : memref<65536xi32, #tpu.memory_space<hbm>> -> memref<256xi32, #tpu.memory_space<hbm>>
      tpu.enqueue_dma source(%dma_start3A_213 : memref<256xi32, #tpu.memory_space<hbm>>) target(%arg8 : memref<256xi32, #tpu.memory_space<vmem>>) target_semaphore(%arg15 : memref<!tpu.dma_semaphore, #tpu.memory_space<semaphore_mem>>)
    }
    %scan3A_116 = arith.constant 2 : i32
    %dma_wait3A_117 = arith.constant 0 : i32
    %dma_wait3A_118 = tpu.memref_slice %arg3[%dma_wait3A_117] : memref<65536xi32, #tpu.memory_space<hbm>> -> memref<256xi32, #tpu.memory_space<hbm>>
    %dma_wait3A_119 = arith.constant 0 : i32
    %dma_wait3A_120 = tpu.memref_slice %arg3[%dma_wait3A_119] : memref<65536xi32, #tpu.memory_space<hbm>> -> memref<256xi32, #tpu.memory_space<hbm>>
    tpu.wait_dma2 semaphore(%arg17 : memref<!tpu.dma_semaphore, #tpu.memory_space<semaphore_mem>>) src(%dma_wait3A_120 : memref<256xi32, #tpu.memory_space<hbm>>) dst(%arg10 : memref<256xi32, #tpu.memory_space<vmem>>)
    %dma_wait3A_121 = arith.constant 0 : i32
    %dma_wait3A_122 = tpu.memref_slice %arg3[%dma_wait3A_121] : memref<65536xi32, #tpu.memory_space<hbm>> -> memref<256xi32, #tpu.memory_space<hbm>>
    %dma_wait3A_123 = arith.constant 0 : i32
    %dma_wait3A_124 = tpu.memref_slice %arg3[%dma_wait3A_123] : memref<65536xi32, #tpu.memory_space<hbm>> -> memref<256xi32, #tpu.memory_space<hbm>>
    tpu.wait_dma2 semaphore(%arg15 : memref<!tpu.dma_semaphore, #tpu.memory_space<semaphore_mem>>) src(%dma_wait3A_124 : memref<256xi32, #tpu.memory_space<hbm>>) dst(%arg8 : memref<256xi32, #tpu.memory_space<vmem>>)
    %dma_wait3A_125 = arith.constant 0 : i32
    %dma_wait3A_126 = arith.constant 0 : i32
    %dma_wait3A_127 = tpu.memref_slice %arg18[%dma_wait3A_125, %dma_wait3A_126] : memref<50176x8xf32, #tpu.memory_space<vmem_shared>> -> memref<50176x8xf32, #tpu.memory_space<vmem_shared>>
    tpu.wait_indirect_dma semaphore(%arg13 : memref<!tpu.dma_semaphore, #tpu.memory_space<semaphore_mem>>) src(%arg11 : memref<256x8xf32, #tpu.memory_space<vmem>>) dst(%dma_wait3A_127 : memref<50176x8xf32, #tpu.memory_space<vmem_shared>>)
    %barrier3A_128 = arith.constant 0 : index
    tpu.barrier barrier_id(%barrier3A_128)
    %mul3A_129 = arith.constant 3136 : i32
    %mul3A_130 = arith.muli %arg1, %mul3A_129 : i32
    %mul3A_131 = arith.constant 3136 : i32
    %mul3A_132 = arith.muli %arg1, %mul3A_131 : i32
    "tpu.region"() ({
      %run_scoped3A = tpu.sem_alloc : memref<!tpu.dma_semaphore, #tpu.memory_space<semaphore_mem>>
      %dma_start3A_133 = arith.constant 0 : i32
      %dma_start3A_134 = tpu.memref_slice %arg7[%arg0, %mul3A_132, %dma_start3A_133] : memref<2x50176x8xf32, #tpu.memory_space<hbm>> -> memref<1x3136x8xf32, #tpu.memory_space<hbm>>
      %dma_start3A_135 = tpu.memref_squeeze %dma_start3A_134 : memref<1x3136x8xf32, #tpu.memory_space<hbm>> -> memref<3136x8xf32, #tpu.memory_space<hbm>>
      %dma_start3A_136 = arith.constant 0 : i32
      %dma_start3A_137 = tpu.memref_slice %arg18[%mul3A_130, %dma_start3A_136] : memref<50176x8xf32, #tpu.memory_space<vmem_shared>> -> memref<3136x8xf32, #tpu.memory_space<vmem_shared>>
      tpu.enqueue_dma source(%dma_start3A_137 : memref<3136x8xf32, #tpu.memory_space<vmem_shared>>) target(%dma_start3A_135 : memref<3136x8xf32, #tpu.memory_space<hbm>>) target_semaphore(%run_scoped3A : memref<!tpu.dma_semaphore, #tpu.memory_space<semaphore_mem>>)
      %dma_wait3A_138 = arith.constant 0 : i32
      %dma_wait3A_139 = tpu.memref_slice %arg7[%arg0, %mul3A_132, %dma_wait3A_138] : memref<2x50176x8xf32, #tpu.memory_space<hbm>> -> memref<1x3136x8xf32, #tpu.memory_space<hbm>>
      %dma_wait3A_140 = tpu.memref_squeeze %dma_wait3A_139 : memref<1x3136x8xf32, #tpu.memory_space<hbm>> -> memref<3136x8xf32, #tpu.memory_space<hbm>>
      %dma_wait3A_141 = arith.constant 0 : i32
      %dma_wait3A_142 = tpu.memref_slice %arg18[%mul3A_130, %dma_wait3A_141] : memref<50176x8xf32, #tpu.memory_space<vmem_shared>> -> memref<3136x8xf32, #tpu.memory_space<vmem_shared>>
      tpu.wait_dma2 semaphore(%run_scoped3A : memref<!tpu.dma_semaphore, #tpu.memory_space<semaphore_mem>>) src(%dma_wait3A_142 : memref<3136x8xf32, #tpu.memory_space<vmem_shared>>) dst(%dma_wait3A_140 : memref<3136x8xf32, #tpu.memory_space<hbm>>)
      tpu.yield
    }) : () -> ()
    return
  }
}

#map = affine_map<(d0, d1) -> (0, 0)>
#map1 = affine_map<(d0, d1) -> (0)>
#map2 = affine_map<(d0, d1) -> (0, 0, 0)>
module attributes {stable_mosaic.version = 14 : i64} {
  func.func @body(%arg0: i32, %arg1: i32, %arg2: memref<50000x64xf32, #tpu.memory_space<hbm>>, %arg3: memref<802816xi32, #tpu.memory_space<hbm>>, %arg4: memref<802816xi32, #tpu.memory_space<hbm>>, %arg5: memref<10000x64xf32, #tpu.memory_space<hbm>>, %arg6: memref<163840xi32, #tpu.memory_space<hbm>>, %arg7: memref<163840xi32, #tpu.memory_space<hbm>>, %arg8: memref<64x64xf32, #tpu.memory_space<hbm>>, %arg9: memref<16384xi32, #tpu.memory_space<hbm>>, %arg10: memref<16384xi32, #tpu.memory_space<hbm>>, %arg11: memref<632x64xf32, #tpu.memory_space<hbm>>, %arg12: memref<632x8xf32, #tpu.memory_space<hbm>>, %arg13: memref<256x8xf32, #tpu.memory_space<hbm>>, %arg14: memref<2x10112x64xf32, #tpu.memory_space<hbm>>, %arg15: memref<2x10112x8xf32, #tpu.memory_space<hbm>>, %arg16: memref<2x10112x64xf32, #tpu.memory_space<hbm>>, %arg17: memref<2x10112x8xf32, #tpu.memory_space<hbm>>, %arg18: memref<2x10112x64xf32, #tpu.memory_space<hbm>>, %arg19: memref<2x10112x8xf32, #tpu.memory_space<hbm>>, %arg20: memref<256xi32, #tpu.memory_space<vmem>>, %arg21: memref<256xi32, #tpu.memory_space<vmem>>, %arg22: memref<256x64xf32, #tpu.memory_space<vmem>>, %arg23: memref<256xi32, #tpu.memory_space<vmem>>, %arg24: memref<256xi32, #tpu.memory_space<vmem>>, %arg25: memref<256x64xf32, #tpu.memory_space<vmem>>, %arg26: memref<256xi32, #tpu.memory_space<vmem>>, %arg27: memref<256xi32, #tpu.memory_space<vmem>>, %arg28: memref<256x64xf32, #tpu.memory_space<vmem>>, %arg29: memref<256x8xf32, #tpu.memory_space<vmem>>, %arg30: memref<!tpu.dma_semaphore, #tpu.memory_space<semaphore_mem>>, %arg31: memref<!tpu.dma_semaphore, #tpu.memory_space<semaphore_mem>>, %arg32: memref<!tpu.dma_semaphore, #tpu.memory_space<semaphore_mem>>, %arg33: memref<!tpu.dma_semaphore, #tpu.memory_space<semaphore_mem>>, %arg34: memref<!tpu.dma_semaphore, #tpu.memory_space<semaphore_mem>>, %arg35: memref<!tpu.dma_semaphore, #tpu.memory_space<semaphore_mem>>, %arg36: memref<!tpu.dma_semaphore, #tpu.memory_space<semaphore_mem>>, %arg37: memref<!tpu.dma_semaphore, #tpu.memory_space<semaphore_mem>>, %arg38: memref<!tpu.dma_semaphore, #tpu.memory_space<semaphore_mem>>, %arg39: memref<10112x64xf32, #tpu.memory_space<vmem_shared>>, %arg40: memref<10112x8xf32, #tpu.memory_space<vmem_shared>>) attributes {dimension_semantics = [#tpu.dimension_semantics<core_parallel>, #tpu.dimension_semantics<subcore_parallel>], iteration_bounds = array<i64: 2, 16>, scalar_prefetch = 0 : i64, scratch_operands = 21 : i64, tpu.core_type = #tpu.core_type<sc_vector_subcore>, window_params = [{transform_indices = #map}, {transform_indices = #map1}, {transform_indices = #map1}, {transform_indices = #map}, {transform_indices = #map1}, {transform_indices = #map1}, {transform_indices = #map}, {transform_indices = #map1}, {transform_indices = #map1}, {transform_indices = #map}, {transform_indices = #map}, {transform_indices = #map}, {transform_indices = #map2}, {transform_indices = #map2}, {transform_indices = #map2}, {transform_indices = #map2}, {transform_indices = #map2}, {transform_indices = #map2}]} {
    %mul3A = arith.constant 2 : i32
    %mul3A_0 = arith.muli %arg1, %mul3A : i32
    %add3A = arith.addi %mul3A_0, %arg0 : i32
    %mul3A_1 = arith.constant 632 : i32
    %mul3A_2 = arith.muli %arg1, %mul3A_1 : i32
    "tpu.region"() ({
      %run_scoped3A = tpu.sem_alloc : memref<!tpu.dma_semaphore, #tpu.memory_space<semaphore_mem>>
      %dma_start3A_325 = arith.constant 0 : i32
      %dma_start3A_326 = tpu.memref_slice %arg39[%mul3A_2, %dma_start3A_325] : memref<10112x64xf32, #tpu.memory_space<vmem_shared>> -> memref<632x64xf32, #tpu.memory_space<vmem_shared>>
      %dma_start3A_327 = arith.constant 0 : i32
      %dma_start3A_328 = arith.constant 0 : i32
      %dma_start3A_329 = tpu.memref_slice %arg11[%dma_start3A_327, %dma_start3A_328] : memref<632x64xf32, #tpu.memory_space<hbm>> -> memref<632x64xf32, #tpu.memory_space<hbm>>
      tpu.enqueue_dma source(%dma_start3A_329 : memref<632x64xf32, #tpu.memory_space<hbm>>) target(%dma_start3A_326 : memref<632x64xf32, #tpu.memory_space<vmem_shared>>) target_semaphore(%run_scoped3A : memref<!tpu.dma_semaphore, #tpu.memory_space<semaphore_mem>>)
      %dma_wait3A_330 = arith.constant 0 : i32
      %dma_wait3A_331 = tpu.memref_slice %arg39[%mul3A_2, %dma_wait3A_330] : memref<10112x64xf32, #tpu.memory_space<vmem_shared>> -> memref<632x64xf32, #tpu.memory_space<vmem_shared>>
      %dma_wait3A_332 = arith.constant 0 : i32
      %dma_wait3A_333 = arith.constant 0 : i32
      %dma_wait3A_334 = tpu.memref_slice %arg11[%dma_wait3A_332, %dma_wait3A_333] : memref<632x64xf32, #tpu.memory_space<hbm>> -> memref<632x64xf32, #tpu.memory_space<hbm>>
      tpu.wait_dma2 semaphore(%run_scoped3A : memref<!tpu.dma_semaphore, #tpu.memory_space<semaphore_mem>>) src(%dma_wait3A_334 : memref<632x64xf32, #tpu.memory_space<hbm>>) dst(%dma_wait3A_331 : memref<632x64xf32, #tpu.memory_space<vmem_shared>>)
      tpu.yield
    }) : () -> ()
    %mul3A_3 = arith.constant 632 : i32
    %mul3A_4 = arith.muli %arg1, %mul3A_3 : i32
    "tpu.region"() ({
      %run_scoped3A = tpu.sem_alloc : memref<!tpu.dma_semaphore, #tpu.memory_space<semaphore_mem>>
      %dma_start3A_325 = arith.constant 0 : i32
      %dma_start3A_326 = tpu.memref_slice %arg40[%mul3A_4, %dma_start3A_325] : memref<10112x8xf32, #tpu.memory_space<vmem_shared>> -> memref<632x8xf32, #tpu.memory_space<vmem_shared>>
      %dma_start3A_327 = arith.constant 0 : i32
      %dma_start3A_328 = arith.constant 0 : i32
      %dma_start3A_329 = tpu.memref_slice %arg12[%dma_start3A_327, %dma_start3A_328] : memref<632x8xf32, #tpu.memory_space<hbm>> -> memref<632x8xf32, #tpu.memory_space<hbm>>
      tpu.enqueue_dma source(%dma_start3A_329 : memref<632x8xf32, #tpu.memory_space<hbm>>) target(%dma_start3A_326 : memref<632x8xf32, #tpu.memory_space<vmem_shared>>) target_semaphore(%run_scoped3A : memref<!tpu.dma_semaphore, #tpu.memory_space<semaphore_mem>>)
      %dma_wait3A_330 = arith.constant 0 : i32
      %dma_wait3A_331 = tpu.memref_slice %arg40[%mul3A_4, %dma_wait3A_330] : memref<10112x8xf32, #tpu.memory_space<vmem_shared>> -> memref<632x8xf32, #tpu.memory_space<vmem_shared>>
      %dma_wait3A_332 = arith.constant 0 : i32
      %dma_wait3A_333 = arith.constant 0 : i32
      %dma_wait3A_334 = tpu.memref_slice %arg12[%dma_wait3A_332, %dma_wait3A_333] : memref<632x8xf32, #tpu.memory_space<hbm>> -> memref<632x8xf32, #tpu.memory_space<hbm>>
      tpu.wait_dma2 semaphore(%run_scoped3A : memref<!tpu.dma_semaphore, #tpu.memory_space<semaphore_mem>>) src(%dma_wait3A_334 : memref<632x8xf32, #tpu.memory_space<hbm>>) dst(%dma_wait3A_331 : memref<632x8xf32, #tpu.memory_space<vmem_shared>>)
      tpu.yield
    }) : () -> ()
    "tpu.region"() ({
      %run_scoped3A = tpu.sem_alloc : memref<!tpu.dma_semaphore, #tpu.memory_space<semaphore_mem>>
      tpu.enqueue_dma source(%arg13 : memref<256x8xf32, #tpu.memory_space<hbm>>) target(%arg29 : memref<256x8xf32, #tpu.memory_space<vmem>>) target_semaphore(%run_scoped3A : memref<!tpu.dma_semaphore, #tpu.memory_space<semaphore_mem>>)
      tpu.wait_dma2 semaphore(%run_scoped3A : memref<!tpu.dma_semaphore, #tpu.memory_space<semaphore_mem>>) src(%arg13 : memref<256x8xf32, #tpu.memory_space<hbm>>) dst(%arg29 : memref<256x8xf32, #tpu.memory_space<vmem>>)
      tpu.yield
    }) : () -> ()
    %barrier3A = arith.constant 0 : index
    tpu.barrier barrier_id(%barrier3A)
    %mul3A_5 = arith.constant 196 : i32
    %mul3A_6 = arith.muli %add3A, %mul3A_5 : i32
    %add3A_7 = arith.constant 0 : i32
    %add3A_8 = arith.addi %mul3A_6, %add3A_7 : i32
    %mul3A_9 = arith.constant 128 : i32
    %mul3A_10 = arith.muli %add3A_8, %mul3A_9 : i32
    %dma_start3A = tpu.memref_slice %arg3[%mul3A_10] : memref<802816xi32, #tpu.memory_space<hbm>> -> memref<256xi32, #tpu.memory_space<hbm>>
    %dma_start3A_11 = tpu.memref_slice %arg3[%mul3A_10] : memref<802816xi32, #tpu.memory_space<hbm>> -> memref<256xi32, #tpu.memory_space<hbm>>
    tpu.enqueue_dma source(%dma_start3A_11 : memref<256xi32, #tpu.memory_space<hbm>>) target(%arg20 : memref<256xi32, #tpu.memory_space<vmem>>) target_semaphore(%arg36 : memref<!tpu.dma_semaphore, #tpu.memory_space<semaphore_mem>>)
    %dma_start3A_12 = tpu.memref_slice %arg4[%mul3A_10] : memref<802816xi32, #tpu.memory_space<hbm>> -> memref<256xi32, #tpu.memory_space<hbm>>
    %dma_start3A_13 = tpu.memref_slice %arg4[%mul3A_10] : memref<802816xi32, #tpu.memory_space<hbm>> -> memref<256xi32, #tpu.memory_space<hbm>>
    tpu.enqueue_dma source(%dma_start3A_13 : memref<256xi32, #tpu.memory_space<hbm>>) target(%arg21 : memref<256xi32, #tpu.memory_space<vmem>>) target_semaphore(%arg36 : memref<!tpu.dma_semaphore, #tpu.memory_space<semaphore_mem>>)
    %add3A_14 = arith.constant 2 : i32
    %add3A_15 = arith.addi %mul3A_6, %add3A_14 : i32
    %mul3A_16 = arith.constant 128 : i32
    %mul3A_17 = arith.muli %add3A_15, %mul3A_16 : i32
    %dma_start3A_18 = tpu.memref_slice %arg3[%mul3A_17] : memref<802816xi32, #tpu.memory_space<hbm>> -> memref<256xi32, #tpu.memory_space<hbm>>
    %dma_start3A_19 = tpu.memref_slice %arg3[%mul3A_17] : memref<802816xi32, #tpu.memory_space<hbm>> -> memref<256xi32, #tpu.memory_space<hbm>>
    tpu.enqueue_dma source(%dma_start3A_19 : memref<256xi32, #tpu.memory_space<hbm>>) target(%arg23 : memref<256xi32, #tpu.memory_space<vmem>>) target_semaphore(%arg37 : memref<!tpu.dma_semaphore, #tpu.memory_space<semaphore_mem>>)
    %dma_start3A_20 = tpu.memref_slice %arg4[%mul3A_17] : memref<802816xi32, #tpu.memory_space<hbm>> -> memref<256xi32, #tpu.memory_space<hbm>>
    %dma_start3A_21 = tpu.memref_slice %arg4[%mul3A_17] : memref<802816xi32, #tpu.memory_space<hbm>> -> memref<256xi32, #tpu.memory_space<hbm>>
    tpu.enqueue_dma source(%dma_start3A_21 : memref<256xi32, #tpu.memory_space<hbm>>) target(%arg24 : memref<256xi32, #tpu.memory_space<vmem>>) target_semaphore(%arg37 : memref<!tpu.dma_semaphore, #tpu.memory_space<semaphore_mem>>)
    %dma_wait3A = arith.constant 0 : i32
    %dma_wait3A_22 = tpu.memref_slice %arg3[%dma_wait3A] : memref<802816xi32, #tpu.memory_space<hbm>> -> memref<256xi32, #tpu.memory_space<hbm>>
    %dma_wait3A_23 = arith.constant 0 : i32
    %dma_wait3A_24 = tpu.memref_slice %arg3[%dma_wait3A_23] : memref<802816xi32, #tpu.memory_space<hbm>> -> memref<256xi32, #tpu.memory_space<hbm>>
    tpu.wait_dma2 semaphore(%arg36 : memref<!tpu.dma_semaphore, #tpu.memory_space<semaphore_mem>>) src(%dma_wait3A_24 : memref<256xi32, #tpu.memory_space<hbm>>) dst(%arg20 : memref<256xi32, #tpu.memory_space<vmem>>)
    %dma_wait3A_25 = arith.constant 0 : i32
    %dma_wait3A_26 = tpu.memref_slice %arg4[%dma_wait3A_25] : memref<802816xi32, #tpu.memory_space<hbm>> -> memref<256xi32, #tpu.memory_space<hbm>>
    %dma_wait3A_27 = arith.constant 0 : i32
    %dma_wait3A_28 = tpu.memref_slice %arg4[%dma_wait3A_27] : memref<802816xi32, #tpu.memory_space<hbm>> -> memref<256xi32, #tpu.memory_space<hbm>>
    tpu.wait_dma2 semaphore(%arg36 : memref<!tpu.dma_semaphore, #tpu.memory_space<semaphore_mem>>) src(%dma_wait3A_28 : memref<256xi32, #tpu.memory_space<hbm>>) dst(%arg21 : memref<256xi32, #tpu.memory_space<vmem>>)
    %dma_start3A_29 = arith.constant 0 : i32
    %dma_start3A_30 = arith.constant 0 : i32
    %dma_start3A_31 = tpu.memref_slice %arg2[%dma_start3A_29, %dma_start3A_30] : memref<50000x64xf32, #tpu.memory_space<hbm>> -> memref<50000x64xf32, #tpu.memory_space<hbm>>
    tpu.enqueue_indirect_dma source(%dma_start3A_31 : memref<50000x64xf32, #tpu.memory_space<hbm>>) target(%arg22 : memref<256x64xf32, #tpu.memory_space<vmem>>) offsets(%arg20 : memref<256xi32, #tpu.memory_space<vmem>>) semaphore(%arg30 : memref<!tpu.dma_semaphore, #tpu.memory_space<semaphore_mem>>)
    %dma_wait3A_32 = arith.constant 0 : i32
    %dma_wait3A_33 = arith.constant 0 : i32
    %dma_wait3A_34 = tpu.memref_slice %arg2[%dma_wait3A_32, %dma_wait3A_33] : memref<50000x64xf32, #tpu.memory_space<hbm>> -> memref<50000x64xf32, #tpu.memory_space<hbm>>
    tpu.wait_indirect_dma semaphore(%arg30 : memref<!tpu.dma_semaphore, #tpu.memory_space<semaphore_mem>>) src(%dma_wait3A_34 : memref<50000x64xf32, #tpu.memory_space<hbm>>) dst(%arg22 : memref<256x64xf32, #tpu.memory_space<vmem>>)
    %dma_start3A_35 = arith.constant 0 : i32
    %dma_start3A_36 = arith.constant 0 : i32
    %dma_start3A_37 = tpu.memref_slice %arg39[%dma_start3A_35, %dma_start3A_36] : memref<10112x64xf32, #tpu.memory_space<vmem_shared>> -> memref<10112x64xf32, #tpu.memory_space<vmem_shared>>
    tpu.enqueue_indirect_dma source(%arg22 : memref<256x64xf32, #tpu.memory_space<vmem>>) target(%dma_start3A_37 : memref<10112x64xf32, #tpu.memory_space<vmem_shared>>) offsets(%arg21 : memref<256xi32, #tpu.memory_space<vmem>>) semaphore(%arg33 : memref<!tpu.dma_semaphore, #tpu.memory_space<semaphore_mem>>) {add = true}
    %dma_start3A_38 = arith.constant 0 : i32
    %dma_start3A_39 = arith.constant 0 : i32
    %dma_start3A_40 = tpu.memref_slice %arg40[%dma_start3A_38, %dma_start3A_39] : memref<10112x8xf32, #tpu.memory_space<vmem_shared>> -> memref<10112x8xf32, #tpu.memory_space<vmem_shared>>
    tpu.enqueue_indirect_dma source(%arg29 : memref<256x8xf32, #tpu.memory_space<vmem>>) target(%dma_start3A_40 : memref<10112x8xf32, #tpu.memory_space<vmem_shared>>) offsets(%arg21 : memref<256xi32, #tpu.memory_space<vmem>>) semaphore(%arg33 : memref<!tpu.dma_semaphore, #tpu.memory_space<semaphore_mem>>) {add = true}
    %add3A_41 = arith.constant 4 : i32
    %add3A_42 = arith.addi %mul3A_6, %add3A_41 : i32
    %mul3A_43 = arith.constant 128 : i32
    %mul3A_44 = arith.muli %add3A_42, %mul3A_43 : i32
    %dma_start3A_45 = tpu.memref_slice %arg3[%mul3A_44] : memref<802816xi32, #tpu.memory_space<hbm>> -> memref<256xi32, #tpu.memory_space<hbm>>
    %dma_start3A_46 = tpu.memref_slice %arg3[%mul3A_44] : memref<802816xi32, #tpu.memory_space<hbm>> -> memref<256xi32, #tpu.memory_space<hbm>>
    tpu.enqueue_dma source(%dma_start3A_46 : memref<256xi32, #tpu.memory_space<hbm>>) target(%arg26 : memref<256xi32, #tpu.memory_space<vmem>>) target_semaphore(%arg38 : memref<!tpu.dma_semaphore, #tpu.memory_space<semaphore_mem>>)
    %dma_start3A_47 = tpu.memref_slice %arg4[%mul3A_44] : memref<802816xi32, #tpu.memory_space<hbm>> -> memref<256xi32, #tpu.memory_space<hbm>>
    %dma_start3A_48 = tpu.memref_slice %arg4[%mul3A_44] : memref<802816xi32, #tpu.memory_space<hbm>> -> memref<256xi32, #tpu.memory_space<hbm>>
    tpu.enqueue_dma source(%dma_start3A_48 : memref<256xi32, #tpu.memory_space<hbm>>) target(%arg27 : memref<256xi32, #tpu.memory_space<vmem>>) target_semaphore(%arg38 : memref<!tpu.dma_semaphore, #tpu.memory_space<semaphore_mem>>)
    %dma_wait3A_49 = arith.constant 0 : i32
    %dma_wait3A_50 = tpu.memref_slice %arg3[%dma_wait3A_49] : memref<802816xi32, #tpu.memory_space<hbm>> -> memref<256xi32, #tpu.memory_space<hbm>>
    %dma_wait3A_51 = arith.constant 0 : i32
    %dma_wait3A_52 = tpu.memref_slice %arg3[%dma_wait3A_51] : memref<802816xi32, #tpu.memory_space<hbm>> -> memref<256xi32, #tpu.memory_space<hbm>>
    tpu.wait_dma2 semaphore(%arg37 : memref<!tpu.dma_semaphore, #tpu.memory_space<semaphore_mem>>) src(%dma_wait3A_52 : memref<256xi32, #tpu.memory_space<hbm>>) dst(%arg23 : memref<256xi32, #tpu.memory_space<vmem>>)
    %dma_wait3A_53 = arith.constant 0 : i32
    %dma_wait3A_54 = tpu.memref_slice %arg4[%dma_wait3A_53] : memref<802816xi32, #tpu.memory_space<hbm>> -> memref<256xi32, #tpu.memory_space<hbm>>
    %dma_wait3A_55 = arith.constant 0 : i32
    %dma_wait3A_56 = tpu.memref_slice %arg4[%dma_wait3A_55] : memref<802816xi32, #tpu.memory_space<hbm>> -> memref<256xi32, #tpu.memory_space<hbm>>
    tpu.wait_dma2 semaphore(%arg37 : memref<!tpu.dma_semaphore, #tpu.memory_space<semaphore_mem>>) src(%dma_wait3A_56 : memref<256xi32, #tpu.memory_space<hbm>>) dst(%arg24 : memref<256xi32, #tpu.memory_space<vmem>>)
    %dma_start3A_57 = arith.constant 0 : i32
    %dma_start3A_58 = arith.constant 0 : i32
    %dma_start3A_59 = tpu.memref_slice %arg2[%dma_start3A_57, %dma_start3A_58] : memref<50000x64xf32, #tpu.memory_space<hbm>> -> memref<50000x64xf32, #tpu.memory_space<hbm>>
    tpu.enqueue_indirect_dma source(%dma_start3A_59 : memref<50000x64xf32, #tpu.memory_space<hbm>>) target(%arg25 : memref<256x64xf32, #tpu.memory_space<vmem>>) offsets(%arg23 : memref<256xi32, #tpu.memory_space<vmem>>) semaphore(%arg31 : memref<!tpu.dma_semaphore, #tpu.memory_space<semaphore_mem>>)
    %dma_wait3A_60 = arith.constant 0 : i32
    %dma_wait3A_61 = arith.constant 0 : i32
    %dma_wait3A_62 = tpu.memref_slice %arg2[%dma_wait3A_60, %dma_wait3A_61] : memref<50000x64xf32, #tpu.memory_space<hbm>> -> memref<50000x64xf32, #tpu.memory_space<hbm>>
    tpu.wait_indirect_dma semaphore(%arg31 : memref<!tpu.dma_semaphore, #tpu.memory_space<semaphore_mem>>) src(%dma_wait3A_62 : memref<50000x64xf32, #tpu.memory_space<hbm>>) dst(%arg25 : memref<256x64xf32, #tpu.memory_space<vmem>>)
    %dma_start3A_63 = arith.constant 0 : i32
    %dma_start3A_64 = arith.constant 0 : i32
    %dma_start3A_65 = tpu.memref_slice %arg39[%dma_start3A_63, %dma_start3A_64] : memref<10112x64xf32, #tpu.memory_space<vmem_shared>> -> memref<10112x64xf32, #tpu.memory_space<vmem_shared>>
    tpu.enqueue_indirect_dma source(%arg25 : memref<256x64xf32, #tpu.memory_space<vmem>>) target(%dma_start3A_65 : memref<10112x64xf32, #tpu.memory_space<vmem_shared>>) offsets(%arg24 : memref<256xi32, #tpu.memory_space<vmem>>) semaphore(%arg34 : memref<!tpu.dma_semaphore, #tpu.memory_space<semaphore_mem>>) {add = true}
    %dma_start3A_66 = arith.constant 0 : i32
    %dma_start3A_67 = arith.constant 0 : i32
    %dma_start3A_68 = tpu.memref_slice %arg40[%dma_start3A_66, %dma_start3A_67] : memref<10112x8xf32, #tpu.memory_space<vmem_shared>> -> memref<10112x8xf32, #tpu.memory_space<vmem_shared>>
    tpu.enqueue_indirect_dma source(%arg29 : memref<256x8xf32, #tpu.memory_space<vmem>>) target(%dma_start3A_68 : memref<10112x8xf32, #tpu.memory_space<vmem_shared>>) offsets(%arg24 : memref<256xi32, #tpu.memory_space<vmem>>) semaphore(%arg34 : memref<!tpu.dma_semaphore, #tpu.memory_space<semaphore_mem>>) {add = true}
    %dma_wait3A_69 = arith.constant 0 : i32
    %dma_wait3A_70 = arith.constant 0 : i32
    %dma_wait3A_71 = tpu.memref_slice %arg39[%dma_wait3A_69, %dma_wait3A_70] : memref<10112x64xf32, #tpu.memory_space<vmem_shared>> -> memref<10112x64xf32, #tpu.memory_space<vmem_shared>>
    tpu.wait_indirect_dma semaphore(%arg33 : memref<!tpu.dma_semaphore, #tpu.memory_space<semaphore_mem>>) src(%arg22 : memref<256x64xf32, #tpu.memory_space<vmem>>) dst(%dma_wait3A_71 : memref<10112x64xf32, #tpu.memory_space<vmem_shared>>)
    %dma_wait3A_72 = arith.constant 0 : i32
    %dma_wait3A_73 = arith.constant 0 : i32
    %dma_wait3A_74 = tpu.memref_slice %arg40[%dma_wait3A_72, %dma_wait3A_73] : memref<10112x8xf32, #tpu.memory_space<vmem_shared>> -> memref<10112x8xf32, #tpu.memory_space<vmem_shared>>
    tpu.wait_indirect_dma semaphore(%arg33 : memref<!tpu.dma_semaphore, #tpu.memory_space<semaphore_mem>>) src(%arg29 : memref<256x8xf32, #tpu.memory_space<vmem>>) dst(%dma_wait3A_74 : memref<10112x8xf32, #tpu.memory_space<vmem_shared>>)
    %add3A_75 = arith.constant 6 : i32
    %add3A_76 = arith.addi %mul3A_6, %add3A_75 : i32
    %mul3A_77 = arith.constant 128 : i32
    %mul3A_78 = arith.muli %add3A_76, %mul3A_77 : i32
    %dma_start3A_79 = tpu.memref_slice %arg3[%mul3A_78] : memref<802816xi32, #tpu.memory_space<hbm>> -> memref<256xi32, #tpu.memory_space<hbm>>
    %dma_start3A_80 = tpu.memref_slice %arg3[%mul3A_78] : memref<802816xi32, #tpu.memory_space<hbm>> -> memref<256xi32, #tpu.memory_space<hbm>>
    tpu.enqueue_dma source(%dma_start3A_80 : memref<256xi32, #tpu.memory_space<hbm>>) target(%arg20 : memref<256xi32, #tpu.memory_space<vmem>>) target_semaphore(%arg36 : memref<!tpu.dma_semaphore, #tpu.memory_space<semaphore_mem>>)
    %dma_start3A_81 = tpu.memref_slice %arg4[%mul3A_78] : memref<802816xi32, #tpu.memory_space<hbm>> -> memref<256xi32, #tpu.memory_space<hbm>>
    %dma_start3A_82 = tpu.memref_slice %arg4[%mul3A_78] : memref<802816xi32, #tpu.memory_space<hbm>> -> memref<256xi32, #tpu.memory_space<hbm>>
    tpu.enqueue_dma source(%dma_start3A_82 : memref<256xi32, #tpu.memory_space<hbm>>) target(%arg21 : memref<256xi32, #tpu.memory_space<vmem>>) target_semaphore(%arg36 : memref<!tpu.dma_semaphore, #tpu.memory_space<semaphore_mem>>)
    %scan3A = arith.constant 0 : i32
    %scan3A_83 = arith.constant 0 : i32
    %scan3A_84 = arith.constant 32 : i32
    %scan3A_85 = arith.addi %scan3A_83, %scan3A_84 : i32
    %scan3A_86 = arith.constant 1 : i32
    scf.for %scan3A_325 = %scan3A_83 to %scan3A_85 step %scan3A_86  : i32 {
      %mul3A_326 = arith.constant 3 : i32
      %mul3A_327 = arith.muli %mul3A_326, %scan3A_325 : i32
      %add3A_328 = arith.constant 2 : i32
      %add3A_329 = arith.addi %add3A_328, %mul3A_327 : i32
      %add3A_330 = arith.constant 0 : i32
      %add3A_331 = arith.addi %add3A_329, %add3A_330 : i32
      %dma_wait3A_332 = arith.constant 0 : i32
      %dma_wait3A_333 = tpu.memref_slice %arg3[%dma_wait3A_332] : memref<802816xi32, #tpu.memory_space<hbm>> -> memref<256xi32, #tpu.memory_space<hbm>>
      %dma_wait3A_334 = arith.constant 0 : i32
      %dma_wait3A_335 = tpu.memref_slice %arg3[%dma_wait3A_334] : memref<802816xi32, #tpu.memory_space<hbm>> -> memref<256xi32, #tpu.memory_space<hbm>>
      tpu.wait_dma2 semaphore(%arg38 : memref<!tpu.dma_semaphore, #tpu.memory_space<semaphore_mem>>) src(%dma_wait3A_335 : memref<256xi32, #tpu.memory_space<hbm>>) dst(%arg26 : memref<256xi32, #tpu.memory_space<vmem>>)
      %dma_wait3A_336 = arith.constant 0 : i32
      %dma_wait3A_337 = tpu.memref_slice %arg4[%dma_wait3A_336] : memref<802816xi32, #tpu.memory_space<hbm>> -> memref<256xi32, #tpu.memory_space<hbm>>
      %dma_wait3A_338 = arith.constant 0 : i32
      %dma_wait3A_339 = tpu.memref_slice %arg4[%dma_wait3A_338] : memref<802816xi32, #tpu.memory_space<hbm>> -> memref<256xi32, #tpu.memory_space<hbm>>
      tpu.wait_dma2 semaphore(%arg38 : memref<!tpu.dma_semaphore, #tpu.memory_space<semaphore_mem>>) src(%dma_wait3A_339 : memref<256xi32, #tpu.memory_space<hbm>>) dst(%arg27 : memref<256xi32, #tpu.memory_space<vmem>>)
      %dma_start3A_340 = arith.constant 0 : i32
      %dma_start3A_341 = arith.constant 0 : i32
      %dma_start3A_342 = tpu.memref_slice %arg2[%dma_start3A_340, %dma_start3A_341] : memref<50000x64xf32, #tpu.memory_space<hbm>> -> memref<50000x64xf32, #tpu.memory_space<hbm>>
      tpu.enqueue_indirect_dma source(%dma_start3A_342 : memref<50000x64xf32, #tpu.memory_space<hbm>>) target(%arg28 : memref<256x64xf32, #tpu.memory_space<vmem>>) offsets(%arg26 : memref<256xi32, #tpu.memory_space<vmem>>) semaphore(%arg32 : memref<!tpu.dma_semaphore, #tpu.memory_space<semaphore_mem>>)
      %dma_wait3A_343 = arith.constant 0 : i32
      %dma_wait3A_344 = arith.constant 0 : i32
      %dma_wait3A_345 = tpu.memref_slice %arg2[%dma_wait3A_343, %dma_wait3A_344] : memref<50000x64xf32, #tpu.memory_space<hbm>> -> memref<50000x64xf32, #tpu.memory_space<hbm>>
      tpu.wait_indirect_dma semaphore(%arg32 : memref<!tpu.dma_semaphore, #tpu.memory_space<semaphore_mem>>) src(%dma_wait3A_345 : memref<50000x64xf32, #tpu.memory_space<hbm>>) dst(%arg28 : memref<256x64xf32, #tpu.memory_space<vmem>>)
      %dma_start3A_346 = arith.constant 0 : i32
      %dma_start3A_347 = arith.constant 0 : i32
      %dma_start3A_348 = tpu.memref_slice %arg39[%dma_start3A_346, %dma_start3A_347] : memref<10112x64xf32, #tpu.memory_space<vmem_shared>> -> memref<10112x64xf32, #tpu.memory_space<vmem_shared>>
      tpu.enqueue_indirect_dma source(%arg28 : memref<256x64xf32, #tpu.memory_space<vmem>>) target(%dma_start3A_348 : memref<10112x64xf32, #tpu.memory_space<vmem_shared>>) offsets(%arg27 : memref<256xi32, #tpu.memory_space<vmem>>) semaphore(%arg35 : memref<!tpu.dma_semaphore, #tpu.memory_space<semaphore_mem>>) {add = true}
      %dma_start3A_349 = arith.constant 0 : i32
      %dma_start3A_350 = arith.constant 0 : i32
      %dma_start3A_351 = tpu.memref_slice %arg40[%dma_start3A_349, %dma_start3A_350] : memref<10112x8xf32, #tpu.memory_space<vmem_shared>> -> memref<10112x8xf32, #tpu.memory_space<vmem_shared>>
      tpu.enqueue_indirect_dma source(%arg29 : memref<256x8xf32, #tpu.memory_space<vmem>>) target(%dma_start3A_351 : memref<10112x8xf32, #tpu.memory_space<vmem_shared>>) offsets(%arg27 : memref<256xi32, #tpu.memory_space<vmem>>) semaphore(%arg35 : memref<!tpu.dma_semaphore, #tpu.memory_space<semaphore_mem>>) {add = true}
      %dma_wait3A_352 = arith.constant 0 : i32
      %dma_wait3A_353 = arith.constant 0 : i32
      %dma_wait3A_354 = tpu.memref_slice %arg39[%dma_wait3A_352, %dma_wait3A_353] : memref<10112x64xf32, #tpu.memory_space<vmem_shared>> -> memref<10112x64xf32, #tpu.memory_space<vmem_shared>>
      tpu.wait_indirect_dma semaphore(%arg34 : memref<!tpu.dma_semaphore, #tpu.memory_space<semaphore_mem>>) src(%arg25 : memref<256x64xf32, #tpu.memory_space<vmem>>) dst(%dma_wait3A_354 : memref<10112x64xf32, #tpu.memory_space<vmem_shared>>)
      %dma_wait3A_355 = arith.constant 0 : i32
      %dma_wait3A_356 = arith.constant 0 : i32
      %dma_wait3A_357 = tpu.memref_slice %arg40[%dma_wait3A_355, %dma_wait3A_356] : memref<10112x8xf32, #tpu.memory_space<vmem_shared>> -> memref<10112x8xf32, #tpu.memory_space<vmem_shared>>
      tpu.wait_indirect_dma semaphore(%arg34 : memref<!tpu.dma_semaphore, #tpu.memory_space<semaphore_mem>>) src(%arg29 : memref<256x8xf32, #tpu.memory_space<vmem>>) dst(%dma_wait3A_357 : memref<10112x8xf32, #tpu.memory_space<vmem_shared>>)
      %add3A_358 = arith.constant 2 : i32
      %add3A_359 = arith.addi %add3A_331, %add3A_358 : i32
      %min3A = arith.constant 97 : i32
      %min3A_360 = arith.minsi %add3A_359, %min3A : i32
      %mul3A_361 = arith.constant 2 : i32
      %mul3A_362 = arith.muli %min3A_360, %mul3A_361 : i32
      %add3A_363 = arith.addi %mul3A_6, %mul3A_362 : i32
      %mul3A_364 = arith.constant 128 : i32
      %mul3A_365 = arith.muli %add3A_363, %mul3A_364 : i32
      %dma_start3A_366 = tpu.memref_slice %arg3[%mul3A_365] : memref<802816xi32, #tpu.memory_space<hbm>> -> memref<256xi32, #tpu.memory_space<hbm>>
      %dma_start3A_367 = tpu.memref_slice %arg3[%mul3A_365] : memref<802816xi32, #tpu.memory_space<hbm>> -> memref<256xi32, #tpu.memory_space<hbm>>
      tpu.enqueue_dma source(%dma_start3A_367 : memref<256xi32, #tpu.memory_space<hbm>>) target(%arg23 : memref<256xi32, #tpu.memory_space<vmem>>) target_semaphore(%arg37 : memref<!tpu.dma_semaphore, #tpu.memory_space<semaphore_mem>>)
      %dma_start3A_368 = tpu.memref_slice %arg4[%mul3A_365] : memref<802816xi32, #tpu.memory_space<hbm>> -> memref<256xi32, #tpu.memory_space<hbm>>
      %dma_start3A_369 = tpu.memref_slice %arg4[%mul3A_365] : memref<802816xi32, #tpu.memory_space<hbm>> -> memref<256xi32, #tpu.memory_space<hbm>>
      tpu.enqueue_dma source(%dma_start3A_369 : memref<256xi32, #tpu.memory_space<hbm>>) target(%arg24 : memref<256xi32, #tpu.memory_space<vmem>>) target_semaphore(%arg37 : memref<!tpu.dma_semaphore, #tpu.memory_space<semaphore_mem>>)
      %mul3A_370 = arith.constant 3 : i32
      %mul3A_371 = arith.muli %mul3A_370, %scan3A_325 : i32
      %add3A_372 = arith.constant 2 : i32
      %add3A_373 = arith.addi %add3A_372, %mul3A_371 : i32
      %add3A_374 = arith.constant 1 : i32
      %add3A_375 = arith.addi %add3A_373, %add3A_374 : i32
      %dma_wait3A_376 = arith.constant 0 : i32
      %dma_wait3A_377 = tpu.memref_slice %arg3[%dma_wait3A_376] : memref<802816xi32, #tpu.memory_space<hbm>> -> memref<256xi32, #tpu.memory_space<hbm>>
      %dma_wait3A_378 = arith.constant 0 : i32
      %dma_wait3A_379 = tpu.memref_slice %arg3[%dma_wait3A_378] : memref<802816xi32, #tpu.memory_space<hbm>> -> memref<256xi32, #tpu.memory_space<hbm>>
      tpu.wait_dma2 semaphore(%arg36 : memref<!tpu.dma_semaphore, #tpu.memory_space<semaphore_mem>>) src(%dma_wait3A_379 : memref<256xi32, #tpu.memory_space<hbm>>) dst(%arg20 : memref<256xi32, #tpu.memory_space<vmem>>)
      %dma_wait3A_380 = arith.constant 0 : i32
      %dma_wait3A_381 = tpu.memref_slice %arg4[%dma_wait3A_380] : memref<802816xi32, #tpu.memory_space<hbm>> -> memref<256xi32, #tpu.memory_space<hbm>>
      %dma_wait3A_382 = arith.constant 0 : i32
      %dma_wait3A_383 = tpu.memref_slice %arg4[%dma_wait3A_382] : memref<802816xi32, #tpu.memory_space<hbm>> -> memref<256xi32, #tpu.memory_space<hbm>>
      tpu.wait_dma2 semaphore(%arg36 : memref<!tpu.dma_semaphore, #tpu.memory_space<semaphore_mem>>) src(%dma_wait3A_383 : memref<256xi32, #tpu.memory_space<hbm>>) dst(%arg21 : memref<256xi32, #tpu.memory_space<vmem>>)
      %dma_start3A_384 = arith.constant 0 : i32
      %dma_start3A_385 = arith.constant 0 : i32
      %dma_start3A_386 = tpu.memref_slice %arg2[%dma_start3A_384, %dma_start3A_385] : memref<50000x64xf32, #tpu.memory_space<hbm>> -> memref<50000x64xf32, #tpu.memory_space<hbm>>
      tpu.enqueue_indirect_dma source(%dma_start3A_386 : memref<50000x64xf32, #tpu.memory_space<hbm>>) target(%arg22 : memref<256x64xf32, #tpu.memory_space<vmem>>) offsets(%arg20 : memref<256xi32, #tpu.memory_space<vmem>>) semaphore(%arg30 : memref<!tpu.dma_semaphore, #tpu.memory_space<semaphore_mem>>)
      %dma_wait3A_387 = arith.constant 0 : i32
      %dma_wait3A_388 = arith.constant 0 : i32
      %dma_wait3A_389 = tpu.memref_slice %arg2[%dma_wait3A_387, %dma_wait3A_388] : memref<50000x64xf32, #tpu.memory_space<hbm>> -> memref<50000x64xf32, #tpu.memory_space<hbm>>
      tpu.wait_indirect_dma semaphore(%arg30 : memref<!tpu.dma_semaphore, #tpu.memory_space<semaphore_mem>>) src(%dma_wait3A_389 : memref<50000x64xf32, #tpu.memory_space<hbm>>) dst(%arg22 : memref<256x64xf32, #tpu.memory_space<vmem>>)
      %dma_start3A_390 = arith.constant 0 : i32
      %dma_start3A_391 = arith.constant 0 : i32
      %dma_start3A_392 = tpu.memref_slice %arg39[%dma_start3A_390, %dma_start3A_391] : memref<10112x64xf32, #tpu.memory_space<vmem_shared>> -> memref<10112x64xf32, #tpu.memory_space<vmem_shared>>
      tpu.enqueue_indirect_dma source(%arg22 : memref<256x64xf32, #tpu.memory_space<vmem>>) target(%dma_start3A_392 : memref<10112x64xf32, #tpu.memory_space<vmem_shared>>) offsets(%arg21 : memref<256xi32, #tpu.memory_space<vmem>>) semaphore(%arg33 : memref<!tpu.dma_semaphore, #tpu.memory_space<semaphore_mem>>) {add = true}
      %dma_start3A_393 = arith.constant 0 : i32
      %dma_start3A_394 = arith.constant 0 : i32
      %dma_start3A_395 = tpu.memref_slice %arg40[%dma_start3A_393, %dma_start3A_394] : memref<10112x8xf32, #tpu.memory_space<vmem_shared>> -> memref<10112x8xf32, #tpu.memory_space<vmem_shared>>
      tpu.enqueue_indirect_dma source(%arg29 : memref<256x8xf32, #tpu.memory_space<vmem>>) target(%dma_start3A_395 : memref<10112x8xf32, #tpu.memory_space<vmem_shared>>) offsets(%arg21 : memref<256xi32, #tpu.memory_space<vmem>>) semaphore(%arg33 : memref<!tpu.dma_semaphore, #tpu.memory_space<semaphore_mem>>) {add = true}
      %dma_wait3A_396 = arith.constant 0 : i32
      %dma_wait3A_397 = arith.constant 0 : i32
      %dma_wait3A_398 = tpu.memref_slice %arg39[%dma_wait3A_396, %dma_wait3A_397] : memref<10112x64xf32, #tpu.memory_space<vmem_shared>> -> memref<10112x64xf32, #tpu.memory_space<vmem_shared>>
      tpu.wait_indirect_dma semaphore(%arg35 : memref<!tpu.dma_semaphore, #tpu.memory_space<semaphore_mem>>) src(%arg28 : memref<256x64xf32, #tpu.memory_space<vmem>>) dst(%dma_wait3A_398 : memref<10112x64xf32, #tpu.memory_space<vmem_shared>>)
      %dma_wait3A_399 = arith.constant 0 : i32
      %dma_wait3A_400 = arith.constant 0 : i32
      %dma_wait3A_401 = tpu.memref_slice %arg40[%dma_wait3A_399, %dma_wait3A_400] : memref<10112x8xf32, #tpu.memory_space<vmem_shared>> -> memref<10112x8xf32, #tpu.memory_space<vmem_shared>>
      tpu.wait_indirect_dma semaphore(%arg35 : memref<!tpu.dma_semaphore, #tpu.memory_space<semaphore_mem>>) src(%arg29 : memref<256x8xf32, #tpu.memory_space<vmem>>) dst(%dma_wait3A_401 : memref<10112x8xf32, #tpu.memory_space<vmem_shared>>)
      %add3A_402 = arith.constant 2 : i32
      %add3A_403 = arith.addi %add3A_375, %add3A_402 : i32
      %min3A_404 = arith.constant 97 : i32
      %min3A_405 = arith.minsi %add3A_403, %min3A_404 : i32
      %mul3A_406 = arith.constant 2 : i32
      %mul3A_407 = arith.muli %min3A_405, %mul3A_406 : i32
      %add3A_408 = arith.addi %mul3A_6, %mul3A_407 : i32
      %mul3A_409 = arith.constant 128 : i32
      %mul3A_410 = arith.muli %add3A_408, %mul3A_409 : i32
      %dma_start3A_411 = tpu.memref_slice %arg3[%mul3A_410] : memref<802816xi32, #tpu.memory_space<hbm>> -> memref<256xi32, #tpu.memory_space<hbm>>
      %dma_start3A_412 = tpu.memref_slice %arg3[%mul3A_410] : memref<802816xi32, #tpu.memory_space<hbm>> -> memref<256xi32, #tpu.memory_space<hbm>>
      tpu.enqueue_dma source(%dma_start3A_412 : memref<256xi32, #tpu.memory_space<hbm>>) target(%arg26 : memref<256xi32, #tpu.memory_space<vmem>>) target_semaphore(%arg38 : memref<!tpu.dma_semaphore, #tpu.memory_space<semaphore_mem>>)
      %dma_start3A_413 = tpu.memref_slice %arg4[%mul3A_410] : memref<802816xi32, #tpu.memory_space<hbm>> -> memref<256xi32, #tpu.memory_space<hbm>>
      %dma_start3A_414 = tpu.memref_slice %arg4[%mul3A_410] : memref<802816xi32, #tpu.memory_space<hbm>> -> memref<256xi32, #tpu.memory_space<hbm>>
      tpu.enqueue_dma source(%dma_start3A_414 : memref<256xi32, #tpu.memory_space<hbm>>) target(%arg27 : memref<256xi32, #tpu.memory_space<vmem>>) target_semaphore(%arg38 : memref<!tpu.dma_semaphore, #tpu.memory_space<semaphore_mem>>)
      %mul3A_415 = arith.constant 3 : i32
      %mul3A_416 = arith.muli %mul3A_415, %scan3A_325 : i32
      %add3A_417 = arith.constant 2 : i32
      %add3A_418 = arith.addi %add3A_417, %mul3A_416 : i32
      %add3A_419 = arith.constant 2 : i32
      %add3A_420 = arith.addi %add3A_418, %add3A_419 : i32
      %dma_wait3A_421 = arith.constant 0 : i32
      %dma_wait3A_422 = tpu.memref_slice %arg3[%dma_wait3A_421] : memref<802816xi32, #tpu.memory_space<hbm>> -> memref<256xi32, #tpu.memory_space<hbm>>
      %dma_wait3A_423 = arith.constant 0 : i32
      %dma_wait3A_424 = tpu.memref_slice %arg3[%dma_wait3A_423] : memref<802816xi32, #tpu.memory_space<hbm>> -> memref<256xi32, #tpu.memory_space<hbm>>
      tpu.wait_dma2 semaphore(%arg37 : memref<!tpu.dma_semaphore, #tpu.memory_space<semaphore_mem>>) src(%dma_wait3A_424 : memref<256xi32, #tpu.memory_space<hbm>>) dst(%arg23 : memref<256xi32, #tpu.memory_space<vmem>>)
      %dma_wait3A_425 = arith.constant 0 : i32
      %dma_wait3A_426 = tpu.memref_slice %arg4[%dma_wait3A_425] : memref<802816xi32, #tpu.memory_space<hbm>> -> memref<256xi32, #tpu.memory_space<hbm>>
      %dma_wait3A_427 = arith.constant 0 : i32
      %dma_wait3A_428 = tpu.memref_slice %arg4[%dma_wait3A_427] : memref<802816xi32, #tpu.memory_space<hbm>> -> memref<256xi32, #tpu.memory_space<hbm>>
      tpu.wait_dma2 semaphore(%arg37 : memref<!tpu.dma_semaphore, #tpu.memory_space<semaphore_mem>>) src(%dma_wait3A_428 : memref<256xi32, #tpu.memory_space<hbm>>) dst(%arg24 : memref<256xi32, #tpu.memory_space<vmem>>)
      %dma_start3A_429 = arith.constant 0 : i32
      %dma_start3A_430 = arith.constant 0 : i32
      %dma_start3A_431 = tpu.memref_slice %arg2[%dma_start3A_429, %dma_start3A_430] : memref<50000x64xf32, #tpu.memory_space<hbm>> -> memref<50000x64xf32, #tpu.memory_space<hbm>>
      tpu.enqueue_indirect_dma source(%dma_start3A_431 : memref<50000x64xf32, #tpu.memory_space<hbm>>) target(%arg25 : memref<256x64xf32, #tpu.memory_space<vmem>>) offsets(%arg23 : memref<256xi32, #tpu.memory_space<vmem>>) semaphore(%arg31 : memref<!tpu.dma_semaphore, #tpu.memory_space<semaphore_mem>>)
      %dma_wait3A_432 = arith.constant 0 : i32
      %dma_wait3A_433 = arith.constant 0 : i32
      %dma_wait3A_434 = tpu.memref_slice %arg2[%dma_wait3A_432, %dma_wait3A_433] : memref<50000x64xf32, #tpu.memory_space<hbm>> -> memref<50000x64xf32, #tpu.memory_space<hbm>>
      tpu.wait_indirect_dma semaphore(%arg31 : memref<!tpu.dma_semaphore, #tpu.memory_space<semaphore_mem>>) src(%dma_wait3A_434 : memref<50000x64xf32, #tpu.memory_space<hbm>>) dst(%arg25 : memref<256x64xf32, #tpu.memory_space<vmem>>)
      %dma_start3A_435 = arith.constant 0 : i32
      %dma_start3A_436 = arith.constant 0 : i32
      %dma_start3A_437 = tpu.memref_slice %arg39[%dma_start3A_435, %dma_start3A_436] : memref<10112x64xf32, #tpu.memory_space<vmem_shared>> -> memref<10112x64xf32, #tpu.memory_space<vmem_shared>>
      tpu.enqueue_indirect_dma source(%arg25 : memref<256x64xf32, #tpu.memory_space<vmem>>) target(%dma_start3A_437 : memref<10112x64xf32, #tpu.memory_space<vmem_shared>>) offsets(%arg24 : memref<256xi32, #tpu.memory_space<vmem>>) semaphore(%arg34 : memref<!tpu.dma_semaphore, #tpu.memory_space<semaphore_mem>>) {add = true}
      %dma_start3A_438 = arith.constant 0 : i32
      %dma_start3A_439 = arith.constant 0 : i32
      %dma_start3A_440 = tpu.memref_slice %arg40[%dma_start3A_438, %dma_start3A_439] : memref<10112x8xf32, #tpu.memory_space<vmem_shared>> -> memref<10112x8xf32, #tpu.memory_space<vmem_shared>>
      tpu.enqueue_indirect_dma source(%arg29 : memref<256x8xf32, #tpu.memory_space<vmem>>) target(%dma_start3A_440 : memref<10112x8xf32, #tpu.memory_space<vmem_shared>>) offsets(%arg24 : memref<256xi32, #tpu.memory_space<vmem>>) semaphore(%arg34 : memref<!tpu.dma_semaphore, #tpu.memory_space<semaphore_mem>>) {add = true}
      %dma_wait3A_441 = arith.constant 0 : i32
      %dma_wait3A_442 = arith.constant 0 : i32
      %dma_wait3A_443 = tpu.memref_slice %arg39[%dma_wait3A_441, %dma_wait3A_442] : memref<10112x64xf32, #tpu.memory_space<vmem_shared>> -> memref<10112x64xf32, #tpu.memory_space<vmem_shared>>
      tpu.wait_indirect_dma semaphore(%arg33 : memref<!tpu.dma_semaphore, #tpu.memory_space<semaphore_mem>>) src(%arg22 : memref<256x64xf32, #tpu.memory_space<vmem>>) dst(%dma_wait3A_443 : memref<10112x64xf32, #tpu.memory_space<vmem_shared>>)
      %dma_wait3A_444 = arith.constant 0 : i32
      %dma_wait3A_445 = arith.constant 0 : i32
      %dma_wait3A_446 = tpu.memref_slice %arg40[%dma_wait3A_444, %dma_wait3A_445] : memref<10112x8xf32, #tpu.memory_space<vmem_shared>> -> memref<10112x8xf32, #tpu.memory_space<vmem_shared>>
      tpu.wait_indirect_dma semaphore(%arg33 : memref<!tpu.dma_semaphore, #tpu.memory_space<semaphore_mem>>) src(%arg29 : memref<256x8xf32, #tpu.memory_space<vmem>>) dst(%dma_wait3A_446 : memref<10112x8xf32, #tpu.memory_space<vmem_shared>>)
      %add3A_447 = arith.constant 2 : i32
      %add3A_448 = arith.addi %add3A_420, %add3A_447 : i32
      %min3A_449 = arith.constant 97 : i32
      %min3A_450 = arith.minsi %add3A_448, %min3A_449 : i32
      %mul3A_451 = arith.constant 2 : i32
      %mul3A_452 = arith.muli %min3A_450, %mul3A_451 : i32
      %add3A_453 = arith.addi %mul3A_6, %mul3A_452 : i32
      %mul3A_454 = arith.constant 128 : i32
      %mul3A_455 = arith.muli %add3A_453, %mul3A_454 : i32
      %dma_start3A_456 = tpu.memref_slice %arg3[%mul3A_455] : memref<802816xi32, #tpu.memory_space<hbm>> -> memref<256xi32, #tpu.memory_space<hbm>>
      %dma_start3A_457 = tpu.memref_slice %arg3[%mul3A_455] : memref<802816xi32, #tpu.memory_space<hbm>> -> memref<256xi32, #tpu.memory_space<hbm>>
      tpu.enqueue_dma source(%dma_start3A_457 : memref<256xi32, #tpu.memory_space<hbm>>) target(%arg20 : memref<256xi32, #tpu.memory_space<vmem>>) target_semaphore(%arg36 : memref<!tpu.dma_semaphore, #tpu.memory_space<semaphore_mem>>)
      %dma_start3A_458 = tpu.memref_slice %arg4[%mul3A_455] : memref<802816xi32, #tpu.memory_space<hbm>> -> memref<256xi32, #tpu.memory_space<hbm>>
      %dma_start3A_459 = tpu.memref_slice %arg4[%mul3A_455] : memref<802816xi32, #tpu.memory_space<hbm>> -> memref<256xi32, #tpu.memory_space<hbm>>
      tpu.enqueue_dma source(%dma_start3A_459 : memref<256xi32, #tpu.memory_space<hbm>>) target(%arg21 : memref<256xi32, #tpu.memory_space<vmem>>) target_semaphore(%arg36 : memref<!tpu.dma_semaphore, #tpu.memory_space<semaphore_mem>>)
    }
    %scan3A_87 = arith.constant 32 : i32
    %dma_wait3A_88 = arith.constant 0 : i32
    %dma_wait3A_89 = tpu.memref_slice %arg3[%dma_wait3A_88] : memref<802816xi32, #tpu.memory_space<hbm>> -> memref<256xi32, #tpu.memory_space<hbm>>
    %dma_wait3A_90 = arith.constant 0 : i32
    %dma_wait3A_91 = tpu.memref_slice %arg3[%dma_wait3A_90] : memref<802816xi32, #tpu.memory_space<hbm>> -> memref<256xi32, #tpu.memory_space<hbm>>
    tpu.wait_dma2 semaphore(%arg38 : memref<!tpu.dma_semaphore, #tpu.memory_space<semaphore_mem>>) src(%dma_wait3A_91 : memref<256xi32, #tpu.memory_space<hbm>>) dst(%arg26 : memref<256xi32, #tpu.memory_space<vmem>>)
    %dma_wait3A_92 = arith.constant 0 : i32
    %dma_wait3A_93 = tpu.memref_slice %arg4[%dma_wait3A_92] : memref<802816xi32, #tpu.memory_space<hbm>> -> memref<256xi32, #tpu.memory_space<hbm>>
    %dma_wait3A_94 = arith.constant 0 : i32
    %dma_wait3A_95 = tpu.memref_slice %arg4[%dma_wait3A_94] : memref<802816xi32, #tpu.memory_space<hbm>> -> memref<256xi32, #tpu.memory_space<hbm>>
    tpu.wait_dma2 semaphore(%arg38 : memref<!tpu.dma_semaphore, #tpu.memory_space<semaphore_mem>>) src(%dma_wait3A_95 : memref<256xi32, #tpu.memory_space<hbm>>) dst(%arg27 : memref<256xi32, #tpu.memory_space<vmem>>)
    %dma_wait3A_96 = arith.constant 0 : i32
    %dma_wait3A_97 = tpu.memref_slice %arg3[%dma_wait3A_96] : memref<802816xi32, #tpu.memory_space<hbm>> -> memref<256xi32, #tpu.memory_space<hbm>>
    %dma_wait3A_98 = arith.constant 0 : i32
    %dma_wait3A_99 = tpu.memref_slice %arg3[%dma_wait3A_98] : memref<802816xi32, #tpu.memory_space<hbm>> -> memref<256xi32, #tpu.memory_space<hbm>>
    tpu.wait_dma2 semaphore(%arg36 : memref<!tpu.dma_semaphore, #tpu.memory_space<semaphore_mem>>) src(%dma_wait3A_99 : memref<256xi32, #tpu.memory_space<hbm>>) dst(%arg20 : memref<256xi32, #tpu.memory_space<vmem>>)
    %dma_wait3A_100 = arith.constant 0 : i32
    %dma_wait3A_101 = tpu.memref_slice %arg4[%dma_wait3A_100] : memref<802816xi32, #tpu.memory_space<hbm>> -> memref<256xi32, #tpu.memory_space<hbm>>
    %dma_wait3A_102 = arith.constant 0 : i32
    %dma_wait3A_103 = tpu.memref_slice %arg4[%dma_wait3A_102] : memref<802816xi32, #tpu.memory_space<hbm>> -> memref<256xi32, #tpu.memory_space<hbm>>
    tpu.wait_dma2 semaphore(%arg36 : memref<!tpu.dma_semaphore, #tpu.memory_space<semaphore_mem>>) src(%dma_wait3A_103 : memref<256xi32, #tpu.memory_space<hbm>>) dst(%arg21 : memref<256xi32, #tpu.memory_space<vmem>>)
    %dma_wait3A_104 = arith.constant 0 : i32
    %dma_wait3A_105 = arith.constant 0 : i32
    %dma_wait3A_106 = tpu.memref_slice %arg39[%dma_wait3A_104, %dma_wait3A_105] : memref<10112x64xf32, #tpu.memory_space<vmem_shared>> -> memref<10112x64xf32, #tpu.memory_space<vmem_shared>>
    tpu.wait_indirect_dma semaphore(%arg34 : memref<!tpu.dma_semaphore, #tpu.memory_space<semaphore_mem>>) src(%arg25 : memref<256x64xf32, #tpu.memory_space<vmem>>) dst(%dma_wait3A_106 : memref<10112x64xf32, #tpu.memory_space<vmem_shared>>)
    %dma_wait3A_107 = arith.constant 0 : i32
    %dma_wait3A_108 = arith.constant 0 : i32
    %dma_wait3A_109 = tpu.memref_slice %arg40[%dma_wait3A_107, %dma_wait3A_108] : memref<10112x8xf32, #tpu.memory_space<vmem_shared>> -> memref<10112x8xf32, #tpu.memory_space<vmem_shared>>
    tpu.wait_indirect_dma semaphore(%arg34 : memref<!tpu.dma_semaphore, #tpu.memory_space<semaphore_mem>>) src(%arg29 : memref<256x8xf32, #tpu.memory_space<vmem>>) dst(%dma_wait3A_109 : memref<10112x8xf32, #tpu.memory_space<vmem_shared>>)
    %barrier3A_110 = arith.constant 0 : index
    tpu.barrier barrier_id(%barrier3A_110)
    %mul3A_111 = arith.constant 632 : i32
    %mul3A_112 = arith.muli %arg1, %mul3A_111 : i32
    %mul3A_113 = arith.constant 632 : i32
    %mul3A_114 = arith.muli %arg1, %mul3A_113 : i32
    "tpu.region"() ({
      %run_scoped3A = tpu.sem_alloc : memref<!tpu.dma_semaphore, #tpu.memory_space<semaphore_mem>>
      %dma_start3A_325 = arith.constant 0 : i32
      %dma_start3A_326 = tpu.memref_slice %arg14[%arg0, %mul3A_114, %dma_start3A_325] : memref<2x10112x64xf32, #tpu.memory_space<hbm>> -> memref<1x632x64xf32, #tpu.memory_space<hbm>>
      %dma_start3A_327 = tpu.memref_squeeze %dma_start3A_326 : memref<1x632x64xf32, #tpu.memory_space<hbm>> -> memref<632x64xf32, #tpu.memory_space<hbm>>
      %dma_start3A_328 = arith.constant 0 : i32
      %dma_start3A_329 = tpu.memref_slice %arg39[%mul3A_112, %dma_start3A_328] : memref<10112x64xf32, #tpu.memory_space<vmem_shared>> -> memref<632x64xf32, #tpu.memory_space<vmem_shared>>
      tpu.enqueue_dma source(%dma_start3A_329 : memref<632x64xf32, #tpu.memory_space<vmem_shared>>) target(%dma_start3A_327 : memref<632x64xf32, #tpu.memory_space<hbm>>) target_semaphore(%run_scoped3A : memref<!tpu.dma_semaphore, #tpu.memory_space<semaphore_mem>>)
      %dma_wait3A_330 = arith.constant 0 : i32
      %dma_wait3A_331 = tpu.memref_slice %arg14[%arg0, %mul3A_114, %dma_wait3A_330] : memref<2x10112x64xf32, #tpu.memory_space<hbm>> -> memref<1x632x64xf32, #tpu.memory_space<hbm>>
      %dma_wait3A_332 = tpu.memref_squeeze %dma_wait3A_331 : memref<1x632x64xf32, #tpu.memory_space<hbm>> -> memref<632x64xf32, #tpu.memory_space<hbm>>
      %dma_wait3A_333 = arith.constant 0 : i32
      %dma_wait3A_334 = tpu.memref_slice %arg39[%mul3A_112, %dma_wait3A_333] : memref<10112x64xf32, #tpu.memory_space<vmem_shared>> -> memref<632x64xf32, #tpu.memory_space<vmem_shared>>
      tpu.wait_dma2 semaphore(%run_scoped3A : memref<!tpu.dma_semaphore, #tpu.memory_space<semaphore_mem>>) src(%dma_wait3A_334 : memref<632x64xf32, #tpu.memory_space<vmem_shared>>) dst(%dma_wait3A_332 : memref<632x64xf32, #tpu.memory_space<hbm>>)
      tpu.yield
    }) : () -> ()
    %mul3A_115 = arith.constant 632 : i32
    %mul3A_116 = arith.muli %arg1, %mul3A_115 : i32
    %mul3A_117 = arith.constant 632 : i32
    %mul3A_118 = arith.muli %arg1, %mul3A_117 : i32
    "tpu.region"() ({
      %run_scoped3A = tpu.sem_alloc : memref<!tpu.dma_semaphore, #tpu.memory_space<semaphore_mem>>
      %dma_start3A_325 = arith.constant 0 : i32
      %dma_start3A_326 = tpu.memref_slice %arg15[%arg0, %mul3A_118, %dma_start3A_325] : memref<2x10112x8xf32, #tpu.memory_space<hbm>> -> memref<1x632x8xf32, #tpu.memory_space<hbm>>
      %dma_start3A_327 = tpu.memref_squeeze %dma_start3A_326 : memref<1x632x8xf32, #tpu.memory_space<hbm>> -> memref<632x8xf32, #tpu.memory_space<hbm>>
      %dma_start3A_328 = arith.constant 0 : i32
      %dma_start3A_329 = tpu.memref_slice %arg40[%mul3A_116, %dma_start3A_328] : memref<10112x8xf32, #tpu.memory_space<vmem_shared>> -> memref<632x8xf32, #tpu.memory_space<vmem_shared>>
      tpu.enqueue_dma source(%dma_start3A_329 : memref<632x8xf32, #tpu.memory_space<vmem_shared>>) target(%dma_start3A_327 : memref<632x8xf32, #tpu.memory_space<hbm>>) target_semaphore(%run_scoped3A : memref<!tpu.dma_semaphore, #tpu.memory_space<semaphore_mem>>)
      %dma_wait3A_330 = arith.constant 0 : i32
      %dma_wait3A_331 = tpu.memref_slice %arg15[%arg0, %mul3A_118, %dma_wait3A_330] : memref<2x10112x8xf32, #tpu.memory_space<hbm>> -> memref<1x632x8xf32, #tpu.memory_space<hbm>>
      %dma_wait3A_332 = tpu.memref_squeeze %dma_wait3A_331 : memref<1x632x8xf32, #tpu.memory_space<hbm>> -> memref<632x8xf32, #tpu.memory_space<hbm>>
      %dma_wait3A_333 = arith.constant 0 : i32
      %dma_wait3A_334 = tpu.memref_slice %arg40[%mul3A_116, %dma_wait3A_333] : memref<10112x8xf32, #tpu.memory_space<vmem_shared>> -> memref<632x8xf32, #tpu.memory_space<vmem_shared>>
      tpu.wait_dma2 semaphore(%run_scoped3A : memref<!tpu.dma_semaphore, #tpu.memory_space<semaphore_mem>>) src(%dma_wait3A_334 : memref<632x8xf32, #tpu.memory_space<vmem_shared>>) dst(%dma_wait3A_332 : memref<632x8xf32, #tpu.memory_space<hbm>>)
      tpu.yield
    }) : () -> ()
    %mul3A_119 = arith.constant 632 : i32
    %mul3A_120 = arith.muli %arg1, %mul3A_119 : i32
    "tpu.region"() ({
      %run_scoped3A = tpu.sem_alloc : memref<!tpu.dma_semaphore, #tpu.memory_space<semaphore_mem>>
      %dma_start3A_325 = arith.constant 0 : i32
      %dma_start3A_326 = tpu.memref_slice %arg39[%mul3A_120, %dma_start3A_325] : memref<10112x64xf32, #tpu.memory_space<vmem_shared>> -> memref<632x64xf32, #tpu.memory_space<vmem_shared>>
      %dma_start3A_327 = arith.constant 0 : i32
      %dma_start3A_328 = arith.constant 0 : i32
      %dma_start3A_329 = tpu.memref_slice %arg11[%dma_start3A_327, %dma_start3A_328] : memref<632x64xf32, #tpu.memory_space<hbm>> -> memref<632x64xf32, #tpu.memory_space<hbm>>
      tpu.enqueue_dma source(%dma_start3A_329 : memref<632x64xf32, #tpu.memory_space<hbm>>) target(%dma_start3A_326 : memref<632x64xf32, #tpu.memory_space<vmem_shared>>) target_semaphore(%run_scoped3A : memref<!tpu.dma_semaphore, #tpu.memory_space<semaphore_mem>>)
      %dma_wait3A_330 = arith.constant 0 : i32
      %dma_wait3A_331 = tpu.memref_slice %arg39[%mul3A_120, %dma_wait3A_330] : memref<10112x64xf32, #tpu.memory_space<vmem_shared>> -> memref<632x64xf32, #tpu.memory_space<vmem_shared>>
      %dma_wait3A_332 = arith.constant 0 : i32
      %dma_wait3A_333 = arith.constant 0 : i32
      %dma_wait3A_334 = tpu.memref_slice %arg11[%dma_wait3A_332, %dma_wait3A_333] : memref<632x64xf32, #tpu.memory_space<hbm>> -> memref<632x64xf32, #tpu.memory_space<hbm>>
      tpu.wait_dma2 semaphore(%run_scoped3A : memref<!tpu.dma_semaphore, #tpu.memory_space<semaphore_mem>>) src(%dma_wait3A_334 : memref<632x64xf32, #tpu.memory_space<hbm>>) dst(%dma_wait3A_331 : memref<632x64xf32, #tpu.memory_space<vmem_shared>>)
      tpu.yield
    }) : () -> ()
    %mul3A_121 = arith.constant 632 : i32
    %mul3A_122 = arith.muli %arg1, %mul3A_121 : i32
    "tpu.region"() ({
      %run_scoped3A = tpu.sem_alloc : memref<!tpu.dma_semaphore, #tpu.memory_space<semaphore_mem>>
      %dma_start3A_325 = arith.constant 0 : i32
      %dma_start3A_326 = tpu.memref_slice %arg40[%mul3A_122, %dma_start3A_325] : memref<10112x8xf32, #tpu.memory_space<vmem_shared>> -> memref<632x8xf32, #tpu.memory_space<vmem_shared>>
      %dma_start3A_327 = arith.constant 0 : i32
      %dma_start3A_328 = arith.constant 0 : i32
      %dma_start3A_329 = tpu.memref_slice %arg12[%dma_start3A_327, %dma_start3A_328] : memref<632x8xf32, #tpu.memory_space<hbm>> -> memref<632x8xf32, #tpu.memory_space<hbm>>
      tpu.enqueue_dma source(%dma_start3A_329 : memref<632x8xf32, #tpu.memory_space<hbm>>) target(%dma_start3A_326 : memref<632x8xf32, #tpu.memory_space<vmem_shared>>) target_semaphore(%run_scoped3A : memref<!tpu.dma_semaphore, #tpu.memory_space<semaphore_mem>>)
      %dma_wait3A_330 = arith.constant 0 : i32
      %dma_wait3A_331 = tpu.memref_slice %arg40[%mul3A_122, %dma_wait3A_330] : memref<10112x8xf32, #tpu.memory_space<vmem_shared>> -> memref<632x8xf32, #tpu.memory_space<vmem_shared>>
      %dma_wait3A_332 = arith.constant 0 : i32
      %dma_wait3A_333 = arith.constant 0 : i32
      %dma_wait3A_334 = tpu.memref_slice %arg12[%dma_wait3A_332, %dma_wait3A_333] : memref<632x8xf32, #tpu.memory_space<hbm>> -> memref<632x8xf32, #tpu.memory_space<hbm>>
      tpu.wait_dma2 semaphore(%run_scoped3A : memref<!tpu.dma_semaphore, #tpu.memory_space<semaphore_mem>>) src(%dma_wait3A_334 : memref<632x8xf32, #tpu.memory_space<hbm>>) dst(%dma_wait3A_331 : memref<632x8xf32, #tpu.memory_space<vmem_shared>>)
      tpu.yield
    }) : () -> ()
    %barrier3A_123 = arith.constant 0 : index
    tpu.barrier barrier_id(%barrier3A_123)
    %mul3A_124 = arith.constant 40 : i32
    %mul3A_125 = arith.muli %add3A, %mul3A_124 : i32
    %add3A_126 = arith.constant 0 : i32
    %add3A_127 = arith.addi %mul3A_125, %add3A_126 : i32
    %mul3A_128 = arith.constant 128 : i32
    %mul3A_129 = arith.muli %add3A_127, %mul3A_128 : i32
    %dma_start3A_130 = tpu.memref_slice %arg6[%mul3A_129] : memref<163840xi32, #tpu.memory_space<hbm>> -> memref<256xi32, #tpu.memory_space<hbm>>
    %dma_start3A_131 = tpu.memref_slice %arg6[%mul3A_129] : memref<163840xi32, #tpu.memory_space<hbm>> -> memref<256xi32, #tpu.memory_space<hbm>>
    tpu.enqueue_dma source(%dma_start3A_131 : memref<256xi32, #tpu.memory_space<hbm>>) target(%arg20 : memref<256xi32, #tpu.memory_space<vmem>>) target_semaphore(%arg36 : memref<!tpu.dma_semaphore, #tpu.memory_space<semaphore_mem>>)
    %dma_start3A_132 = tpu.memref_slice %arg7[%mul3A_129] : memref<163840xi32, #tpu.memory_space<hbm>> -> memref<256xi32, #tpu.memory_space<hbm>>
    %dma_start3A_133 = tpu.memref_slice %arg7[%mul3A_129] : memref<163840xi32, #tpu.memory_space<hbm>> -> memref<256xi32, #tpu.memory_space<hbm>>
    tpu.enqueue_dma source(%dma_start3A_133 : memref<256xi32, #tpu.memory_space<hbm>>) target(%arg21 : memref<256xi32, #tpu.memory_space<vmem>>) target_semaphore(%arg36 : memref<!tpu.dma_semaphore, #tpu.memory_space<semaphore_mem>>)
    %add3A_134 = arith.constant 2 : i32
    %add3A_135 = arith.addi %mul3A_125, %add3A_134 : i32
    %mul3A_136 = arith.constant 128 : i32
    %mul3A_137 = arith.muli %add3A_135, %mul3A_136 : i32
    %dma_start3A_138 = tpu.memref_slice %arg6[%mul3A_137] : memref<163840xi32, #tpu.memory_space<hbm>> -> memref<256xi32, #tpu.memory_space<hbm>>
    %dma_start3A_139 = tpu.memref_slice %arg6[%mul3A_137] : memref<163840xi32, #tpu.memory_space<hbm>> -> memref<256xi32, #tpu.memory_space<hbm>>
    tpu.enqueue_dma source(%dma_start3A_139 : memref<256xi32, #tpu.memory_space<hbm>>) target(%arg23 : memref<256xi32, #tpu.memory_space<vmem>>) target_semaphore(%arg37 : memref<!tpu.dma_semaphore, #tpu.memory_space<semaphore_mem>>)
    %dma_start3A_140 = tpu.memref_slice %arg7[%mul3A_137] : memref<163840xi32, #tpu.memory_space<hbm>> -> memref<256xi32, #tpu.memory_space<hbm>>
    %dma_start3A_141 = tpu.memref_slice %arg7[%mul3A_137] : memref<163840xi32, #tpu.memory_space<hbm>> -> memref<256xi32, #tpu.memory_space<hbm>>
    tpu.enqueue_dma source(%dma_start3A_141 : memref<256xi32, #tpu.memory_space<hbm>>) target(%arg24 : memref<256xi32, #tpu.memory_space<vmem>>) target_semaphore(%arg37 : memref<!tpu.dma_semaphore, #tpu.memory_space<semaphore_mem>>)
    %dma_wait3A_142 = arith.constant 0 : i32
    %dma_wait3A_143 = tpu.memref_slice %arg6[%dma_wait3A_142] : memref<163840xi32, #tpu.memory_space<hbm>> -> memref<256xi32, #tpu.memory_space<hbm>>
    %dma_wait3A_144 = arith.constant 0 : i32
    %dma_wait3A_145 = tpu.memref_slice %arg6[%dma_wait3A_144] : memref<163840xi32, #tpu.memory_space<hbm>> -> memref<256xi32, #tpu.memory_space<hbm>>
    tpu.wait_dma2 semaphore(%arg36 : memref<!tpu.dma_semaphore, #tpu.memory_space<semaphore_mem>>) src(%dma_wait3A_145 : memref<256xi32, #tpu.memory_space<hbm>>) dst(%arg20 : memref<256xi32, #tpu.memory_space<vmem>>)
    %dma_wait3A_146 = arith.constant 0 : i32
    %dma_wait3A_147 = tpu.memref_slice %arg7[%dma_wait3A_146] : memref<163840xi32, #tpu.memory_space<hbm>> -> memref<256xi32, #tpu.memory_space<hbm>>
    %dma_wait3A_148 = arith.constant 0 : i32
    %dma_wait3A_149 = tpu.memref_slice %arg7[%dma_wait3A_148] : memref<163840xi32, #tpu.memory_space<hbm>> -> memref<256xi32, #tpu.memory_space<hbm>>
    tpu.wait_dma2 semaphore(%arg36 : memref<!tpu.dma_semaphore, #tpu.memory_space<semaphore_mem>>) src(%dma_wait3A_149 : memref<256xi32, #tpu.memory_space<hbm>>) dst(%arg21 : memref<256xi32, #tpu.memory_space<vmem>>)
    %dma_start3A_150 = arith.constant 0 : i32
    %dma_start3A_151 = arith.constant 0 : i32
    %dma_start3A_152 = tpu.memref_slice %arg5[%dma_start3A_150, %dma_start3A_151] : memref<10000x64xf32, #tpu.memory_space<hbm>> -> memref<10000x64xf32, #tpu.memory_space<hbm>>
    tpu.enqueue_indirect_dma source(%dma_start3A_152 : memref<10000x64xf32, #tpu.memory_space<hbm>>) target(%arg22 : memref<256x64xf32, #tpu.memory_space<vmem>>) offsets(%arg20 : memref<256xi32, #tpu.memory_space<vmem>>) semaphore(%arg30 : memref<!tpu.dma_semaphore, #tpu.memory_space<semaphore_mem>>)
    %dma_wait3A_153 = arith.constant 0 : i32
    %dma_wait3A_154 = arith.constant 0 : i32
    %dma_wait3A_155 = tpu.memref_slice %arg5[%dma_wait3A_153, %dma_wait3A_154] : memref<10000x64xf32, #tpu.memory_space<hbm>> -> memref<10000x64xf32, #tpu.memory_space<hbm>>
    tpu.wait_indirect_dma semaphore(%arg30 : memref<!tpu.dma_semaphore, #tpu.memory_space<semaphore_mem>>) src(%dma_wait3A_155 : memref<10000x64xf32, #tpu.memory_space<hbm>>) dst(%arg22 : memref<256x64xf32, #tpu.memory_space<vmem>>)
    %dma_start3A_156 = arith.constant 0 : i32
    %dma_start3A_157 = arith.constant 0 : i32
    %dma_start3A_158 = tpu.memref_slice %arg39[%dma_start3A_156, %dma_start3A_157] : memref<10112x64xf32, #tpu.memory_space<vmem_shared>> -> memref<10112x64xf32, #tpu.memory_space<vmem_shared>>
    tpu.enqueue_indirect_dma source(%arg22 : memref<256x64xf32, #tpu.memory_space<vmem>>) target(%dma_start3A_158 : memref<10112x64xf32, #tpu.memory_space<vmem_shared>>) offsets(%arg21 : memref<256xi32, #tpu.memory_space<vmem>>) semaphore(%arg33 : memref<!tpu.dma_semaphore, #tpu.memory_space<semaphore_mem>>) {add = true}
    %dma_start3A_159 = arith.constant 0 : i32
    %dma_start3A_160 = arith.constant 0 : i32
    %dma_start3A_161 = tpu.memref_slice %arg40[%dma_start3A_159, %dma_start3A_160] : memref<10112x8xf32, #tpu.memory_space<vmem_shared>> -> memref<10112x8xf32, #tpu.memory_space<vmem_shared>>
    tpu.enqueue_indirect_dma source(%arg29 : memref<256x8xf32, #tpu.memory_space<vmem>>) target(%dma_start3A_161 : memref<10112x8xf32, #tpu.memory_space<vmem_shared>>) offsets(%arg21 : memref<256xi32, #tpu.memory_space<vmem>>) semaphore(%arg33 : memref<!tpu.dma_semaphore, #tpu.memory_space<semaphore_mem>>) {add = true}
    %add3A_162 = arith.constant 4 : i32
    %add3A_163 = arith.addi %mul3A_125, %add3A_162 : i32
    %mul3A_164 = arith.constant 128 : i32
    %mul3A_165 = arith.muli %add3A_163, %mul3A_164 : i32
    %dma_start3A_166 = tpu.memref_slice %arg6[%mul3A_165] : memref<163840xi32, #tpu.memory_space<hbm>> -> memref<256xi32, #tpu.memory_space<hbm>>
    %dma_start3A_167 = tpu.memref_slice %arg6[%mul3A_165] : memref<163840xi32, #tpu.memory_space<hbm>> -> memref<256xi32, #tpu.memory_space<hbm>>
    tpu.enqueue_dma source(%dma_start3A_167 : memref<256xi32, #tpu.memory_space<hbm>>) target(%arg26 : memref<256xi32, #tpu.memory_space<vmem>>) target_semaphore(%arg38 : memref<!tpu.dma_semaphore, #tpu.memory_space<semaphore_mem>>)
    %dma_start3A_168 = tpu.memref_slice %arg7[%mul3A_165] : memref<163840xi32, #tpu.memory_space<hbm>> -> memref<256xi32, #tpu.memory_space<hbm>>
    %dma_start3A_169 = tpu.memref_slice %arg7[%mul3A_165] : memref<163840xi32, #tpu.memory_space<hbm>> -> memref<256xi32, #tpu.memory_space<hbm>>
    tpu.enqueue_dma source(%dma_start3A_169 : memref<256xi32, #tpu.memory_space<hbm>>) target(%arg27 : memref<256xi32, #tpu.memory_space<vmem>>) target_semaphore(%arg38 : memref<!tpu.dma_semaphore, #tpu.memory_space<semaphore_mem>>)
    %dma_wait3A_170 = arith.constant 0 : i32
    %dma_wait3A_171 = tpu.memref_slice %arg6[%dma_wait3A_170] : memref<163840xi32, #tpu.memory_space<hbm>> -> memref<256xi32, #tpu.memory_space<hbm>>
    %dma_wait3A_172 = arith.constant 0 : i32
    %dma_wait3A_173 = tpu.memref_slice %arg6[%dma_wait3A_172] : memref<163840xi32, #tpu.memory_space<hbm>> -> memref<256xi32, #tpu.memory_space<hbm>>
    tpu.wait_dma2 semaphore(%arg37 : memref<!tpu.dma_semaphore, #tpu.memory_space<semaphore_mem>>) src(%dma_wait3A_173 : memref<256xi32, #tpu.memory_space<hbm>>) dst(%arg23 : memref<256xi32, #tpu.memory_space<vmem>>)
    %dma_wait3A_174 = arith.constant 0 : i32
    %dma_wait3A_175 = tpu.memref_slice %arg7[%dma_wait3A_174] : memref<163840xi32, #tpu.memory_space<hbm>> -> memref<256xi32, #tpu.memory_space<hbm>>
    %dma_wait3A_176 = arith.constant 0 : i32
    %dma_wait3A_177 = tpu.memref_slice %arg7[%dma_wait3A_176] : memref<163840xi32, #tpu.memory_space<hbm>> -> memref<256xi32, #tpu.memory_space<hbm>>
    tpu.wait_dma2 semaphore(%arg37 : memref<!tpu.dma_semaphore, #tpu.memory_space<semaphore_mem>>) src(%dma_wait3A_177 : memref<256xi32, #tpu.memory_space<hbm>>) dst(%arg24 : memref<256xi32, #tpu.memory_space<vmem>>)
    %dma_start3A_178 = arith.constant 0 : i32
    %dma_start3A_179 = arith.constant 0 : i32
    %dma_start3A_180 = tpu.memref_slice %arg5[%dma_start3A_178, %dma_start3A_179] : memref<10000x64xf32, #tpu.memory_space<hbm>> -> memref<10000x64xf32, #tpu.memory_space<hbm>>
    tpu.enqueue_indirect_dma source(%dma_start3A_180 : memref<10000x64xf32, #tpu.memory_space<hbm>>) target(%arg25 : memref<256x64xf32, #tpu.memory_space<vmem>>) offsets(%arg23 : memref<256xi32, #tpu.memory_space<vmem>>) semaphore(%arg31 : memref<!tpu.dma_semaphore, #tpu.memory_space<semaphore_mem>>)
    %dma_wait3A_181 = arith.constant 0 : i32
    %dma_wait3A_182 = arith.constant 0 : i32
    %dma_wait3A_183 = tpu.memref_slice %arg5[%dma_wait3A_181, %dma_wait3A_182] : memref<10000x64xf32, #tpu.memory_space<hbm>> -> memref<10000x64xf32, #tpu.memory_space<hbm>>
    tpu.wait_indirect_dma semaphore(%arg31 : memref<!tpu.dma_semaphore, #tpu.memory_space<semaphore_mem>>) src(%dma_wait3A_183 : memref<10000x64xf32, #tpu.memory_space<hbm>>) dst(%arg25 : memref<256x64xf32, #tpu.memory_space<vmem>>)
    %dma_start3A_184 = arith.constant 0 : i32
    %dma_start3A_185 = arith.constant 0 : i32
    %dma_start3A_186 = tpu.memref_slice %arg39[%dma_start3A_184, %dma_start3A_185] : memref<10112x64xf32, #tpu.memory_space<vmem_shared>> -> memref<10112x64xf32, #tpu.memory_space<vmem_shared>>
    tpu.enqueue_indirect_dma source(%arg25 : memref<256x64xf32, #tpu.memory_space<vmem>>) target(%dma_start3A_186 : memref<10112x64xf32, #tpu.memory_space<vmem_shared>>) offsets(%arg24 : memref<256xi32, #tpu.memory_space<vmem>>) semaphore(%arg34 : memref<!tpu.dma_semaphore, #tpu.memory_space<semaphore_mem>>) {add = true}
    %dma_start3A_187 = arith.constant 0 : i32
    %dma_start3A_188 = arith.constant 0 : i32
    %dma_start3A_189 = tpu.memref_slice %arg40[%dma_start3A_187, %dma_start3A_188] : memref<10112x8xf32, #tpu.memory_space<vmem_shared>> -> memref<10112x8xf32, #tpu.memory_space<vmem_shared>>
    tpu.enqueue_indirect_dma source(%arg29 : memref<256x8xf32, #tpu.memory_space<vmem>>) target(%dma_start3A_189 : memref<10112x8xf32, #tpu.memory_space<vmem_shared>>) offsets(%arg24 : memref<256xi32, #tpu.memory_space<vmem>>) semaphore(%arg34 : memref<!tpu.dma_semaphore, #tpu.memory_space<semaphore_mem>>) {add = true}
    %dma_wait3A_190 = arith.constant 0 : i32
    %dma_wait3A_191 = arith.constant 0 : i32
    %dma_wait3A_192 = tpu.memref_slice %arg39[%dma_wait3A_190, %dma_wait3A_191] : memref<10112x64xf32, #tpu.memory_space<vmem_shared>> -> memref<10112x64xf32, #tpu.memory_space<vmem_shared>>
    tpu.wait_indirect_dma semaphore(%arg33 : memref<!tpu.dma_semaphore, #tpu.memory_space<semaphore_mem>>) src(%arg22 : memref<256x64xf32, #tpu.memory_space<vmem>>) dst(%dma_wait3A_192 : memref<10112x64xf32, #tpu.memory_space<vmem_shared>>)
    %dma_wait3A_193 = arith.constant 0 : i32
    %dma_wait3A_194 = arith.constant 0 : i32
    %dma_wait3A_195 = tpu.memref_slice %arg40[%dma_wait3A_193, %dma_wait3A_194] : memref<10112x8xf32, #tpu.memory_space<vmem_shared>> -> memref<10112x8xf32, #tpu.memory_space<vmem_shared>>
    tpu.wait_indirect_dma semaphore(%arg33 : memref<!tpu.dma_semaphore, #tpu.memory_space<semaphore_mem>>) src(%arg29 : memref<256x8xf32, #tpu.memory_space<vmem>>) dst(%dma_wait3A_195 : memref<10112x8xf32, #tpu.memory_space<vmem_shared>>)
    %add3A_196 = arith.constant 6 : i32
    %add3A_197 = arith.addi %mul3A_125, %add3A_196 : i32
    %mul3A_198 = arith.constant 128 : i32
    %mul3A_199 = arith.muli %add3A_197, %mul3A_198 : i32
    %dma_start3A_200 = tpu.memref_slice %arg6[%mul3A_199] : memref<163840xi32, #tpu.memory_space<hbm>> -> memref<256xi32, #tpu.memory_space<hbm>>
    %dma_start3A_201 = tpu.memref_slice %arg6[%mul3A_199] : memref<163840xi32, #tpu.memory_space<hbm>> -> memref<256xi32, #tpu.memory_space<hbm>>
    tpu.enqueue_dma source(%dma_start3A_201 : memref<256xi32, #tpu.memory_space<hbm>>) target(%arg20 : memref<256xi32, #tpu.memory_space<vmem>>) target_semaphore(%arg36 : memref<!tpu.dma_semaphore, #tpu.memory_space<semaphore_mem>>)
    %dma_start3A_202 = tpu.memref_slice %arg7[%mul3A_199] : memref<163840xi32, #tpu.memory_space<hbm>> -> memref<256xi32, #tpu.memory_space<hbm>>
    %dma_start3A_203 = tpu.memref_slice %arg7[%mul3A_199] : memref<163840xi32, #tpu.memory_space<hbm>> -> memref<256xi32, #tpu.memory_space<hbm>>
    tpu.enqueue_dma source(%dma_start3A_203 : memref<256xi32, #tpu.memory_space<hbm>>) target(%arg21 : memref<256xi32, #tpu.memory_space<vmem>>) target_semaphore(%arg36 : memref<!tpu.dma_semaphore, #tpu.memory_space<semaphore_mem>>)
    %scan3A_204 = arith.constant 0 : i32
    %scan3A_205 = arith.constant 0 : i32
    %scan3A_206 = arith.constant 6 : i32
    %scan3A_207 = arith.addi %scan3A_205, %scan3A_206 : i32
    %scan3A_208 = arith.constant 1 : i32
    scf.for %scan3A_325 = %scan3A_205 to %scan3A_207 step %scan3A_208  : i32 {
      %mul3A_326 = arith.constant 3 : i32
      %mul3A_327 = arith.muli %mul3A_326, %scan3A_325 : i32
      %add3A_328 = arith.constant 2 : i32
      %add3A_329 = arith.addi %add3A_328, %mul3A_327 : i32
      %add3A_330 = arith.constant 0 : i32
      %add3A_331 = arith.addi %add3A_329, %add3A_330 : i32
      %dma_wait3A_332 = arith.constant 0 : i32
      %dma_wait3A_333 = tpu.memref_slice %arg6[%dma_wait3A_332] : memref<163840xi32, #tpu.memory_space<hbm>> -> memref<256xi32, #tpu.memory_space<hbm>>
      %dma_wait3A_334 = arith.constant 0 : i32
      %dma_wait3A_335 = tpu.memref_slice %arg6[%dma_wait3A_334] : memref<163840xi32, #tpu.memory_space<hbm>> -> memref<256xi32, #tpu.memory_space<hbm>>
      tpu.wait_dma2 semaphore(%arg38 : memref<!tpu.dma_semaphore, #tpu.memory_space<semaphore_mem>>) src(%dma_wait3A_335 : memref<256xi32, #tpu.memory_space<hbm>>) dst(%arg26 : memref<256xi32, #tpu.memory_space<vmem>>)
      %dma_wait3A_336 = arith.constant 0 : i32
      %dma_wait3A_337 = tpu.memref_slice %arg7[%dma_wait3A_336] : memref<163840xi32, #tpu.memory_space<hbm>> -> memref<256xi32, #tpu.memory_space<hbm>>
      %dma_wait3A_338 = arith.constant 0 : i32
      %dma_wait3A_339 = tpu.memref_slice %arg7[%dma_wait3A_338] : memref<163840xi32, #tpu.memory_space<hbm>> -> memref<256xi32, #tpu.memory_space<hbm>>
      tpu.wait_dma2 semaphore(%arg38 : memref<!tpu.dma_semaphore, #tpu.memory_space<semaphore_mem>>) src(%dma_wait3A_339 : memref<256xi32, #tpu.memory_space<hbm>>) dst(%arg27 : memref<256xi32, #tpu.memory_space<vmem>>)
      %dma_start3A_340 = arith.constant 0 : i32
      %dma_start3A_341 = arith.constant 0 : i32
      %dma_start3A_342 = tpu.memref_slice %arg5[%dma_start3A_340, %dma_start3A_341] : memref<10000x64xf32, #tpu.memory_space<hbm>> -> memref<10000x64xf32, #tpu.memory_space<hbm>>
      tpu.enqueue_indirect_dma source(%dma_start3A_342 : memref<10000x64xf32, #tpu.memory_space<hbm>>) target(%arg28 : memref<256x64xf32, #tpu.memory_space<vmem>>) offsets(%arg26 : memref<256xi32, #tpu.memory_space<vmem>>) semaphore(%arg32 : memref<!tpu.dma_semaphore, #tpu.memory_space<semaphore_mem>>)
      %dma_wait3A_343 = arith.constant 0 : i32
      %dma_wait3A_344 = arith.constant 0 : i32
      %dma_wait3A_345 = tpu.memref_slice %arg5[%dma_wait3A_343, %dma_wait3A_344] : memref<10000x64xf32, #tpu.memory_space<hbm>> -> memref<10000x64xf32, #tpu.memory_space<hbm>>
      tpu.wait_indirect_dma semaphore(%arg32 : memref<!tpu.dma_semaphore, #tpu.memory_space<semaphore_mem>>) src(%dma_wait3A_345 : memref<10000x64xf32, #tpu.memory_space<hbm>>) dst(%arg28 : memref<256x64xf32, #tpu.memory_space<vmem>>)
      %dma_start3A_346 = arith.constant 0 : i32
      %dma_start3A_347 = arith.constant 0 : i32
      %dma_start3A_348 = tpu.memref_slice %arg39[%dma_start3A_346, %dma_start3A_347] : memref<10112x64xf32, #tpu.memory_space<vmem_shared>> -> memref<10112x64xf32, #tpu.memory_space<vmem_shared>>
      tpu.enqueue_indirect_dma source(%arg28 : memref<256x64xf32, #tpu.memory_space<vmem>>) target(%dma_start3A_348 : memref<10112x64xf32, #tpu.memory_space<vmem_shared>>) offsets(%arg27 : memref<256xi32, #tpu.memory_space<vmem>>) semaphore(%arg35 : memref<!tpu.dma_semaphore, #tpu.memory_space<semaphore_mem>>) {add = true}
      %dma_start3A_349 = arith.constant 0 : i32
      %dma_start3A_350 = arith.constant 0 : i32
      %dma_start3A_351 = tpu.memref_slice %arg40[%dma_start3A_349, %dma_start3A_350] : memref<10112x8xf32, #tpu.memory_space<vmem_shared>> -> memref<10112x8xf32, #tpu.memory_space<vmem_shared>>
      tpu.enqueue_indirect_dma source(%arg29 : memref<256x8xf32, #tpu.memory_space<vmem>>) target(%dma_start3A_351 : memref<10112x8xf32, #tpu.memory_space<vmem_shared>>) offsets(%arg27 : memref<256xi32, #tpu.memory_space<vmem>>) semaphore(%arg35 : memref<!tpu.dma_semaphore, #tpu.memory_space<semaphore_mem>>) {add = true}
      %dma_wait3A_352 = arith.constant 0 : i32
      %dma_wait3A_353 = arith.constant 0 : i32
      %dma_wait3A_354 = tpu.memref_slice %arg39[%dma_wait3A_352, %dma_wait3A_353] : memref<10112x64xf32, #tpu.memory_space<vmem_shared>> -> memref<10112x64xf32, #tpu.memory_space<vmem_shared>>
      tpu.wait_indirect_dma semaphore(%arg34 : memref<!tpu.dma_semaphore, #tpu.memory_space<semaphore_mem>>) src(%arg25 : memref<256x64xf32, #tpu.memory_space<vmem>>) dst(%dma_wait3A_354 : memref<10112x64xf32, #tpu.memory_space<vmem_shared>>)
      %dma_wait3A_355 = arith.constant 0 : i32
      %dma_wait3A_356 = arith.constant 0 : i32
      %dma_wait3A_357 = tpu.memref_slice %arg40[%dma_wait3A_355, %dma_wait3A_356] : memref<10112x8xf32, #tpu.memory_space<vmem_shared>> -> memref<10112x8xf32, #tpu.memory_space<vmem_shared>>
      tpu.wait_indirect_dma semaphore(%arg34 : memref<!tpu.dma_semaphore, #tpu.memory_space<semaphore_mem>>) src(%arg29 : memref<256x8xf32, #tpu.memory_space<vmem>>) dst(%dma_wait3A_357 : memref<10112x8xf32, #tpu.memory_space<vmem_shared>>)
      %add3A_358 = arith.constant 2 : i32
      %add3A_359 = arith.addi %add3A_331, %add3A_358 : i32
      %min3A = arith.constant 19 : i32
      %min3A_360 = arith.minsi %add3A_359, %min3A : i32
      %mul3A_361 = arith.constant 2 : i32
      %mul3A_362 = arith.muli %min3A_360, %mul3A_361 : i32
      %add3A_363 = arith.addi %mul3A_125, %mul3A_362 : i32
      %mul3A_364 = arith.constant 128 : i32
      %mul3A_365 = arith.muli %add3A_363, %mul3A_364 : i32
      %dma_start3A_366 = tpu.memref_slice %arg6[%mul3A_365] : memref<163840xi32, #tpu.memory_space<hbm>> -> memref<256xi32, #tpu.memory_space<hbm>>
      %dma_start3A_367 = tpu.memref_slice %arg6[%mul3A_365] : memref<163840xi32, #tpu.memory_space<hbm>> -> memref<256xi32, #tpu.memory_space<hbm>>
      tpu.enqueue_dma source(%dma_start3A_367 : memref<256xi32, #tpu.memory_space<hbm>>) target(%arg23 : memref<256xi32, #tpu.memory_space<vmem>>) target_semaphore(%arg37 : memref<!tpu.dma_semaphore, #tpu.memory_space<semaphore_mem>>)
      %dma_start3A_368 = tpu.memref_slice %arg7[%mul3A_365] : memref<163840xi32, #tpu.memory_space<hbm>> -> memref<256xi32, #tpu.memory_space<hbm>>
      %dma_start3A_369 = tpu.memref_slice %arg7[%mul3A_365] : memref<163840xi32, #tpu.memory_space<hbm>> -> memref<256xi32, #tpu.memory_space<hbm>>
      tpu.enqueue_dma source(%dma_start3A_369 : memref<256xi32, #tpu.memory_space<hbm>>) target(%arg24 : memref<256xi32, #tpu.memory_space<vmem>>) target_semaphore(%arg37 : memref<!tpu.dma_semaphore, #tpu.memory_space<semaphore_mem>>)
      %mul3A_370 = arith.constant 3 : i32
      %mul3A_371 = arith.muli %mul3A_370, %scan3A_325 : i32
      %add3A_372 = arith.constant 2 : i32
      %add3A_373 = arith.addi %add3A_372, %mul3A_371 : i32
      %add3A_374 = arith.constant 1 : i32
      %add3A_375 = arith.addi %add3A_373, %add3A_374 : i32
      %dma_wait3A_376 = arith.constant 0 : i32
      %dma_wait3A_377 = tpu.memref_slice %arg6[%dma_wait3A_376] : memref<163840xi32, #tpu.memory_space<hbm>> -> memref<256xi32, #tpu.memory_space<hbm>>
      %dma_wait3A_378 = arith.constant 0 : i32
      %dma_wait3A_379 = tpu.memref_slice %arg6[%dma_wait3A_378] : memref<163840xi32, #tpu.memory_space<hbm>> -> memref<256xi32, #tpu.memory_space<hbm>>
      tpu.wait_dma2 semaphore(%arg36 : memref<!tpu.dma_semaphore, #tpu.memory_space<semaphore_mem>>) src(%dma_wait3A_379 : memref<256xi32, #tpu.memory_space<hbm>>) dst(%arg20 : memref<256xi32, #tpu.memory_space<vmem>>)
      %dma_wait3A_380 = arith.constant 0 : i32
      %dma_wait3A_381 = tpu.memref_slice %arg7[%dma_wait3A_380] : memref<163840xi32, #tpu.memory_space<hbm>> -> memref<256xi32, #tpu.memory_space<hbm>>
      %dma_wait3A_382 = arith.constant 0 : i32
      %dma_wait3A_383 = tpu.memref_slice %arg7[%dma_wait3A_382] : memref<163840xi32, #tpu.memory_space<hbm>> -> memref<256xi32, #tpu.memory_space<hbm>>
      tpu.wait_dma2 semaphore(%arg36 : memref<!tpu.dma_semaphore, #tpu.memory_space<semaphore_mem>>) src(%dma_wait3A_383 : memref<256xi32, #tpu.memory_space<hbm>>) dst(%arg21 : memref<256xi32, #tpu.memory_space<vmem>>)
      %dma_start3A_384 = arith.constant 0 : i32
      %dma_start3A_385 = arith.constant 0 : i32
      %dma_start3A_386 = tpu.memref_slice %arg5[%dma_start3A_384, %dma_start3A_385] : memref<10000x64xf32, #tpu.memory_space<hbm>> -> memref<10000x64xf32, #tpu.memory_space<hbm>>
      tpu.enqueue_indirect_dma source(%dma_start3A_386 : memref<10000x64xf32, #tpu.memory_space<hbm>>) target(%arg22 : memref<256x64xf32, #tpu.memory_space<vmem>>) offsets(%arg20 : memref<256xi32, #tpu.memory_space<vmem>>) semaphore(%arg30 : memref<!tpu.dma_semaphore, #tpu.memory_space<semaphore_mem>>)
      %dma_wait3A_387 = arith.constant 0 : i32
      %dma_wait3A_388 = arith.constant 0 : i32
      %dma_wait3A_389 = tpu.memref_slice %arg5[%dma_wait3A_387, %dma_wait3A_388] : memref<10000x64xf32, #tpu.memory_space<hbm>> -> memref<10000x64xf32, #tpu.memory_space<hbm>>
      tpu.wait_indirect_dma semaphore(%arg30 : memref<!tpu.dma_semaphore, #tpu.memory_space<semaphore_mem>>) src(%dma_wait3A_389 : memref<10000x64xf32, #tpu.memory_space<hbm>>) dst(%arg22 : memref<256x64xf32, #tpu.memory_space<vmem>>)
      %dma_start3A_390 = arith.constant 0 : i32
      %dma_start3A_391 = arith.constant 0 : i32
      %dma_start3A_392 = tpu.memref_slice %arg39[%dma_start3A_390, %dma_start3A_391] : memref<10112x64xf32, #tpu.memory_space<vmem_shared>> -> memref<10112x64xf32, #tpu.memory_space<vmem_shared>>
      tpu.enqueue_indirect_dma source(%arg22 : memref<256x64xf32, #tpu.memory_space<vmem>>) target(%dma_start3A_392 : memref<10112x64xf32, #tpu.memory_space<vmem_shared>>) offsets(%arg21 : memref<256xi32, #tpu.memory_space<vmem>>) semaphore(%arg33 : memref<!tpu.dma_semaphore, #tpu.memory_space<semaphore_mem>>) {add = true}
      %dma_start3A_393 = arith.constant 0 : i32
      %dma_start3A_394 = arith.constant 0 : i32
      %dma_start3A_395 = tpu.memref_slice %arg40[%dma_start3A_393, %dma_start3A_394] : memref<10112x8xf32, #tpu.memory_space<vmem_shared>> -> memref<10112x8xf32, #tpu.memory_space<vmem_shared>>
      tpu.enqueue_indirect_dma source(%arg29 : memref<256x8xf32, #tpu.memory_space<vmem>>) target(%dma_start3A_395 : memref<10112x8xf32, #tpu.memory_space<vmem_shared>>) offsets(%arg21 : memref<256xi32, #tpu.memory_space<vmem>>) semaphore(%arg33 : memref<!tpu.dma_semaphore, #tpu.memory_space<semaphore_mem>>) {add = true}
      %dma_wait3A_396 = arith.constant 0 : i32
      %dma_wait3A_397 = arith.constant 0 : i32
      %dma_wait3A_398 = tpu.memref_slice %arg39[%dma_wait3A_396, %dma_wait3A_397] : memref<10112x64xf32, #tpu.memory_space<vmem_shared>> -> memref<10112x64xf32, #tpu.memory_space<vmem_shared>>
      tpu.wait_indirect_dma semaphore(%arg35 : memref<!tpu.dma_semaphore, #tpu.memory_space<semaphore_mem>>) src(%arg28 : memref<256x64xf32, #tpu.memory_space<vmem>>) dst(%dma_wait3A_398 : memref<10112x64xf32, #tpu.memory_space<vmem_shared>>)
      %dma_wait3A_399 = arith.constant 0 : i32
      %dma_wait3A_400 = arith.constant 0 : i32
      %dma_wait3A_401 = tpu.memref_slice %arg40[%dma_wait3A_399, %dma_wait3A_400] : memref<10112x8xf32, #tpu.memory_space<vmem_shared>> -> memref<10112x8xf32, #tpu.memory_space<vmem_shared>>
      tpu.wait_indirect_dma semaphore(%arg35 : memref<!tpu.dma_semaphore, #tpu.memory_space<semaphore_mem>>) src(%arg29 : memref<256x8xf32, #tpu.memory_space<vmem>>) dst(%dma_wait3A_401 : memref<10112x8xf32, #tpu.memory_space<vmem_shared>>)
      %add3A_402 = arith.constant 2 : i32
      %add3A_403 = arith.addi %add3A_375, %add3A_402 : i32
      %min3A_404 = arith.constant 19 : i32
      %min3A_405 = arith.minsi %add3A_403, %min3A_404 : i32
      %mul3A_406 = arith.constant 2 : i32
      %mul3A_407 = arith.muli %min3A_405, %mul3A_406 : i32
      %add3A_408 = arith.addi %mul3A_125, %mul3A_407 : i32
      %mul3A_409 = arith.constant 128 : i32
      %mul3A_410 = arith.muli %add3A_408, %mul3A_409 : i32
      %dma_start3A_411 = tpu.memref_slice %arg6[%mul3A_410] : memref<163840xi32, #tpu.memory_space<hbm>> -> memref<256xi32, #tpu.memory_space<hbm>>
      %dma_start3A_412 = tpu.memref_slice %arg6[%mul3A_410] : memref<163840xi32, #tpu.memory_space<hbm>> -> memref<256xi32, #tpu.memory_space<hbm>>
      tpu.enqueue_dma source(%dma_start3A_412 : memref<256xi32, #tpu.memory_space<hbm>>) target(%arg26 : memref<256xi32, #tpu.memory_space<vmem>>) target_semaphore(%arg38 : memref<!tpu.dma_semaphore, #tpu.memory_space<semaphore_mem>>)
      %dma_start3A_413 = tpu.memref_slice %arg7[%mul3A_410] : memref<163840xi32, #tpu.memory_space<hbm>> -> memref<256xi32, #tpu.memory_space<hbm>>
      %dma_start3A_414 = tpu.memref_slice %arg7[%mul3A_410] : memref<163840xi32, #tpu.memory_space<hbm>> -> memref<256xi32, #tpu.memory_space<hbm>>
      tpu.enqueue_dma source(%dma_start3A_414 : memref<256xi32, #tpu.memory_space<hbm>>) target(%arg27 : memref<256xi32, #tpu.memory_space<vmem>>) target_semaphore(%arg38 : memref<!tpu.dma_semaphore, #tpu.memory_space<semaphore_mem>>)
      %mul3A_415 = arith.constant 3 : i32
      %mul3A_416 = arith.muli %mul3A_415, %scan3A_325 : i32
      %add3A_417 = arith.constant 2 : i32
      %add3A_418 = arith.addi %add3A_417, %mul3A_416 : i32
      %add3A_419 = arith.constant 2 : i32
      %add3A_420 = arith.addi %add3A_418, %add3A_419 : i32
      %dma_wait3A_421 = arith.constant 0 : i32
      %dma_wait3A_422 = tpu.memref_slice %arg6[%dma_wait3A_421] : memref<163840xi32, #tpu.memory_space<hbm>> -> memref<256xi32, #tpu.memory_space<hbm>>
      %dma_wait3A_423 = arith.constant 0 : i32
      %dma_wait3A_424 = tpu.memref_slice %arg6[%dma_wait3A_423] : memref<163840xi32, #tpu.memory_space<hbm>> -> memref<256xi32, #tpu.memory_space<hbm>>
      tpu.wait_dma2 semaphore(%arg37 : memref<!tpu.dma_semaphore, #tpu.memory_space<semaphore_mem>>) src(%dma_wait3A_424 : memref<256xi32, #tpu.memory_space<hbm>>) dst(%arg23 : memref<256xi32, #tpu.memory_space<vmem>>)
      %dma_wait3A_425 = arith.constant 0 : i32
      %dma_wait3A_426 = tpu.memref_slice %arg7[%dma_wait3A_425] : memref<163840xi32, #tpu.memory_space<hbm>> -> memref<256xi32, #tpu.memory_space<hbm>>
      %dma_wait3A_427 = arith.constant 0 : i32
      %dma_wait3A_428 = tpu.memref_slice %arg7[%dma_wait3A_427] : memref<163840xi32, #tpu.memory_space<hbm>> -> memref<256xi32, #tpu.memory_space<hbm>>
      tpu.wait_dma2 semaphore(%arg37 : memref<!tpu.dma_semaphore, #tpu.memory_space<semaphore_mem>>) src(%dma_wait3A_428 : memref<256xi32, #tpu.memory_space<hbm>>) dst(%arg24 : memref<256xi32, #tpu.memory_space<vmem>>)
      %dma_start3A_429 = arith.constant 0 : i32
      %dma_start3A_430 = arith.constant 0 : i32
      %dma_start3A_431 = tpu.memref_slice %arg5[%dma_start3A_429, %dma_start3A_430] : memref<10000x64xf32, #tpu.memory_space<hbm>> -> memref<10000x64xf32, #tpu.memory_space<hbm>>
      tpu.enqueue_indirect_dma source(%dma_start3A_431 : memref<10000x64xf32, #tpu.memory_space<hbm>>) target(%arg25 : memref<256x64xf32, #tpu.memory_space<vmem>>) offsets(%arg23 : memref<256xi32, #tpu.memory_space<vmem>>) semaphore(%arg31 : memref<!tpu.dma_semaphore, #tpu.memory_space<semaphore_mem>>)
      %dma_wait3A_432 = arith.constant 0 : i32
      %dma_wait3A_433 = arith.constant 0 : i32
      %dma_wait3A_434 = tpu.memref_slice %arg5[%dma_wait3A_432, %dma_wait3A_433] : memref<10000x64xf32, #tpu.memory_space<hbm>> -> memref<10000x64xf32, #tpu.memory_space<hbm>>
      tpu.wait_indirect_dma semaphore(%arg31 : memref<!tpu.dma_semaphore, #tpu.memory_space<semaphore_mem>>) src(%dma_wait3A_434 : memref<10000x64xf32, #tpu.memory_space<hbm>>) dst(%arg25 : memref<256x64xf32, #tpu.memory_space<vmem>>)
      %dma_start3A_435 = arith.constant 0 : i32
      %dma_start3A_436 = arith.constant 0 : i32
      %dma_start3A_437 = tpu.memref_slice %arg39[%dma_start3A_435, %dma_start3A_436] : memref<10112x64xf32, #tpu.memory_space<vmem_shared>> -> memref<10112x64xf32, #tpu.memory_space<vmem_shared>>
      tpu.enqueue_indirect_dma source(%arg25 : memref<256x64xf32, #tpu.memory_space<vmem>>) target(%dma_start3A_437 : memref<10112x64xf32, #tpu.memory_space<vmem_shared>>) offsets(%arg24 : memref<256xi32, #tpu.memory_space<vmem>>) semaphore(%arg34 : memref<!tpu.dma_semaphore, #tpu.memory_space<semaphore_mem>>) {add = true}
      %dma_start3A_438 = arith.constant 0 : i32
      %dma_start3A_439 = arith.constant 0 : i32
      %dma_start3A_440 = tpu.memref_slice %arg40[%dma_start3A_438, %dma_start3A_439] : memref<10112x8xf32, #tpu.memory_space<vmem_shared>> -> memref<10112x8xf32, #tpu.memory_space<vmem_shared>>
      tpu.enqueue_indirect_dma source(%arg29 : memref<256x8xf32, #tpu.memory_space<vmem>>) target(%dma_start3A_440 : memref<10112x8xf32, #tpu.memory_space<vmem_shared>>) offsets(%arg24 : memref<256xi32, #tpu.memory_space<vmem>>) semaphore(%arg34 : memref<!tpu.dma_semaphore, #tpu.memory_space<semaphore_mem>>) {add = true}
      %dma_wait3A_441 = arith.constant 0 : i32
      %dma_wait3A_442 = arith.constant 0 : i32
      %dma_wait3A_443 = tpu.memref_slice %arg39[%dma_wait3A_441, %dma_wait3A_442] : memref<10112x64xf32, #tpu.memory_space<vmem_shared>> -> memref<10112x64xf32, #tpu.memory_space<vmem_shared>>
      tpu.wait_indirect_dma semaphore(%arg33 : memref<!tpu.dma_semaphore, #tpu.memory_space<semaphore_mem>>) src(%arg22 : memref<256x64xf32, #tpu.memory_space<vmem>>) dst(%dma_wait3A_443 : memref<10112x64xf32, #tpu.memory_space<vmem_shared>>)
      %dma_wait3A_444 = arith.constant 0 : i32
      %dma_wait3A_445 = arith.constant 0 : i32
      %dma_wait3A_446 = tpu.memref_slice %arg40[%dma_wait3A_444, %dma_wait3A_445] : memref<10112x8xf32, #tpu.memory_space<vmem_shared>> -> memref<10112x8xf32, #tpu.memory_space<vmem_shared>>
      tpu.wait_indirect_dma semaphore(%arg33 : memref<!tpu.dma_semaphore, #tpu.memory_space<semaphore_mem>>) src(%arg29 : memref<256x8xf32, #tpu.memory_space<vmem>>) dst(%dma_wait3A_446 : memref<10112x8xf32, #tpu.memory_space<vmem_shared>>)
      %add3A_447 = arith.constant 2 : i32
      %add3A_448 = arith.addi %add3A_420, %add3A_447 : i32
      %min3A_449 = arith.constant 19 : i32
      %min3A_450 = arith.minsi %add3A_448, %min3A_449 : i32
      %mul3A_451 = arith.constant 2 : i32
      %mul3A_452 = arith.muli %min3A_450, %mul3A_451 : i32
      %add3A_453 = arith.addi %mul3A_125, %mul3A_452 : i32
      %mul3A_454 = arith.constant 128 : i32
      %mul3A_455 = arith.muli %add3A_453, %mul3A_454 : i32
      %dma_start3A_456 = tpu.memref_slice %arg6[%mul3A_455] : memref<163840xi32, #tpu.memory_space<hbm>> -> memref<256xi32, #tpu.memory_space<hbm>>
      %dma_start3A_457 = tpu.memref_slice %arg6[%mul3A_455] : memref<163840xi32, #tpu.memory_space<hbm>> -> memref<256xi32, #tpu.memory_space<hbm>>
      tpu.enqueue_dma source(%dma_start3A_457 : memref<256xi32, #tpu.memory_space<hbm>>) target(%arg20 : memref<256xi32, #tpu.memory_space<vmem>>) target_semaphore(%arg36 : memref<!tpu.dma_semaphore, #tpu.memory_space<semaphore_mem>>)
      %dma_start3A_458 = tpu.memref_slice %arg7[%mul3A_455] : memref<163840xi32, #tpu.memory_space<hbm>> -> memref<256xi32, #tpu.memory_space<hbm>>
      %dma_start3A_459 = tpu.memref_slice %arg7[%mul3A_455] : memref<163840xi32, #tpu.memory_space<hbm>> -> memref<256xi32, #tpu.memory_space<hbm>>
      tpu.enqueue_dma source(%dma_start3A_459 : memref<256xi32, #tpu.memory_space<hbm>>) target(%arg21 : memref<256xi32, #tpu.memory_space<vmem>>) target_semaphore(%arg36 : memref<!tpu.dma_semaphore, #tpu.memory_space<semaphore_mem>>)
    }
    %scan3A_209 = arith.constant 6 : i32
    %dma_wait3A_210 = arith.constant 0 : i32
    %dma_wait3A_211 = tpu.memref_slice %arg6[%dma_wait3A_210] : memref<163840xi32, #tpu.memory_space<hbm>> -> memref<256xi32, #tpu.memory_space<hbm>>
    %dma_wait3A_212 = arith.constant 0 : i32
    %dma_wait3A_213 = tpu.memref_slice %arg6[%dma_wait3A_212] : memref<163840xi32, #tpu.memory_space<hbm>> -> memref<256xi32, #tpu.memory_space<hbm>>
    tpu.wait_dma2 semaphore(%arg38 : memref<!tpu.dma_semaphore, #tpu.memory_space<semaphore_mem>>) src(%dma_wait3A_213 : memref<256xi32, #tpu.memory_space<hbm>>) dst(%arg26 : memref<256xi32, #tpu.memory_space<vmem>>)
    %dma_wait3A_214 = arith.constant 0 : i32
    %dma_wait3A_215 = tpu.memref_slice %arg7[%dma_wait3A_214] : memref<163840xi32, #tpu.memory_space<hbm>> -> memref<256xi32, #tpu.memory_space<hbm>>
    %dma_wait3A_216 = arith.constant 0 : i32
    %dma_wait3A_217 = tpu.memref_slice %arg7[%dma_wait3A_216] : memref<163840xi32, #tpu.memory_space<hbm>> -> memref<256xi32, #tpu.memory_space<hbm>>
    tpu.wait_dma2 semaphore(%arg38 : memref<!tpu.dma_semaphore, #tpu.memory_space<semaphore_mem>>) src(%dma_wait3A_217 : memref<256xi32, #tpu.memory_space<hbm>>) dst(%arg27 : memref<256xi32, #tpu.memory_space<vmem>>)
    %dma_wait3A_218 = arith.constant 0 : i32
    %dma_wait3A_219 = tpu.memref_slice %arg6[%dma_wait3A_218] : memref<163840xi32, #tpu.memory_space<hbm>> -> memref<256xi32, #tpu.memory_space<hbm>>
    %dma_wait3A_220 = arith.constant 0 : i32
    %dma_wait3A_221 = tpu.memref_slice %arg6[%dma_wait3A_220] : memref<163840xi32, #tpu.memory_space<hbm>> -> memref<256xi32, #tpu.memory_space<hbm>>
    tpu.wait_dma2 semaphore(%arg36 : memref<!tpu.dma_semaphore, #tpu.memory_space<semaphore_mem>>) src(%dma_wait3A_221 : memref<256xi32, #tpu.memory_space<hbm>>) dst(%arg20 : memref<256xi32, #tpu.memory_space<vmem>>)
    %dma_wait3A_222 = arith.constant 0 : i32
    %dma_wait3A_223 = tpu.memref_slice %arg7[%dma_wait3A_222] : memref<163840xi32, #tpu.memory_space<hbm>> -> memref<256xi32, #tpu.memory_space<hbm>>
    %dma_wait3A_224 = arith.constant 0 : i32
    %dma_wait3A_225 = tpu.memref_slice %arg7[%dma_wait3A_224] : memref<163840xi32, #tpu.memory_space<hbm>> -> memref<256xi32, #tpu.memory_space<hbm>>
    tpu.wait_dma2 semaphore(%arg36 : memref<!tpu.dma_semaphore, #tpu.memory_space<semaphore_mem>>) src(%dma_wait3A_225 : memref<256xi32, #tpu.memory_space<hbm>>) dst(%arg21 : memref<256xi32, #tpu.memory_space<vmem>>)
    %dma_wait3A_226 = arith.constant 0 : i32
    %dma_wait3A_227 = arith.constant 0 : i32
    %dma_wait3A_228 = tpu.memref_slice %arg39[%dma_wait3A_226, %dma_wait3A_227] : memref<10112x64xf32, #tpu.memory_space<vmem_shared>> -> memref<10112x64xf32, #tpu.memory_space<vmem_shared>>
    tpu.wait_indirect_dma semaphore(%arg34 : memref<!tpu.dma_semaphore, #tpu.memory_space<semaphore_mem>>) src(%arg25 : memref<256x64xf32, #tpu.memory_space<vmem>>) dst(%dma_wait3A_228 : memref<10112x64xf32, #tpu.memory_space<vmem_shared>>)
    %dma_wait3A_229 = arith.constant 0 : i32
    %dma_wait3A_230 = arith.constant 0 : i32
    %dma_wait3A_231 = tpu.memref_slice %arg40[%dma_wait3A_229, %dma_wait3A_230] : memref<10112x8xf32, #tpu.memory_space<vmem_shared>> -> memref<10112x8xf32, #tpu.memory_space<vmem_shared>>
    tpu.wait_indirect_dma semaphore(%arg34 : memref<!tpu.dma_semaphore, #tpu.memory_space<semaphore_mem>>) src(%arg29 : memref<256x8xf32, #tpu.memory_space<vmem>>) dst(%dma_wait3A_231 : memref<10112x8xf32, #tpu.memory_space<vmem_shared>>)
    %barrier3A_232 = arith.constant 0 : index
    tpu.barrier barrier_id(%barrier3A_232)
    %mul3A_233 = arith.constant 632 : i32
    %mul3A_234 = arith.muli %arg1, %mul3A_233 : i32
    %mul3A_235 = arith.constant 632 : i32
    %mul3A_236 = arith.muli %arg1, %mul3A_235 : i32
    "tpu.region"() ({
      %run_scoped3A = tpu.sem_alloc : memref<!tpu.dma_semaphore, #tpu.memory_space<semaphore_mem>>
      %dma_start3A_325 = arith.constant 0 : i32
      %dma_start3A_326 = tpu.memref_slice %arg16[%arg0, %mul3A_236, %dma_start3A_325] : memref<2x10112x64xf32, #tpu.memory_space<hbm>> -> memref<1x632x64xf32, #tpu.memory_space<hbm>>
      %dma_start3A_327 = tpu.memref_squeeze %dma_start3A_326 : memref<1x632x64xf32, #tpu.memory_space<hbm>> -> memref<632x64xf32, #tpu.memory_space<hbm>>
      %dma_start3A_328 = arith.constant 0 : i32
      %dma_start3A_329 = tpu.memref_slice %arg39[%mul3A_234, %dma_start3A_328] : memref<10112x64xf32, #tpu.memory_space<vmem_shared>> -> memref<632x64xf32, #tpu.memory_space<vmem_shared>>
      tpu.enqueue_dma source(%dma_start3A_329 : memref<632x64xf32, #tpu.memory_space<vmem_shared>>) target(%dma_start3A_327 : memref<632x64xf32, #tpu.memory_space<hbm>>) target_semaphore(%run_scoped3A : memref<!tpu.dma_semaphore, #tpu.memory_space<semaphore_mem>>)
      %dma_wait3A_330 = arith.constant 0 : i32
      %dma_wait3A_331 = tpu.memref_slice %arg16[%arg0, %mul3A_236, %dma_wait3A_330] : memref<2x10112x64xf32, #tpu.memory_space<hbm>> -> memref<1x632x64xf32, #tpu.memory_space<hbm>>
      %dma_wait3A_332 = tpu.memref_squeeze %dma_wait3A_331 : memref<1x632x64xf32, #tpu.memory_space<hbm>> -> memref<632x64xf32, #tpu.memory_space<hbm>>
      %dma_wait3A_333 = arith.constant 0 : i32
      %dma_wait3A_334 = tpu.memref_slice %arg39[%mul3A_234, %dma_wait3A_333] : memref<10112x64xf32, #tpu.memory_space<vmem_shared>> -> memref<632x64xf32, #tpu.memory_space<vmem_shared>>
      tpu.wait_dma2 semaphore(%run_scoped3A : memref<!tpu.dma_semaphore, #tpu.memory_space<semaphore_mem>>) src(%dma_wait3A_334 : memref<632x64xf32, #tpu.memory_space<vmem_shared>>) dst(%dma_wait3A_332 : memref<632x64xf32, #tpu.memory_space<hbm>>)
      tpu.yield
    }) : () -> ()
    %mul3A_237 = arith.constant 632 : i32
    %mul3A_238 = arith.muli %arg1, %mul3A_237 : i32
    %mul3A_239 = arith.constant 632 : i32
    %mul3A_240 = arith.muli %arg1, %mul3A_239 : i32
    "tpu.region"() ({
      %run_scoped3A = tpu.sem_alloc : memref<!tpu.dma_semaphore, #tpu.memory_space<semaphore_mem>>
      %dma_start3A_325 = arith.constant 0 : i32
      %dma_start3A_326 = tpu.memref_slice %arg17[%arg0, %mul3A_240, %dma_start3A_325] : memref<2x10112x8xf32, #tpu.memory_space<hbm>> -> memref<1x632x8xf32, #tpu.memory_space<hbm>>
      %dma_start3A_327 = tpu.memref_squeeze %dma_start3A_326 : memref<1x632x8xf32, #tpu.memory_space<hbm>> -> memref<632x8xf32, #tpu.memory_space<hbm>>
      %dma_start3A_328 = arith.constant 0 : i32
      %dma_start3A_329 = tpu.memref_slice %arg40[%mul3A_238, %dma_start3A_328] : memref<10112x8xf32, #tpu.memory_space<vmem_shared>> -> memref<632x8xf32, #tpu.memory_space<vmem_shared>>
      tpu.enqueue_dma source(%dma_start3A_329 : memref<632x8xf32, #tpu.memory_space<vmem_shared>>) target(%dma_start3A_327 : memref<632x8xf32, #tpu.memory_space<hbm>>) target_semaphore(%run_scoped3A : memref<!tpu.dma_semaphore, #tpu.memory_space<semaphore_mem>>)
      %dma_wait3A_330 = arith.constant 0 : i32
      %dma_wait3A_331 = tpu.memref_slice %arg17[%arg0, %mul3A_240, %dma_wait3A_330] : memref<2x10112x8xf32, #tpu.memory_space<hbm>> -> memref<1x632x8xf32, #tpu.memory_space<hbm>>
      %dma_wait3A_332 = tpu.memref_squeeze %dma_wait3A_331 : memref<1x632x8xf32, #tpu.memory_space<hbm>> -> memref<632x8xf32, #tpu.memory_space<hbm>>
      %dma_wait3A_333 = arith.constant 0 : i32
      %dma_wait3A_334 = tpu.memref_slice %arg40[%mul3A_238, %dma_wait3A_333] : memref<10112x8xf32, #tpu.memory_space<vmem_shared>> -> memref<632x8xf32, #tpu.memory_space<vmem_shared>>
      tpu.wait_dma2 semaphore(%run_scoped3A : memref<!tpu.dma_semaphore, #tpu.memory_space<semaphore_mem>>) src(%dma_wait3A_334 : memref<632x8xf32, #tpu.memory_space<vmem_shared>>) dst(%dma_wait3A_332 : memref<632x8xf32, #tpu.memory_space<hbm>>)
      tpu.yield
    }) : () -> ()
    %mul3A_241 = arith.constant 632 : i32
    %mul3A_242 = arith.muli %arg1, %mul3A_241 : i32
    "tpu.region"() ({
      %run_scoped3A = tpu.sem_alloc : memref<!tpu.dma_semaphore, #tpu.memory_space<semaphore_mem>>
      %dma_start3A_325 = arith.constant 0 : i32
      %dma_start3A_326 = tpu.memref_slice %arg39[%mul3A_242, %dma_start3A_325] : memref<10112x64xf32, #tpu.memory_space<vmem_shared>> -> memref<632x64xf32, #tpu.memory_space<vmem_shared>>
      %dma_start3A_327 = arith.constant 0 : i32
      %dma_start3A_328 = arith.constant 0 : i32
      %dma_start3A_329 = tpu.memref_slice %arg11[%dma_start3A_327, %dma_start3A_328] : memref<632x64xf32, #tpu.memory_space<hbm>> -> memref<632x64xf32, #tpu.memory_space<hbm>>
      tpu.enqueue_dma source(%dma_start3A_329 : memref<632x64xf32, #tpu.memory_space<hbm>>) target(%dma_start3A_326 : memref<632x64xf32, #tpu.memory_space<vmem_shared>>) target_semaphore(%run_scoped3A : memref<!tpu.dma_semaphore, #tpu.memory_space<semaphore_mem>>)
      %dma_wait3A_330 = arith.constant 0 : i32
      %dma_wait3A_331 = tpu.memref_slice %arg39[%mul3A_242, %dma_wait3A_330] : memref<10112x64xf32, #tpu.memory_space<vmem_shared>> -> memref<632x64xf32, #tpu.memory_space<vmem_shared>>
      %dma_wait3A_332 = arith.constant 0 : i32
      %dma_wait3A_333 = arith.constant 0 : i32
      %dma_wait3A_334 = tpu.memref_slice %arg11[%dma_wait3A_332, %dma_wait3A_333] : memref<632x64xf32, #tpu.memory_space<hbm>> -> memref<632x64xf32, #tpu.memory_space<hbm>>
      tpu.wait_dma2 semaphore(%run_scoped3A : memref<!tpu.dma_semaphore, #tpu.memory_space<semaphore_mem>>) src(%dma_wait3A_334 : memref<632x64xf32, #tpu.memory_space<hbm>>) dst(%dma_wait3A_331 : memref<632x64xf32, #tpu.memory_space<vmem_shared>>)
      tpu.yield
    }) : () -> ()
    %mul3A_243 = arith.constant 632 : i32
    %mul3A_244 = arith.muli %arg1, %mul3A_243 : i32
    "tpu.region"() ({
      %run_scoped3A = tpu.sem_alloc : memref<!tpu.dma_semaphore, #tpu.memory_space<semaphore_mem>>
      %dma_start3A_325 = arith.constant 0 : i32
      %dma_start3A_326 = tpu.memref_slice %arg40[%mul3A_244, %dma_start3A_325] : memref<10112x8xf32, #tpu.memory_space<vmem_shared>> -> memref<632x8xf32, #tpu.memory_space<vmem_shared>>
      %dma_start3A_327 = arith.constant 0 : i32
      %dma_start3A_328 = arith.constant 0 : i32
      %dma_start3A_329 = tpu.memref_slice %arg12[%dma_start3A_327, %dma_start3A_328] : memref<632x8xf32, #tpu.memory_space<hbm>> -> memref<632x8xf32, #tpu.memory_space<hbm>>
      tpu.enqueue_dma source(%dma_start3A_329 : memref<632x8xf32, #tpu.memory_space<hbm>>) target(%dma_start3A_326 : memref<632x8xf32, #tpu.memory_space<vmem_shared>>) target_semaphore(%run_scoped3A : memref<!tpu.dma_semaphore, #tpu.memory_space<semaphore_mem>>)
      %dma_wait3A_330 = arith.constant 0 : i32
      %dma_wait3A_331 = tpu.memref_slice %arg40[%mul3A_244, %dma_wait3A_330] : memref<10112x8xf32, #tpu.memory_space<vmem_shared>> -> memref<632x8xf32, #tpu.memory_space<vmem_shared>>
      %dma_wait3A_332 = arith.constant 0 : i32
      %dma_wait3A_333 = arith.constant 0 : i32
      %dma_wait3A_334 = tpu.memref_slice %arg12[%dma_wait3A_332, %dma_wait3A_333] : memref<632x8xf32, #tpu.memory_space<hbm>> -> memref<632x8xf32, #tpu.memory_space<hbm>>
      tpu.wait_dma2 semaphore(%run_scoped3A : memref<!tpu.dma_semaphore, #tpu.memory_space<semaphore_mem>>) src(%dma_wait3A_334 : memref<632x8xf32, #tpu.memory_space<hbm>>) dst(%dma_wait3A_331 : memref<632x8xf32, #tpu.memory_space<vmem_shared>>)
      tpu.yield
    }) : () -> ()
    %barrier3A_245 = arith.constant 0 : index
    tpu.barrier barrier_id(%barrier3A_245)
    %mul3A_246 = arith.constant 4 : i32
    %mul3A_247 = arith.muli %add3A, %mul3A_246 : i32
    %add3A_248 = arith.constant 0 : i32
    %add3A_249 = arith.addi %mul3A_247, %add3A_248 : i32
    %mul3A_250 = arith.constant 128 : i32
    %mul3A_251 = arith.muli %add3A_249, %mul3A_250 : i32
    %dma_start3A_252 = tpu.memref_slice %arg9[%mul3A_251] : memref<16384xi32, #tpu.memory_space<hbm>> -> memref<256xi32, #tpu.memory_space<hbm>>
    %dma_start3A_253 = tpu.memref_slice %arg9[%mul3A_251] : memref<16384xi32, #tpu.memory_space<hbm>> -> memref<256xi32, #tpu.memory_space<hbm>>
    tpu.enqueue_dma source(%dma_start3A_253 : memref<256xi32, #tpu.memory_space<hbm>>) target(%arg20 : memref<256xi32, #tpu.memory_space<vmem>>) target_semaphore(%arg36 : memref<!tpu.dma_semaphore, #tpu.memory_space<semaphore_mem>>)
    %dma_start3A_254 = tpu.memref_slice %arg10[%mul3A_251] : memref<16384xi32, #tpu.memory_space<hbm>> -> memref<256xi32, #tpu.memory_space<hbm>>
    %dma_start3A_255 = tpu.memref_slice %arg10[%mul3A_251] : memref<16384xi32, #tpu.memory_space<hbm>> -> memref<256xi32, #tpu.memory_space<hbm>>
    tpu.enqueue_dma source(%dma_start3A_255 : memref<256xi32, #tpu.memory_space<hbm>>) target(%arg21 : memref<256xi32, #tpu.memory_space<vmem>>) target_semaphore(%arg36 : memref<!tpu.dma_semaphore, #tpu.memory_space<semaphore_mem>>)
    %add3A_256 = arith.constant 2 : i32
    %add3A_257 = arith.addi %mul3A_247, %add3A_256 : i32
    %mul3A_258 = arith.constant 128 : i32
    %mul3A_259 = arith.muli %add3A_257, %mul3A_258 : i32
    %dma_start3A_260 = tpu.memref_slice %arg9[%mul3A_259] : memref<16384xi32, #tpu.memory_space<hbm>> -> memref<256xi32, #tpu.memory_space<hbm>>
    %dma_start3A_261 = tpu.memref_slice %arg9[%mul3A_259] : memref<16384xi32, #tpu.memory_space<hbm>> -> memref<256xi32, #tpu.memory_space<hbm>>
    tpu.enqueue_dma source(%dma_start3A_261 : memref<256xi32, #tpu.memory_space<hbm>>) target(%arg23 : memref<256xi32, #tpu.memory_space<vmem>>) target_semaphore(%arg37 : memref<!tpu.dma_semaphore, #tpu.memory_space<semaphore_mem>>)
    %dma_start3A_262 = tpu.memref_slice %arg10[%mul3A_259] : memref<16384xi32, #tpu.memory_space<hbm>> -> memref<256xi32, #tpu.memory_space<hbm>>
    %dma_start3A_263 = tpu.memref_slice %arg10[%mul3A_259] : memref<16384xi32, #tpu.memory_space<hbm>> -> memref<256xi32, #tpu.memory_space<hbm>>
    tpu.enqueue_dma source(%dma_start3A_263 : memref<256xi32, #tpu.memory_space<hbm>>) target(%arg24 : memref<256xi32, #tpu.memory_space<vmem>>) target_semaphore(%arg37 : memref<!tpu.dma_semaphore, #tpu.memory_space<semaphore_mem>>)
    %dma_wait3A_264 = arith.constant 0 : i32
    %dma_wait3A_265 = tpu.memref_slice %arg9[%dma_wait3A_264] : memref<16384xi32, #tpu.memory_space<hbm>> -> memref<256xi32, #tpu.memory_space<hbm>>
    %dma_wait3A_266 = arith.constant 0 : i32
    %dma_wait3A_267 = tpu.memref_slice %arg9[%dma_wait3A_266] : memref<16384xi32, #tpu.memory_space<hbm>> -> memref<256xi32, #tpu.memory_space<hbm>>
    tpu.wait_dma2 semaphore(%arg36 : memref<!tpu.dma_semaphore, #tpu.memory_space<semaphore_mem>>) src(%dma_wait3A_267 : memref<256xi32, #tpu.memory_space<hbm>>) dst(%arg20 : memref<256xi32, #tpu.memory_space<vmem>>)
    %dma_wait3A_268 = arith.constant 0 : i32
    %dma_wait3A_269 = tpu.memref_slice %arg10[%dma_wait3A_268] : memref<16384xi32, #tpu.memory_space<hbm>> -> memref<256xi32, #tpu.memory_space<hbm>>
    %dma_wait3A_270 = arith.constant 0 : i32
    %dma_wait3A_271 = tpu.memref_slice %arg10[%dma_wait3A_270] : memref<16384xi32, #tpu.memory_space<hbm>> -> memref<256xi32, #tpu.memory_space<hbm>>
    tpu.wait_dma2 semaphore(%arg36 : memref<!tpu.dma_semaphore, #tpu.memory_space<semaphore_mem>>) src(%dma_wait3A_271 : memref<256xi32, #tpu.memory_space<hbm>>) dst(%arg21 : memref<256xi32, #tpu.memory_space<vmem>>)
    %dma_start3A_272 = arith.constant 0 : i32
    %dma_start3A_273 = arith.constant 0 : i32
    %dma_start3A_274 = tpu.memref_slice %arg8[%dma_start3A_272, %dma_start3A_273] : memref<64x64xf32, #tpu.memory_space<hbm>> -> memref<64x64xf32, #tpu.memory_space<hbm>>
    tpu.enqueue_indirect_dma source(%dma_start3A_274 : memref<64x64xf32, #tpu.memory_space<hbm>>) target(%arg22 : memref<256x64xf32, #tpu.memory_space<vmem>>) offsets(%arg20 : memref<256xi32, #tpu.memory_space<vmem>>) semaphore(%arg30 : memref<!tpu.dma_semaphore, #tpu.memory_space<semaphore_mem>>)
    %dma_wait3A_275 = arith.constant 0 : i32
    %dma_wait3A_276 = arith.constant 0 : i32
    %dma_wait3A_277 = tpu.memref_slice %arg8[%dma_wait3A_275, %dma_wait3A_276] : memref<64x64xf32, #tpu.memory_space<hbm>> -> memref<64x64xf32, #tpu.memory_space<hbm>>
    tpu.wait_indirect_dma semaphore(%arg30 : memref<!tpu.dma_semaphore, #tpu.memory_space<semaphore_mem>>) src(%dma_wait3A_277 : memref<64x64xf32, #tpu.memory_space<hbm>>) dst(%arg22 : memref<256x64xf32, #tpu.memory_space<vmem>>)
    %dma_start3A_278 = arith.constant 0 : i32
    %dma_start3A_279 = arith.constant 0 : i32
    %dma_start3A_280 = tpu.memref_slice %arg39[%dma_start3A_278, %dma_start3A_279] : memref<10112x64xf32, #tpu.memory_space<vmem_shared>> -> memref<10112x64xf32, #tpu.memory_space<vmem_shared>>
    tpu.enqueue_indirect_dma source(%arg22 : memref<256x64xf32, #tpu.memory_space<vmem>>) target(%dma_start3A_280 : memref<10112x64xf32, #tpu.memory_space<vmem_shared>>) offsets(%arg21 : memref<256xi32, #tpu.memory_space<vmem>>) semaphore(%arg33 : memref<!tpu.dma_semaphore, #tpu.memory_space<semaphore_mem>>) {add = true}
    %dma_start3A_281 = arith.constant 0 : i32
    %dma_start3A_282 = arith.constant 0 : i32
    %dma_start3A_283 = tpu.memref_slice %arg40[%dma_start3A_281, %dma_start3A_282] : memref<10112x8xf32, #tpu.memory_space<vmem_shared>> -> memref<10112x8xf32, #tpu.memory_space<vmem_shared>>
    tpu.enqueue_indirect_dma source(%arg29 : memref<256x8xf32, #tpu.memory_space<vmem>>) target(%dma_start3A_283 : memref<10112x8xf32, #tpu.memory_space<vmem_shared>>) offsets(%arg21 : memref<256xi32, #tpu.memory_space<vmem>>) semaphore(%arg33 : memref<!tpu.dma_semaphore, #tpu.memory_space<semaphore_mem>>) {add = true}
    %dma_wait3A_284 = arith.constant 0 : i32
    %dma_wait3A_285 = tpu.memref_slice %arg9[%dma_wait3A_284] : memref<16384xi32, #tpu.memory_space<hbm>> -> memref<256xi32, #tpu.memory_space<hbm>>
    %dma_wait3A_286 = arith.constant 0 : i32
    %dma_wait3A_287 = tpu.memref_slice %arg9[%dma_wait3A_286] : memref<16384xi32, #tpu.memory_space<hbm>> -> memref<256xi32, #tpu.memory_space<hbm>>
    tpu.wait_dma2 semaphore(%arg37 : memref<!tpu.dma_semaphore, #tpu.memory_space<semaphore_mem>>) src(%dma_wait3A_287 : memref<256xi32, #tpu.memory_space<hbm>>) dst(%arg23 : memref<256xi32, #tpu.memory_space<vmem>>)
    %dma_wait3A_288 = arith.constant 0 : i32
    %dma_wait3A_289 = tpu.memref_slice %arg10[%dma_wait3A_288] : memref<16384xi32, #tpu.memory_space<hbm>> -> memref<256xi32, #tpu.memory_space<hbm>>
    %dma_wait3A_290 = arith.constant 0 : i32
    %dma_wait3A_291 = tpu.memref_slice %arg10[%dma_wait3A_290] : memref<16384xi32, #tpu.memory_space<hbm>> -> memref<256xi32, #tpu.memory_space<hbm>>
    tpu.wait_dma2 semaphore(%arg37 : memref<!tpu.dma_semaphore, #tpu.memory_space<semaphore_mem>>) src(%dma_wait3A_291 : memref<256xi32, #tpu.memory_space<hbm>>) dst(%arg24 : memref<256xi32, #tpu.memory_space<vmem>>)
    %dma_start3A_292 = arith.constant 0 : i32
    %dma_start3A_293 = arith.constant 0 : i32
    %dma_start3A_294 = tpu.memref_slice %arg8[%dma_start3A_292, %dma_start3A_293] : memref<64x64xf32, #tpu.memory_space<hbm>> -> memref<64x64xf32, #tpu.memory_space<hbm>>
    tpu.enqueue_indirect_dma source(%dma_start3A_294 : memref<64x64xf32, #tpu.memory_space<hbm>>) target(%arg25 : memref<256x64xf32, #tpu.memory_space<vmem>>) offsets(%arg23 : memref<256xi32, #tpu.memory_space<vmem>>) semaphore(%arg31 : memref<!tpu.dma_semaphore, #tpu.memory_space<semaphore_mem>>)
    %dma_wait3A_295 = arith.constant 0 : i32
    %dma_wait3A_296 = arith.constant 0 : i32
    %dma_wait3A_297 = tpu.memref_slice %arg8[%dma_wait3A_295, %dma_wait3A_296] : memref<64x64xf32, #tpu.memory_space<hbm>> -> memref<64x64xf32, #tpu.memory_space<hbm>>
    tpu.wait_indirect_dma semaphore(%arg31 : memref<!tpu.dma_semaphore, #tpu.memory_space<semaphore_mem>>) src(%dma_wait3A_297 : memref<64x64xf32, #tpu.memory_space<hbm>>) dst(%arg25 : memref<256x64xf32, #tpu.memory_space<vmem>>)
    %dma_start3A_298 = arith.constant 0 : i32
    %dma_start3A_299 = arith.constant 0 : i32
    %dma_start3A_300 = tpu.memref_slice %arg39[%dma_start3A_298, %dma_start3A_299] : memref<10112x64xf32, #tpu.memory_space<vmem_shared>> -> memref<10112x64xf32, #tpu.memory_space<vmem_shared>>
    tpu.enqueue_indirect_dma source(%arg25 : memref<256x64xf32, #tpu.memory_space<vmem>>) target(%dma_start3A_300 : memref<10112x64xf32, #tpu.memory_space<vmem_shared>>) offsets(%arg24 : memref<256xi32, #tpu.memory_space<vmem>>) semaphore(%arg34 : memref<!tpu.dma_semaphore, #tpu.memory_space<semaphore_mem>>) {add = true}
    %dma_start3A_301 = arith.constant 0 : i32
    %dma_start3A_302 = arith.constant 0 : i32
    %dma_start3A_303 = tpu.memref_slice %arg40[%dma_start3A_301, %dma_start3A_302] : memref<10112x8xf32, #tpu.memory_space<vmem_shared>> -> memref<10112x8xf32, #tpu.memory_space<vmem_shared>>
    tpu.enqueue_indirect_dma source(%arg29 : memref<256x8xf32, #tpu.memory_space<vmem>>) target(%dma_start3A_303 : memref<10112x8xf32, #tpu.memory_space<vmem_shared>>) offsets(%arg24 : memref<256xi32, #tpu.memory_space<vmem>>) semaphore(%arg34 : memref<!tpu.dma_semaphore, #tpu.memory_space<semaphore_mem>>) {add = true}
    %dma_wait3A_304 = arith.constant 0 : i32
    %dma_wait3A_305 = arith.constant 0 : i32
    %dma_wait3A_306 = tpu.memref_slice %arg39[%dma_wait3A_304, %dma_wait3A_305] : memref<10112x64xf32, #tpu.memory_space<vmem_shared>> -> memref<10112x64xf32, #tpu.memory_space<vmem_shared>>
    tpu.wait_indirect_dma semaphore(%arg33 : memref<!tpu.dma_semaphore, #tpu.memory_space<semaphore_mem>>) src(%arg22 : memref<256x64xf32, #tpu.memory_space<vmem>>) dst(%dma_wait3A_306 : memref<10112x64xf32, #tpu.memory_space<vmem_shared>>)
    %dma_wait3A_307 = arith.constant 0 : i32
    %dma_wait3A_308 = arith.constant 0 : i32
    %dma_wait3A_309 = tpu.memref_slice %arg40[%dma_wait3A_307, %dma_wait3A_308] : memref<10112x8xf32, #tpu.memory_space<vmem_shared>> -> memref<10112x8xf32, #tpu.memory_space<vmem_shared>>
    tpu.wait_indirect_dma semaphore(%arg33 : memref<!tpu.dma_semaphore, #tpu.memory_space<semaphore_mem>>) src(%arg29 : memref<256x8xf32, #tpu.memory_space<vmem>>) dst(%dma_wait3A_309 : memref<10112x8xf32, #tpu.memory_space<vmem_shared>>)
    %dma_wait3A_310 = arith.constant 0 : i32
    %dma_wait3A_311 = arith.constant 0 : i32
    %dma_wait3A_312 = tpu.memref_slice %arg39[%dma_wait3A_310, %dma_wait3A_311] : memref<10112x64xf32, #tpu.memory_space<vmem_shared>> -> memref<10112x64xf32, #tpu.memory_space<vmem_shared>>
    tpu.wait_indirect_dma semaphore(%arg34 : memref<!tpu.dma_semaphore, #tpu.memory_space<semaphore_mem>>) src(%arg25 : memref<256x64xf32, #tpu.memory_space<vmem>>) dst(%dma_wait3A_312 : memref<10112x64xf32, #tpu.memory_space<vmem_shared>>)
    %dma_wait3A_313 = arith.constant 0 : i32
    %dma_wait3A_314 = arith.constant 0 : i32
    %dma_wait3A_315 = tpu.memref_slice %arg40[%dma_wait3A_313, %dma_wait3A_314] : memref<10112x8xf32, #tpu.memory_space<vmem_shared>> -> memref<10112x8xf32, #tpu.memory_space<vmem_shared>>
    tpu.wait_indirect_dma semaphore(%arg34 : memref<!tpu.dma_semaphore, #tpu.memory_space<semaphore_mem>>) src(%arg29 : memref<256x8xf32, #tpu.memory_space<vmem>>) dst(%dma_wait3A_315 : memref<10112x8xf32, #tpu.memory_space<vmem_shared>>)
    %barrier3A_316 = arith.constant 0 : index
    tpu.barrier barrier_id(%barrier3A_316)
    %mul3A_317 = arith.constant 632 : i32
    %mul3A_318 = arith.muli %arg1, %mul3A_317 : i32
    %mul3A_319 = arith.constant 632 : i32
    %mul3A_320 = arith.muli %arg1, %mul3A_319 : i32
    "tpu.region"() ({
      %run_scoped3A = tpu.sem_alloc : memref<!tpu.dma_semaphore, #tpu.memory_space<semaphore_mem>>
      %dma_start3A_325 = arith.constant 0 : i32
      %dma_start3A_326 = tpu.memref_slice %arg18[%arg0, %mul3A_320, %dma_start3A_325] : memref<2x10112x64xf32, #tpu.memory_space<hbm>> -> memref<1x632x64xf32, #tpu.memory_space<hbm>>
      %dma_start3A_327 = tpu.memref_squeeze %dma_start3A_326 : memref<1x632x64xf32, #tpu.memory_space<hbm>> -> memref<632x64xf32, #tpu.memory_space<hbm>>
      %dma_start3A_328 = arith.constant 0 : i32
      %dma_start3A_329 = tpu.memref_slice %arg39[%mul3A_318, %dma_start3A_328] : memref<10112x64xf32, #tpu.memory_space<vmem_shared>> -> memref<632x64xf32, #tpu.memory_space<vmem_shared>>
      tpu.enqueue_dma source(%dma_start3A_329 : memref<632x64xf32, #tpu.memory_space<vmem_shared>>) target(%dma_start3A_327 : memref<632x64xf32, #tpu.memory_space<hbm>>) target_semaphore(%run_scoped3A : memref<!tpu.dma_semaphore, #tpu.memory_space<semaphore_mem>>)
      %dma_wait3A_330 = arith.constant 0 : i32
      %dma_wait3A_331 = tpu.memref_slice %arg18[%arg0, %mul3A_320, %dma_wait3A_330] : memref<2x10112x64xf32, #tpu.memory_space<hbm>> -> memref<1x632x64xf32, #tpu.memory_space<hbm>>
      %dma_wait3A_332 = tpu.memref_squeeze %dma_wait3A_331 : memref<1x632x64xf32, #tpu.memory_space<hbm>> -> memref<632x64xf32, #tpu.memory_space<hbm>>
      %dma_wait3A_333 = arith.constant 0 : i32
      %dma_wait3A_334 = tpu.memref_slice %arg39[%mul3A_318, %dma_wait3A_333] : memref<10112x64xf32, #tpu.memory_space<vmem_shared>> -> memref<632x64xf32, #tpu.memory_space<vmem_shared>>
      tpu.wait_dma2 semaphore(%run_scoped3A : memref<!tpu.dma_semaphore, #tpu.memory_space<semaphore_mem>>) src(%dma_wait3A_334 : memref<632x64xf32, #tpu.memory_space<vmem_shared>>) dst(%dma_wait3A_332 : memref<632x64xf32, #tpu.memory_space<hbm>>)
      tpu.yield
    }) : () -> ()
    %mul3A_321 = arith.constant 632 : i32
    %mul3A_322 = arith.muli %arg1, %mul3A_321 : i32
    %mul3A_323 = arith.constant 632 : i32
    %mul3A_324 = arith.muli %arg1, %mul3A_323 : i32
    "tpu.region"() ({
      %run_scoped3A = tpu.sem_alloc : memref<!tpu.dma_semaphore, #tpu.memory_space<semaphore_mem>>
      %dma_start3A_325 = arith.constant 0 : i32
      %dma_start3A_326 = tpu.memref_slice %arg19[%arg0, %mul3A_324, %dma_start3A_325] : memref<2x10112x8xf32, #tpu.memory_space<hbm>> -> memref<1x632x8xf32, #tpu.memory_space<hbm>>
      %dma_start3A_327 = tpu.memref_squeeze %dma_start3A_326 : memref<1x632x8xf32, #tpu.memory_space<hbm>> -> memref<632x8xf32, #tpu.memory_space<hbm>>
      %dma_start3A_328 = arith.constant 0 : i32
      %dma_start3A_329 = tpu.memref_slice %arg40[%mul3A_322, %dma_start3A_328] : memref<10112x8xf32, #tpu.memory_space<vmem_shared>> -> memref<632x8xf32, #tpu.memory_space<vmem_shared>>
      tpu.enqueue_dma source(%dma_start3A_329 : memref<632x8xf32, #tpu.memory_space<vmem_shared>>) target(%dma_start3A_327 : memref<632x8xf32, #tpu.memory_space<hbm>>) target_semaphore(%run_scoped3A : memref<!tpu.dma_semaphore, #tpu.memory_space<semaphore_mem>>)
      %dma_wait3A_330 = arith.constant 0 : i32
      %dma_wait3A_331 = tpu.memref_slice %arg19[%arg0, %mul3A_324, %dma_wait3A_330] : memref<2x10112x8xf32, #tpu.memory_space<hbm>> -> memref<1x632x8xf32, #tpu.memory_space<hbm>>
      %dma_wait3A_332 = tpu.memref_squeeze %dma_wait3A_331 : memref<1x632x8xf32, #tpu.memory_space<hbm>> -> memref<632x8xf32, #tpu.memory_space<hbm>>
      %dma_wait3A_333 = arith.constant 0 : i32
      %dma_wait3A_334 = tpu.memref_slice %arg40[%mul3A_322, %dma_wait3A_333] : memref<10112x8xf32, #tpu.memory_space<vmem_shared>> -> memref<632x8xf32, #tpu.memory_space<vmem_shared>>
      tpu.wait_dma2 semaphore(%run_scoped3A : memref<!tpu.dma_semaphore, #tpu.memory_space<semaphore_mem>>) src(%dma_wait3A_334 : memref<632x8xf32, #tpu.memory_space<vmem_shared>>) dst(%dma_wait3A_332 : memref<632x8xf32, #tpu.memory_space<hbm>>)
      tpu.yield
    }) : () -> ()
    return
  }
}

#map = affine_map<(d0, d1) -> (0, 0, 0)>
#map1 = affine_map<(d0, d1) -> (0)>
#map2 = affine_map<(d0, d1) -> (0, 0)>
module attributes {stable_mosaic.version = 14 : i64} {
  func.func @body(%arg0: i32, %arg1: i32, %arg2: memref<2x10000x32xf32, #tpu.memory_space<hbm>>, %arg3: memref<802816xi32, #tpu.memory_space<hbm>>, %arg4: memref<802816xi32, #tpu.memory_space<hbm>>, %arg5: memref<2x64x32xf32, #tpu.memory_space<hbm>>, %arg6: memref<65536xi32, #tpu.memory_space<hbm>>, %arg7: memref<65536xi32, #tpu.memory_space<hbm>>, %arg8: memref<3136x32xf32, #tpu.memory_space<hbm>>, %arg9: memref<2x50176x32xf32, #tpu.memory_space<hbm>>, %arg10: memref<2x50176x32xf32, #tpu.memory_space<hbm>>, %arg11: memref<256xi32, #tpu.memory_space<vmem>>, %arg12: memref<256xi32, #tpu.memory_space<vmem>>, %arg13: memref<256x32xf32, #tpu.memory_space<vmem>>, %arg14: memref<256xi32, #tpu.memory_space<vmem>>, %arg15: memref<256xi32, #tpu.memory_space<vmem>>, %arg16: memref<256x32xf32, #tpu.memory_space<vmem>>, %arg17: memref<256xi32, #tpu.memory_space<vmem>>, %arg18: memref<256xi32, #tpu.memory_space<vmem>>, %arg19: memref<256x32xf32, #tpu.memory_space<vmem>>, %arg20: memref<!tpu.dma_semaphore, #tpu.memory_space<semaphore_mem>>, %arg21: memref<!tpu.dma_semaphore, #tpu.memory_space<semaphore_mem>>, %arg22: memref<!tpu.dma_semaphore, #tpu.memory_space<semaphore_mem>>, %arg23: memref<!tpu.dma_semaphore, #tpu.memory_space<semaphore_mem>>, %arg24: memref<!tpu.dma_semaphore, #tpu.memory_space<semaphore_mem>>, %arg25: memref<!tpu.dma_semaphore, #tpu.memory_space<semaphore_mem>>, %arg26: memref<!tpu.dma_semaphore, #tpu.memory_space<semaphore_mem>>, %arg27: memref<!tpu.dma_semaphore, #tpu.memory_space<semaphore_mem>>, %arg28: memref<!tpu.dma_semaphore, #tpu.memory_space<semaphore_mem>>, %arg29: memref<50176x32xf32, #tpu.memory_space<vmem_shared>>) attributes {dimension_semantics = [#tpu.dimension_semantics<core_parallel>, #tpu.dimension_semantics<subcore_parallel>], iteration_bounds = array<i64: 2, 16>, scalar_prefetch = 0 : i64, scratch_operands = 19 : i64, tpu.core_type = #tpu.core_type<sc_vector_subcore>, window_params = [{transform_indices = #map}, {transform_indices = #map1}, {transform_indices = #map1}, {transform_indices = #map}, {transform_indices = #map1}, {transform_indices = #map1}, {transform_indices = #map2}, {transform_indices = #map}, {transform_indices = #map}]} {
    %mul3A = arith.constant 3136 : i32
    %mul3A_0 = arith.muli %arg1, %mul3A : i32
    "tpu.region"() ({
      %run_scoped3A = tpu.sem_alloc : memref<!tpu.dma_semaphore, #tpu.memory_space<semaphore_mem>>
      %dma_start3A_314 = arith.constant 0 : i32
      %dma_start3A_315 = tpu.memref_slice %arg29[%mul3A_0, %dma_start3A_314] : memref<50176x32xf32, #tpu.memory_space<vmem_shared>> -> memref<3136x32xf32, #tpu.memory_space<vmem_shared>>
      %dma_start3A_316 = arith.constant 0 : i32
      %dma_start3A_317 = arith.constant 0 : i32
      %dma_start3A_318 = tpu.memref_slice %arg8[%dma_start3A_316, %dma_start3A_317] : memref<3136x32xf32, #tpu.memory_space<hbm>> -> memref<3136x32xf32, #tpu.memory_space<hbm>>
      tpu.enqueue_dma source(%dma_start3A_318 : memref<3136x32xf32, #tpu.memory_space<hbm>>) target(%dma_start3A_315 : memref<3136x32xf32, #tpu.memory_space<vmem_shared>>) target_semaphore(%run_scoped3A : memref<!tpu.dma_semaphore, #tpu.memory_space<semaphore_mem>>)
      %dma_wait3A_319 = arith.constant 0 : i32
      %dma_wait3A_320 = tpu.memref_slice %arg29[%mul3A_0, %dma_wait3A_319] : memref<50176x32xf32, #tpu.memory_space<vmem_shared>> -> memref<3136x32xf32, #tpu.memory_space<vmem_shared>>
      %dma_wait3A_321 = arith.constant 0 : i32
      %dma_wait3A_322 = arith.constant 0 : i32
      %dma_wait3A_323 = tpu.memref_slice %arg8[%dma_wait3A_321, %dma_wait3A_322] : memref<3136x32xf32, #tpu.memory_space<hbm>> -> memref<3136x32xf32, #tpu.memory_space<hbm>>
      tpu.wait_dma2 semaphore(%run_scoped3A : memref<!tpu.dma_semaphore, #tpu.memory_space<semaphore_mem>>) src(%dma_wait3A_323 : memref<3136x32xf32, #tpu.memory_space<hbm>>) dst(%dma_wait3A_320 : memref<3136x32xf32, #tpu.memory_space<vmem_shared>>)
      tpu.yield
    }) : () -> ()
    %barrier3A = arith.constant 0 : index
    tpu.barrier barrier_id(%barrier3A)
    %mul3A_1 = arith.constant 392 : i32
    %mul3A_2 = arith.muli %arg1, %mul3A_1 : i32
    %add3A = arith.constant 0 : i32
    %add3A_3 = arith.addi %mul3A_2, %add3A : i32
    %mul3A_4 = arith.constant 128 : i32
    %mul3A_5 = arith.muli %add3A_3, %mul3A_4 : i32
    %dma_start3A = tpu.memref_slice %arg3[%mul3A_5] : memref<802816xi32, #tpu.memory_space<hbm>> -> memref<256xi32, #tpu.memory_space<hbm>>
    %dma_start3A_6 = tpu.memref_slice %arg3[%mul3A_5] : memref<802816xi32, #tpu.memory_space<hbm>> -> memref<256xi32, #tpu.memory_space<hbm>>
    tpu.enqueue_dma source(%dma_start3A_6 : memref<256xi32, #tpu.memory_space<hbm>>) target(%arg11 : memref<256xi32, #tpu.memory_space<vmem>>) target_semaphore(%arg26 : memref<!tpu.dma_semaphore, #tpu.memory_space<semaphore_mem>>)
    %dma_start3A_7 = tpu.memref_slice %arg4[%mul3A_5] : memref<802816xi32, #tpu.memory_space<hbm>> -> memref<256xi32, #tpu.memory_space<hbm>>
    %dma_start3A_8 = tpu.memref_slice %arg4[%mul3A_5] : memref<802816xi32, #tpu.memory_space<hbm>> -> memref<256xi32, #tpu.memory_space<hbm>>
    tpu.enqueue_dma source(%dma_start3A_8 : memref<256xi32, #tpu.memory_space<hbm>>) target(%arg12 : memref<256xi32, #tpu.memory_space<vmem>>) target_semaphore(%arg26 : memref<!tpu.dma_semaphore, #tpu.memory_space<semaphore_mem>>)
    %add3A_9 = arith.constant 2 : i32
    %add3A_10 = arith.addi %mul3A_2, %add3A_9 : i32
    %mul3A_11 = arith.constant 128 : i32
    %mul3A_12 = arith.muli %add3A_10, %mul3A_11 : i32
    %dma_start3A_13 = tpu.memref_slice %arg3[%mul3A_12] : memref<802816xi32, #tpu.memory_space<hbm>> -> memref<256xi32, #tpu.memory_space<hbm>>
    %dma_start3A_14 = tpu.memref_slice %arg3[%mul3A_12] : memref<802816xi32, #tpu.memory_space<hbm>> -> memref<256xi32, #tpu.memory_space<hbm>>
    tpu.enqueue_dma source(%dma_start3A_14 : memref<256xi32, #tpu.memory_space<hbm>>) target(%arg14 : memref<256xi32, #tpu.memory_space<vmem>>) target_semaphore(%arg27 : memref<!tpu.dma_semaphore, #tpu.memory_space<semaphore_mem>>)
    %dma_start3A_15 = tpu.memref_slice %arg4[%mul3A_12] : memref<802816xi32, #tpu.memory_space<hbm>> -> memref<256xi32, #tpu.memory_space<hbm>>
    %dma_start3A_16 = tpu.memref_slice %arg4[%mul3A_12] : memref<802816xi32, #tpu.memory_space<hbm>> -> memref<256xi32, #tpu.memory_space<hbm>>
    tpu.enqueue_dma source(%dma_start3A_16 : memref<256xi32, #tpu.memory_space<hbm>>) target(%arg15 : memref<256xi32, #tpu.memory_space<vmem>>) target_semaphore(%arg27 : memref<!tpu.dma_semaphore, #tpu.memory_space<semaphore_mem>>)
    %dma_wait3A = arith.constant 0 : i32
    %dma_wait3A_17 = tpu.memref_slice %arg3[%dma_wait3A] : memref<802816xi32, #tpu.memory_space<hbm>> -> memref<256xi32, #tpu.memory_space<hbm>>
    %dma_wait3A_18 = arith.constant 0 : i32
    %dma_wait3A_19 = tpu.memref_slice %arg3[%dma_wait3A_18] : memref<802816xi32, #tpu.memory_space<hbm>> -> memref<256xi32, #tpu.memory_space<hbm>>
    tpu.wait_dma2 semaphore(%arg26 : memref<!tpu.dma_semaphore, #tpu.memory_space<semaphore_mem>>) src(%dma_wait3A_19 : memref<256xi32, #tpu.memory_space<hbm>>) dst(%arg11 : memref<256xi32, #tpu.memory_space<vmem>>)
    %dma_wait3A_20 = arith.constant 0 : i32
    %dma_wait3A_21 = tpu.memref_slice %arg4[%dma_wait3A_20] : memref<802816xi32, #tpu.memory_space<hbm>> -> memref<256xi32, #tpu.memory_space<hbm>>
    %dma_wait3A_22 = arith.constant 0 : i32
    %dma_wait3A_23 = tpu.memref_slice %arg4[%dma_wait3A_22] : memref<802816xi32, #tpu.memory_space<hbm>> -> memref<256xi32, #tpu.memory_space<hbm>>
    tpu.wait_dma2 semaphore(%arg26 : memref<!tpu.dma_semaphore, #tpu.memory_space<semaphore_mem>>) src(%dma_wait3A_23 : memref<256xi32, #tpu.memory_space<hbm>>) dst(%arg12 : memref<256xi32, #tpu.memory_space<vmem>>)
    %dma_start3A_24 = arith.constant 0 : i32
    %dma_start3A_25 = arith.constant 0 : i32
    %dma_start3A_26 = tpu.memref_slice %arg2[%arg0, %dma_start3A_24, %dma_start3A_25] : memref<2x10000x32xf32, #tpu.memory_space<hbm>> -> memref<1x10000x32xf32, #tpu.memory_space<hbm>>
    %dma_start3A_27 = tpu.memref_squeeze %dma_start3A_26 : memref<1x10000x32xf32, #tpu.memory_space<hbm>> -> memref<10000x32xf32, #tpu.memory_space<hbm>>
    %dma_start3A_28 = arith.constant 0 : i32
    %dma_start3A_29 = arith.constant 0 : i32
    %dma_start3A_30 = tpu.memref_slice %dma_start3A_27[%dma_start3A_28, %dma_start3A_29] : memref<10000x32xf32, #tpu.memory_space<hbm>> -> memref<10000x32xf32, #tpu.memory_space<hbm>>
    tpu.enqueue_indirect_dma source(%dma_start3A_30 : memref<10000x32xf32, #tpu.memory_space<hbm>>) target(%arg13 : memref<256x32xf32, #tpu.memory_space<vmem>>) offsets(%arg11 : memref<256xi32, #tpu.memory_space<vmem>>) semaphore(%arg20 : memref<!tpu.dma_semaphore, #tpu.memory_space<semaphore_mem>>)
    %dma_wait3A_31 = arith.constant 0 : i32
    %dma_wait3A_32 = arith.constant 0 : i32
    %dma_wait3A_33 = tpu.memref_slice %arg2[%arg0, %dma_wait3A_31, %dma_wait3A_32] : memref<2x10000x32xf32, #tpu.memory_space<hbm>> -> memref<1x10000x32xf32, #tpu.memory_space<hbm>>
    %dma_wait3A_34 = tpu.memref_squeeze %dma_wait3A_33 : memref<1x10000x32xf32, #tpu.memory_space<hbm>> -> memref<10000x32xf32, #tpu.memory_space<hbm>>
    %dma_wait3A_35 = arith.constant 0 : i32
    %dma_wait3A_36 = arith.constant 0 : i32
    %dma_wait3A_37 = tpu.memref_slice %dma_wait3A_34[%dma_wait3A_35, %dma_wait3A_36] : memref<10000x32xf32, #tpu.memory_space<hbm>> -> memref<10000x32xf32, #tpu.memory_space<hbm>>
    tpu.wait_indirect_dma semaphore(%arg20 : memref<!tpu.dma_semaphore, #tpu.memory_space<semaphore_mem>>) src(%dma_wait3A_37 : memref<10000x32xf32, #tpu.memory_space<hbm>>) dst(%arg13 : memref<256x32xf32, #tpu.memory_space<vmem>>)
    %dma_start3A_38 = arith.constant 0 : i32
    %dma_start3A_39 = arith.constant 0 : i32
    %dma_start3A_40 = tpu.memref_slice %arg29[%dma_start3A_38, %dma_start3A_39] : memref<50176x32xf32, #tpu.memory_space<vmem_shared>> -> memref<50176x32xf32, #tpu.memory_space<vmem_shared>>
    tpu.enqueue_indirect_dma source(%arg13 : memref<256x32xf32, #tpu.memory_space<vmem>>) target(%dma_start3A_40 : memref<50176x32xf32, #tpu.memory_space<vmem_shared>>) offsets(%arg12 : memref<256xi32, #tpu.memory_space<vmem>>) semaphore(%arg23 : memref<!tpu.dma_semaphore, #tpu.memory_space<semaphore_mem>>) {add = true}
    %add3A_41 = arith.constant 4 : i32
    %add3A_42 = arith.addi %mul3A_2, %add3A_41 : i32
    %mul3A_43 = arith.constant 128 : i32
    %mul3A_44 = arith.muli %add3A_42, %mul3A_43 : i32
    %dma_start3A_45 = tpu.memref_slice %arg3[%mul3A_44] : memref<802816xi32, #tpu.memory_space<hbm>> -> memref<256xi32, #tpu.memory_space<hbm>>
    %dma_start3A_46 = tpu.memref_slice %arg3[%mul3A_44] : memref<802816xi32, #tpu.memory_space<hbm>> -> memref<256xi32, #tpu.memory_space<hbm>>
    tpu.enqueue_dma source(%dma_start3A_46 : memref<256xi32, #tpu.memory_space<hbm>>) target(%arg17 : memref<256xi32, #tpu.memory_space<vmem>>) target_semaphore(%arg28 : memref<!tpu.dma_semaphore, #tpu.memory_space<semaphore_mem>>)
    %dma_start3A_47 = tpu.memref_slice %arg4[%mul3A_44] : memref<802816xi32, #tpu.memory_space<hbm>> -> memref<256xi32, #tpu.memory_space<hbm>>
    %dma_start3A_48 = tpu.memref_slice %arg4[%mul3A_44] : memref<802816xi32, #tpu.memory_space<hbm>> -> memref<256xi32, #tpu.memory_space<hbm>>
    tpu.enqueue_dma source(%dma_start3A_48 : memref<256xi32, #tpu.memory_space<hbm>>) target(%arg18 : memref<256xi32, #tpu.memory_space<vmem>>) target_semaphore(%arg28 : memref<!tpu.dma_semaphore, #tpu.memory_space<semaphore_mem>>)
    %dma_wait3A_49 = arith.constant 0 : i32
    %dma_wait3A_50 = tpu.memref_slice %arg3[%dma_wait3A_49] : memref<802816xi32, #tpu.memory_space<hbm>> -> memref<256xi32, #tpu.memory_space<hbm>>
    %dma_wait3A_51 = arith.constant 0 : i32
    %dma_wait3A_52 = tpu.memref_slice %arg3[%dma_wait3A_51] : memref<802816xi32, #tpu.memory_space<hbm>> -> memref<256xi32, #tpu.memory_space<hbm>>
    tpu.wait_dma2 semaphore(%arg27 : memref<!tpu.dma_semaphore, #tpu.memory_space<semaphore_mem>>) src(%dma_wait3A_52 : memref<256xi32, #tpu.memory_space<hbm>>) dst(%arg14 : memref<256xi32, #tpu.memory_space<vmem>>)
    %dma_wait3A_53 = arith.constant 0 : i32
    %dma_wait3A_54 = tpu.memref_slice %arg4[%dma_wait3A_53] : memref<802816xi32, #tpu.memory_space<hbm>> -> memref<256xi32, #tpu.memory_space<hbm>>
    %dma_wait3A_55 = arith.constant 0 : i32
    %dma_wait3A_56 = tpu.memref_slice %arg4[%dma_wait3A_55] : memref<802816xi32, #tpu.memory_space<hbm>> -> memref<256xi32, #tpu.memory_space<hbm>>
    tpu.wait_dma2 semaphore(%arg27 : memref<!tpu.dma_semaphore, #tpu.memory_space<semaphore_mem>>) src(%dma_wait3A_56 : memref<256xi32, #tpu.memory_space<hbm>>) dst(%arg15 : memref<256xi32, #tpu.memory_space<vmem>>)
    %dma_start3A_57 = arith.constant 0 : i32
    %dma_start3A_58 = arith.constant 0 : i32
    %dma_start3A_59 = tpu.memref_slice %arg2[%arg0, %dma_start3A_57, %dma_start3A_58] : memref<2x10000x32xf32, #tpu.memory_space<hbm>> -> memref<1x10000x32xf32, #tpu.memory_space<hbm>>
    %dma_start3A_60 = tpu.memref_squeeze %dma_start3A_59 : memref<1x10000x32xf32, #tpu.memory_space<hbm>> -> memref<10000x32xf32, #tpu.memory_space<hbm>>
    %dma_start3A_61 = arith.constant 0 : i32
    %dma_start3A_62 = arith.constant 0 : i32
    %dma_start3A_63 = tpu.memref_slice %dma_start3A_60[%dma_start3A_61, %dma_start3A_62] : memref<10000x32xf32, #tpu.memory_space<hbm>> -> memref<10000x32xf32, #tpu.memory_space<hbm>>
    tpu.enqueue_indirect_dma source(%dma_start3A_63 : memref<10000x32xf32, #tpu.memory_space<hbm>>) target(%arg16 : memref<256x32xf32, #tpu.memory_space<vmem>>) offsets(%arg14 : memref<256xi32, #tpu.memory_space<vmem>>) semaphore(%arg21 : memref<!tpu.dma_semaphore, #tpu.memory_space<semaphore_mem>>)
    %dma_wait3A_64 = arith.constant 0 : i32
    %dma_wait3A_65 = arith.constant 0 : i32
    %dma_wait3A_66 = tpu.memref_slice %arg2[%arg0, %dma_wait3A_64, %dma_wait3A_65] : memref<2x10000x32xf32, #tpu.memory_space<hbm>> -> memref<1x10000x32xf32, #tpu.memory_space<hbm>>
    %dma_wait3A_67 = tpu.memref_squeeze %dma_wait3A_66 : memref<1x10000x32xf32, #tpu.memory_space<hbm>> -> memref<10000x32xf32, #tpu.memory_space<hbm>>
    %dma_wait3A_68 = arith.constant 0 : i32
    %dma_wait3A_69 = arith.constant 0 : i32
    %dma_wait3A_70 = tpu.memref_slice %dma_wait3A_67[%dma_wait3A_68, %dma_wait3A_69] : memref<10000x32xf32, #tpu.memory_space<hbm>> -> memref<10000x32xf32, #tpu.memory_space<hbm>>
    tpu.wait_indirect_dma semaphore(%arg21 : memref<!tpu.dma_semaphore, #tpu.memory_space<semaphore_mem>>) src(%dma_wait3A_70 : memref<10000x32xf32, #tpu.memory_space<hbm>>) dst(%arg16 : memref<256x32xf32, #tpu.memory_space<vmem>>)
    %dma_start3A_71 = arith.constant 0 : i32
    %dma_start3A_72 = arith.constant 0 : i32
    %dma_start3A_73 = tpu.memref_slice %arg29[%dma_start3A_71, %dma_start3A_72] : memref<50176x32xf32, #tpu.memory_space<vmem_shared>> -> memref<50176x32xf32, #tpu.memory_space<vmem_shared>>
    tpu.enqueue_indirect_dma source(%arg16 : memref<256x32xf32, #tpu.memory_space<vmem>>) target(%dma_start3A_73 : memref<50176x32xf32, #tpu.memory_space<vmem_shared>>) offsets(%arg15 : memref<256xi32, #tpu.memory_space<vmem>>) semaphore(%arg24 : memref<!tpu.dma_semaphore, #tpu.memory_space<semaphore_mem>>) {add = true}
    %dma_wait3A_74 = arith.constant 0 : i32
    %dma_wait3A_75 = arith.constant 0 : i32
    %dma_wait3A_76 = tpu.memref_slice %arg29[%dma_wait3A_74, %dma_wait3A_75] : memref<50176x32xf32, #tpu.memory_space<vmem_shared>> -> memref<50176x32xf32, #tpu.memory_space<vmem_shared>>
    tpu.wait_indirect_dma semaphore(%arg23 : memref<!tpu.dma_semaphore, #tpu.memory_space<semaphore_mem>>) src(%arg13 : memref<256x32xf32, #tpu.memory_space<vmem>>) dst(%dma_wait3A_76 : memref<50176x32xf32, #tpu.memory_space<vmem_shared>>)
    %add3A_77 = arith.constant 6 : i32
    %add3A_78 = arith.addi %mul3A_2, %add3A_77 : i32
    %mul3A_79 = arith.constant 128 : i32
    %mul3A_80 = arith.muli %add3A_78, %mul3A_79 : i32
    %dma_start3A_81 = tpu.memref_slice %arg3[%mul3A_80] : memref<802816xi32, #tpu.memory_space<hbm>> -> memref<256xi32, #tpu.memory_space<hbm>>
    %dma_start3A_82 = tpu.memref_slice %arg3[%mul3A_80] : memref<802816xi32, #tpu.memory_space<hbm>> -> memref<256xi32, #tpu.memory_space<hbm>>
    tpu.enqueue_dma source(%dma_start3A_82 : memref<256xi32, #tpu.memory_space<hbm>>) target(%arg11 : memref<256xi32, #tpu.memory_space<vmem>>) target_semaphore(%arg26 : memref<!tpu.dma_semaphore, #tpu.memory_space<semaphore_mem>>)
    %dma_start3A_83 = tpu.memref_slice %arg4[%mul3A_80] : memref<802816xi32, #tpu.memory_space<hbm>> -> memref<256xi32, #tpu.memory_space<hbm>>
    %dma_start3A_84 = tpu.memref_slice %arg4[%mul3A_80] : memref<802816xi32, #tpu.memory_space<hbm>> -> memref<256xi32, #tpu.memory_space<hbm>>
    tpu.enqueue_dma source(%dma_start3A_84 : memref<256xi32, #tpu.memory_space<hbm>>) target(%arg12 : memref<256xi32, #tpu.memory_space<vmem>>) target_semaphore(%arg26 : memref<!tpu.dma_semaphore, #tpu.memory_space<semaphore_mem>>)
    %scan3A = arith.constant 0 : i32
    %scan3A_85 = arith.constant 0 : i32
    %scan3A_86 = arith.constant 64 : i32
    %scan3A_87 = arith.addi %scan3A_85, %scan3A_86 : i32
    %scan3A_88 = arith.constant 1 : i32
    scf.for %scan3A_314 = %scan3A_85 to %scan3A_87 step %scan3A_88  : i32 {
      %mul3A_315 = arith.constant 3 : i32
      %mul3A_316 = arith.muli %mul3A_315, %scan3A_314 : i32
      %add3A_317 = arith.constant 2 : i32
      %add3A_318 = arith.addi %add3A_317, %mul3A_316 : i32
      %add3A_319 = arith.constant 0 : i32
      %add3A_320 = arith.addi %add3A_318, %add3A_319 : i32
      %dma_wait3A_321 = arith.constant 0 : i32
      %dma_wait3A_322 = tpu.memref_slice %arg3[%dma_wait3A_321] : memref<802816xi32, #tpu.memory_space<hbm>> -> memref<256xi32, #tpu.memory_space<hbm>>
      %dma_wait3A_323 = arith.constant 0 : i32
      %dma_wait3A_324 = tpu.memref_slice %arg3[%dma_wait3A_323] : memref<802816xi32, #tpu.memory_space<hbm>> -> memref<256xi32, #tpu.memory_space<hbm>>
      tpu.wait_dma2 semaphore(%arg28 : memref<!tpu.dma_semaphore, #tpu.memory_space<semaphore_mem>>) src(%dma_wait3A_324 : memref<256xi32, #tpu.memory_space<hbm>>) dst(%arg17 : memref<256xi32, #tpu.memory_space<vmem>>)
      %dma_wait3A_325 = arith.constant 0 : i32
      %dma_wait3A_326 = tpu.memref_slice %arg4[%dma_wait3A_325] : memref<802816xi32, #tpu.memory_space<hbm>> -> memref<256xi32, #tpu.memory_space<hbm>>
      %dma_wait3A_327 = arith.constant 0 : i32
      %dma_wait3A_328 = tpu.memref_slice %arg4[%dma_wait3A_327] : memref<802816xi32, #tpu.memory_space<hbm>> -> memref<256xi32, #tpu.memory_space<hbm>>
      tpu.wait_dma2 semaphore(%arg28 : memref<!tpu.dma_semaphore, #tpu.memory_space<semaphore_mem>>) src(%dma_wait3A_328 : memref<256xi32, #tpu.memory_space<hbm>>) dst(%arg18 : memref<256xi32, #tpu.memory_space<vmem>>)
      %dma_start3A_329 = arith.constant 0 : i32
      %dma_start3A_330 = arith.constant 0 : i32
      %dma_start3A_331 = tpu.memref_slice %arg2[%arg0, %dma_start3A_329, %dma_start3A_330] : memref<2x10000x32xf32, #tpu.memory_space<hbm>> -> memref<1x10000x32xf32, #tpu.memory_space<hbm>>
      %dma_start3A_332 = tpu.memref_squeeze %dma_start3A_331 : memref<1x10000x32xf32, #tpu.memory_space<hbm>> -> memref<10000x32xf32, #tpu.memory_space<hbm>>
      %dma_start3A_333 = arith.constant 0 : i32
      %dma_start3A_334 = arith.constant 0 : i32
      %dma_start3A_335 = tpu.memref_slice %dma_start3A_332[%dma_start3A_333, %dma_start3A_334] : memref<10000x32xf32, #tpu.memory_space<hbm>> -> memref<10000x32xf32, #tpu.memory_space<hbm>>
      tpu.enqueue_indirect_dma source(%dma_start3A_335 : memref<10000x32xf32, #tpu.memory_space<hbm>>) target(%arg19 : memref<256x32xf32, #tpu.memory_space<vmem>>) offsets(%arg17 : memref<256xi32, #tpu.memory_space<vmem>>) semaphore(%arg22 : memref<!tpu.dma_semaphore, #tpu.memory_space<semaphore_mem>>)
      %dma_wait3A_336 = arith.constant 0 : i32
      %dma_wait3A_337 = arith.constant 0 : i32
      %dma_wait3A_338 = tpu.memref_slice %arg2[%arg0, %dma_wait3A_336, %dma_wait3A_337] : memref<2x10000x32xf32, #tpu.memory_space<hbm>> -> memref<1x10000x32xf32, #tpu.memory_space<hbm>>
      %dma_wait3A_339 = tpu.memref_squeeze %dma_wait3A_338 : memref<1x10000x32xf32, #tpu.memory_space<hbm>> -> memref<10000x32xf32, #tpu.memory_space<hbm>>
      %dma_wait3A_340 = arith.constant 0 : i32
      %dma_wait3A_341 = arith.constant 0 : i32
      %dma_wait3A_342 = tpu.memref_slice %dma_wait3A_339[%dma_wait3A_340, %dma_wait3A_341] : memref<10000x32xf32, #tpu.memory_space<hbm>> -> memref<10000x32xf32, #tpu.memory_space<hbm>>
      tpu.wait_indirect_dma semaphore(%arg22 : memref<!tpu.dma_semaphore, #tpu.memory_space<semaphore_mem>>) src(%dma_wait3A_342 : memref<10000x32xf32, #tpu.memory_space<hbm>>) dst(%arg19 : memref<256x32xf32, #tpu.memory_space<vmem>>)
      %dma_start3A_343 = arith.constant 0 : i32
      %dma_start3A_344 = arith.constant 0 : i32
      %dma_start3A_345 = tpu.memref_slice %arg29[%dma_start3A_343, %dma_start3A_344] : memref<50176x32xf32, #tpu.memory_space<vmem_shared>> -> memref<50176x32xf32, #tpu.memory_space<vmem_shared>>
      tpu.enqueue_indirect_dma source(%arg19 : memref<256x32xf32, #tpu.memory_space<vmem>>) target(%dma_start3A_345 : memref<50176x32xf32, #tpu.memory_space<vmem_shared>>) offsets(%arg18 : memref<256xi32, #tpu.memory_space<vmem>>) semaphore(%arg25 : memref<!tpu.dma_semaphore, #tpu.memory_space<semaphore_mem>>) {add = true}
      %dma_wait3A_346 = arith.constant 0 : i32
      %dma_wait3A_347 = arith.constant 0 : i32
      %dma_wait3A_348 = tpu.memref_slice %arg29[%dma_wait3A_346, %dma_wait3A_347] : memref<50176x32xf32, #tpu.memory_space<vmem_shared>> -> memref<50176x32xf32, #tpu.memory_space<vmem_shared>>
      tpu.wait_indirect_dma semaphore(%arg24 : memref<!tpu.dma_semaphore, #tpu.memory_space<semaphore_mem>>) src(%arg16 : memref<256x32xf32, #tpu.memory_space<vmem>>) dst(%dma_wait3A_348 : memref<50176x32xf32, #tpu.memory_space<vmem_shared>>)
      %add3A_349 = arith.constant 2 : i32
      %add3A_350 = arith.addi %add3A_320, %add3A_349 : i32
      %min3A = arith.constant 195 : i32
      %min3A_351 = arith.minsi %add3A_350, %min3A : i32
      %mul3A_352 = arith.constant 2 : i32
      %mul3A_353 = arith.muli %min3A_351, %mul3A_352 : i32
      %add3A_354 = arith.addi %mul3A_2, %mul3A_353 : i32
      %mul3A_355 = arith.constant 128 : i32
      %mul3A_356 = arith.muli %add3A_354, %mul3A_355 : i32
      %dma_start3A_357 = tpu.memref_slice %arg3[%mul3A_356] : memref<802816xi32, #tpu.memory_space<hbm>> -> memref<256xi32, #tpu.memory_space<hbm>>
      %dma_start3A_358 = tpu.memref_slice %arg3[%mul3A_356] : memref<802816xi32, #tpu.memory_space<hbm>> -> memref<256xi32, #tpu.memory_space<hbm>>
      tpu.enqueue_dma source(%dma_start3A_358 : memref<256xi32, #tpu.memory_space<hbm>>) target(%arg14 : memref<256xi32, #tpu.memory_space<vmem>>) target_semaphore(%arg27 : memref<!tpu.dma_semaphore, #tpu.memory_space<semaphore_mem>>)
      %dma_start3A_359 = tpu.memref_slice %arg4[%mul3A_356] : memref<802816xi32, #tpu.memory_space<hbm>> -> memref<256xi32, #tpu.memory_space<hbm>>
      %dma_start3A_360 = tpu.memref_slice %arg4[%mul3A_356] : memref<802816xi32, #tpu.memory_space<hbm>> -> memref<256xi32, #tpu.memory_space<hbm>>
      tpu.enqueue_dma source(%dma_start3A_360 : memref<256xi32, #tpu.memory_space<hbm>>) target(%arg15 : memref<256xi32, #tpu.memory_space<vmem>>) target_semaphore(%arg27 : memref<!tpu.dma_semaphore, #tpu.memory_space<semaphore_mem>>)
      %mul3A_361 = arith.constant 3 : i32
      %mul3A_362 = arith.muli %mul3A_361, %scan3A_314 : i32
      %add3A_363 = arith.constant 2 : i32
      %add3A_364 = arith.addi %add3A_363, %mul3A_362 : i32
      %add3A_365 = arith.constant 1 : i32
      %add3A_366 = arith.addi %add3A_364, %add3A_365 : i32
      %dma_wait3A_367 = arith.constant 0 : i32
      %dma_wait3A_368 = tpu.memref_slice %arg3[%dma_wait3A_367] : memref<802816xi32, #tpu.memory_space<hbm>> -> memref<256xi32, #tpu.memory_space<hbm>>
      %dma_wait3A_369 = arith.constant 0 : i32
      %dma_wait3A_370 = tpu.memref_slice %arg3[%dma_wait3A_369] : memref<802816xi32, #tpu.memory_space<hbm>> -> memref<256xi32, #tpu.memory_space<hbm>>
      tpu.wait_dma2 semaphore(%arg26 : memref<!tpu.dma_semaphore, #tpu.memory_space<semaphore_mem>>) src(%dma_wait3A_370 : memref<256xi32, #tpu.memory_space<hbm>>) dst(%arg11 : memref<256xi32, #tpu.memory_space<vmem>>)
      %dma_wait3A_371 = arith.constant 0 : i32
      %dma_wait3A_372 = tpu.memref_slice %arg4[%dma_wait3A_371] : memref<802816xi32, #tpu.memory_space<hbm>> -> memref<256xi32, #tpu.memory_space<hbm>>
      %dma_wait3A_373 = arith.constant 0 : i32
      %dma_wait3A_374 = tpu.memref_slice %arg4[%dma_wait3A_373] : memref<802816xi32, #tpu.memory_space<hbm>> -> memref<256xi32, #tpu.memory_space<hbm>>
      tpu.wait_dma2 semaphore(%arg26 : memref<!tpu.dma_semaphore, #tpu.memory_space<semaphore_mem>>) src(%dma_wait3A_374 : memref<256xi32, #tpu.memory_space<hbm>>) dst(%arg12 : memref<256xi32, #tpu.memory_space<vmem>>)
      %dma_start3A_375 = arith.constant 0 : i32
      %dma_start3A_376 = arith.constant 0 : i32
      %dma_start3A_377 = tpu.memref_slice %arg2[%arg0, %dma_start3A_375, %dma_start3A_376] : memref<2x10000x32xf32, #tpu.memory_space<hbm>> -> memref<1x10000x32xf32, #tpu.memory_space<hbm>>
      %dma_start3A_378 = tpu.memref_squeeze %dma_start3A_377 : memref<1x10000x32xf32, #tpu.memory_space<hbm>> -> memref<10000x32xf32, #tpu.memory_space<hbm>>
      %dma_start3A_379 = arith.constant 0 : i32
      %dma_start3A_380 = arith.constant 0 : i32
      %dma_start3A_381 = tpu.memref_slice %dma_start3A_378[%dma_start3A_379, %dma_start3A_380] : memref<10000x32xf32, #tpu.memory_space<hbm>> -> memref<10000x32xf32, #tpu.memory_space<hbm>>
      tpu.enqueue_indirect_dma source(%dma_start3A_381 : memref<10000x32xf32, #tpu.memory_space<hbm>>) target(%arg13 : memref<256x32xf32, #tpu.memory_space<vmem>>) offsets(%arg11 : memref<256xi32, #tpu.memory_space<vmem>>) semaphore(%arg20 : memref<!tpu.dma_semaphore, #tpu.memory_space<semaphore_mem>>)
      %dma_wait3A_382 = arith.constant 0 : i32
      %dma_wait3A_383 = arith.constant 0 : i32
      %dma_wait3A_384 = tpu.memref_slice %arg2[%arg0, %dma_wait3A_382, %dma_wait3A_383] : memref<2x10000x32xf32, #tpu.memory_space<hbm>> -> memref<1x10000x32xf32, #tpu.memory_space<hbm>>
      %dma_wait3A_385 = tpu.memref_squeeze %dma_wait3A_384 : memref<1x10000x32xf32, #tpu.memory_space<hbm>> -> memref<10000x32xf32, #tpu.memory_space<hbm>>
      %dma_wait3A_386 = arith.constant 0 : i32
      %dma_wait3A_387 = arith.constant 0 : i32
      %dma_wait3A_388 = tpu.memref_slice %dma_wait3A_385[%dma_wait3A_386, %dma_wait3A_387] : memref<10000x32xf32, #tpu.memory_space<hbm>> -> memref<10000x32xf32, #tpu.memory_space<hbm>>
      tpu.wait_indirect_dma semaphore(%arg20 : memref<!tpu.dma_semaphore, #tpu.memory_space<semaphore_mem>>) src(%dma_wait3A_388 : memref<10000x32xf32, #tpu.memory_space<hbm>>) dst(%arg13 : memref<256x32xf32, #tpu.memory_space<vmem>>)
      %dma_start3A_389 = arith.constant 0 : i32
      %dma_start3A_390 = arith.constant 0 : i32
      %dma_start3A_391 = tpu.memref_slice %arg29[%dma_start3A_389, %dma_start3A_390] : memref<50176x32xf32, #tpu.memory_space<vmem_shared>> -> memref<50176x32xf32, #tpu.memory_space<vmem_shared>>
      tpu.enqueue_indirect_dma source(%arg13 : memref<256x32xf32, #tpu.memory_space<vmem>>) target(%dma_start3A_391 : memref<50176x32xf32, #tpu.memory_space<vmem_shared>>) offsets(%arg12 : memref<256xi32, #tpu.memory_space<vmem>>) semaphore(%arg23 : memref<!tpu.dma_semaphore, #tpu.memory_space<semaphore_mem>>) {add = true}
      %dma_wait3A_392 = arith.constant 0 : i32
      %dma_wait3A_393 = arith.constant 0 : i32
      %dma_wait3A_394 = tpu.memref_slice %arg29[%dma_wait3A_392, %dma_wait3A_393] : memref<50176x32xf32, #tpu.memory_space<vmem_shared>> -> memref<50176x32xf32, #tpu.memory_space<vmem_shared>>
      tpu.wait_indirect_dma semaphore(%arg25 : memref<!tpu.dma_semaphore, #tpu.memory_space<semaphore_mem>>) src(%arg19 : memref<256x32xf32, #tpu.memory_space<vmem>>) dst(%dma_wait3A_394 : memref<50176x32xf32, #tpu.memory_space<vmem_shared>>)
      %add3A_395 = arith.constant 2 : i32
      %add3A_396 = arith.addi %add3A_366, %add3A_395 : i32
      %min3A_397 = arith.constant 195 : i32
      %min3A_398 = arith.minsi %add3A_396, %min3A_397 : i32
      %mul3A_399 = arith.constant 2 : i32
      %mul3A_400 = arith.muli %min3A_398, %mul3A_399 : i32
      %add3A_401 = arith.addi %mul3A_2, %mul3A_400 : i32
      %mul3A_402 = arith.constant 128 : i32
      %mul3A_403 = arith.muli %add3A_401, %mul3A_402 : i32
      %dma_start3A_404 = tpu.memref_slice %arg3[%mul3A_403] : memref<802816xi32, #tpu.memory_space<hbm>> -> memref<256xi32, #tpu.memory_space<hbm>>
      %dma_start3A_405 = tpu.memref_slice %arg3[%mul3A_403] : memref<802816xi32, #tpu.memory_space<hbm>> -> memref<256xi32, #tpu.memory_space<hbm>>
      tpu.enqueue_dma source(%dma_start3A_405 : memref<256xi32, #tpu.memory_space<hbm>>) target(%arg17 : memref<256xi32, #tpu.memory_space<vmem>>) target_semaphore(%arg28 : memref<!tpu.dma_semaphore, #tpu.memory_space<semaphore_mem>>)
      %dma_start3A_406 = tpu.memref_slice %arg4[%mul3A_403] : memref<802816xi32, #tpu.memory_space<hbm>> -> memref<256xi32, #tpu.memory_space<hbm>>
      %dma_start3A_407 = tpu.memref_slice %arg4[%mul3A_403] : memref<802816xi32, #tpu.memory_space<hbm>> -> memref<256xi32, #tpu.memory_space<hbm>>
      tpu.enqueue_dma source(%dma_start3A_407 : memref<256xi32, #tpu.memory_space<hbm>>) target(%arg18 : memref<256xi32, #tpu.memory_space<vmem>>) target_semaphore(%arg28 : memref<!tpu.dma_semaphore, #tpu.memory_space<semaphore_mem>>)
      %mul3A_408 = arith.constant 3 : i32
      %mul3A_409 = arith.muli %mul3A_408, %scan3A_314 : i32
      %add3A_410 = arith.constant 2 : i32
      %add3A_411 = arith.addi %add3A_410, %mul3A_409 : i32
      %add3A_412 = arith.constant 2 : i32
      %add3A_413 = arith.addi %add3A_411, %add3A_412 : i32
      %dma_wait3A_414 = arith.constant 0 : i32
      %dma_wait3A_415 = tpu.memref_slice %arg3[%dma_wait3A_414] : memref<802816xi32, #tpu.memory_space<hbm>> -> memref<256xi32, #tpu.memory_space<hbm>>
      %dma_wait3A_416 = arith.constant 0 : i32
      %dma_wait3A_417 = tpu.memref_slice %arg3[%dma_wait3A_416] : memref<802816xi32, #tpu.memory_space<hbm>> -> memref<256xi32, #tpu.memory_space<hbm>>
      tpu.wait_dma2 semaphore(%arg27 : memref<!tpu.dma_semaphore, #tpu.memory_space<semaphore_mem>>) src(%dma_wait3A_417 : memref<256xi32, #tpu.memory_space<hbm>>) dst(%arg14 : memref<256xi32, #tpu.memory_space<vmem>>)
      %dma_wait3A_418 = arith.constant 0 : i32
      %dma_wait3A_419 = tpu.memref_slice %arg4[%dma_wait3A_418] : memref<802816xi32, #tpu.memory_space<hbm>> -> memref<256xi32, #tpu.memory_space<hbm>>
      %dma_wait3A_420 = arith.constant 0 : i32
      %dma_wait3A_421 = tpu.memref_slice %arg4[%dma_wait3A_420] : memref<802816xi32, #tpu.memory_space<hbm>> -> memref<256xi32, #tpu.memory_space<hbm>>
      tpu.wait_dma2 semaphore(%arg27 : memref<!tpu.dma_semaphore, #tpu.memory_space<semaphore_mem>>) src(%dma_wait3A_421 : memref<256xi32, #tpu.memory_space<hbm>>) dst(%arg15 : memref<256xi32, #tpu.memory_space<vmem>>)
      %dma_start3A_422 = arith.constant 0 : i32
      %dma_start3A_423 = arith.constant 0 : i32
      %dma_start3A_424 = tpu.memref_slice %arg2[%arg0, %dma_start3A_422, %dma_start3A_423] : memref<2x10000x32xf32, #tpu.memory_space<hbm>> -> memref<1x10000x32xf32, #tpu.memory_space<hbm>>
      %dma_start3A_425 = tpu.memref_squeeze %dma_start3A_424 : memref<1x10000x32xf32, #tpu.memory_space<hbm>> -> memref<10000x32xf32, #tpu.memory_space<hbm>>
      %dma_start3A_426 = arith.constant 0 : i32
      %dma_start3A_427 = arith.constant 0 : i32
      %dma_start3A_428 = tpu.memref_slice %dma_start3A_425[%dma_start3A_426, %dma_start3A_427] : memref<10000x32xf32, #tpu.memory_space<hbm>> -> memref<10000x32xf32, #tpu.memory_space<hbm>>
      tpu.enqueue_indirect_dma source(%dma_start3A_428 : memref<10000x32xf32, #tpu.memory_space<hbm>>) target(%arg16 : memref<256x32xf32, #tpu.memory_space<vmem>>) offsets(%arg14 : memref<256xi32, #tpu.memory_space<vmem>>) semaphore(%arg21 : memref<!tpu.dma_semaphore, #tpu.memory_space<semaphore_mem>>)
      %dma_wait3A_429 = arith.constant 0 : i32
      %dma_wait3A_430 = arith.constant 0 : i32
      %dma_wait3A_431 = tpu.memref_slice %arg2[%arg0, %dma_wait3A_429, %dma_wait3A_430] : memref<2x10000x32xf32, #tpu.memory_space<hbm>> -> memref<1x10000x32xf32, #tpu.memory_space<hbm>>
      %dma_wait3A_432 = tpu.memref_squeeze %dma_wait3A_431 : memref<1x10000x32xf32, #tpu.memory_space<hbm>> -> memref<10000x32xf32, #tpu.memory_space<hbm>>
      %dma_wait3A_433 = arith.constant 0 : i32
      %dma_wait3A_434 = arith.constant 0 : i32
      %dma_wait3A_435 = tpu.memref_slice %dma_wait3A_432[%dma_wait3A_433, %dma_wait3A_434] : memref<10000x32xf32, #tpu.memory_space<hbm>> -> memref<10000x32xf32, #tpu.memory_space<hbm>>
      tpu.wait_indirect_dma semaphore(%arg21 : memref<!tpu.dma_semaphore, #tpu.memory_space<semaphore_mem>>) src(%dma_wait3A_435 : memref<10000x32xf32, #tpu.memory_space<hbm>>) dst(%arg16 : memref<256x32xf32, #tpu.memory_space<vmem>>)
      %dma_start3A_436 = arith.constant 0 : i32
      %dma_start3A_437 = arith.constant 0 : i32
      %dma_start3A_438 = tpu.memref_slice %arg29[%dma_start3A_436, %dma_start3A_437] : memref<50176x32xf32, #tpu.memory_space<vmem_shared>> -> memref<50176x32xf32, #tpu.memory_space<vmem_shared>>
      tpu.enqueue_indirect_dma source(%arg16 : memref<256x32xf32, #tpu.memory_space<vmem>>) target(%dma_start3A_438 : memref<50176x32xf32, #tpu.memory_space<vmem_shared>>) offsets(%arg15 : memref<256xi32, #tpu.memory_space<vmem>>) semaphore(%arg24 : memref<!tpu.dma_semaphore, #tpu.memory_space<semaphore_mem>>) {add = true}
      %dma_wait3A_439 = arith.constant 0 : i32
      %dma_wait3A_440 = arith.constant 0 : i32
      %dma_wait3A_441 = tpu.memref_slice %arg29[%dma_wait3A_439, %dma_wait3A_440] : memref<50176x32xf32, #tpu.memory_space<vmem_shared>> -> memref<50176x32xf32, #tpu.memory_space<vmem_shared>>
      tpu.wait_indirect_dma semaphore(%arg23 : memref<!tpu.dma_semaphore, #tpu.memory_space<semaphore_mem>>) src(%arg13 : memref<256x32xf32, #tpu.memory_space<vmem>>) dst(%dma_wait3A_441 : memref<50176x32xf32, #tpu.memory_space<vmem_shared>>)
      %add3A_442 = arith.constant 2 : i32
      %add3A_443 = arith.addi %add3A_413, %add3A_442 : i32
      %min3A_444 = arith.constant 195 : i32
      %min3A_445 = arith.minsi %add3A_443, %min3A_444 : i32
      %mul3A_446 = arith.constant 2 : i32
      %mul3A_447 = arith.muli %min3A_445, %mul3A_446 : i32
      %add3A_448 = arith.addi %mul3A_2, %mul3A_447 : i32
      %mul3A_449 = arith.constant 128 : i32
      %mul3A_450 = arith.muli %add3A_448, %mul3A_449 : i32
      %dma_start3A_451 = tpu.memref_slice %arg3[%mul3A_450] : memref<802816xi32, #tpu.memory_space<hbm>> -> memref<256xi32, #tpu.memory_space<hbm>>
      %dma_start3A_452 = tpu.memref_slice %arg3[%mul3A_450] : memref<802816xi32, #tpu.memory_space<hbm>> -> memref<256xi32, #tpu.memory_space<hbm>>
      tpu.enqueue_dma source(%dma_start3A_452 : memref<256xi32, #tpu.memory_space<hbm>>) target(%arg11 : memref<256xi32, #tpu.memory_space<vmem>>) target_semaphore(%arg26 : memref<!tpu.dma_semaphore, #tpu.memory_space<semaphore_mem>>)
      %dma_start3A_453 = tpu.memref_slice %arg4[%mul3A_450] : memref<802816xi32, #tpu.memory_space<hbm>> -> memref<256xi32, #tpu.memory_space<hbm>>
      %dma_start3A_454 = tpu.memref_slice %arg4[%mul3A_450] : memref<802816xi32, #tpu.memory_space<hbm>> -> memref<256xi32, #tpu.memory_space<hbm>>
      tpu.enqueue_dma source(%dma_start3A_454 : memref<256xi32, #tpu.memory_space<hbm>>) target(%arg12 : memref<256xi32, #tpu.memory_space<vmem>>) target_semaphore(%arg26 : memref<!tpu.dma_semaphore, #tpu.memory_space<semaphore_mem>>)
    }
    %scan3A_89 = arith.constant 64 : i32
    %dma_wait3A_90 = arith.constant 0 : i32
    %dma_wait3A_91 = tpu.memref_slice %arg3[%dma_wait3A_90] : memref<802816xi32, #tpu.memory_space<hbm>> -> memref<256xi32, #tpu.memory_space<hbm>>
    %dma_wait3A_92 = arith.constant 0 : i32
    %dma_wait3A_93 = tpu.memref_slice %arg3[%dma_wait3A_92] : memref<802816xi32, #tpu.memory_space<hbm>> -> memref<256xi32, #tpu.memory_space<hbm>>
    tpu.wait_dma2 semaphore(%arg28 : memref<!tpu.dma_semaphore, #tpu.memory_space<semaphore_mem>>) src(%dma_wait3A_93 : memref<256xi32, #tpu.memory_space<hbm>>) dst(%arg17 : memref<256xi32, #tpu.memory_space<vmem>>)
    %dma_wait3A_94 = arith.constant 0 : i32
    %dma_wait3A_95 = tpu.memref_slice %arg4[%dma_wait3A_94] : memref<802816xi32, #tpu.memory_space<hbm>> -> memref<256xi32, #tpu.memory_space<hbm>>
    %dma_wait3A_96 = arith.constant 0 : i32
    %dma_wait3A_97 = tpu.memref_slice %arg4[%dma_wait3A_96] : memref<802816xi32, #tpu.memory_space<hbm>> -> memref<256xi32, #tpu.memory_space<hbm>>
    tpu.wait_dma2 semaphore(%arg28 : memref<!tpu.dma_semaphore, #tpu.memory_space<semaphore_mem>>) src(%dma_wait3A_97 : memref<256xi32, #tpu.memory_space<hbm>>) dst(%arg18 : memref<256xi32, #tpu.memory_space<vmem>>)
    %dma_start3A_98 = arith.constant 0 : i32
    %dma_start3A_99 = arith.constant 0 : i32
    %dma_start3A_100 = tpu.memref_slice %arg2[%arg0, %dma_start3A_98, %dma_start3A_99] : memref<2x10000x32xf32, #tpu.memory_space<hbm>> -> memref<1x10000x32xf32, #tpu.memory_space<hbm>>
    %dma_start3A_101 = tpu.memref_squeeze %dma_start3A_100 : memref<1x10000x32xf32, #tpu.memory_space<hbm>> -> memref<10000x32xf32, #tpu.memory_space<hbm>>
    %dma_start3A_102 = arith.constant 0 : i32
    %dma_start3A_103 = arith.constant 0 : i32
    %dma_start3A_104 = tpu.memref_slice %dma_start3A_101[%dma_start3A_102, %dma_start3A_103] : memref<10000x32xf32, #tpu.memory_space<hbm>> -> memref<10000x32xf32, #tpu.memory_space<hbm>>
    tpu.enqueue_indirect_dma source(%dma_start3A_104 : memref<10000x32xf32, #tpu.memory_space<hbm>>) target(%arg19 : memref<256x32xf32, #tpu.memory_space<vmem>>) offsets(%arg17 : memref<256xi32, #tpu.memory_space<vmem>>) semaphore(%arg22 : memref<!tpu.dma_semaphore, #tpu.memory_space<semaphore_mem>>)
    %dma_wait3A_105 = arith.constant 0 : i32
    %dma_wait3A_106 = arith.constant 0 : i32
    %dma_wait3A_107 = tpu.memref_slice %arg2[%arg0, %dma_wait3A_105, %dma_wait3A_106] : memref<2x10000x32xf32, #tpu.memory_space<hbm>> -> memref<1x10000x32xf32, #tpu.memory_space<hbm>>
    %dma_wait3A_108 = tpu.memref_squeeze %dma_wait3A_107 : memref<1x10000x32xf32, #tpu.memory_space<hbm>> -> memref<10000x32xf32, #tpu.memory_space<hbm>>
    %dma_wait3A_109 = arith.constant 0 : i32
    %dma_wait3A_110 = arith.constant 0 : i32
    %dma_wait3A_111 = tpu.memref_slice %dma_wait3A_108[%dma_wait3A_109, %dma_wait3A_110] : memref<10000x32xf32, #tpu.memory_space<hbm>> -> memref<10000x32xf32, #tpu.memory_space<hbm>>
    tpu.wait_indirect_dma semaphore(%arg22 : memref<!tpu.dma_semaphore, #tpu.memory_space<semaphore_mem>>) src(%dma_wait3A_111 : memref<10000x32xf32, #tpu.memory_space<hbm>>) dst(%arg19 : memref<256x32xf32, #tpu.memory_space<vmem>>)
    %dma_start3A_112 = arith.constant 0 : i32
    %dma_start3A_113 = arith.constant 0 : i32
    %dma_start3A_114 = tpu.memref_slice %arg29[%dma_start3A_112, %dma_start3A_113] : memref<50176x32xf32, #tpu.memory_space<vmem_shared>> -> memref<50176x32xf32, #tpu.memory_space<vmem_shared>>
    tpu.enqueue_indirect_dma source(%arg19 : memref<256x32xf32, #tpu.memory_space<vmem>>) target(%dma_start3A_114 : memref<50176x32xf32, #tpu.memory_space<vmem_shared>>) offsets(%arg18 : memref<256xi32, #tpu.memory_space<vmem>>) semaphore(%arg25 : memref<!tpu.dma_semaphore, #tpu.memory_space<semaphore_mem>>) {add = true}
    %dma_wait3A_115 = arith.constant 0 : i32
    %dma_wait3A_116 = arith.constant 0 : i32
    %dma_wait3A_117 = tpu.memref_slice %arg29[%dma_wait3A_115, %dma_wait3A_116] : memref<50176x32xf32, #tpu.memory_space<vmem_shared>> -> memref<50176x32xf32, #tpu.memory_space<vmem_shared>>
    tpu.wait_indirect_dma semaphore(%arg24 : memref<!tpu.dma_semaphore, #tpu.memory_space<semaphore_mem>>) src(%arg16 : memref<256x32xf32, #tpu.memory_space<vmem>>) dst(%dma_wait3A_117 : memref<50176x32xf32, #tpu.memory_space<vmem_shared>>)
    %dma_wait3A_118 = arith.constant 0 : i32
    %dma_wait3A_119 = tpu.memref_slice %arg3[%dma_wait3A_118] : memref<802816xi32, #tpu.memory_space<hbm>> -> memref<256xi32, #tpu.memory_space<hbm>>
    %dma_wait3A_120 = arith.constant 0 : i32
    %dma_wait3A_121 = tpu.memref_slice %arg3[%dma_wait3A_120] : memref<802816xi32, #tpu.memory_space<hbm>> -> memref<256xi32, #tpu.memory_space<hbm>>
    tpu.wait_dma2 semaphore(%arg26 : memref<!tpu.dma_semaphore, #tpu.memory_space<semaphore_mem>>) src(%dma_wait3A_121 : memref<256xi32, #tpu.memory_space<hbm>>) dst(%arg11 : memref<256xi32, #tpu.memory_space<vmem>>)
    %dma_wait3A_122 = arith.constant 0 : i32
    %dma_wait3A_123 = tpu.memref_slice %arg4[%dma_wait3A_122] : memref<802816xi32, #tpu.memory_space<hbm>> -> memref<256xi32, #tpu.memory_space<hbm>>
    %dma_wait3A_124 = arith.constant 0 : i32
    %dma_wait3A_125 = tpu.memref_slice %arg4[%dma_wait3A_124] : memref<802816xi32, #tpu.memory_space<hbm>> -> memref<256xi32, #tpu.memory_space<hbm>>
    tpu.wait_dma2 semaphore(%arg26 : memref<!tpu.dma_semaphore, #tpu.memory_space<semaphore_mem>>) src(%dma_wait3A_125 : memref<256xi32, #tpu.memory_space<hbm>>) dst(%arg12 : memref<256xi32, #tpu.memory_space<vmem>>)
    %dma_start3A_126 = arith.constant 0 : i32
    %dma_start3A_127 = arith.constant 0 : i32
    %dma_start3A_128 = tpu.memref_slice %arg2[%arg0, %dma_start3A_126, %dma_start3A_127] : memref<2x10000x32xf32, #tpu.memory_space<hbm>> -> memref<1x10000x32xf32, #tpu.memory_space<hbm>>
    %dma_start3A_129 = tpu.memref_squeeze %dma_start3A_128 : memref<1x10000x32xf32, #tpu.memory_space<hbm>> -> memref<10000x32xf32, #tpu.memory_space<hbm>>
    %dma_start3A_130 = arith.constant 0 : i32
    %dma_start3A_131 = arith.constant 0 : i32
    %dma_start3A_132 = tpu.memref_slice %dma_start3A_129[%dma_start3A_130, %dma_start3A_131] : memref<10000x32xf32, #tpu.memory_space<hbm>> -> memref<10000x32xf32, #tpu.memory_space<hbm>>
    tpu.enqueue_indirect_dma source(%dma_start3A_132 : memref<10000x32xf32, #tpu.memory_space<hbm>>) target(%arg13 : memref<256x32xf32, #tpu.memory_space<vmem>>) offsets(%arg11 : memref<256xi32, #tpu.memory_space<vmem>>) semaphore(%arg20 : memref<!tpu.dma_semaphore, #tpu.memory_space<semaphore_mem>>)
    %dma_wait3A_133 = arith.constant 0 : i32
    %dma_wait3A_134 = arith.constant 0 : i32
    %dma_wait3A_135 = tpu.memref_slice %arg2[%arg0, %dma_wait3A_133, %dma_wait3A_134] : memref<2x10000x32xf32, #tpu.memory_space<hbm>> -> memref<1x10000x32xf32, #tpu.memory_space<hbm>>
    %dma_wait3A_136 = tpu.memref_squeeze %dma_wait3A_135 : memref<1x10000x32xf32, #tpu.memory_space<hbm>> -> memref<10000x32xf32, #tpu.memory_space<hbm>>
    %dma_wait3A_137 = arith.constant 0 : i32
    %dma_wait3A_138 = arith.constant 0 : i32
    %dma_wait3A_139 = tpu.memref_slice %dma_wait3A_136[%dma_wait3A_137, %dma_wait3A_138] : memref<10000x32xf32, #tpu.memory_space<hbm>> -> memref<10000x32xf32, #tpu.memory_space<hbm>>
    tpu.wait_indirect_dma semaphore(%arg20 : memref<!tpu.dma_semaphore, #tpu.memory_space<semaphore_mem>>) src(%dma_wait3A_139 : memref<10000x32xf32, #tpu.memory_space<hbm>>) dst(%arg13 : memref<256x32xf32, #tpu.memory_space<vmem>>)
    %dma_start3A_140 = arith.constant 0 : i32
    %dma_start3A_141 = arith.constant 0 : i32
    %dma_start3A_142 = tpu.memref_slice %arg29[%dma_start3A_140, %dma_start3A_141] : memref<50176x32xf32, #tpu.memory_space<vmem_shared>> -> memref<50176x32xf32, #tpu.memory_space<vmem_shared>>
    tpu.enqueue_indirect_dma source(%arg13 : memref<256x32xf32, #tpu.memory_space<vmem>>) target(%dma_start3A_142 : memref<50176x32xf32, #tpu.memory_space<vmem_shared>>) offsets(%arg12 : memref<256xi32, #tpu.memory_space<vmem>>) semaphore(%arg23 : memref<!tpu.dma_semaphore, #tpu.memory_space<semaphore_mem>>) {add = true}
    %dma_wait3A_143 = arith.constant 0 : i32
    %dma_wait3A_144 = arith.constant 0 : i32
    %dma_wait3A_145 = tpu.memref_slice %arg29[%dma_wait3A_143, %dma_wait3A_144] : memref<50176x32xf32, #tpu.memory_space<vmem_shared>> -> memref<50176x32xf32, #tpu.memory_space<vmem_shared>>
    tpu.wait_indirect_dma semaphore(%arg25 : memref<!tpu.dma_semaphore, #tpu.memory_space<semaphore_mem>>) src(%arg19 : memref<256x32xf32, #tpu.memory_space<vmem>>) dst(%dma_wait3A_145 : memref<50176x32xf32, #tpu.memory_space<vmem_shared>>)
    %dma_wait3A_146 = arith.constant 0 : i32
    %dma_wait3A_147 = arith.constant 0 : i32
    %dma_wait3A_148 = tpu.memref_slice %arg29[%dma_wait3A_146, %dma_wait3A_147] : memref<50176x32xf32, #tpu.memory_space<vmem_shared>> -> memref<50176x32xf32, #tpu.memory_space<vmem_shared>>
    tpu.wait_indirect_dma semaphore(%arg23 : memref<!tpu.dma_semaphore, #tpu.memory_space<semaphore_mem>>) src(%arg13 : memref<256x32xf32, #tpu.memory_space<vmem>>) dst(%dma_wait3A_148 : memref<50176x32xf32, #tpu.memory_space<vmem_shared>>)
    %barrier3A_149 = arith.constant 0 : index
    tpu.barrier barrier_id(%barrier3A_149)
    %mul3A_150 = arith.constant 3136 : i32
    %mul3A_151 = arith.muli %arg1, %mul3A_150 : i32
    %mul3A_152 = arith.constant 3136 : i32
    %mul3A_153 = arith.muli %arg1, %mul3A_152 : i32
    "tpu.region"() ({
      %run_scoped3A = tpu.sem_alloc : memref<!tpu.dma_semaphore, #tpu.memory_space<semaphore_mem>>
      %dma_start3A_314 = arith.constant 0 : i32
      %dma_start3A_315 = tpu.memref_slice %arg9[%arg0, %mul3A_153, %dma_start3A_314] : memref<2x50176x32xf32, #tpu.memory_space<hbm>> -> memref<1x3136x32xf32, #tpu.memory_space<hbm>>
      %dma_start3A_316 = tpu.memref_squeeze %dma_start3A_315 : memref<1x3136x32xf32, #tpu.memory_space<hbm>> -> memref<3136x32xf32, #tpu.memory_space<hbm>>
      %dma_start3A_317 = arith.constant 0 : i32
      %dma_start3A_318 = tpu.memref_slice %arg29[%mul3A_151, %dma_start3A_317] : memref<50176x32xf32, #tpu.memory_space<vmem_shared>> -> memref<3136x32xf32, #tpu.memory_space<vmem_shared>>
      tpu.enqueue_dma source(%dma_start3A_318 : memref<3136x32xf32, #tpu.memory_space<vmem_shared>>) target(%dma_start3A_316 : memref<3136x32xf32, #tpu.memory_space<hbm>>) target_semaphore(%run_scoped3A : memref<!tpu.dma_semaphore, #tpu.memory_space<semaphore_mem>>)
      %dma_wait3A_319 = arith.constant 0 : i32
      %dma_wait3A_320 = tpu.memref_slice %arg9[%arg0, %mul3A_153, %dma_wait3A_319] : memref<2x50176x32xf32, #tpu.memory_space<hbm>> -> memref<1x3136x32xf32, #tpu.memory_space<hbm>>
      %dma_wait3A_321 = tpu.memref_squeeze %dma_wait3A_320 : memref<1x3136x32xf32, #tpu.memory_space<hbm>> -> memref<3136x32xf32, #tpu.memory_space<hbm>>
      %dma_wait3A_322 = arith.constant 0 : i32
      %dma_wait3A_323 = tpu.memref_slice %arg29[%mul3A_151, %dma_wait3A_322] : memref<50176x32xf32, #tpu.memory_space<vmem_shared>> -> memref<3136x32xf32, #tpu.memory_space<vmem_shared>>
      tpu.wait_dma2 semaphore(%run_scoped3A : memref<!tpu.dma_semaphore, #tpu.memory_space<semaphore_mem>>) src(%dma_wait3A_323 : memref<3136x32xf32, #tpu.memory_space<vmem_shared>>) dst(%dma_wait3A_321 : memref<3136x32xf32, #tpu.memory_space<hbm>>)
      tpu.yield
    }) : () -> ()
    %mul3A_154 = arith.constant 3136 : i32
    %mul3A_155 = arith.muli %arg1, %mul3A_154 : i32
    "tpu.region"() ({
      %run_scoped3A = tpu.sem_alloc : memref<!tpu.dma_semaphore, #tpu.memory_space<semaphore_mem>>
      %dma_start3A_314 = arith.constant 0 : i32
      %dma_start3A_315 = tpu.memref_slice %arg29[%mul3A_155, %dma_start3A_314] : memref<50176x32xf32, #tpu.memory_space<vmem_shared>> -> memref<3136x32xf32, #tpu.memory_space<vmem_shared>>
      %dma_start3A_316 = arith.constant 0 : i32
      %dma_start3A_317 = arith.constant 0 : i32
      %dma_start3A_318 = tpu.memref_slice %arg8[%dma_start3A_316, %dma_start3A_317] : memref<3136x32xf32, #tpu.memory_space<hbm>> -> memref<3136x32xf32, #tpu.memory_space<hbm>>
      tpu.enqueue_dma source(%dma_start3A_318 : memref<3136x32xf32, #tpu.memory_space<hbm>>) target(%dma_start3A_315 : memref<3136x32xf32, #tpu.memory_space<vmem_shared>>) target_semaphore(%run_scoped3A : memref<!tpu.dma_semaphore, #tpu.memory_space<semaphore_mem>>)
      %dma_wait3A_319 = arith.constant 0 : i32
      %dma_wait3A_320 = tpu.memref_slice %arg29[%mul3A_155, %dma_wait3A_319] : memref<50176x32xf32, #tpu.memory_space<vmem_shared>> -> memref<3136x32xf32, #tpu.memory_space<vmem_shared>>
      %dma_wait3A_321 = arith.constant 0 : i32
      %dma_wait3A_322 = arith.constant 0 : i32
      %dma_wait3A_323 = tpu.memref_slice %arg8[%dma_wait3A_321, %dma_wait3A_322] : memref<3136x32xf32, #tpu.memory_space<hbm>> -> memref<3136x32xf32, #tpu.memory_space<hbm>>
      tpu.wait_dma2 semaphore(%run_scoped3A : memref<!tpu.dma_semaphore, #tpu.memory_space<semaphore_mem>>) src(%dma_wait3A_323 : memref<3136x32xf32, #tpu.memory_space<hbm>>) dst(%dma_wait3A_320 : memref<3136x32xf32, #tpu.memory_space<vmem_shared>>)
      tpu.yield
    }) : () -> ()
    %barrier3A_156 = arith.constant 0 : index
    tpu.barrier barrier_id(%barrier3A_156)
    %mul3A_157 = arith.constant 32 : i32
    %mul3A_158 = arith.muli %arg1, %mul3A_157 : i32
    %add3A_159 = arith.constant 0 : i32
    %add3A_160 = arith.addi %mul3A_158, %add3A_159 : i32
    %mul3A_161 = arith.constant 128 : i32
    %mul3A_162 = arith.muli %add3A_160, %mul3A_161 : i32
    %dma_start3A_163 = tpu.memref_slice %arg6[%mul3A_162] : memref<65536xi32, #tpu.memory_space<hbm>> -> memref<256xi32, #tpu.memory_space<hbm>>
    %dma_start3A_164 = tpu.memref_slice %arg6[%mul3A_162] : memref<65536xi32, #tpu.memory_space<hbm>> -> memref<256xi32, #tpu.memory_space<hbm>>
    tpu.enqueue_dma source(%dma_start3A_164 : memref<256xi32, #tpu.memory_space<hbm>>) target(%arg11 : memref<256xi32, #tpu.memory_space<vmem>>) target_semaphore(%arg26 : memref<!tpu.dma_semaphore, #tpu.memory_space<semaphore_mem>>)
    %dma_start3A_165 = tpu.memref_slice %arg7[%mul3A_162] : memref<65536xi32, #tpu.memory_space<hbm>> -> memref<256xi32, #tpu.memory_space<hbm>>
    %dma_start3A_166 = tpu.memref_slice %arg7[%mul3A_162] : memref<65536xi32, #tpu.memory_space<hbm>> -> memref<256xi32, #tpu.memory_space<hbm>>
    tpu.enqueue_dma source(%dma_start3A_166 : memref<256xi32, #tpu.memory_space<hbm>>) target(%arg12 : memref<256xi32, #tpu.memory_space<vmem>>) target_semaphore(%arg26 : memref<!tpu.dma_semaphore, #tpu.memory_space<semaphore_mem>>)
    %add3A_167 = arith.constant 2 : i32
    %add3A_168 = arith.addi %mul3A_158, %add3A_167 : i32
    %mul3A_169 = arith.constant 128 : i32
    %mul3A_170 = arith.muli %add3A_168, %mul3A_169 : i32
    %dma_start3A_171 = tpu.memref_slice %arg6[%mul3A_170] : memref<65536xi32, #tpu.memory_space<hbm>> -> memref<256xi32, #tpu.memory_space<hbm>>
    %dma_start3A_172 = tpu.memref_slice %arg6[%mul3A_170] : memref<65536xi32, #tpu.memory_space<hbm>> -> memref<256xi32, #tpu.memory_space<hbm>>
    tpu.enqueue_dma source(%dma_start3A_172 : memref<256xi32, #tpu.memory_space<hbm>>) target(%arg14 : memref<256xi32, #tpu.memory_space<vmem>>) target_semaphore(%arg27 : memref<!tpu.dma_semaphore, #tpu.memory_space<semaphore_mem>>)
    %dma_start3A_173 = tpu.memref_slice %arg7[%mul3A_170] : memref<65536xi32, #tpu.memory_space<hbm>> -> memref<256xi32, #tpu.memory_space<hbm>>
    %dma_start3A_174 = tpu.memref_slice %arg7[%mul3A_170] : memref<65536xi32, #tpu.memory_space<hbm>> -> memref<256xi32, #tpu.memory_space<hbm>>
    tpu.enqueue_dma source(%dma_start3A_174 : memref<256xi32, #tpu.memory_space<hbm>>) target(%arg15 : memref<256xi32, #tpu.memory_space<vmem>>) target_semaphore(%arg27 : memref<!tpu.dma_semaphore, #tpu.memory_space<semaphore_mem>>)
    %dma_wait3A_175 = arith.constant 0 : i32
    %dma_wait3A_176 = tpu.memref_slice %arg6[%dma_wait3A_175] : memref<65536xi32, #tpu.memory_space<hbm>> -> memref<256xi32, #tpu.memory_space<hbm>>
    %dma_wait3A_177 = arith.constant 0 : i32
    %dma_wait3A_178 = tpu.memref_slice %arg6[%dma_wait3A_177] : memref<65536xi32, #tpu.memory_space<hbm>> -> memref<256xi32, #tpu.memory_space<hbm>>
    tpu.wait_dma2 semaphore(%arg26 : memref<!tpu.dma_semaphore, #tpu.memory_space<semaphore_mem>>) src(%dma_wait3A_178 : memref<256xi32, #tpu.memory_space<hbm>>) dst(%arg11 : memref<256xi32, #tpu.memory_space<vmem>>)
    %dma_wait3A_179 = arith.constant 0 : i32
    %dma_wait3A_180 = tpu.memref_slice %arg7[%dma_wait3A_179] : memref<65536xi32, #tpu.memory_space<hbm>> -> memref<256xi32, #tpu.memory_space<hbm>>
    %dma_wait3A_181 = arith.constant 0 : i32
    %dma_wait3A_182 = tpu.memref_slice %arg7[%dma_wait3A_181] : memref<65536xi32, #tpu.memory_space<hbm>> -> memref<256xi32, #tpu.memory_space<hbm>>
    tpu.wait_dma2 semaphore(%arg26 : memref<!tpu.dma_semaphore, #tpu.memory_space<semaphore_mem>>) src(%dma_wait3A_182 : memref<256xi32, #tpu.memory_space<hbm>>) dst(%arg12 : memref<256xi32, #tpu.memory_space<vmem>>)
    %dma_start3A_183 = arith.constant 0 : i32
    %dma_start3A_184 = arith.constant 0 : i32
    %dma_start3A_185 = tpu.memref_slice %arg5[%arg0, %dma_start3A_183, %dma_start3A_184] : memref<2x64x32xf32, #tpu.memory_space<hbm>> -> memref<1x64x32xf32, #tpu.memory_space<hbm>>
    %dma_start3A_186 = tpu.memref_squeeze %dma_start3A_185 : memref<1x64x32xf32, #tpu.memory_space<hbm>> -> memref<64x32xf32, #tpu.memory_space<hbm>>
    %dma_start3A_187 = arith.constant 0 : i32
    %dma_start3A_188 = arith.constant 0 : i32
    %dma_start3A_189 = tpu.memref_slice %dma_start3A_186[%dma_start3A_187, %dma_start3A_188] : memref<64x32xf32, #tpu.memory_space<hbm>> -> memref<64x32xf32, #tpu.memory_space<hbm>>
    tpu.enqueue_indirect_dma source(%dma_start3A_189 : memref<64x32xf32, #tpu.memory_space<hbm>>) target(%arg13 : memref<256x32xf32, #tpu.memory_space<vmem>>) offsets(%arg11 : memref<256xi32, #tpu.memory_space<vmem>>) semaphore(%arg20 : memref<!tpu.dma_semaphore, #tpu.memory_space<semaphore_mem>>)
    %dma_wait3A_190 = arith.constant 0 : i32
    %dma_wait3A_191 = arith.constant 0 : i32
    %dma_wait3A_192 = tpu.memref_slice %arg5[%arg0, %dma_wait3A_190, %dma_wait3A_191] : memref<2x64x32xf32, #tpu.memory_space<hbm>> -> memref<1x64x32xf32, #tpu.memory_space<hbm>>
    %dma_wait3A_193 = tpu.memref_squeeze %dma_wait3A_192 : memref<1x64x32xf32, #tpu.memory_space<hbm>> -> memref<64x32xf32, #tpu.memory_space<hbm>>
    %dma_wait3A_194 = arith.constant 0 : i32
    %dma_wait3A_195 = arith.constant 0 : i32
    %dma_wait3A_196 = tpu.memref_slice %dma_wait3A_193[%dma_wait3A_194, %dma_wait3A_195] : memref<64x32xf32, #tpu.memory_space<hbm>> -> memref<64x32xf32, #tpu.memory_space<hbm>>
    tpu.wait_indirect_dma semaphore(%arg20 : memref<!tpu.dma_semaphore, #tpu.memory_space<semaphore_mem>>) src(%dma_wait3A_196 : memref<64x32xf32, #tpu.memory_space<hbm>>) dst(%arg13 : memref<256x32xf32, #tpu.memory_space<vmem>>)
    %dma_start3A_197 = arith.constant 0 : i32
    %dma_start3A_198 = arith.constant 0 : i32
    %dma_start3A_199 = tpu.memref_slice %arg29[%dma_start3A_197, %dma_start3A_198] : memref<50176x32xf32, #tpu.memory_space<vmem_shared>> -> memref<50176x32xf32, #tpu.memory_space<vmem_shared>>
    tpu.enqueue_indirect_dma source(%arg13 : memref<256x32xf32, #tpu.memory_space<vmem>>) target(%dma_start3A_199 : memref<50176x32xf32, #tpu.memory_space<vmem_shared>>) offsets(%arg12 : memref<256xi32, #tpu.memory_space<vmem>>) semaphore(%arg23 : memref<!tpu.dma_semaphore, #tpu.memory_space<semaphore_mem>>) {add = true}
    %add3A_200 = arith.constant 4 : i32
    %add3A_201 = arith.addi %mul3A_158, %add3A_200 : i32
    %mul3A_202 = arith.constant 128 : i32
    %mul3A_203 = arith.muli %add3A_201, %mul3A_202 : i32
    %dma_start3A_204 = tpu.memref_slice %arg6[%mul3A_203] : memref<65536xi32, #tpu.memory_space<hbm>> -> memref<256xi32, #tpu.memory_space<hbm>>
    %dma_start3A_205 = tpu.memref_slice %arg6[%mul3A_203] : memref<65536xi32, #tpu.memory_space<hbm>> -> memref<256xi32, #tpu.memory_space<hbm>>
    tpu.enqueue_dma source(%dma_start3A_205 : memref<256xi32, #tpu.memory_space<hbm>>) target(%arg17 : memref<256xi32, #tpu.memory_space<vmem>>) target_semaphore(%arg28 : memref<!tpu.dma_semaphore, #tpu.memory_space<semaphore_mem>>)
    %dma_start3A_206 = tpu.memref_slice %arg7[%mul3A_203] : memref<65536xi32, #tpu.memory_space<hbm>> -> memref<256xi32, #tpu.memory_space<hbm>>
    %dma_start3A_207 = tpu.memref_slice %arg7[%mul3A_203] : memref<65536xi32, #tpu.memory_space<hbm>> -> memref<256xi32, #tpu.memory_space<hbm>>
    tpu.enqueue_dma source(%dma_start3A_207 : memref<256xi32, #tpu.memory_space<hbm>>) target(%arg18 : memref<256xi32, #tpu.memory_space<vmem>>) target_semaphore(%arg28 : memref<!tpu.dma_semaphore, #tpu.memory_space<semaphore_mem>>)
    %dma_wait3A_208 = arith.constant 0 : i32
    %dma_wait3A_209 = tpu.memref_slice %arg6[%dma_wait3A_208] : memref<65536xi32, #tpu.memory_space<hbm>> -> memref<256xi32, #tpu.memory_space<hbm>>
    %dma_wait3A_210 = arith.constant 0 : i32
    %dma_wait3A_211 = tpu.memref_slice %arg6[%dma_wait3A_210] : memref<65536xi32, #tpu.memory_space<hbm>> -> memref<256xi32, #tpu.memory_space<hbm>>
    tpu.wait_dma2 semaphore(%arg27 : memref<!tpu.dma_semaphore, #tpu.memory_space<semaphore_mem>>) src(%dma_wait3A_211 : memref<256xi32, #tpu.memory_space<hbm>>) dst(%arg14 : memref<256xi32, #tpu.memory_space<vmem>>)
    %dma_wait3A_212 = arith.constant 0 : i32
    %dma_wait3A_213 = tpu.memref_slice %arg7[%dma_wait3A_212] : memref<65536xi32, #tpu.memory_space<hbm>> -> memref<256xi32, #tpu.memory_space<hbm>>
    %dma_wait3A_214 = arith.constant 0 : i32
    %dma_wait3A_215 = tpu.memref_slice %arg7[%dma_wait3A_214] : memref<65536xi32, #tpu.memory_space<hbm>> -> memref<256xi32, #tpu.memory_space<hbm>>
    tpu.wait_dma2 semaphore(%arg27 : memref<!tpu.dma_semaphore, #tpu.memory_space<semaphore_mem>>) src(%dma_wait3A_215 : memref<256xi32, #tpu.memory_space<hbm>>) dst(%arg15 : memref<256xi32, #tpu.memory_space<vmem>>)
    %dma_start3A_216 = arith.constant 0 : i32
    %dma_start3A_217 = arith.constant 0 : i32
    %dma_start3A_218 = tpu.memref_slice %arg5[%arg0, %dma_start3A_216, %dma_start3A_217] : memref<2x64x32xf32, #tpu.memory_space<hbm>> -> memref<1x64x32xf32, #tpu.memory_space<hbm>>
    %dma_start3A_219 = tpu.memref_squeeze %dma_start3A_218 : memref<1x64x32xf32, #tpu.memory_space<hbm>> -> memref<64x32xf32, #tpu.memory_space<hbm>>
    %dma_start3A_220 = arith.constant 0 : i32
    %dma_start3A_221 = arith.constant 0 : i32
    %dma_start3A_222 = tpu.memref_slice %dma_start3A_219[%dma_start3A_220, %dma_start3A_221] : memref<64x32xf32, #tpu.memory_space<hbm>> -> memref<64x32xf32, #tpu.memory_space<hbm>>
    tpu.enqueue_indirect_dma source(%dma_start3A_222 : memref<64x32xf32, #tpu.memory_space<hbm>>) target(%arg16 : memref<256x32xf32, #tpu.memory_space<vmem>>) offsets(%arg14 : memref<256xi32, #tpu.memory_space<vmem>>) semaphore(%arg21 : memref<!tpu.dma_semaphore, #tpu.memory_space<semaphore_mem>>)
    %dma_wait3A_223 = arith.constant 0 : i32
    %dma_wait3A_224 = arith.constant 0 : i32
    %dma_wait3A_225 = tpu.memref_slice %arg5[%arg0, %dma_wait3A_223, %dma_wait3A_224] : memref<2x64x32xf32, #tpu.memory_space<hbm>> -> memref<1x64x32xf32, #tpu.memory_space<hbm>>
    %dma_wait3A_226 = tpu.memref_squeeze %dma_wait3A_225 : memref<1x64x32xf32, #tpu.memory_space<hbm>> -> memref<64x32xf32, #tpu.memory_space<hbm>>
    %dma_wait3A_227 = arith.constant 0 : i32
    %dma_wait3A_228 = arith.constant 0 : i32
    %dma_wait3A_229 = tpu.memref_slice %dma_wait3A_226[%dma_wait3A_227, %dma_wait3A_228] : memref<64x32xf32, #tpu.memory_space<hbm>> -> memref<64x32xf32, #tpu.memory_space<hbm>>
    tpu.wait_indirect_dma semaphore(%arg21 : memref<!tpu.dma_semaphore, #tpu.memory_space<semaphore_mem>>) src(%dma_wait3A_229 : memref<64x32xf32, #tpu.memory_space<hbm>>) dst(%arg16 : memref<256x32xf32, #tpu.memory_space<vmem>>)
    %dma_start3A_230 = arith.constant 0 : i32
    %dma_start3A_231 = arith.constant 0 : i32
    %dma_start3A_232 = tpu.memref_slice %arg29[%dma_start3A_230, %dma_start3A_231] : memref<50176x32xf32, #tpu.memory_space<vmem_shared>> -> memref<50176x32xf32, #tpu.memory_space<vmem_shared>>
    tpu.enqueue_indirect_dma source(%arg16 : memref<256x32xf32, #tpu.memory_space<vmem>>) target(%dma_start3A_232 : memref<50176x32xf32, #tpu.memory_space<vmem_shared>>) offsets(%arg15 : memref<256xi32, #tpu.memory_space<vmem>>) semaphore(%arg24 : memref<!tpu.dma_semaphore, #tpu.memory_space<semaphore_mem>>) {add = true}
    %dma_wait3A_233 = arith.constant 0 : i32
    %dma_wait3A_234 = arith.constant 0 : i32
    %dma_wait3A_235 = tpu.memref_slice %arg29[%dma_wait3A_233, %dma_wait3A_234] : memref<50176x32xf32, #tpu.memory_space<vmem_shared>> -> memref<50176x32xf32, #tpu.memory_space<vmem_shared>>
    tpu.wait_indirect_dma semaphore(%arg23 : memref<!tpu.dma_semaphore, #tpu.memory_space<semaphore_mem>>) src(%arg13 : memref<256x32xf32, #tpu.memory_space<vmem>>) dst(%dma_wait3A_235 : memref<50176x32xf32, #tpu.memory_space<vmem_shared>>)
    %add3A_236 = arith.constant 6 : i32
    %add3A_237 = arith.addi %mul3A_158, %add3A_236 : i32
    %mul3A_238 = arith.constant 128 : i32
    %mul3A_239 = arith.muli %add3A_237, %mul3A_238 : i32
    %dma_start3A_240 = tpu.memref_slice %arg6[%mul3A_239] : memref<65536xi32, #tpu.memory_space<hbm>> -> memref<256xi32, #tpu.memory_space<hbm>>
    %dma_start3A_241 = tpu.memref_slice %arg6[%mul3A_239] : memref<65536xi32, #tpu.memory_space<hbm>> -> memref<256xi32, #tpu.memory_space<hbm>>
    tpu.enqueue_dma source(%dma_start3A_241 : memref<256xi32, #tpu.memory_space<hbm>>) target(%arg11 : memref<256xi32, #tpu.memory_space<vmem>>) target_semaphore(%arg26 : memref<!tpu.dma_semaphore, #tpu.memory_space<semaphore_mem>>)
    %dma_start3A_242 = tpu.memref_slice %arg7[%mul3A_239] : memref<65536xi32, #tpu.memory_space<hbm>> -> memref<256xi32, #tpu.memory_space<hbm>>
    %dma_start3A_243 = tpu.memref_slice %arg7[%mul3A_239] : memref<65536xi32, #tpu.memory_space<hbm>> -> memref<256xi32, #tpu.memory_space<hbm>>
    tpu.enqueue_dma source(%dma_start3A_243 : memref<256xi32, #tpu.memory_space<hbm>>) target(%arg12 : memref<256xi32, #tpu.memory_space<vmem>>) target_semaphore(%arg26 : memref<!tpu.dma_semaphore, #tpu.memory_space<semaphore_mem>>)
    %scan3A_244 = arith.constant 0 : i32
    %scan3A_245 = arith.constant 0 : i32
    %scan3A_246 = arith.constant 4 : i32
    %scan3A_247 = arith.addi %scan3A_245, %scan3A_246 : i32
    %scan3A_248 = arith.constant 1 : i32
    scf.for %scan3A_314 = %scan3A_245 to %scan3A_247 step %scan3A_248  : i32 {
      %mul3A_315 = arith.constant 3 : i32
      %mul3A_316 = arith.muli %mul3A_315, %scan3A_314 : i32
      %add3A_317 = arith.constant 2 : i32
      %add3A_318 = arith.addi %add3A_317, %mul3A_316 : i32
      %add3A_319 = arith.constant 0 : i32
      %add3A_320 = arith.addi %add3A_318, %add3A_319 : i32
      %dma_wait3A_321 = arith.constant 0 : i32
      %dma_wait3A_322 = tpu.memref_slice %arg6[%dma_wait3A_321] : memref<65536xi32, #tpu.memory_space<hbm>> -> memref<256xi32, #tpu.memory_space<hbm>>
      %dma_wait3A_323 = arith.constant 0 : i32
      %dma_wait3A_324 = tpu.memref_slice %arg6[%dma_wait3A_323] : memref<65536xi32, #tpu.memory_space<hbm>> -> memref<256xi32, #tpu.memory_space<hbm>>
      tpu.wait_dma2 semaphore(%arg28 : memref<!tpu.dma_semaphore, #tpu.memory_space<semaphore_mem>>) src(%dma_wait3A_324 : memref<256xi32, #tpu.memory_space<hbm>>) dst(%arg17 : memref<256xi32, #tpu.memory_space<vmem>>)
      %dma_wait3A_325 = arith.constant 0 : i32
      %dma_wait3A_326 = tpu.memref_slice %arg7[%dma_wait3A_325] : memref<65536xi32, #tpu.memory_space<hbm>> -> memref<256xi32, #tpu.memory_space<hbm>>
      %dma_wait3A_327 = arith.constant 0 : i32
      %dma_wait3A_328 = tpu.memref_slice %arg7[%dma_wait3A_327] : memref<65536xi32, #tpu.memory_space<hbm>> -> memref<256xi32, #tpu.memory_space<hbm>>
      tpu.wait_dma2 semaphore(%arg28 : memref<!tpu.dma_semaphore, #tpu.memory_space<semaphore_mem>>) src(%dma_wait3A_328 : memref<256xi32, #tpu.memory_space<hbm>>) dst(%arg18 : memref<256xi32, #tpu.memory_space<vmem>>)
      %dma_start3A_329 = arith.constant 0 : i32
      %dma_start3A_330 = arith.constant 0 : i32
      %dma_start3A_331 = tpu.memref_slice %arg5[%arg0, %dma_start3A_329, %dma_start3A_330] : memref<2x64x32xf32, #tpu.memory_space<hbm>> -> memref<1x64x32xf32, #tpu.memory_space<hbm>>
      %dma_start3A_332 = tpu.memref_squeeze %dma_start3A_331 : memref<1x64x32xf32, #tpu.memory_space<hbm>> -> memref<64x32xf32, #tpu.memory_space<hbm>>
      %dma_start3A_333 = arith.constant 0 : i32
      %dma_start3A_334 = arith.constant 0 : i32
      %dma_start3A_335 = tpu.memref_slice %dma_start3A_332[%dma_start3A_333, %dma_start3A_334] : memref<64x32xf32, #tpu.memory_space<hbm>> -> memref<64x32xf32, #tpu.memory_space<hbm>>
      tpu.enqueue_indirect_dma source(%dma_start3A_335 : memref<64x32xf32, #tpu.memory_space<hbm>>) target(%arg19 : memref<256x32xf32, #tpu.memory_space<vmem>>) offsets(%arg17 : memref<256xi32, #tpu.memory_space<vmem>>) semaphore(%arg22 : memref<!tpu.dma_semaphore, #tpu.memory_space<semaphore_mem>>)
      %dma_wait3A_336 = arith.constant 0 : i32
      %dma_wait3A_337 = arith.constant 0 : i32
      %dma_wait3A_338 = tpu.memref_slice %arg5[%arg0, %dma_wait3A_336, %dma_wait3A_337] : memref<2x64x32xf32, #tpu.memory_space<hbm>> -> memref<1x64x32xf32, #tpu.memory_space<hbm>>
      %dma_wait3A_339 = tpu.memref_squeeze %dma_wait3A_338 : memref<1x64x32xf32, #tpu.memory_space<hbm>> -> memref<64x32xf32, #tpu.memory_space<hbm>>
      %dma_wait3A_340 = arith.constant 0 : i32
      %dma_wait3A_341 = arith.constant 0 : i32
      %dma_wait3A_342 = tpu.memref_slice %dma_wait3A_339[%dma_wait3A_340, %dma_wait3A_341] : memref<64x32xf32, #tpu.memory_space<hbm>> -> memref<64x32xf32, #tpu.memory_space<hbm>>
      tpu.wait_indirect_dma semaphore(%arg22 : memref<!tpu.dma_semaphore, #tpu.memory_space<semaphore_mem>>) src(%dma_wait3A_342 : memref<64x32xf32, #tpu.memory_space<hbm>>) dst(%arg19 : memref<256x32xf32, #tpu.memory_space<vmem>>)
      %dma_start3A_343 = arith.constant 0 : i32
      %dma_start3A_344 = arith.constant 0 : i32
      %dma_start3A_345 = tpu.memref_slice %arg29[%dma_start3A_343, %dma_start3A_344] : memref<50176x32xf32, #tpu.memory_space<vmem_shared>> -> memref<50176x32xf32, #tpu.memory_space<vmem_shared>>
      tpu.enqueue_indirect_dma source(%arg19 : memref<256x32xf32, #tpu.memory_space<vmem>>) target(%dma_start3A_345 : memref<50176x32xf32, #tpu.memory_space<vmem_shared>>) offsets(%arg18 : memref<256xi32, #tpu.memory_space<vmem>>) semaphore(%arg25 : memref<!tpu.dma_semaphore, #tpu.memory_space<semaphore_mem>>) {add = true}
      %dma_wait3A_346 = arith.constant 0 : i32
      %dma_wait3A_347 = arith.constant 0 : i32
      %dma_wait3A_348 = tpu.memref_slice %arg29[%dma_wait3A_346, %dma_wait3A_347] : memref<50176x32xf32, #tpu.memory_space<vmem_shared>> -> memref<50176x32xf32, #tpu.memory_space<vmem_shared>>
      tpu.wait_indirect_dma semaphore(%arg24 : memref<!tpu.dma_semaphore, #tpu.memory_space<semaphore_mem>>) src(%arg16 : memref<256x32xf32, #tpu.memory_space<vmem>>) dst(%dma_wait3A_348 : memref<50176x32xf32, #tpu.memory_space<vmem_shared>>)
      %add3A_349 = arith.constant 2 : i32
      %add3A_350 = arith.addi %add3A_320, %add3A_349 : i32
      %min3A = arith.constant 15 : i32
      %min3A_351 = arith.minsi %add3A_350, %min3A : i32
      %mul3A_352 = arith.constant 2 : i32
      %mul3A_353 = arith.muli %min3A_351, %mul3A_352 : i32
      %add3A_354 = arith.addi %mul3A_158, %mul3A_353 : i32
      %mul3A_355 = arith.constant 128 : i32
      %mul3A_356 = arith.muli %add3A_354, %mul3A_355 : i32
      %dma_start3A_357 = tpu.memref_slice %arg6[%mul3A_356] : memref<65536xi32, #tpu.memory_space<hbm>> -> memref<256xi32, #tpu.memory_space<hbm>>
      %dma_start3A_358 = tpu.memref_slice %arg6[%mul3A_356] : memref<65536xi32, #tpu.memory_space<hbm>> -> memref<256xi32, #tpu.memory_space<hbm>>
      tpu.enqueue_dma source(%dma_start3A_358 : memref<256xi32, #tpu.memory_space<hbm>>) target(%arg14 : memref<256xi32, #tpu.memory_space<vmem>>) target_semaphore(%arg27 : memref<!tpu.dma_semaphore, #tpu.memory_space<semaphore_mem>>)
      %dma_start3A_359 = tpu.memref_slice %arg7[%mul3A_356] : memref<65536xi32, #tpu.memory_space<hbm>> -> memref<256xi32, #tpu.memory_space<hbm>>
      %dma_start3A_360 = tpu.memref_slice %arg7[%mul3A_356] : memref<65536xi32, #tpu.memory_space<hbm>> -> memref<256xi32, #tpu.memory_space<hbm>>
      tpu.enqueue_dma source(%dma_start3A_360 : memref<256xi32, #tpu.memory_space<hbm>>) target(%arg15 : memref<256xi32, #tpu.memory_space<vmem>>) target_semaphore(%arg27 : memref<!tpu.dma_semaphore, #tpu.memory_space<semaphore_mem>>)
      %mul3A_361 = arith.constant 3 : i32
      %mul3A_362 = arith.muli %mul3A_361, %scan3A_314 : i32
      %add3A_363 = arith.constant 2 : i32
      %add3A_364 = arith.addi %add3A_363, %mul3A_362 : i32
      %add3A_365 = arith.constant 1 : i32
      %add3A_366 = arith.addi %add3A_364, %add3A_365 : i32
      %dma_wait3A_367 = arith.constant 0 : i32
      %dma_wait3A_368 = tpu.memref_slice %arg6[%dma_wait3A_367] : memref<65536xi32, #tpu.memory_space<hbm>> -> memref<256xi32, #tpu.memory_space<hbm>>
      %dma_wait3A_369 = arith.constant 0 : i32
      %dma_wait3A_370 = tpu.memref_slice %arg6[%dma_wait3A_369] : memref<65536xi32, #tpu.memory_space<hbm>> -> memref<256xi32, #tpu.memory_space<hbm>>
      tpu.wait_dma2 semaphore(%arg26 : memref<!tpu.dma_semaphore, #tpu.memory_space<semaphore_mem>>) src(%dma_wait3A_370 : memref<256xi32, #tpu.memory_space<hbm>>) dst(%arg11 : memref<256xi32, #tpu.memory_space<vmem>>)
      %dma_wait3A_371 = arith.constant 0 : i32
      %dma_wait3A_372 = tpu.memref_slice %arg7[%dma_wait3A_371] : memref<65536xi32, #tpu.memory_space<hbm>> -> memref<256xi32, #tpu.memory_space<hbm>>
      %dma_wait3A_373 = arith.constant 0 : i32
      %dma_wait3A_374 = tpu.memref_slice %arg7[%dma_wait3A_373] : memref<65536xi32, #tpu.memory_space<hbm>> -> memref<256xi32, #tpu.memory_space<hbm>>
      tpu.wait_dma2 semaphore(%arg26 : memref<!tpu.dma_semaphore, #tpu.memory_space<semaphore_mem>>) src(%dma_wait3A_374 : memref<256xi32, #tpu.memory_space<hbm>>) dst(%arg12 : memref<256xi32, #tpu.memory_space<vmem>>)
      %dma_start3A_375 = arith.constant 0 : i32
      %dma_start3A_376 = arith.constant 0 : i32
      %dma_start3A_377 = tpu.memref_slice %arg5[%arg0, %dma_start3A_375, %dma_start3A_376] : memref<2x64x32xf32, #tpu.memory_space<hbm>> -> memref<1x64x32xf32, #tpu.memory_space<hbm>>
      %dma_start3A_378 = tpu.memref_squeeze %dma_start3A_377 : memref<1x64x32xf32, #tpu.memory_space<hbm>> -> memref<64x32xf32, #tpu.memory_space<hbm>>
      %dma_start3A_379 = arith.constant 0 : i32
      %dma_start3A_380 = arith.constant 0 : i32
      %dma_start3A_381 = tpu.memref_slice %dma_start3A_378[%dma_start3A_379, %dma_start3A_380] : memref<64x32xf32, #tpu.memory_space<hbm>> -> memref<64x32xf32, #tpu.memory_space<hbm>>
      tpu.enqueue_indirect_dma source(%dma_start3A_381 : memref<64x32xf32, #tpu.memory_space<hbm>>) target(%arg13 : memref<256x32xf32, #tpu.memory_space<vmem>>) offsets(%arg11 : memref<256xi32, #tpu.memory_space<vmem>>) semaphore(%arg20 : memref<!tpu.dma_semaphore, #tpu.memory_space<semaphore_mem>>)
      %dma_wait3A_382 = arith.constant 0 : i32
      %dma_wait3A_383 = arith.constant 0 : i32
      %dma_wait3A_384 = tpu.memref_slice %arg5[%arg0, %dma_wait3A_382, %dma_wait3A_383] : memref<2x64x32xf32, #tpu.memory_space<hbm>> -> memref<1x64x32xf32, #tpu.memory_space<hbm>>
      %dma_wait3A_385 = tpu.memref_squeeze %dma_wait3A_384 : memref<1x64x32xf32, #tpu.memory_space<hbm>> -> memref<64x32xf32, #tpu.memory_space<hbm>>
      %dma_wait3A_386 = arith.constant 0 : i32
      %dma_wait3A_387 = arith.constant 0 : i32
      %dma_wait3A_388 = tpu.memref_slice %dma_wait3A_385[%dma_wait3A_386, %dma_wait3A_387] : memref<64x32xf32, #tpu.memory_space<hbm>> -> memref<64x32xf32, #tpu.memory_space<hbm>>
      tpu.wait_indirect_dma semaphore(%arg20 : memref<!tpu.dma_semaphore, #tpu.memory_space<semaphore_mem>>) src(%dma_wait3A_388 : memref<64x32xf32, #tpu.memory_space<hbm>>) dst(%arg13 : memref<256x32xf32, #tpu.memory_space<vmem>>)
      %dma_start3A_389 = arith.constant 0 : i32
      %dma_start3A_390 = arith.constant 0 : i32
      %dma_start3A_391 = tpu.memref_slice %arg29[%dma_start3A_389, %dma_start3A_390] : memref<50176x32xf32, #tpu.memory_space<vmem_shared>> -> memref<50176x32xf32, #tpu.memory_space<vmem_shared>>
      tpu.enqueue_indirect_dma source(%arg13 : memref<256x32xf32, #tpu.memory_space<vmem>>) target(%dma_start3A_391 : memref<50176x32xf32, #tpu.memory_space<vmem_shared>>) offsets(%arg12 : memref<256xi32, #tpu.memory_space<vmem>>) semaphore(%arg23 : memref<!tpu.dma_semaphore, #tpu.memory_space<semaphore_mem>>) {add = true}
      %dma_wait3A_392 = arith.constant 0 : i32
      %dma_wait3A_393 = arith.constant 0 : i32
      %dma_wait3A_394 = tpu.memref_slice %arg29[%dma_wait3A_392, %dma_wait3A_393] : memref<50176x32xf32, #tpu.memory_space<vmem_shared>> -> memref<50176x32xf32, #tpu.memory_space<vmem_shared>>
      tpu.wait_indirect_dma semaphore(%arg25 : memref<!tpu.dma_semaphore, #tpu.memory_space<semaphore_mem>>) src(%arg19 : memref<256x32xf32, #tpu.memory_space<vmem>>) dst(%dma_wait3A_394 : memref<50176x32xf32, #tpu.memory_space<vmem_shared>>)
      %add3A_395 = arith.constant 2 : i32
      %add3A_396 = arith.addi %add3A_366, %add3A_395 : i32
      %min3A_397 = arith.constant 15 : i32
      %min3A_398 = arith.minsi %add3A_396, %min3A_397 : i32
      %mul3A_399 = arith.constant 2 : i32
      %mul3A_400 = arith.muli %min3A_398, %mul3A_399 : i32
      %add3A_401 = arith.addi %mul3A_158, %mul3A_400 : i32
      %mul3A_402 = arith.constant 128 : i32
      %mul3A_403 = arith.muli %add3A_401, %mul3A_402 : i32
      %dma_start3A_404 = tpu.memref_slice %arg6[%mul3A_403] : memref<65536xi32, #tpu.memory_space<hbm>> -> memref<256xi32, #tpu.memory_space<hbm>>
      %dma_start3A_405 = tpu.memref_slice %arg6[%mul3A_403] : memref<65536xi32, #tpu.memory_space<hbm>> -> memref<256xi32, #tpu.memory_space<hbm>>
      tpu.enqueue_dma source(%dma_start3A_405 : memref<256xi32, #tpu.memory_space<hbm>>) target(%arg17 : memref<256xi32, #tpu.memory_space<vmem>>) target_semaphore(%arg28 : memref<!tpu.dma_semaphore, #tpu.memory_space<semaphore_mem>>)
      %dma_start3A_406 = tpu.memref_slice %arg7[%mul3A_403] : memref<65536xi32, #tpu.memory_space<hbm>> -> memref<256xi32, #tpu.memory_space<hbm>>
      %dma_start3A_407 = tpu.memref_slice %arg7[%mul3A_403] : memref<65536xi32, #tpu.memory_space<hbm>> -> memref<256xi32, #tpu.memory_space<hbm>>
      tpu.enqueue_dma source(%dma_start3A_407 : memref<256xi32, #tpu.memory_space<hbm>>) target(%arg18 : memref<256xi32, #tpu.memory_space<vmem>>) target_semaphore(%arg28 : memref<!tpu.dma_semaphore, #tpu.memory_space<semaphore_mem>>)
      %mul3A_408 = arith.constant 3 : i32
      %mul3A_409 = arith.muli %mul3A_408, %scan3A_314 : i32
      %add3A_410 = arith.constant 2 : i32
      %add3A_411 = arith.addi %add3A_410, %mul3A_409 : i32
      %add3A_412 = arith.constant 2 : i32
      %add3A_413 = arith.addi %add3A_411, %add3A_412 : i32
      %dma_wait3A_414 = arith.constant 0 : i32
      %dma_wait3A_415 = tpu.memref_slice %arg6[%dma_wait3A_414] : memref<65536xi32, #tpu.memory_space<hbm>> -> memref<256xi32, #tpu.memory_space<hbm>>
      %dma_wait3A_416 = arith.constant 0 : i32
      %dma_wait3A_417 = tpu.memref_slice %arg6[%dma_wait3A_416] : memref<65536xi32, #tpu.memory_space<hbm>> -> memref<256xi32, #tpu.memory_space<hbm>>
      tpu.wait_dma2 semaphore(%arg27 : memref<!tpu.dma_semaphore, #tpu.memory_space<semaphore_mem>>) src(%dma_wait3A_417 : memref<256xi32, #tpu.memory_space<hbm>>) dst(%arg14 : memref<256xi32, #tpu.memory_space<vmem>>)
      %dma_wait3A_418 = arith.constant 0 : i32
      %dma_wait3A_419 = tpu.memref_slice %arg7[%dma_wait3A_418] : memref<65536xi32, #tpu.memory_space<hbm>> -> memref<256xi32, #tpu.memory_space<hbm>>
      %dma_wait3A_420 = arith.constant 0 : i32
      %dma_wait3A_421 = tpu.memref_slice %arg7[%dma_wait3A_420] : memref<65536xi32, #tpu.memory_space<hbm>> -> memref<256xi32, #tpu.memory_space<hbm>>
      tpu.wait_dma2 semaphore(%arg27 : memref<!tpu.dma_semaphore, #tpu.memory_space<semaphore_mem>>) src(%dma_wait3A_421 : memref<256xi32, #tpu.memory_space<hbm>>) dst(%arg15 : memref<256xi32, #tpu.memory_space<vmem>>)
      %dma_start3A_422 = arith.constant 0 : i32
      %dma_start3A_423 = arith.constant 0 : i32
      %dma_start3A_424 = tpu.memref_slice %arg5[%arg0, %dma_start3A_422, %dma_start3A_423] : memref<2x64x32xf32, #tpu.memory_space<hbm>> -> memref<1x64x32xf32, #tpu.memory_space<hbm>>
      %dma_start3A_425 = tpu.memref_squeeze %dma_start3A_424 : memref<1x64x32xf32, #tpu.memory_space<hbm>> -> memref<64x32xf32, #tpu.memory_space<hbm>>
      %dma_start3A_426 = arith.constant 0 : i32
      %dma_start3A_427 = arith.constant 0 : i32
      %dma_start3A_428 = tpu.memref_slice %dma_start3A_425[%dma_start3A_426, %dma_start3A_427] : memref<64x32xf32, #tpu.memory_space<hbm>> -> memref<64x32xf32, #tpu.memory_space<hbm>>
      tpu.enqueue_indirect_dma source(%dma_start3A_428 : memref<64x32xf32, #tpu.memory_space<hbm>>) target(%arg16 : memref<256x32xf32, #tpu.memory_space<vmem>>) offsets(%arg14 : memref<256xi32, #tpu.memory_space<vmem>>) semaphore(%arg21 : memref<!tpu.dma_semaphore, #tpu.memory_space<semaphore_mem>>)
      %dma_wait3A_429 = arith.constant 0 : i32
      %dma_wait3A_430 = arith.constant 0 : i32
      %dma_wait3A_431 = tpu.memref_slice %arg5[%arg0, %dma_wait3A_429, %dma_wait3A_430] : memref<2x64x32xf32, #tpu.memory_space<hbm>> -> memref<1x64x32xf32, #tpu.memory_space<hbm>>
      %dma_wait3A_432 = tpu.memref_squeeze %dma_wait3A_431 : memref<1x64x32xf32, #tpu.memory_space<hbm>> -> memref<64x32xf32, #tpu.memory_space<hbm>>
      %dma_wait3A_433 = arith.constant 0 : i32
      %dma_wait3A_434 = arith.constant 0 : i32
      %dma_wait3A_435 = tpu.memref_slice %dma_wait3A_432[%dma_wait3A_433, %dma_wait3A_434] : memref<64x32xf32, #tpu.memory_space<hbm>> -> memref<64x32xf32, #tpu.memory_space<hbm>>
      tpu.wait_indirect_dma semaphore(%arg21 : memref<!tpu.dma_semaphore, #tpu.memory_space<semaphore_mem>>) src(%dma_wait3A_435 : memref<64x32xf32, #tpu.memory_space<hbm>>) dst(%arg16 : memref<256x32xf32, #tpu.memory_space<vmem>>)
      %dma_start3A_436 = arith.constant 0 : i32
      %dma_start3A_437 = arith.constant 0 : i32
      %dma_start3A_438 = tpu.memref_slice %arg29[%dma_start3A_436, %dma_start3A_437] : memref<50176x32xf32, #tpu.memory_space<vmem_shared>> -> memref<50176x32xf32, #tpu.memory_space<vmem_shared>>
      tpu.enqueue_indirect_dma source(%arg16 : memref<256x32xf32, #tpu.memory_space<vmem>>) target(%dma_start3A_438 : memref<50176x32xf32, #tpu.memory_space<vmem_shared>>) offsets(%arg15 : memref<256xi32, #tpu.memory_space<vmem>>) semaphore(%arg24 : memref<!tpu.dma_semaphore, #tpu.memory_space<semaphore_mem>>) {add = true}
      %dma_wait3A_439 = arith.constant 0 : i32
      %dma_wait3A_440 = arith.constant 0 : i32
      %dma_wait3A_441 = tpu.memref_slice %arg29[%dma_wait3A_439, %dma_wait3A_440] : memref<50176x32xf32, #tpu.memory_space<vmem_shared>> -> memref<50176x32xf32, #tpu.memory_space<vmem_shared>>
      tpu.wait_indirect_dma semaphore(%arg23 : memref<!tpu.dma_semaphore, #tpu.memory_space<semaphore_mem>>) src(%arg13 : memref<256x32xf32, #tpu.memory_space<vmem>>) dst(%dma_wait3A_441 : memref<50176x32xf32, #tpu.memory_space<vmem_shared>>)
      %add3A_442 = arith.constant 2 : i32
      %add3A_443 = arith.addi %add3A_413, %add3A_442 : i32
      %min3A_444 = arith.constant 15 : i32
      %min3A_445 = arith.minsi %add3A_443, %min3A_444 : i32
      %mul3A_446 = arith.constant 2 : i32
      %mul3A_447 = arith.muli %min3A_445, %mul3A_446 : i32
      %add3A_448 = arith.addi %mul3A_158, %mul3A_447 : i32
      %mul3A_449 = arith.constant 128 : i32
      %mul3A_450 = arith.muli %add3A_448, %mul3A_449 : i32
      %dma_start3A_451 = tpu.memref_slice %arg6[%mul3A_450] : memref<65536xi32, #tpu.memory_space<hbm>> -> memref<256xi32, #tpu.memory_space<hbm>>
      %dma_start3A_452 = tpu.memref_slice %arg6[%mul3A_450] : memref<65536xi32, #tpu.memory_space<hbm>> -> memref<256xi32, #tpu.memory_space<hbm>>
      tpu.enqueue_dma source(%dma_start3A_452 : memref<256xi32, #tpu.memory_space<hbm>>) target(%arg11 : memref<256xi32, #tpu.memory_space<vmem>>) target_semaphore(%arg26 : memref<!tpu.dma_semaphore, #tpu.memory_space<semaphore_mem>>)
      %dma_start3A_453 = tpu.memref_slice %arg7[%mul3A_450] : memref<65536xi32, #tpu.memory_space<hbm>> -> memref<256xi32, #tpu.memory_space<hbm>>
      %dma_start3A_454 = tpu.memref_slice %arg7[%mul3A_450] : memref<65536xi32, #tpu.memory_space<hbm>> -> memref<256xi32, #tpu.memory_space<hbm>>
      tpu.enqueue_dma source(%dma_start3A_454 : memref<256xi32, #tpu.memory_space<hbm>>) target(%arg12 : memref<256xi32, #tpu.memory_space<vmem>>) target_semaphore(%arg26 : memref<!tpu.dma_semaphore, #tpu.memory_space<semaphore_mem>>)
    }
    %scan3A_249 = arith.constant 4 : i32
    %dma_wait3A_250 = arith.constant 0 : i32
    %dma_wait3A_251 = tpu.memref_slice %arg6[%dma_wait3A_250] : memref<65536xi32, #tpu.memory_space<hbm>> -> memref<256xi32, #tpu.memory_space<hbm>>
    %dma_wait3A_252 = arith.constant 0 : i32
    %dma_wait3A_253 = tpu.memref_slice %arg6[%dma_wait3A_252] : memref<65536xi32, #tpu.memory_space<hbm>> -> memref<256xi32, #tpu.memory_space<hbm>>
    tpu.wait_dma2 semaphore(%arg28 : memref<!tpu.dma_semaphore, #tpu.memory_space<semaphore_mem>>) src(%dma_wait3A_253 : memref<256xi32, #tpu.memory_space<hbm>>) dst(%arg17 : memref<256xi32, #tpu.memory_space<vmem>>)
    %dma_wait3A_254 = arith.constant 0 : i32
    %dma_wait3A_255 = tpu.memref_slice %arg7[%dma_wait3A_254] : memref<65536xi32, #tpu.memory_space<hbm>> -> memref<256xi32, #tpu.memory_space<hbm>>
    %dma_wait3A_256 = arith.constant 0 : i32
    %dma_wait3A_257 = tpu.memref_slice %arg7[%dma_wait3A_256] : memref<65536xi32, #tpu.memory_space<hbm>> -> memref<256xi32, #tpu.memory_space<hbm>>
    tpu.wait_dma2 semaphore(%arg28 : memref<!tpu.dma_semaphore, #tpu.memory_space<semaphore_mem>>) src(%dma_wait3A_257 : memref<256xi32, #tpu.memory_space<hbm>>) dst(%arg18 : memref<256xi32, #tpu.memory_space<vmem>>)
    %dma_start3A_258 = arith.constant 0 : i32
    %dma_start3A_259 = arith.constant 0 : i32
    %dma_start3A_260 = tpu.memref_slice %arg5[%arg0, %dma_start3A_258, %dma_start3A_259] : memref<2x64x32xf32, #tpu.memory_space<hbm>> -> memref<1x64x32xf32, #tpu.memory_space<hbm>>
    %dma_start3A_261 = tpu.memref_squeeze %dma_start3A_260 : memref<1x64x32xf32, #tpu.memory_space<hbm>> -> memref<64x32xf32, #tpu.memory_space<hbm>>
    %dma_start3A_262 = arith.constant 0 : i32
    %dma_start3A_263 = arith.constant 0 : i32
    %dma_start3A_264 = tpu.memref_slice %dma_start3A_261[%dma_start3A_262, %dma_start3A_263] : memref<64x32xf32, #tpu.memory_space<hbm>> -> memref<64x32xf32, #tpu.memory_space<hbm>>
    tpu.enqueue_indirect_dma source(%dma_start3A_264 : memref<64x32xf32, #tpu.memory_space<hbm>>) target(%arg19 : memref<256x32xf32, #tpu.memory_space<vmem>>) offsets(%arg17 : memref<256xi32, #tpu.memory_space<vmem>>) semaphore(%arg22 : memref<!tpu.dma_semaphore, #tpu.memory_space<semaphore_mem>>)
    %dma_wait3A_265 = arith.constant 0 : i32
    %dma_wait3A_266 = arith.constant 0 : i32
    %dma_wait3A_267 = tpu.memref_slice %arg5[%arg0, %dma_wait3A_265, %dma_wait3A_266] : memref<2x64x32xf32, #tpu.memory_space<hbm>> -> memref<1x64x32xf32, #tpu.memory_space<hbm>>
    %dma_wait3A_268 = tpu.memref_squeeze %dma_wait3A_267 : memref<1x64x32xf32, #tpu.memory_space<hbm>> -> memref<64x32xf32, #tpu.memory_space<hbm>>
    %dma_wait3A_269 = arith.constant 0 : i32
    %dma_wait3A_270 = arith.constant 0 : i32
    %dma_wait3A_271 = tpu.memref_slice %dma_wait3A_268[%dma_wait3A_269, %dma_wait3A_270] : memref<64x32xf32, #tpu.memory_space<hbm>> -> memref<64x32xf32, #tpu.memory_space<hbm>>
    tpu.wait_indirect_dma semaphore(%arg22 : memref<!tpu.dma_semaphore, #tpu.memory_space<semaphore_mem>>) src(%dma_wait3A_271 : memref<64x32xf32, #tpu.memory_space<hbm>>) dst(%arg19 : memref<256x32xf32, #tpu.memory_space<vmem>>)
    %dma_start3A_272 = arith.constant 0 : i32
    %dma_start3A_273 = arith.constant 0 : i32
    %dma_start3A_274 = tpu.memref_slice %arg29[%dma_start3A_272, %dma_start3A_273] : memref<50176x32xf32, #tpu.memory_space<vmem_shared>> -> memref<50176x32xf32, #tpu.memory_space<vmem_shared>>
    tpu.enqueue_indirect_dma source(%arg19 : memref<256x32xf32, #tpu.memory_space<vmem>>) target(%dma_start3A_274 : memref<50176x32xf32, #tpu.memory_space<vmem_shared>>) offsets(%arg18 : memref<256xi32, #tpu.memory_space<vmem>>) semaphore(%arg25 : memref<!tpu.dma_semaphore, #tpu.memory_space<semaphore_mem>>) {add = true}
    %dma_wait3A_275 = arith.constant 0 : i32
    %dma_wait3A_276 = arith.constant 0 : i32
    %dma_wait3A_277 = tpu.memref_slice %arg29[%dma_wait3A_275, %dma_wait3A_276] : memref<50176x32xf32, #tpu.memory_space<vmem_shared>> -> memref<50176x32xf32, #tpu.memory_space<vmem_shared>>
    tpu.wait_indirect_dma semaphore(%arg24 : memref<!tpu.dma_semaphore, #tpu.memory_space<semaphore_mem>>) src(%arg16 : memref<256x32xf32, #tpu.memory_space<vmem>>) dst(%dma_wait3A_277 : memref<50176x32xf32, #tpu.memory_space<vmem_shared>>)
    %dma_wait3A_278 = arith.constant 0 : i32
    %dma_wait3A_279 = tpu.memref_slice %arg6[%dma_wait3A_278] : memref<65536xi32, #tpu.memory_space<hbm>> -> memref<256xi32, #tpu.memory_space<hbm>>
    %dma_wait3A_280 = arith.constant 0 : i32
    %dma_wait3A_281 = tpu.memref_slice %arg6[%dma_wait3A_280] : memref<65536xi32, #tpu.memory_space<hbm>> -> memref<256xi32, #tpu.memory_space<hbm>>
    tpu.wait_dma2 semaphore(%arg26 : memref<!tpu.dma_semaphore, #tpu.memory_space<semaphore_mem>>) src(%dma_wait3A_281 : memref<256xi32, #tpu.memory_space<hbm>>) dst(%arg11 : memref<256xi32, #tpu.memory_space<vmem>>)
    %dma_wait3A_282 = arith.constant 0 : i32
    %dma_wait3A_283 = tpu.memref_slice %arg7[%dma_wait3A_282] : memref<65536xi32, #tpu.memory_space<hbm>> -> memref<256xi32, #tpu.memory_space<hbm>>
    %dma_wait3A_284 = arith.constant 0 : i32
    %dma_wait3A_285 = tpu.memref_slice %arg7[%dma_wait3A_284] : memref<65536xi32, #tpu.memory_space<hbm>> -> memref<256xi32, #tpu.memory_space<hbm>>
    tpu.wait_dma2 semaphore(%arg26 : memref<!tpu.dma_semaphore, #tpu.memory_space<semaphore_mem>>) src(%dma_wait3A_285 : memref<256xi32, #tpu.memory_space<hbm>>) dst(%arg12 : memref<256xi32, #tpu.memory_space<vmem>>)
    %dma_start3A_286 = arith.constant 0 : i32
    %dma_start3A_287 = arith.constant 0 : i32
    %dma_start3A_288 = tpu.memref_slice %arg5[%arg0, %dma_start3A_286, %dma_start3A_287] : memref<2x64x32xf32, #tpu.memory_space<hbm>> -> memref<1x64x32xf32, #tpu.memory_space<hbm>>
    %dma_start3A_289 = tpu.memref_squeeze %dma_start3A_288 : memref<1x64x32xf32, #tpu.memory_space<hbm>> -> memref<64x32xf32, #tpu.memory_space<hbm>>
    %dma_start3A_290 = arith.constant 0 : i32
    %dma_start3A_291 = arith.constant 0 : i32
    %dma_start3A_292 = tpu.memref_slice %dma_start3A_289[%dma_start3A_290, %dma_start3A_291] : memref<64x32xf32, #tpu.memory_space<hbm>> -> memref<64x32xf32, #tpu.memory_space<hbm>>
    tpu.enqueue_indirect_dma source(%dma_start3A_292 : memref<64x32xf32, #tpu.memory_space<hbm>>) target(%arg13 : memref<256x32xf32, #tpu.memory_space<vmem>>) offsets(%arg11 : memref<256xi32, #tpu.memory_space<vmem>>) semaphore(%arg20 : memref<!tpu.dma_semaphore, #tpu.memory_space<semaphore_mem>>)
    %dma_wait3A_293 = arith.constant 0 : i32
    %dma_wait3A_294 = arith.constant 0 : i32
    %dma_wait3A_295 = tpu.memref_slice %arg5[%arg0, %dma_wait3A_293, %dma_wait3A_294] : memref<2x64x32xf32, #tpu.memory_space<hbm>> -> memref<1x64x32xf32, #tpu.memory_space<hbm>>
    %dma_wait3A_296 = tpu.memref_squeeze %dma_wait3A_295 : memref<1x64x32xf32, #tpu.memory_space<hbm>> -> memref<64x32xf32, #tpu.memory_space<hbm>>
    %dma_wait3A_297 = arith.constant 0 : i32
    %dma_wait3A_298 = arith.constant 0 : i32
    %dma_wait3A_299 = tpu.memref_slice %dma_wait3A_296[%dma_wait3A_297, %dma_wait3A_298] : memref<64x32xf32, #tpu.memory_space<hbm>> -> memref<64x32xf32, #tpu.memory_space<hbm>>
    tpu.wait_indirect_dma semaphore(%arg20 : memref<!tpu.dma_semaphore, #tpu.memory_space<semaphore_mem>>) src(%dma_wait3A_299 : memref<64x32xf32, #tpu.memory_space<hbm>>) dst(%arg13 : memref<256x32xf32, #tpu.memory_space<vmem>>)
    %dma_start3A_300 = arith.constant 0 : i32
    %dma_start3A_301 = arith.constant 0 : i32
    %dma_start3A_302 = tpu.memref_slice %arg29[%dma_start3A_300, %dma_start3A_301] : memref<50176x32xf32, #tpu.memory_space<vmem_shared>> -> memref<50176x32xf32, #tpu.memory_space<vmem_shared>>
    tpu.enqueue_indirect_dma source(%arg13 : memref<256x32xf32, #tpu.memory_space<vmem>>) target(%dma_start3A_302 : memref<50176x32xf32, #tpu.memory_space<vmem_shared>>) offsets(%arg12 : memref<256xi32, #tpu.memory_space<vmem>>) semaphore(%arg23 : memref<!tpu.dma_semaphore, #tpu.memory_space<semaphore_mem>>) {add = true}
    %dma_wait3A_303 = arith.constant 0 : i32
    %dma_wait3A_304 = arith.constant 0 : i32
    %dma_wait3A_305 = tpu.memref_slice %arg29[%dma_wait3A_303, %dma_wait3A_304] : memref<50176x32xf32, #tpu.memory_space<vmem_shared>> -> memref<50176x32xf32, #tpu.memory_space<vmem_shared>>
    tpu.wait_indirect_dma semaphore(%arg25 : memref<!tpu.dma_semaphore, #tpu.memory_space<semaphore_mem>>) src(%arg19 : memref<256x32xf32, #tpu.memory_space<vmem>>) dst(%dma_wait3A_305 : memref<50176x32xf32, #tpu.memory_space<vmem_shared>>)
    %dma_wait3A_306 = arith.constant 0 : i32
    %dma_wait3A_307 = arith.constant 0 : i32
    %dma_wait3A_308 = tpu.memref_slice %arg29[%dma_wait3A_306, %dma_wait3A_307] : memref<50176x32xf32, #tpu.memory_space<vmem_shared>> -> memref<50176x32xf32, #tpu.memory_space<vmem_shared>>
    tpu.wait_indirect_dma semaphore(%arg23 : memref<!tpu.dma_semaphore, #tpu.memory_space<semaphore_mem>>) src(%arg13 : memref<256x32xf32, #tpu.memory_space<vmem>>) dst(%dma_wait3A_308 : memref<50176x32xf32, #tpu.memory_space<vmem_shared>>)
    %barrier3A_309 = arith.constant 0 : index
    tpu.barrier barrier_id(%barrier3A_309)
    %mul3A_310 = arith.constant 3136 : i32
    %mul3A_311 = arith.muli %arg1, %mul3A_310 : i32
    %mul3A_312 = arith.constant 3136 : i32
    %mul3A_313 = arith.muli %arg1, %mul3A_312 : i32
    "tpu.region"() ({
      %run_scoped3A = tpu.sem_alloc : memref<!tpu.dma_semaphore, #tpu.memory_space<semaphore_mem>>
      %dma_start3A_314 = arith.constant 0 : i32
      %dma_start3A_315 = tpu.memref_slice %arg10[%arg0, %mul3A_313, %dma_start3A_314] : memref<2x50176x32xf32, #tpu.memory_space<hbm>> -> memref<1x3136x32xf32, #tpu.memory_space<hbm>>
      %dma_start3A_316 = tpu.memref_squeeze %dma_start3A_315 : memref<1x3136x32xf32, #tpu.memory_space<hbm>> -> memref<3136x32xf32, #tpu.memory_space<hbm>>
      %dma_start3A_317 = arith.constant 0 : i32
      %dma_start3A_318 = tpu.memref_slice %arg29[%mul3A_311, %dma_start3A_317] : memref<50176x32xf32, #tpu.memory_space<vmem_shared>> -> memref<3136x32xf32, #tpu.memory_space<vmem_shared>>
      tpu.enqueue_dma source(%dma_start3A_318 : memref<3136x32xf32, #tpu.memory_space<vmem_shared>>) target(%dma_start3A_316 : memref<3136x32xf32, #tpu.memory_space<hbm>>) target_semaphore(%run_scoped3A : memref<!tpu.dma_semaphore, #tpu.memory_space<semaphore_mem>>)
      %dma_wait3A_319 = arith.constant 0 : i32
      %dma_wait3A_320 = tpu.memref_slice %arg10[%arg0, %mul3A_313, %dma_wait3A_319] : memref<2x50176x32xf32, #tpu.memory_space<hbm>> -> memref<1x3136x32xf32, #tpu.memory_space<hbm>>
      %dma_wait3A_321 = tpu.memref_squeeze %dma_wait3A_320 : memref<1x3136x32xf32, #tpu.memory_space<hbm>> -> memref<3136x32xf32, #tpu.memory_space<hbm>>
      %dma_wait3A_322 = arith.constant 0 : i32
      %dma_wait3A_323 = tpu.memref_slice %arg29[%mul3A_311, %dma_wait3A_322] : memref<50176x32xf32, #tpu.memory_space<vmem_shared>> -> memref<3136x32xf32, #tpu.memory_space<vmem_shared>>
      tpu.wait_dma2 semaphore(%run_scoped3A : memref<!tpu.dma_semaphore, #tpu.memory_space<semaphore_mem>>) src(%dma_wait3A_323 : memref<3136x32xf32, #tpu.memory_space<vmem_shared>>) dst(%dma_wait3A_321 : memref<3136x32xf32, #tpu.memory_space<hbm>>)
      tpu.yield
    }) : () -> ()
    return
  }
}

module attributes {stable_mosaic.version = 14 : i64} {
  func.func @_proj_body(%arg0: i32, %arg1: memref<5000x5xf32, #tpu.memory_space<vmem>>, %arg2: memref<1000x6xf32, #tpu.memory_space<vmem>>, %arg3: memref<64x1xf32, #tpu.memory_space<vmem>>, %arg4: memref<5x64xf32, #tpu.memory_space<vmem>>, %arg5: memref<64xf32, #tpu.memory_space<vmem>>, %arg6: memref<6x64xf32, #tpu.memory_space<vmem>>, %arg7: memref<64xf32, #tpu.memory_space<vmem>>, %arg8: memref<1x64xf32, #tpu.memory_space<vmem>>, %arg9: memref<64xf32, #tpu.memory_space<vmem>>, %arg10: memref<5000x64xf32, #tpu.memory_space<vmem>>, %arg11: memref<1000x64xf32, #tpu.memory_space<vmem>>, %arg12: memref<64x64xf32, #tpu.memory_space<vmem>>) attributes {dimension_semantics = [#tpu.dimension_semantics<arbitrary>], iteration_bounds = array<i64: 10>, scalar_prefetch = 0 : i64, scratch_operands = 0 : i64, tpu.core_type = #tpu.core_type<tc>, window_params = [{transform_indices = @transform_0, window_bounds = array<i64: 5000, 5>}, {transform_indices = @transform_1, window_bounds = array<i64: 1000, 6>}, {pipeline_mode = #tpu.pipeline_mode<synchronous>, transform_indices = @transform_2, window_bounds = array<i64: 64, 1>}, {pipeline_mode = #tpu.pipeline_mode<synchronous>, transform_indices = @transform_3, window_bounds = array<i64: 5, 64>}, {pipeline_mode = #tpu.pipeline_mode<synchronous>, transform_indices = @transform_4, window_bounds = array<i64: 64>}, {pipeline_mode = #tpu.pipeline_mode<synchronous>, transform_indices = @transform_5, window_bounds = array<i64: 6, 64>}, {pipeline_mode = #tpu.pipeline_mode<synchronous>, transform_indices = @transform_6, window_bounds = array<i64: 64>}, {pipeline_mode = #tpu.pipeline_mode<synchronous>, transform_indices = @transform_7, window_bounds = array<i64: 1, 64>}, {pipeline_mode = #tpu.pipeline_mode<synchronous>, transform_indices = @transform_8, window_bounds = array<i64: 64>}, {transform_indices = @transform_9, window_bounds = array<i64: 5000, 64>}, {transform_indices = @transform_10, window_bounds = array<i64: 1000, 64>}, {pipeline_mode = #tpu.pipeline_mode<synchronous>, transform_indices = @transform_11, window_bounds = array<i64: 64, 64>}]} {
    %get3A = arith.constant 0 : index
    %get3A_0 = arith.constant 0 : index
    %get3A_1 = vector.load %arg1[%get3A, %get3A_0] : memref<5000x5xf32, #tpu.memory_space<vmem>>, vector<5000x5xf32>
    %get3A_2 = arith.constant 0 : index
    %get3A_3 = arith.constant 0 : index
    %get3A_4 = vector.load %arg4[%get3A_2, %get3A_3] : memref<5x64xf32, #tpu.memory_space<vmem>>, vector<5x64xf32>
    %dot_general3A = arith.constant dense<0.000000e+00> : vector<5000x64xf32>
    %dot_general3A_5 = tpu.matmul %get3A_1, %get3A_4, %dot_general3A {dimension_numbers = #tpu.dot_dimension_numbers<[1], [0], [0], [1], [0, 0, 1, 1], [], []>, transpose_lhs_hint = false} : vector<5000x5xf32>, vector<5x64xf32>, vector<5000x64xf32> -> vector<5000x64xf32>
    %get3A_6 = arith.constant 0 : index
    %get3A_7 = vector.load %arg5[%get3A_6] : memref<64xf32, #tpu.memory_space<vmem>>, vector<64xf32>
    %broadcast_in_dim3A = vector.shape_cast %get3A_7 : vector<64xf32> to vector<1x64xf32>
    %add3A = vector.broadcast %broadcast_in_dim3A : vector<1x64xf32> to vector<5000x64xf32>
    %add3A_8 = arith.addf %dot_general3A_5, %add3A : vector<5000x64xf32>
    %gt3A = arith.constant 0.000000e+00 : f32
    %gt3A_9 = vector.broadcast %gt3A : f32 to vector<5000x64xf32>
    %gt3A_10 = arith.cmpf ogt, %add3A_8, %gt3A_9 : vector<5000x64xf32>
    %min3A = arith.constant 0.000000e+00 : f32
    %min3A_11 = vector.broadcast %min3A : f32 to vector<5000x64xf32>
    %min3A_12 = arith.minimumf %add3A_8, %min3A_11 : vector<5000x64xf32>
    %exp3A = math.exp %min3A_12 : vector<5000x64xf32>
    %sub3A = arith.constant 1.000000e+00 : f32
    %sub3A_13 = vector.broadcast %sub3A : f32 to vector<5000x64xf32>
    %sub3A_14 = arith.subf %exp3A, %sub3A_13 : vector<5000x64xf32>
    %select_n3A = arith.select %gt3A_10, %add3A_8, %sub3A_14 : vector<5000x64xi1>, vector<5000x64xf32>
    %swap3A = arith.constant 0 : index
    %swap3A_15 = arith.constant 0 : index
    %swap3A_16 = vector.load %arg10[%swap3A, %swap3A_15] : memref<5000x64xf32, #tpu.memory_space<vmem>>, vector<5000x64xf32>
    tpu.vector_store %arg10[%swap3A, %swap3A_15], %select_n3A {strides = array<i32>} : memref<5000x64xf32, #tpu.memory_space<vmem>>, vector<5000x64xf32>,
    %get3A_17 = arith.constant 0 : index
    %get3A_18 = arith.constant 0 : index
    %get3A_19 = vector.load %arg2[%get3A_17, %get3A_18] : memref<1000x6xf32, #tpu.memory_space<vmem>>, vector<1000x6xf32>
    %get3A_20 = arith.constant 0 : index
    %get3A_21 = arith.constant 0 : index
    %get3A_22 = vector.load %arg6[%get3A_20, %get3A_21] : memref<6x64xf32, #tpu.memory_space<vmem>>, vector<6x64xf32>
    %dot_general3A_23 = arith.constant dense<0.000000e+00> : vector<1000x64xf32>
    %dot_general3A_24 = tpu.matmul %get3A_19, %get3A_22, %dot_general3A_23 {dimension_numbers = #tpu.dot_dimension_numbers<[1], [0], [0], [1], [0, 0, 1, 1], [], []>, transpose_lhs_hint = false} : vector<1000x6xf32>, vector<6x64xf32>, vector<1000x64xf32> -> vector<1000x64xf32>
    %get3A_25 = arith.constant 0 : index
    %get3A_26 = vector.load %arg7[%get3A_25] : memref<64xf32, #tpu.memory_space<vmem>>, vector<64xf32>
    %broadcast_in_dim3A_27 = vector.shape_cast %get3A_26 : vector<64xf32> to vector<1x64xf32>
    %add3A_28 = vector.broadcast %broadcast_in_dim3A_27 : vector<1x64xf32> to vector<1000x64xf32>
    %add3A_29 = arith.addf %dot_general3A_24, %add3A_28 : vector<1000x64xf32>
    %gt3A_30 = arith.constant 0.000000e+00 : f32
    %gt3A_31 = vector.broadcast %gt3A_30 : f32 to vector<1000x64xf32>
    %gt3A_32 = arith.cmpf ogt, %add3A_29, %gt3A_31 : vector<1000x64xf32>
    %min3A_33 = arith.constant 0.000000e+00 : f32
    %min3A_34 = vector.broadcast %min3A_33 : f32 to vector<1000x64xf32>
    %min3A_35 = arith.minimumf %add3A_29, %min3A_34 : vector<1000x64xf32>
    %exp3A_36 = math.exp %min3A_35 : vector<1000x64xf32>
    %sub3A_37 = arith.constant 1.000000e+00 : f32
    %sub3A_38 = vector.broadcast %sub3A_37 : f32 to vector<1000x64xf32>
    %sub3A_39 = arith.subf %exp3A_36, %sub3A_38 : vector<1000x64xf32>
    %select_n3A_40 = arith.select %gt3A_32, %add3A_29, %sub3A_39 : vector<1000x64xi1>, vector<1000x64xf32>
    %swap3A_41 = arith.constant 0 : index
    %swap3A_42 = arith.constant 0 : index
    %swap3A_43 = vector.load %arg11[%swap3A_41, %swap3A_42] : memref<1000x64xf32, #tpu.memory_space<vmem>>, vector<1000x64xf32>
    tpu.vector_store %arg11[%swap3A_41, %swap3A_42], %select_n3A_40 {strides = array<i32>} : memref<1000x64xf32, #tpu.memory_space<vmem>>, vector<1000x64xf32>,
    %get3A_44 = arith.constant 0 : index
    %get3A_45 = arith.constant 0 : index
    %get3A_46 = vector.load %arg3[%get3A_44, %get3A_45] : memref<64x1xf32, #tpu.memory_space<vmem>>, vector<64x1xf32>
    %get3A_47 = arith.constant 0 : index
    %get3A_48 = arith.constant 0 : index
    %get3A_49 = vector.load %arg8[%get3A_47, %get3A_48] : memref<1x64xf32, #tpu.memory_space<vmem>>, vector<1x64xf32>
    %mul3A = vector.broadcast %get3A_46 : vector<64x1xf32> to vector<64x64xf32>
    %mul3A_50 = vector.broadcast %get3A_49 : vector<1x64xf32> to vector<64x64xf32>
    %mul3A_51 = arith.mulf %mul3A, %mul3A_50 : vector<64x64xf32>
    %get3A_52 = arith.constant 0 : index
    %get3A_53 = vector.load %arg9[%get3A_52] : memref<64xf32, #tpu.memory_space<vmem>>, vector<64xf32>
    %broadcast_in_dim3A_54 = vector.shape_cast %get3A_53 : vector<64xf32> to vector<1x64xf32>
    %add3A_55 = vector.broadcast %broadcast_in_dim3A_54 : vector<1x64xf32> to vector<64x64xf32>
    %add3A_56 = arith.addf %mul3A_51, %add3A_55 : vector<64x64xf32>
    %gt3A_57 = arith.constant 0.000000e+00 : f32
    %gt3A_58 = vector.broadcast %gt3A_57 : f32 to vector<64x64xf32>
    %gt3A_59 = arith.cmpf ogt, %add3A_56, %gt3A_58 : vector<64x64xf32>
    %min3A_60 = arith.constant 0.000000e+00 : f32
    %min3A_61 = vector.broadcast %min3A_60 : f32 to vector<64x64xf32>
    %min3A_62 = arith.minimumf %add3A_56, %min3A_61 : vector<64x64xf32>
    %exp3A_63 = math.exp %min3A_62 : vector<64x64xf32>
    %sub3A_64 = arith.constant 1.000000e+00 : f32
    %sub3A_65 = vector.broadcast %sub3A_64 : f32 to vector<64x64xf32>
    %sub3A_66 = arith.subf %exp3A_63, %sub3A_65 : vector<64x64xf32>
    %select_n3A_67 = arith.select %gt3A_59, %add3A_56, %sub3A_66 : vector<64x64xi1>, vector<64x64xf32>
    %swap3A_68 = arith.constant 0 : index
    %swap3A_69 = arith.constant 0 : index
    %swap3A_70 = vector.load %arg12[%swap3A_68, %swap3A_69] : memref<64x64xf32, #tpu.memory_space<vmem>>, vector<64x64xf32>
    tpu.vector_store %arg12[%swap3A_68, %swap3A_69], %select_n3A_67 {strides = array<i32>} : memref<64x64xf32, #tpu.memory_space<vmem>>, vector<64x64xf32>,
    return
  }
  func.func @transform_0(%arg0: i32) -> (i32, i32) {
    %c0_i32 = arith.constant 0 : i32
    %c0_i32_0 = arith.constant 0 : i32
    return %arg0, %c0_i32 : i32, i32
  }
  func.func @transform_1(%arg0: i32) -> (i32, i32) {
    %c0_i32 = arith.constant 0 : i32
    %c0_i32_0 = arith.constant 0 : i32
    return %arg0, %c0_i32 : i32, i32
  }
  func.func @transform_2(%arg0: i32) -> (i32, i32) {
    %c0_i32 = arith.constant 0 : i32
    %c0_i32_0 = arith.constant 0 : i32
    %c0_i32_1 = arith.constant 0 : i32
    return %c0_i32, %c0_i32_0 : i32, i32
  }
  func.func @transform_3(%arg0: i32) -> (i32, i32) {
    %c0_i32 = arith.constant 0 : i32
    %c0_i32_0 = arith.constant 0 : i32
    %c0_i32_1 = arith.constant 0 : i32
    return %c0_i32, %c0_i32_0 : i32, i32
  }
  func.func @transform_4(%arg0: i32) -> i32 {
    %c0_i32 = arith.constant 0 : i32
    %c0_i32_0 = arith.constant 0 : i32
    return %c0_i32 : i32
  }
  func.func @transform_5(%arg0: i32) -> (i32, i32) {
    %c0_i32 = arith.constant 0 : i32
    %c0_i32_0 = arith.constant 0 : i32
    %c0_i32_1 = arith.constant 0 : i32
    return %c0_i32, %c0_i32_0 : i32, i32
  }
  func.func @transform_6(%arg0: i32) -> i32 {
    %c0_i32 = arith.constant 0 : i32
    %c0_i32_0 = arith.constant 0 : i32
    return %c0_i32 : i32
  }
  func.func @transform_7(%arg0: i32) -> (i32, i32) {
    %c0_i32 = arith.constant 0 : i32
    %c0_i32_0 = arith.constant 0 : i32
    %c0_i32_1 = arith.constant 0 : i32
    return %c0_i32, %c0_i32_0 : i32, i32
  }
  func.func @transform_8(%arg0: i32) -> i32 {
    %c0_i32 = arith.constant 0 : i32
    %c0_i32_0 = arith.constant 0 : i32
    return %c0_i32 : i32
  }
  func.func @transform_9(%arg0: i32) -> (i32, i32) {
    %c0_i32 = arith.constant 0 : i32
    %c0_i32_0 = arith.constant 0 : i32
    return %arg0, %c0_i32 : i32, i32
  }
  func.func @transform_10(%arg0: i32) -> (i32, i32) {
    %c0_i32 = arith.constant 0 : i32
    %c0_i32_0 = arith.constant 0 : i32
    return %arg0, %c0_i32 : i32, i32
  }
  func.func @transform_11(%arg0: i32) -> (i32, i32) {
    %c0_i32 = arith.constant 0 : i32
    %c0_i32_0 = arith.constant 0 : i32
    %c0_i32_1 = arith.constant 0 : i32
    return %c0_i32, %c0_i32_0 : i32, i32
  }
}

module attributes {stable_mosaic.version = 14 : i64} {
  func.func @_device_body(%arg0: i32, %arg1: memref<1000x64xf32, #tpu.memory_space<vmem>>, %arg2: memref<2x1000x64xf32, #tpu.memory_space<vmem>>, %arg3: memref<2x1000x8xf32, #tpu.memory_space<vmem>>, %arg4: memref<2x1000x64xf32, #tpu.memory_space<vmem>>, %arg5: memref<2x1000x8xf32, #tpu.memory_space<vmem>>, %arg6: memref<2x1000x64xf32, #tpu.memory_space<vmem>>, %arg7: memref<2x1000x8xf32, #tpu.memory_space<vmem>>, %arg8: memref<64x64xf32, #tpu.memory_space<vmem>>, %arg9: memref<64x64xf32, #tpu.memory_space<vmem>>, %arg10: memref<64x64xf32, #tpu.memory_space<vmem>>, %arg11: memref<64x64xf32, #tpu.memory_space<vmem>>, %arg12: memref<64xf32, #tpu.memory_space<vmem>>, %arg13: memref<64xf32, #tpu.memory_space<vmem>>, %arg14: memref<64xf32, #tpu.memory_space<vmem>>, %arg15: memref<1000x64xf32, #tpu.memory_space<vmem>>) attributes {dimension_semantics = [#tpu.dimension_semantics<arbitrary>], iteration_bounds = array<i64: 10>, scalar_prefetch = 0 : i64, scratch_operands = 0 : i64, tpu.core_type = #tpu.core_type<tc>, window_params = [{transform_indices = @transform_0, window_bounds = array<i64: 1000, 64>}, {transform_indices = @transform_1, window_bounds = array<i64: 2, 1000, 64>}, {transform_indices = @transform_2, window_bounds = array<i64: 2, 1000, 8>}, {transform_indices = @transform_3, window_bounds = array<i64: 2, 1000, 64>}, {transform_indices = @transform_4, window_bounds = array<i64: 2, 1000, 8>}, {transform_indices = @transform_5, window_bounds = array<i64: 2, 1000, 64>}, {transform_indices = @transform_6, window_bounds = array<i64: 2, 1000, 8>}, {pipeline_mode = #tpu.pipeline_mode<synchronous>, transform_indices = @transform_7, window_bounds = array<i64: 64, 64>}, {pipeline_mode = #tpu.pipeline_mode<synchronous>, transform_indices = @transform_8, window_bounds = array<i64: 64, 64>}, {pipeline_mode = #tpu.pipeline_mode<synchronous>, transform_indices = @transform_9, window_bounds = array<i64: 64, 64>}, {pipeline_mode = #tpu.pipeline_mode<synchronous>, transform_indices = @transform_10, window_bounds = array<i64: 64, 64>}, {pipeline_mode = #tpu.pipeline_mode<synchronous>, transform_indices = @transform_11, window_bounds = array<i64: 64>}, {pipeline_mode = #tpu.pipeline_mode<synchronous>, transform_indices = @transform_12, window_bounds = array<i64: 64>}, {pipeline_mode = #tpu.pipeline_mode<synchronous>, transform_indices = @transform_13, window_bounds = array<i64: 64>}, {transform_indices = @transform_14, window_bounds = array<i64: 1000, 64>}]} {
    %get3A = arith.constant 0 : index
    %get3A_0 = arith.constant 0 : index
    %get3A_1 = arith.constant 0 : index
    %get3A_2 = vector.load %arg2[%get3A, %get3A_0, %get3A_1] : memref<2x1000x64xf32, #tpu.memory_space<vmem>>, vector<1x1000x64xf32>
    %get3A_3 = vector.shape_cast %get3A_2 : vector<1x1000x64xf32> to vector<1000x64xf32>
    %get3A_4 = arith.constant 1 : index
    %get3A_5 = arith.constant 0 : index
    %get3A_6 = arith.constant 0 : index
    %get3A_7 = vector.load %arg2[%get3A_4, %get3A_5, %get3A_6] : memref<2x1000x64xf32, #tpu.memory_space<vmem>>, vector<1x1000x64xf32>
    %get3A_8 = vector.shape_cast %get3A_7 : vector<1x1000x64xf32> to vector<1000x64xf32>
    %add3A = arith.addf %get3A_3, %get3A_8 : vector<1000x64xf32>
    %get3A_9 = arith.constant 0 : index
    %get3A_10 = arith.constant 0 : index
    %get3A_11 = arith.constant 0 : index
    %get3A_12 = vector.load %arg3[%get3A_9, %get3A_10, %get3A_11] : memref<2x1000x8xf32, #tpu.memory_space<vmem>>, vector<1x1000x8xf32>
    %get3A_13 = vector.shape_cast %get3A_12 : vector<1x1000x8xf32> to vector<1000x8xf32>
    %slice3A = vector.extract_strided_slice %get3A_13 {offsets = [0, 0], sizes = [1000, 1], strides = [1, 1]} : vector<1000x8xf32> to vector<1000x1xf32>
    %get3A_14 = arith.constant 1 : index
    %get3A_15 = arith.constant 0 : index
    %get3A_16 = arith.constant 0 : index
    %get3A_17 = vector.load %arg3[%get3A_14, %get3A_15, %get3A_16] : memref<2x1000x8xf32, #tpu.memory_space<vmem>>, vector<1x1000x8xf32>
    %get3A_18 = vector.shape_cast %get3A_17 : vector<1x1000x8xf32> to vector<1000x8xf32>
    %slice3A_19 = vector.extract_strided_slice %get3A_18 {offsets = [0, 0], sizes = [1000, 1], strides = [1, 1]} : vector<1000x8xf32> to vector<1000x1xf32>
    %add3A_20 = arith.addf %slice3A, %slice3A_19 : vector<1000x1xf32>
    %max3A = arith.constant 1.000000e+00 : f32
    %max3A_21 = vector.broadcast %max3A : f32 to vector<1000x1xf32>
    %max3A_22 = arith.maximumf %add3A_20, %max3A_21 : vector<1000x1xf32>
    %div3A = vector.broadcast %max3A_22 : vector<1000x1xf32> to vector<1000x64xf32>
    %div3A_23 = arith.divf %add3A, %div3A : vector<1000x64xf32>
    %get3A_24 = arith.constant 0 : index
    %get3A_25 = arith.constant 0 : index
    %get3A_26 = arith.constant 0 : index
    %get3A_27 = vector.load %arg4[%get3A_24, %get3A_25, %get3A_26] : memref<2x1000x64xf32, #tpu.memory_space<vmem>>, vector<1x1000x64xf32>
    %get3A_28 = vector.shape_cast %get3A_27 : vector<1x1000x64xf32> to vector<1000x64xf32>
    %get3A_29 = arith.constant 1 : index
    %get3A_30 = arith.constant 0 : index
    %get3A_31 = arith.constant 0 : index
    %get3A_32 = vector.load %arg4[%get3A_29, %get3A_30, %get3A_31] : memref<2x1000x64xf32, #tpu.memory_space<vmem>>, vector<1x1000x64xf32>
    %get3A_33 = vector.shape_cast %get3A_32 : vector<1x1000x64xf32> to vector<1000x64xf32>
    %add3A_34 = arith.addf %get3A_28, %get3A_33 : vector<1000x64xf32>
    %get3A_35 = arith.constant 0 : index
    %get3A_36 = arith.constant 0 : index
    %get3A_37 = arith.constant 0 : index
    %get3A_38 = vector.load %arg5[%get3A_35, %get3A_36, %get3A_37] : memref<2x1000x8xf32, #tpu.memory_space<vmem>>, vector<1x1000x8xf32>
    %get3A_39 = vector.shape_cast %get3A_38 : vector<1x1000x8xf32> to vector<1000x8xf32>
    %slice3A_40 = vector.extract_strided_slice %get3A_39 {offsets = [0, 0], sizes = [1000, 1], strides = [1, 1]} : vector<1000x8xf32> to vector<1000x1xf32>
    %get3A_41 = arith.constant 1 : index
    %get3A_42 = arith.constant 0 : index
    %get3A_43 = arith.constant 0 : index
    %get3A_44 = vector.load %arg5[%get3A_41, %get3A_42, %get3A_43] : memref<2x1000x8xf32, #tpu.memory_space<vmem>>, vector<1x1000x8xf32>
    %get3A_45 = vector.shape_cast %get3A_44 : vector<1x1000x8xf32> to vector<1000x8xf32>
    %slice3A_46 = vector.extract_strided_slice %get3A_45 {offsets = [0, 0], sizes = [1000, 1], strides = [1, 1]} : vector<1000x8xf32> to vector<1000x1xf32>
    %add3A_47 = arith.addf %slice3A_40, %slice3A_46 : vector<1000x1xf32>
    %max3A_48 = arith.constant 1.000000e+00 : f32
    %max3A_49 = vector.broadcast %max3A_48 : f32 to vector<1000x1xf32>
    %max3A_50 = arith.maximumf %add3A_47, %max3A_49 : vector<1000x1xf32>
    %div3A_51 = vector.broadcast %max3A_50 : vector<1000x1xf32> to vector<1000x64xf32>
    %div3A_52 = arith.divf %add3A_34, %div3A_51 : vector<1000x64xf32>
    %get3A_53 = arith.constant 0 : index
    %get3A_54 = arith.constant 0 : index
    %get3A_55 = arith.constant 0 : index
    %get3A_56 = vector.load %arg6[%get3A_53, %get3A_54, %get3A_55] : memref<2x1000x64xf32, #tpu.memory_space<vmem>>, vector<1x1000x64xf32>
    %get3A_57 = vector.shape_cast %get3A_56 : vector<1x1000x64xf32> to vector<1000x64xf32>
    %get3A_58 = arith.constant 1 : index
    %get3A_59 = arith.constant 0 : index
    %get3A_60 = arith.constant 0 : index
    %get3A_61 = vector.load %arg6[%get3A_58, %get3A_59, %get3A_60] : memref<2x1000x64xf32, #tpu.memory_space<vmem>>, vector<1x1000x64xf32>
    %get3A_62 = vector.shape_cast %get3A_61 : vector<1x1000x64xf32> to vector<1000x64xf32>
    %add3A_63 = arith.addf %get3A_57, %get3A_62 : vector<1000x64xf32>
    %get3A_64 = arith.constant 0 : index
    %get3A_65 = arith.constant 0 : index
    %get3A_66 = arith.constant 0 : index
    %get3A_67 = vector.load %arg7[%get3A_64, %get3A_65, %get3A_66] : memref<2x1000x8xf32, #tpu.memory_space<vmem>>, vector<1x1000x8xf32>
    %get3A_68 = vector.shape_cast %get3A_67 : vector<1x1000x8xf32> to vector<1000x8xf32>
    %slice3A_69 = vector.extract_strided_slice %get3A_68 {offsets = [0, 0], sizes = [1000, 1], strides = [1, 1]} : vector<1000x8xf32> to vector<1000x1xf32>
    %get3A_70 = arith.constant 1 : index
    %get3A_71 = arith.constant 0 : index
    %get3A_72 = arith.constant 0 : index
    %get3A_73 = vector.load %arg7[%get3A_70, %get3A_71, %get3A_72] : memref<2x1000x8xf32, #tpu.memory_space<vmem>>, vector<1x1000x8xf32>
    %get3A_74 = vector.shape_cast %get3A_73 : vector<1x1000x8xf32> to vector<1000x8xf32>
    %slice3A_75 = vector.extract_strided_slice %get3A_74 {offsets = [0, 0], sizes = [1000, 1], strides = [1, 1]} : vector<1000x8xf32> to vector<1000x1xf32>
    %add3A_76 = arith.addf %slice3A_69, %slice3A_75 : vector<1000x1xf32>
    %max3A_77 = arith.constant 1.000000e+00 : f32
    %max3A_78 = vector.broadcast %max3A_77 : f32 to vector<1000x1xf32>
    %max3A_79 = arith.maximumf %add3A_76, %max3A_78 : vector<1000x1xf32>
    %div3A_80 = vector.broadcast %max3A_79 : vector<1000x1xf32> to vector<1000x64xf32>
    %div3A_81 = arith.divf %add3A_63, %div3A_80 : vector<1000x64xf32>
    %get3A_82 = arith.constant 0 : index
    %get3A_83 = arith.constant 0 : index
    %get3A_84 = vector.load %arg1[%get3A_82, %get3A_83] : memref<1000x64xf32, #tpu.memory_space<vmem>>, vector<1000x64xf32>
    %get3A_85 = arith.constant 0 : index
    %get3A_86 = arith.constant 0 : index
    %get3A_87 = vector.load %arg8[%get3A_85, %get3A_86] : memref<64x64xf32, #tpu.memory_space<vmem>>, vector<64x64xf32>
    %dot_general3A = arith.constant dense<0.000000e+00> : vector<1000x64xf32>
    %dot_general3A_88 = tpu.matmul %get3A_84, %get3A_87, %dot_general3A {dimension_numbers = #tpu.dot_dimension_numbers<[1], [0], [0], [1], [0, 0, 1, 1], [], []>, transpose_lhs_hint = false} : vector<1000x64xf32>, vector<64x64xf32>, vector<1000x64xf32> -> vector<1000x64xf32>
    %get3A_89 = arith.constant 0 : index
    %get3A_90 = arith.constant 0 : index
    %get3A_91 = vector.load %arg9[%get3A_89, %get3A_90] : memref<64x64xf32, #tpu.memory_space<vmem>>, vector<64x64xf32>
    %dot_general3A_92 = arith.constant dense<0.000000e+00> : vector<1000x64xf32>
    %dot_general3A_93 = tpu.matmul %div3A_23, %get3A_91, %dot_general3A_92 {dimension_numbers = #tpu.dot_dimension_numbers<[1], [0], [0], [1], [0, 0, 1, 1], [], []>, transpose_lhs_hint = false} : vector<1000x64xf32>, vector<64x64xf32>, vector<1000x64xf32> -> vector<1000x64xf32>
    %add3A_94 = arith.addf %dot_general3A_88, %dot_general3A_93 : vector<1000x64xf32>
    %get3A_95 = arith.constant 0 : index
    %get3A_96 = arith.constant 0 : index
    %get3A_97 = vector.load %arg10[%get3A_95, %get3A_96] : memref<64x64xf32, #tpu.memory_space<vmem>>, vector<64x64xf32>
    %dot_general3A_98 = arith.constant dense<0.000000e+00> : vector<1000x64xf32>
    %dot_general3A_99 = tpu.matmul %div3A_52, %get3A_97, %dot_general3A_98 {dimension_numbers = #tpu.dot_dimension_numbers<[1], [0], [0], [1], [0, 0, 1, 1], [], []>, transpose_lhs_hint = false} : vector<1000x64xf32>, vector<64x64xf32>, vector<1000x64xf32> -> vector<1000x64xf32>
    %add3A_100 = arith.addf %add3A_94, %dot_general3A_99 : vector<1000x64xf32>
    %get3A_101 = arith.constant 0 : index
    %get3A_102 = arith.constant 0 : index
    %get3A_103 = vector.load %arg11[%get3A_101, %get3A_102] : memref<64x64xf32, #tpu.memory_space<vmem>>, vector<64x64xf32>
    %dot_general3A_104 = arith.constant dense<0.000000e+00> : vector<1000x64xf32>
    %dot_general3A_105 = tpu.matmul %div3A_81, %get3A_103, %dot_general3A_104 {dimension_numbers = #tpu.dot_dimension_numbers<[1], [0], [0], [1], [0, 0, 1, 1], [], []>, transpose_lhs_hint = false} : vector<1000x64xf32>, vector<64x64xf32>, vector<1000x64xf32> -> vector<1000x64xf32>
    %add3A_106 = arith.addf %add3A_100, %dot_general3A_105 : vector<1000x64xf32>
    %get3A_107 = arith.constant 0 : index
    %get3A_108 = vector.load %arg12[%get3A_107] : memref<64xf32, #tpu.memory_space<vmem>>, vector<64xf32>
    %broadcast_in_dim3A = vector.shape_cast %get3A_108 : vector<64xf32> to vector<1x64xf32>
    %add3A_109 = vector.broadcast %broadcast_in_dim3A : vector<1x64xf32> to vector<1000x64xf32>
    %add3A_110 = arith.addf %add3A_106, %add3A_109 : vector<1000x64xf32>
    %gt3A = arith.constant 0.000000e+00 : f32
    %gt3A_111 = vector.broadcast %gt3A : f32 to vector<1000x64xf32>
    %gt3A_112 = arith.cmpf ogt, %add3A_110, %gt3A_111 : vector<1000x64xf32>
    %min3A = arith.constant 0.000000e+00 : f32
    %min3A_113 = vector.broadcast %min3A : f32 to vector<1000x64xf32>
    %min3A_114 = arith.minimumf %add3A_110, %min3A_113 : vector<1000x64xf32>
    %exp3A = math.exp %min3A_114 : vector<1000x64xf32>
    %sub3A = arith.constant 1.000000e+00 : f32
    %sub3A_115 = vector.broadcast %sub3A : f32 to vector<1000x64xf32>
    %sub3A_116 = arith.subf %exp3A, %sub3A_115 : vector<1000x64xf32>
    %select_n3A = arith.select %gt3A_112, %add3A_110, %sub3A_116 : vector<1000x64xi1>, vector<1000x64xf32>
    %add3A_117 = arith.addf %get3A_84, %select_n3A : vector<1000x64xf32>
    %get3A_118 = arith.constant 0 : index
    %get3A_119 = vector.load %arg13[%get3A_118] : memref<64xf32, #tpu.memory_space<vmem>>, vector<64xf32>
    %get3A_120 = arith.constant 0 : index
    %get3A_121 = vector.load %arg14[%get3A_120] : memref<64xf32, #tpu.memory_space<vmem>>, vector<64xf32>
    %reduce_sum3A = arith.constant dense<0.000000e+00> : vector<1000xf32>
    %reduce_sum3A_122 = vector.multi_reduction <add>, %add3A_117, %reduce_sum3A [1] : vector<1000x64xf32> to vector<1000xf32>
    %broadcast_in_dim3A_123 = vector.shape_cast %reduce_sum3A_122 : vector<1000xf32> to vector<1000x1xf32>
    %div3A_124 = arith.constant 6.400000e+01 : f32
    %div3A_125 = vector.broadcast %div3A_124 : f32 to vector<1000x1xf32>
    %div3A_126 = arith.divf %broadcast_in_dim3A_123, %div3A_125 : vector<1000x1xf32>
    %jit3A = arith.constant 0 : i32
    %reduce_sum3A_127 = arith.constant dense<0.000000e+00> : vector<1000xf32>
    %reduce_sum3A_128 = vector.multi_reduction <add>, %add3A_117, %reduce_sum3A_127 [1] : vector<1000x64xf32> to vector<1000xf32>
    %broadcast_in_dim3A_129 = vector.shape_cast %reduce_sum3A_128 : vector<1000xf32> to vector<1000x1xf32>
    %div3A_130 = arith.constant 6.400000e+01 : f32
    %div3A_131 = vector.broadcast %div3A_130 : f32 to vector<1000x1xf32>
    %div3A_132 = arith.divf %broadcast_in_dim3A_129, %div3A_131 : vector<1000x1xf32>
    %sub3A_133 = vector.broadcast %div3A_132 : vector<1000x1xf32> to vector<1000x64xf32>
    %sub3A_134 = arith.subf %add3A_117, %sub3A_133 : vector<1000x64xf32>
    %square3A = arith.mulf %sub3A_134, %sub3A_134 : vector<1000x64xf32>
    %convert_element_type3A = arith.sitofp %jit3A : i32 to f32
    %sub3A_135 = arith.constant 6.400000e+01 : f32
    %sub3A_136 = arith.subf %sub3A_135, %convert_element_type3A : f32
    %reduce_sum3A_137 = arith.constant dense<0.000000e+00> : vector<1000xf32>
    %reduce_sum3A_138 = vector.multi_reduction <add>, %square3A, %reduce_sum3A_137 [1] : vector<1000x64xf32> to vector<1000xf32>
    %broadcast_in_dim3A_139 = vector.shape_cast %reduce_sum3A_138 : vector<1000xf32> to vector<1000x1xf32>
    %div3A_140 = vector.broadcast %sub3A_136 : f32 to vector<1000x1xf32>
    %div3A_141 = arith.divf %broadcast_in_dim3A_139, %div3A_140 : vector<1000x1xf32>
    %gt3A_142 = arith.constant 0.000000e+00 : f32
    %gt3A_143 = arith.cmpf ogt, %sub3A_136, %gt3A_142 : f32
    %jit3A_144 = arith.constant 0x7FC00000 : f32
    %broadcast_in_dim3A_145 = vector.broadcast %jit3A_144 : f32 to vector<1000x1xf32>
    %select_n3A_146 = arith.select %gt3A_143, %div3A_141, %broadcast_in_dim3A_145 : vector<1000x1xf32>
    %sub3A_147 = vector.broadcast %div3A_126 : vector<1000x1xf32> to vector<1000x64xf32>
    %sub3A_148 = arith.subf %add3A_117, %sub3A_147 : vector<1000x64xf32>
    %add3A_149 = arith.constant 9.99999974E-6 : f32
    %add3A_150 = vector.broadcast %add3A_149 : f32 to vector<1000x1xf32>
    %add3A_151 = arith.addf %select_n3A_146, %add3A_150 : vector<1000x1xf32>
    %sqrt3A = math.sqrt %add3A_151 : vector<1000x1xf32>
    %div3A_152 = vector.broadcast %sqrt3A : vector<1000x1xf32> to vector<1000x64xf32>
    %div3A_153 = arith.divf %sub3A_148, %div3A_152 : vector<1000x64xf32>
    %broadcast_in_dim3A_154 = vector.shape_cast %get3A_119 : vector<64xf32> to vector<1x64xf32>
    %mul3A = vector.broadcast %broadcast_in_dim3A_154 : vector<1x64xf32> to vector<1000x64xf32>
    %mul3A_155 = arith.mulf %div3A_153, %mul3A : vector<1000x64xf32>
    %broadcast_in_dim3A_156 = vector.shape_cast %get3A_121 : vector<64xf32> to vector<1x64xf32>
    %add3A_157 = vector.broadcast %broadcast_in_dim3A_156 : vector<1x64xf32> to vector<1000x64xf32>
    %add3A_158 = arith.addf %mul3A_155, %add3A_157 : vector<1000x64xf32>
    %swap3A = arith.constant 0 : index
    %swap3A_159 = arith.constant 0 : index
    %swap3A_160 = vector.load %arg15[%swap3A, %swap3A_159] : memref<1000x64xf32, #tpu.memory_space<vmem>>, vector<1000x64xf32>
    tpu.vector_store %arg15[%swap3A, %swap3A_159], %add3A_158 {strides = array<i32>} : memref<1000x64xf32, #tpu.memory_space<vmem>>, vector<1000x64xf32>,
    return
  }
  func.func @transform_0(%arg0: i32) -> (i32, i32) {
    %c0_i32 = arith.constant 0 : i32
    %c0_i32_0 = arith.constant 0 : i32
    return %arg0, %c0_i32 : i32, i32
  }
  func.func @transform_1(%arg0: i32) -> (i32, i32, i32) {
    %c0_i32 = arith.constant 0 : i32
    %c0_i32_0 = arith.constant 0 : i32
    %c0_i32_1 = arith.constant 0 : i32
    return %c0_i32, %arg0, %c0_i32_0 : i32, i32, i32
  }
  func.func @transform_2(%arg0: i32) -> (i32, i32, i32) {
    %c0_i32 = arith.constant 0 : i32
    %c0_i32_0 = arith.constant 0 : i32
    %c0_i32_1 = arith.constant 0 : i32
    return %c0_i32, %arg0, %c0_i32_0 : i32, i32, i32
  }
  func.func @transform_3(%arg0: i32) -> (i32, i32, i32) {
    %c0_i32 = arith.constant 0 : i32
    %c0_i32_0 = arith.constant 0 : i32
    %c0_i32_1 = arith.constant 0 : i32
    return %c0_i32, %arg0, %c0_i32_0 : i32, i32, i32
  }
  func.func @transform_4(%arg0: i32) -> (i32, i32, i32) {
    %c0_i32 = arith.constant 0 : i32
    %c0_i32_0 = arith.constant 0 : i32
    %c0_i32_1 = arith.constant 0 : i32
    return %c0_i32, %arg0, %c0_i32_0 : i32, i32, i32
  }
  func.func @transform_5(%arg0: i32) -> (i32, i32, i32) {
    %c0_i32 = arith.constant 0 : i32
    %c0_i32_0 = arith.constant 0 : i32
    %c0_i32_1 = arith.constant 0 : i32
    return %c0_i32, %arg0, %c0_i32_0 : i32, i32, i32
  }
  func.func @transform_6(%arg0: i32) -> (i32, i32, i32) {
    %c0_i32 = arith.constant 0 : i32
    %c0_i32_0 = arith.constant 0 : i32
    %c0_i32_1 = arith.constant 0 : i32
    return %c0_i32, %arg0, %c0_i32_0 : i32, i32, i32
  }
  func.func @transform_7(%arg0: i32) -> (i32, i32) {
    %c0_i32 = arith.constant 0 : i32
    %c0_i32_0 = arith.constant 0 : i32
    %c0_i32_1 = arith.constant 0 : i32
    return %c0_i32, %c0_i32_0 : i32, i32
  }
  func.func @transform_8(%arg0: i32) -> (i32, i32) {
    %c0_i32 = arith.constant 0 : i32
    %c0_i32_0 = arith.constant 0 : i32
    %c0_i32_1 = arith.constant 0 : i32
    return %c0_i32, %c0_i32_0 : i32, i32
  }
  func.func @transform_9(%arg0: i32) -> (i32, i32) {
    %c0_i32 = arith.constant 0 : i32
    %c0_i32_0 = arith.constant 0 : i32
    %c0_i32_1 = arith.constant 0 : i32
    return %c0_i32, %c0_i32_0 : i32, i32
  }
  func.func @transform_10(%arg0: i32) -> (i32, i32) {
    %c0_i32 = arith.constant 0 : i32
    %c0_i32_0 = arith.constant 0 : i32
    %c0_i32_1 = arith.constant 0 : i32
    return %c0_i32, %c0_i32_0 : i32, i32
  }
  func.func @transform_11(%arg0: i32) -> i32 {
    %c0_i32 = arith.constant 0 : i32
    %c0_i32_0 = arith.constant 0 : i32
    return %c0_i32 : i32
  }
  func.func @transform_12(%arg0: i32) -> i32 {
    %c0_i32 = arith.constant 0 : i32
    %c0_i32_0 = arith.constant 0 : i32
    return %c0_i32 : i32
  }
  func.func @transform_13(%arg0: i32) -> i32 {
    %c0_i32 = arith.constant 0 : i32
    %c0_i32_0 = arith.constant 0 : i32
    return %c0_i32 : i32
  }
  func.func @transform_14(%arg0: i32) -> (i32, i32) {
    %c0_i32 = arith.constant 0 : i32
    %c0_i32_0 = arith.constant 0 : i32
    return %arg0, %c0_i32 : i32, i32
  }
}

module attributes {stable_mosaic.version = 14 : i64} {
  func.func @_order_body(%arg0: i32, %arg1: memref<1000x64xf32, #tpu.memory_space<vmem>>, %arg2: memref<2x1000x32xf32, #tpu.memory_space<vmem>>, %arg3: memref<2x1000x8xf32, #tpu.memory_space<vmem>>, %arg4: memref<2x1000x32xf32, #tpu.memory_space<vmem>>, %arg5: memref<2x1000x8xf32, #tpu.memory_space<vmem>>, %arg6: memref<64x64xf32, #tpu.memory_space<vmem>>, %arg7: memref<64x64xf32, #tpu.memory_space<vmem>>, %arg8: memref<64x64xf32, #tpu.memory_space<vmem>>, %arg9: memref<64xf32, #tpu.memory_space<vmem>>, %arg10: memref<64xf32, #tpu.memory_space<vmem>>, %arg11: memref<64xf32, #tpu.memory_space<vmem>>, %arg12: memref<1000x64xf32, #tpu.memory_space<vmem>>) attributes {dimension_semantics = [#tpu.dimension_semantics<arbitrary>], iteration_bounds = array<i64: 50>, scalar_prefetch = 0 : i64, scratch_operands = 0 : i64, tpu.core_type = #tpu.core_type<tc>, window_params = [{transform_indices = @transform_0, window_bounds = array<i64: 1000, 64>}, {transform_indices = @transform_1, window_bounds = array<i64: 2, 1000, 32>}, {transform_indices = @transform_2, window_bounds = array<i64: 2, 1000, 8>}, {transform_indices = @transform_3, window_bounds = array<i64: 2, 1000, 32>}, {transform_indices = @transform_4, window_bounds = array<i64: 2, 1000, 8>}, {pipeline_mode = #tpu.pipeline_mode<synchronous>, transform_indices = @transform_5, window_bounds = array<i64: 64, 64>}, {pipeline_mode = #tpu.pipeline_mode<synchronous>, transform_indices = @transform_6, window_bounds = array<i64: 64, 64>}, {pipeline_mode = #tpu.pipeline_mode<synchronous>, transform_indices = @transform_7, window_bounds = array<i64: 64, 64>}, {pipeline_mode = #tpu.pipeline_mode<synchronous>, transform_indices = @transform_8, window_bounds = array<i64: 64>}, {pipeline_mode = #tpu.pipeline_mode<synchronous>, transform_indices = @transform_9, window_bounds = array<i64: 64>}, {pipeline_mode = #tpu.pipeline_mode<synchronous>, transform_indices = @transform_10, window_bounds = array<i64: 64>}, {transform_indices = @transform_11, window_bounds = array<i64: 1000, 64>}]} {
    %get3A = arith.constant 0 : index
    %get3A_0 = arith.constant 0 : index
    %get3A_1 = arith.constant 0 : index
    %get3A_2 = vector.load %arg3[%get3A, %get3A_0, %get3A_1] : memref<2x1000x8xf32, #tpu.memory_space<vmem>>, vector<1x1000x8xf32>
    %get3A_3 = vector.shape_cast %get3A_2 : vector<1x1000x8xf32> to vector<1000x8xf32>
    %slice3A = vector.extract_strided_slice %get3A_3 {offsets = [0, 0], sizes = [1000, 1], strides = [1, 1]} : vector<1000x8xf32> to vector<1000x1xf32>
    %get3A_4 = arith.constant 1 : index
    %get3A_5 = arith.constant 0 : index
    %get3A_6 = arith.constant 0 : index
    %get3A_7 = vector.load %arg3[%get3A_4, %get3A_5, %get3A_6] : memref<2x1000x8xf32, #tpu.memory_space<vmem>>, vector<1x1000x8xf32>
    %get3A_8 = vector.shape_cast %get3A_7 : vector<1x1000x8xf32> to vector<1000x8xf32>
    %slice3A_9 = vector.extract_strided_slice %get3A_8 {offsets = [0, 0], sizes = [1000, 1], strides = [1, 1]} : vector<1000x8xf32> to vector<1000x1xf32>
    %add3A = arith.addf %slice3A, %slice3A_9 : vector<1000x1xf32>
    %get3A_10 = arith.constant 0 : index
    %get3A_11 = arith.constant 0 : index
    %get3A_12 = arith.constant 0 : index
    %get3A_13 = vector.load %arg5[%get3A_10, %get3A_11, %get3A_12] : memref<2x1000x8xf32, #tpu.memory_space<vmem>>, vector<1x1000x8xf32>
    %get3A_14 = vector.shape_cast %get3A_13 : vector<1x1000x8xf32> to vector<1000x8xf32>
    %slice3A_15 = vector.extract_strided_slice %get3A_14 {offsets = [0, 0], sizes = [1000, 1], strides = [1, 1]} : vector<1000x8xf32> to vector<1000x1xf32>
    %get3A_16 = arith.constant 1 : index
    %get3A_17 = arith.constant 0 : index
    %get3A_18 = arith.constant 0 : index
    %get3A_19 = vector.load %arg5[%get3A_16, %get3A_17, %get3A_18] : memref<2x1000x8xf32, #tpu.memory_space<vmem>>, vector<1x1000x8xf32>
    %get3A_20 = vector.shape_cast %get3A_19 : vector<1x1000x8xf32> to vector<1000x8xf32>
    %slice3A_21 = vector.extract_strided_slice %get3A_20 {offsets = [0, 0], sizes = [1000, 1], strides = [1, 1]} : vector<1000x8xf32> to vector<1000x1xf32>
    %add3A_22 = arith.addf %slice3A_15, %slice3A_21 : vector<1000x1xf32>
    %get3A_23 = arith.constant 0 : index
    %get3A_24 = arith.constant 0 : index
    %get3A_25 = arith.constant 0 : index
    %get3A_26 = vector.load %arg2[%get3A_23, %get3A_24, %get3A_25] : memref<2x1000x32xf32, #tpu.memory_space<vmem>>, vector<1x1000x32xf32>
    %get3A_27 = vector.shape_cast %get3A_26 : vector<1x1000x32xf32> to vector<1000x32xf32>
    %get3A_28 = arith.constant 1 : index
    %get3A_29 = arith.constant 0 : index
    %get3A_30 = arith.constant 0 : index
    %get3A_31 = vector.load %arg2[%get3A_28, %get3A_29, %get3A_30] : memref<2x1000x32xf32, #tpu.memory_space<vmem>>, vector<1x1000x32xf32>
    %get3A_32 = vector.shape_cast %get3A_31 : vector<1x1000x32xf32> to vector<1000x32xf32>
    %concatenate3A = tpu.concatenate %get3A_27, %get3A_32 in 1 : vector<1000x32xf32>, vector<1000x32xf32> -> vector<1000x64xf32>
    %max3A = arith.constant 1.000000e+00 : f32
    %max3A_33 = vector.broadcast %max3A : f32 to vector<1000x1xf32>
    %max3A_34 = arith.maximumf %add3A, %max3A_33 : vector<1000x1xf32>
    %div3A = vector.broadcast %max3A_34 : vector<1000x1xf32> to vector<1000x64xf32>
    %div3A_35 = arith.divf %concatenate3A, %div3A : vector<1000x64xf32>
    %get3A_36 = arith.constant 0 : index
    %get3A_37 = arith.constant 0 : index
    %get3A_38 = arith.constant 0 : index
    %get3A_39 = vector.load %arg4[%get3A_36, %get3A_37, %get3A_38] : memref<2x1000x32xf32, #tpu.memory_space<vmem>>, vector<1x1000x32xf32>
    %get3A_40 = vector.shape_cast %get3A_39 : vector<1x1000x32xf32> to vector<1000x32xf32>
    %get3A_41 = arith.constant 1 : index
    %get3A_42 = arith.constant 0 : index
    %get3A_43 = arith.constant 0 : index
    %get3A_44 = vector.load %arg4[%get3A_41, %get3A_42, %get3A_43] : memref<2x1000x32xf32, #tpu.memory_space<vmem>>, vector<1x1000x32xf32>
    %get3A_45 = vector.shape_cast %get3A_44 : vector<1x1000x32xf32> to vector<1000x32xf32>
    %concatenate3A_46 = tpu.concatenate %get3A_40, %get3A_45 in 1 : vector<1000x32xf32>, vector<1000x32xf32> -> vector<1000x64xf32>
    %max3A_47 = arith.constant 1.000000e+00 : f32
    %max3A_48 = vector.broadcast %max3A_47 : f32 to vector<1000x1xf32>
    %max3A_49 = arith.maximumf %add3A_22, %max3A_48 : vector<1000x1xf32>
    %div3A_50 = vector.broadcast %max3A_49 : vector<1000x1xf32> to vector<1000x64xf32>
    %div3A_51 = arith.divf %concatenate3A_46, %div3A_50 : vector<1000x64xf32>
    %get3A_52 = arith.constant 0 : index
    %get3A_53 = arith.constant 0 : index
    %get3A_54 = vector.load %arg1[%get3A_52, %get3A_53] : memref<1000x64xf32, #tpu.memory_space<vmem>>, vector<1000x64xf32>
    %get3A_55 = arith.constant 0 : index
    %get3A_56 = arith.constant 0 : index
    %get3A_57 = vector.load %arg6[%get3A_55, %get3A_56] : memref<64x64xf32, #tpu.memory_space<vmem>>, vector<64x64xf32>
    %dot_general3A = arith.constant dense<0.000000e+00> : vector<1000x64xf32>
    %dot_general3A_58 = tpu.matmul %get3A_54, %get3A_57, %dot_general3A {dimension_numbers = #tpu.dot_dimension_numbers<[1], [0], [0], [1], [0, 0, 1, 1], [], []>, transpose_lhs_hint = false} : vector<1000x64xf32>, vector<64x64xf32>, vector<1000x64xf32> -> vector<1000x64xf32>
    %get3A_59 = arith.constant 0 : index
    %get3A_60 = arith.constant 0 : index
    %get3A_61 = vector.load %arg7[%get3A_59, %get3A_60] : memref<64x64xf32, #tpu.memory_space<vmem>>, vector<64x64xf32>
    %dot_general3A_62 = arith.constant dense<0.000000e+00> : vector<1000x64xf32>
    %dot_general3A_63 = tpu.matmul %div3A_35, %get3A_61, %dot_general3A_62 {dimension_numbers = #tpu.dot_dimension_numbers<[1], [0], [0], [1], [0, 0, 1, 1], [], []>, transpose_lhs_hint = false} : vector<1000x64xf32>, vector<64x64xf32>, vector<1000x64xf32> -> vector<1000x64xf32>
    %add3A_64 = arith.addf %dot_general3A_58, %dot_general3A_63 : vector<1000x64xf32>
    %get3A_65 = arith.constant 0 : index
    %get3A_66 = arith.constant 0 : index
    %get3A_67 = vector.load %arg8[%get3A_65, %get3A_66] : memref<64x64xf32, #tpu.memory_space<vmem>>, vector<64x64xf32>
    %dot_general3A_68 = arith.constant dense<0.000000e+00> : vector<1000x64xf32>
    %dot_general3A_69 = tpu.matmul %div3A_51, %get3A_67, %dot_general3A_68 {dimension_numbers = #tpu.dot_dimension_numbers<[1], [0], [0], [1], [0, 0, 1, 1], [], []>, transpose_lhs_hint = false} : vector<1000x64xf32>, vector<64x64xf32>, vector<1000x64xf32> -> vector<1000x64xf32>
    %add3A_70 = arith.addf %add3A_64, %dot_general3A_69 : vector<1000x64xf32>
    %get3A_71 = arith.constant 0 : index
    %get3A_72 = vector.load %arg9[%get3A_71] : memref<64xf32, #tpu.memory_space<vmem>>, vector<64xf32>
    %broadcast_in_dim3A = vector.shape_cast %get3A_72 : vector<64xf32> to vector<1x64xf32>
    %add3A_73 = vector.broadcast %broadcast_in_dim3A : vector<1x64xf32> to vector<1000x64xf32>
    %add3A_74 = arith.addf %add3A_70, %add3A_73 : vector<1000x64xf32>
    %gt3A = arith.constant 0.000000e+00 : f32
    %gt3A_75 = vector.broadcast %gt3A : f32 to vector<1000x64xf32>
    %gt3A_76 = arith.cmpf ogt, %add3A_74, %gt3A_75 : vector<1000x64xf32>
    %min3A = arith.constant 0.000000e+00 : f32
    %min3A_77 = vector.broadcast %min3A : f32 to vector<1000x64xf32>
    %min3A_78 = arith.minimumf %add3A_74, %min3A_77 : vector<1000x64xf32>
    %exp3A = math.exp %min3A_78 : vector<1000x64xf32>
    %sub3A = arith.constant 1.000000e+00 : f32
    %sub3A_79 = vector.broadcast %sub3A : f32 to vector<1000x64xf32>
    %sub3A_80 = arith.subf %exp3A, %sub3A_79 : vector<1000x64xf32>
    %select_n3A = arith.select %gt3A_76, %add3A_74, %sub3A_80 : vector<1000x64xi1>, vector<1000x64xf32>
    %add3A_81 = arith.addf %get3A_54, %select_n3A : vector<1000x64xf32>
    %get3A_82 = arith.constant 0 : index
    %get3A_83 = vector.load %arg10[%get3A_82] : memref<64xf32, #tpu.memory_space<vmem>>, vector<64xf32>
    %get3A_84 = arith.constant 0 : index
    %get3A_85 = vector.load %arg11[%get3A_84] : memref<64xf32, #tpu.memory_space<vmem>>, vector<64xf32>
    %reduce_sum3A = arith.constant dense<0.000000e+00> : vector<1000xf32>
    %reduce_sum3A_86 = vector.multi_reduction <add>, %add3A_81, %reduce_sum3A [1] : vector<1000x64xf32> to vector<1000xf32>
    %broadcast_in_dim3A_87 = vector.shape_cast %reduce_sum3A_86 : vector<1000xf32> to vector<1000x1xf32>
    %div3A_88 = arith.constant 6.400000e+01 : f32
    %div3A_89 = vector.broadcast %div3A_88 : f32 to vector<1000x1xf32>
    %div3A_90 = arith.divf %broadcast_in_dim3A_87, %div3A_89 : vector<1000x1xf32>
    %jit3A = arith.constant 0 : i32
    %reduce_sum3A_91 = arith.constant dense<0.000000e+00> : vector<1000xf32>
    %reduce_sum3A_92 = vector.multi_reduction <add>, %add3A_81, %reduce_sum3A_91 [1] : vector<1000x64xf32> to vector<1000xf32>
    %broadcast_in_dim3A_93 = vector.shape_cast %reduce_sum3A_92 : vector<1000xf32> to vector<1000x1xf32>
    %div3A_94 = arith.constant 6.400000e+01 : f32
    %div3A_95 = vector.broadcast %div3A_94 : f32 to vector<1000x1xf32>
    %div3A_96 = arith.divf %broadcast_in_dim3A_93, %div3A_95 : vector<1000x1xf32>
    %sub3A_97 = vector.broadcast %div3A_96 : vector<1000x1xf32> to vector<1000x64xf32>
    %sub3A_98 = arith.subf %add3A_81, %sub3A_97 : vector<1000x64xf32>
    %square3A = arith.mulf %sub3A_98, %sub3A_98 : vector<1000x64xf32>
    %convert_element_type3A = arith.sitofp %jit3A : i32 to f32
    %sub3A_99 = arith.constant 6.400000e+01 : f32
    %sub3A_100 = arith.subf %sub3A_99, %convert_element_type3A : f32
    %reduce_sum3A_101 = arith.constant dense<0.000000e+00> : vector<1000xf32>
    %reduce_sum3A_102 = vector.multi_reduction <add>, %square3A, %reduce_sum3A_101 [1] : vector<1000x64xf32> to vector<1000xf32>
    %broadcast_in_dim3A_103 = vector.shape_cast %reduce_sum3A_102 : vector<1000xf32> to vector<1000x1xf32>
    %div3A_104 = vector.broadcast %sub3A_100 : f32 to vector<1000x1xf32>
    %div3A_105 = arith.divf %broadcast_in_dim3A_103, %div3A_104 : vector<1000x1xf32>
    %gt3A_106 = arith.constant 0.000000e+00 : f32
    %gt3A_107 = arith.cmpf ogt, %sub3A_100, %gt3A_106 : f32
    %jit3A_108 = arith.constant 0x7FC00000 : f32
    %broadcast_in_dim3A_109 = vector.broadcast %jit3A_108 : f32 to vector<1000x1xf32>
    %select_n3A_110 = arith.select %gt3A_107, %div3A_105, %broadcast_in_dim3A_109 : vector<1000x1xf32>
    %sub3A_111 = vector.broadcast %div3A_90 : vector<1000x1xf32> to vector<1000x64xf32>
    %sub3A_112 = arith.subf %add3A_81, %sub3A_111 : vector<1000x64xf32>
    %add3A_113 = arith.constant 9.99999974E-6 : f32
    %add3A_114 = vector.broadcast %add3A_113 : f32 to vector<1000x1xf32>
    %add3A_115 = arith.addf %select_n3A_110, %add3A_114 : vector<1000x1xf32>
    %sqrt3A = math.sqrt %add3A_115 : vector<1000x1xf32>
    %div3A_116 = vector.broadcast %sqrt3A : vector<1000x1xf32> to vector<1000x64xf32>
    %div3A_117 = arith.divf %sub3A_112, %div3A_116 : vector<1000x64xf32>
    %broadcast_in_dim3A_118 = vector.shape_cast %get3A_83 : vector<64xf32> to vector<1x64xf32>
    %mul3A = vector.broadcast %broadcast_in_dim3A_118 : vector<1x64xf32> to vector<1000x64xf32>
    %mul3A_119 = arith.mulf %div3A_117, %mul3A : vector<1000x64xf32>
    %broadcast_in_dim3A_120 = vector.shape_cast %get3A_85 : vector<64xf32> to vector<1x64xf32>
    %add3A_121 = vector.broadcast %broadcast_in_dim3A_120 : vector<1x64xf32> to vector<1000x64xf32>
    %add3A_122 = arith.addf %mul3A_119, %add3A_121 : vector<1000x64xf32>
    %swap3A = arith.constant 0 : index
    %swap3A_123 = arith.constant 0 : index
    %swap3A_124 = vector.load %arg12[%swap3A, %swap3A_123] : memref<1000x64xf32, #tpu.memory_space<vmem>>, vector<1000x64xf32>
    tpu.vector_store %arg12[%swap3A, %swap3A_123], %add3A_122 {strides = array<i32>} : memref<1000x64xf32, #tpu.memory_space<vmem>>, vector<1000x64xf32>,
    return
  }
  func.func @transform_0(%arg0: i32) -> (i32, i32) {
    %c0_i32 = arith.constant 0 : i32
    %c0_i32_0 = arith.constant 0 : i32
    return %arg0, %c0_i32 : i32, i32
  }
  func.func @transform_1(%arg0: i32) -> (i32, i32, i32) {
    %c0_i32 = arith.constant 0 : i32
    %c0_i32_0 = arith.constant 0 : i32
    %c0_i32_1 = arith.constant 0 : i32
    return %c0_i32, %arg0, %c0_i32_0 : i32, i32, i32
  }
  func.func @transform_2(%arg0: i32) -> (i32, i32, i32) {
    %c0_i32 = arith.constant 0 : i32
    %c0_i32_0 = arith.constant 0 : i32
    %c0_i32_1 = arith.constant 0 : i32
    return %c0_i32, %arg0, %c0_i32_0 : i32, i32, i32
  }
  func.func @transform_3(%arg0: i32) -> (i32, i32, i32) {
    %c0_i32 = arith.constant 0 : i32
    %c0_i32_0 = arith.constant 0 : i32
    %c0_i32_1 = arith.constant 0 : i32
    return %c0_i32, %arg0, %c0_i32_0 : i32, i32, i32
  }
  func.func @transform_4(%arg0: i32) -> (i32, i32, i32) {
    %c0_i32 = arith.constant 0 : i32
    %c0_i32_0 = arith.constant 0 : i32
    %c0_i32_1 = arith.constant 0 : i32
    return %c0_i32, %arg0, %c0_i32_0 : i32, i32, i32
  }
  func.func @transform_5(%arg0: i32) -> (i32, i32) {
    %c0_i32 = arith.constant 0 : i32
    %c0_i32_0 = arith.constant 0 : i32
    %c0_i32_1 = arith.constant 0 : i32
    return %c0_i32, %c0_i32_0 : i32, i32
  }
  func.func @transform_6(%arg0: i32) -> (i32, i32) {
    %c0_i32 = arith.constant 0 : i32
    %c0_i32_0 = arith.constant 0 : i32
    %c0_i32_1 = arith.constant 0 : i32
    return %c0_i32, %c0_i32_0 : i32, i32
  }
  func.func @transform_7(%arg0: i32) -> (i32, i32) {
    %c0_i32 = arith.constant 0 : i32
    %c0_i32_0 = arith.constant 0 : i32
    %c0_i32_1 = arith.constant 0 : i32
    return %c0_i32, %c0_i32_0 : i32, i32
  }
  func.func @transform_8(%arg0: i32) -> i32 {
    %c0_i32 = arith.constant 0 : i32
    %c0_i32_0 = arith.constant 0 : i32
    return %c0_i32 : i32
  }
  func.func @transform_9(%arg0: i32) -> i32 {
    %c0_i32 = arith.constant 0 : i32
    %c0_i32_0 = arith.constant 0 : i32
    return %c0_i32 : i32
  }
  func.func @transform_10(%arg0: i32) -> i32 {
    %c0_i32 = arith.constant 0 : i32
    %c0_i32_0 = arith.constant 0 : i32
    return %c0_i32 : i32
  }
  func.func @transform_11(%arg0: i32) -> (i32, i32) {
    %c0_i32 = arith.constant 0 : i32
    %c0_i32_0 = arith.constant 0 : i32
    return %arg0, %c0_i32 : i32, i32
  }
}

</mosaic_0001>

<sc_bundles>
// kernel: kernel.11.cloned.1.call-start
scs
__scs_entry_jumppad:
0x0: {  	(pc) =	sbr.rel $0x88, $3  }
0x1: {  	(tag) =	ssettag $0x0;
	lr =	simm.s32 $0x1  }
0x2: {  	[smem:$0x3F86] =	sst lr;
	_ =	strace $0xD0000000  }
0x3: {  	_ = 	snop  }
0x4: {  	_ = 	snop  }
0x5: {  	_ = 	snop  }
0x6: {  	_ = 	snop  }
0x7: {  	_ = 	snop  }
__scs_overlays_trampoline_lowered:
0x8: {  	[smem:$0x3F95] =	sst s0  }
0x9: {  	[smem:$0x3F96] =	sst s1  }
0xa: {  	[smem:$0x3F97] =	sst s2  }
0xb: {  	[smem:$0x3F98] =	sst s3  }
0xc: {  	[smem:$0x3F99] =	sst s4  }
0xd: {  	[smem:$0x3F9A] =	sst s5  }
0xe: {  	[smem:$0x3F9B] =	sst s6  }
0xf: {  	[smem:$0x3F9C] =	sst s7  }
0x10: {  	[smem:$0x3F9D] =	sst s8  }
0x11: {  	[smem:$0x3F9E] =	sst s9;
	s0 =	simm.s32 @!p0 $0x0  }
0x12: {  	s1 =	sld [smem:$0x3F84];
	s0 =	simm.s32 @p0 $0x1  }
0x13: {  	[smem:$0x3F9F] =	sst s0;
	s0 =	simm.s32 @!p1 $0x0  }
0x14: {  	s2 =	sld [smem:$0x3F83];
	s0 =	simm.s32 @p1 $0x1  }
0x15: {  	[smem:$0x3FA0] =	sst s0;
	s0 =	simm.s32 @!p2 $0x0  }
0x16: {  	s3 =	sld [smem:$0x3FDB];
	s0 =	simm.s32 @p2 $0x1  }
0x17: {  	s4 =	simm.s32 $0x1BF5;
	[smem:$0x3FA2] =	sst s0  }
0x18: {  	s0 =	sld [smem:$0x3F85];
	_ =	swait.ge [sflag:s4], $0x0  }
0x19: {  	s7 =	sld [smem:$0x3F86]  }
0x1a: {  	s8 =	sadd.s32 $0xFFFFE003, lr  }
0x1b: {  	s9 =	sadd.s32 $0xFFFFFEF7, lr;
	s5 =	simm.s32 $0xFFFFFFFF;
	p2 =	slt.u32 s8, $0xFFFFF086  }
0x1c: {  	p1 =	slt.u32 s9, $0xF7A;
	s5 =	simm.s32 @!p2 $0x0  }
0x1d: {  	s5 =	simm.s32 @p1 $0x1;
	p0 =	seq.s32 s7, s2  }
0x1e: {  	s7 =	smul.u32 @!p0 $0xF7A, s2;
	p2 =	seq.s32 @!p0 s5, $0x0  }
0x1f: {  	s9 =	smul.u32 $0xF7A, s1;
	s8 =	simm.s32 @!p0 $0x1BF5;
	p2 =	por !p2, p0  }
0x20: {  	[sflag:s8] =	ssyncset.s32 @!p0 $0xFFFFF086;
	s6 =	sadd.s32 @!p0 s3, s7;
	s7 =	simm.s32 @!p0 $0x108  }
0x21: {  	s3 =	sadd.s32 s3, s9;
	s6 =	sadd.s32 @!p0 $0x88, s6;
	s7 =	simm.s32 @p2 $0x1082  }
0x22: {  	[simem:s7], [sflag:s8] =	dma.local @!p0 [hbm:s6], $0xF7A  }
0x23: {  	s9 =	sor.u32 $0xD0000000, s2;
	s6 =	simm.s32 $0x108;
	_ =	swait.ge @!p0 [sflag:s8], $0x0  }
0x24: {  	s3 =	sadd.s32 $0x88, s3;
	s6 =	simm.s32 @!p1 $0x1082;
	[sflag:s4] =	ssyncset.s32 $0xFFFFF086  }
0x25: {  	[simem:s6], [sflag:s4] =	dma.local [hbm:s3], $0xF7A  }
0x26: {  	[smem:$0x3F86] =	sst s1;
	(tag) =	ssettag s2;
	_ =	strace s9  }
0x27: {  	s1 =	sld [smem:$0x3F96]  }
0x28: {  	s2 =	sld [smem:$0x3F97]  }
0x29: {  	s4 =	sld [smem:$0x3F99]  }
0x2a: {  	p0 =	seq.s32 s5, $0x0;
	s5 =	sld [smem:$0x3F9A]  }
0x2b: {  	s6 =	sld [smem:$0x3F9B]  }
0x2c: {  	s7 =	sld [smem:$0x3F9C]  }
0x2d: {  	s3 =	simm.s32 $0x108;
	s8 =	sld [smem:$0x3F9D]  }
0x2e: {  	s3 =	simm.s32 @!p0 $0x1082;
	s9 =	sld [smem:$0x3F9E]  }
0x2f: {  	lr =	sadd.s32 s0, s3;
	s0 =	sld [smem:$0x3F95]  }
0x30: {  	s3 =	sld [smem:$0x3F98]  }
0x31: {  	[smem:$0x3FA1] =	sst s10  }
0x32: {  	s10 =	sld [smem:$0x3F9F];
	_ =	sdelay $0x3  }
0x33: {  	p0 =	seq.s32 s10, $0x1;
	s10 =	sld [smem:$0x3FA1];
	_ =	sdelay $0x3  }
0x34: {  	[smem:$0x3FA1] =	sst s10  }
0x35: {  	s10 =	sld [smem:$0x3FA0];
	_ =	sdelay $0x3  }
0x36: {  	p1 =	seq.s32 s10, $0x1;
	s10 =	sld [smem:$0x3FA1];
	_ =	sdelay $0x3  }
0x37: {  	[smem:$0x3FA1] =	sst s10  }
0x38: {  	s10 =	sld [smem:$0x3FA2]  }
0x39: {  	_ = 	snop;
	(pc) =	sbr.ind lr, $3  }
0x3a: {  	_ = 	snop  }
0x3b: {  	_ = 	snop  }
0x3c: {  	p2 =	seq.s32 s10, $0x1;
	s10 =	sld [smem:$0x3FA1]  }
0x3d: {  	_ =	shalt  }
0x3e: {  	_ =	shalt  }
0x3f: {  	_ =	shalt  }
0x40: {  	_ =	shalt  }
0x41: {  	_ =	shalt  }
0x42: {  	_ =	shalt  }
0x43: {  	_ =	shalt  }
0x44: {  	_ =	shalt  }
0x45: {  	_ =	shalt  }
0x46: {  	_ =	shalt  }
0x47: {  	_ =	shalt  }
0x48: {  	_ =	shalt  }
0x49: {  	_ =	shalt  }
0x4a: {  	_ =	shalt  }
0x4b: {  	_ =	shalt  }
0x4c: {  	_ =	shalt  }
0x4d: {  	_ =	shalt  }
0x4e: {  	_ =	shalt  }
0x4f: {  	_ =	shalt  }
0x50: {  	_ =	shalt  }
0x51: {  	_ =	shalt  }
0x52: {  	_ =	shalt  }
0x53: {  	_ =	shalt  }
0x54: {  	_ =	shalt  }
0x55: {  	_ =	shalt  }
0x56: {  	_ =	shalt  }
0x57: {  	_ =	shalt  }
0x58: {  	_ =	shalt  }
0x59: {  	_ =	shalt  }
0x5a: {  	_ =	shalt  }
0x5b: {  	_ =	shalt  }
0x5c: {  	_ =	shalt  }
0x5d: {  	_ =	shalt  }
0x5e: {  	_ =	shalt  }
0x5f: {  	_ =	shalt  }
0x60: {  	_ =	shalt  }
0x61: {  	_ =	shalt  }
0x62: {  	_ =	shalt  }
0x63: {  	_ =	shalt  }
0x64: {  	_ =	shalt  }
0x65: {  	_ =	shalt  }
0x66: {  	_ =	shalt  }
0x67: {  	_ =	shalt  }
0x68: {  	_ =	shalt  }
0x69: {  	_ =	shalt  }
0x6a: {  	_ =	shalt  }
0x6b: {  	_ =	shalt  }
0x6c: {  	_ =	shalt  }
0x6d: {  	_ =	shalt  }
0x6e: {  	_ =	shalt  }
0x6f: {  	_ =	shalt  }
0x70: {  	_ =	shalt  }
0x71: {  	_ =	shalt  }
0x72: {  	_ =	shalt  }
0x73: {  	_ =	shalt  }
0x74: {  	_ =	shalt  }
0x75: {  	_ =	shalt  }
0x76: {  	_ =	shalt  }
0x77: {  	_ =	shalt  }
0x78: {  	_ =	shalt  }
0x79: {  	_ =	shalt  }
0x7a: {  	_ =	shalt  }
0x7b: {  	_ =	shalt  }
0x7c: {  	_ =	shalt  }
0x7d: {  	_ =	shalt  }
0x7e: {  	_ =	shalt  }
0x7f: {  	_ =	shalt  }
0x80: {  	_ =	shalt  }
0x81: {  	_ =	shalt  }
0x82: {  	_ =	shalt  }
0x83: {  	_ =	shalt  }
0x84: {  	_ =	shalt  }
0x85: {  	_ =	shalt  }
0x86: {  	_ =	shalt  }
0x87: {  	_ =	shalt  }
.Lfunc_end0:
.L_simem_size_0:
called_computation.1_lowered:
.L_overlay_start_0:
0x88: {  	s2 =	sld [smem:$0x3FD9]  }
0x89: {  	s3 =	sld [smem:$0x3FFE];
	_ =	sdelay $0x1  }
0x8a: {  	s1 =	srdreg.scid  }
0x8b: {  	s0 =	sand.u32 $0x1, s1  }
0x8c: {  	s17 =	sshll.u32 s0, $0xA;
	s2 =	sadd.s32 s3, s2  }
0x8d: {  	s2 =	sadd.s32 s2, s17  }
0x8e: {  	[smem:$0x3FAD] =	sst s2  }
0x8f: {  	_ = 	snop  }
0x90: {  	(tm) =	ssettm $0x1  }
0x91: {  	s18 =	sld [smem:$0x3FFB];
	_ =	sdelay $0x3  }
0x92: {  	_ =	strace s18  }
0x93: {  	s2 =	sld [smem:$0x3FFC];
	_ =	sdelay $0x3  }
0x94: {  	_ =	strace s2  }
0x95: {  	s2 =	sld [smem:$0x3FFD];
	_ =	sdelay $0x3  }
0x96: {  	_ =	strace s2  }
0x97: {  	_ =	strace $0x8FFFFFFF  }
0x98: {  	s19 =	sld [smem:$0x3FDB];
	_ =	sdelay $0x1  }
0x99: {  	s20 =	simm.s32 $_scs_section_size  }
0x9a: {  	s4 =	simm.s32 $_size__tile_overlayer_lowered;
	s5 =	simm.s32 $_tile_overlayer_lowered  }
0x9b: {  	s6 =	simm.s32 $0x1BFF;
	s21 =	sshll.u32 s5, $0x1;
	s3 =	sadd.s32 s20, s19  }
0x9c: {  	s22 =	simm.s32 $0x0;
	s4 =	sshll.u32 s4, $0x1;
	s5 =	sadd.s32 s21, s3  }
0x9d: {  	[timem:s22], [sflag:s6] =	dma.local [hbm:s5], s4  }
0x9e: {  	_ =	swait.ge [sflag:s6], s4  }
0x9f: {  	s4 =	ssub.s32 $0x0, s4;
	[sflag:s6] =	ssyncset.done $0x0  }
0xa0: {  	[sflag:s6] =	ssyncadd.s32 s4;
	_ =	sdelay $0x1  }
0xa1: {  	s23 =	simm.s32 $0x1B8B  }
0xa2: {  	_ =	swait.ge [sflag:s23], $0x1  }
0xa3: {  	[sflag:s23] =	ssyncset.done $0x0  }
0xa4: {  	[sflag:s23] =	ssyncadd.s32 $0xFFFFFFFF  }
0xa5: {  	s4 =	sld [smem:$0x0]  }
0xa6: {  	s5 =	sand.u32 $0xFFFFFFFE, s1  }
0xa7: {  	p0 =	sne.s32 s1, s5  }
0xa8: {  	s5 =	sshll.u32 @p0 s5, $0xE  }
0xa9: {  	s5 =	sadd.s32 @p0 $0x11B8D, s5;
	s6 =	sshll.u32 @p0 s4, $0x11  }
0xaa: {  	s5 =	sor.u32 @p0 s6, s5  }
0xab: {  	[sflag:s5] =	ssyncadd.remote.s32 @p0 $0x1;
	_ =	sdelay $0x1  }
0xac: {  	s5 =	simm.s32 @p0 $0x1B8D  }
0xad: {  	_ =	swait.eq @p0 [sflag:s5], $0x1  }
0xae: {  	[sflag:s5] =	ssyncadd.s32 @p0 $0xFFFFFFFF  }
0xaf: {  	s6 =	sshll.u32 @!p0 s1, $0xE  }
0xb0: {  	s6 =	sor.u32 @!p0 $0x4000, s6;
	s5 =	simm.s32 @!p0 $0x1B8D  }
0xb1: {  	s4 =	sshll.u32 @!p0 s4, $0x11;
	s6 =	sadd.s32 @!p0 $0x11B8D, s6;
	_ =	swait.eq @!p0 [sflag:s5], $0x1  }
0xb2: {  	s4 =	sor.u32 @!p0 s4, s6;
	[sflag:s5] =	ssyncadd.s32 @!p0 $0xFFFFFFFF  }
0xb3: {  	s25 =	simm.s32 $0x1B8E;
	s24 =	sld [smem:$0x3FFE];
	[sflag:s4] =	ssyncadd.remote.s32 @!p0 $0x1  }
0xb4: {  	s26 =	simm.s32 $execute0_lowered;
	[smem:$0x3FD2] =	sst s25  }
0xb5: {  	s5 =	sshll.u32 s26, $0x1;
	_ =	strace $0x80000049;
	[dreg:$0x1] =	wrdreg $0xFFFFFFFF  }
0xb6: {  	s28 =	simm.s32 $_size_execute0_lowered;
	s3 =	sadd.s32 s3, s5;
	[dreg:$0x0] =	wrdreg $0x0  }
0xb7: {  	s5 =	sshll.u32 s28, $0x1;
	[dreg:$0x2] =	wrdreg s3  }
0xb8: {  	[dreg:$0x3] =	wrdreg s5  }
0xb9: {  	[dreg:$0x4] =	wrdreg $0xC0  }
0xba: {  	_ =	task [dreg:s22], $0x5FFFF  }
0xbb: {  	[dreg:$0x1] =	wrdreg $0xFFFFFFFF  }
0xbc: {  	[dreg:$0x0] =	wrdreg $0x60  }
0xbd: {  	[dreg:$0x2] =	wrdreg s24  }
0xbe: {  	[dreg:$0x3] =	wrdreg $0x66000  }
0xbf: {  	[dreg:$0x4] =	wrdreg $0xA  }
0xc0: {  	_ =	task.clear_ibuf [dreg:s22], $0x5FFFF;
	_ =	strace $0x90000049  }
0xc1: {  	s29 =	simm.s32 $0xA;
	_ =	strace $0x8000004B  }
0xc2: {  	_ =	swait.ge [sflag:s29], $0x1  }
0xc3: {  	[sflag:s29] =	ssyncadd.s32 $0xFFFFFFFF  }
0xc4: {  	_ =	strace $0x9000004B  }
0xc5: {  	_ =	sfence  }
0xc6: {  	s30 =	sld [smem:$0x0];
	_ =	sdelay $0x2  }
0xc7: {  	s31 =	sshll.u32 s1, $0xD;
	s1 =	sshrl.u32 s1, $0x2  }
0xc8: {  	s4 =	sand.u32 $0x4000, s31;
	s1 =	sadd.s32 s1, s30  }
0xc9: {  	s0 =	sor.u32 s4, s0;
	s1 =	sshll.u32 s1, $0x11  }
0xca: {  	s0 =	sor.u32 s1, s0  }
0xcb: {  	s0 =	sadd.s32 $0x8F2B, s0  }
0xcc: {  	[sflag:s0] =	ssyncadd.remote.s32 $0x1  }
0xcd: {  	_ =	sfence.sel $0xFFFF  }
0xce: {  	[dreg:$0x0] =	wrdreg $0xFFFFFFFF;
	(pc) =	sbr.abs _section_cstart, $3  }
0xcf: {  	[dreg:$0x1] =	wrdreg $0xFFFFFFFF  }
0xd0: {  	_ =	task.clear_ibuf [dreg:s22], $0x2FFFF;
	_ =	strace $0x9FFFFFFF  }
0xd1: {  	(tm) =	ssettm $0x7FFFFFFF  }
tec
execute0_lowered:
.L_overlay_start_1:
0x0: {  	(tag) =	ssettag $0x1  }
0x1: {  	s0 =	rddreg [dreg:$0x0]  }
0x2: {  	s1 =	rddreg [dreg:$0x1];
	s3 =	simm.s32 $0x0;
	s2 =	srdreg.scid  }
0x3: {  	s16 =	stileid.u32;
	s29 =	simm.s32 $0xA;
	s30 =	simm.s32 $0x100  }
0x4: {  	s31 =	simm.s32 $0x2200;
	[smem:$0x7FF] =	sst s3;
	s2 =	sand.u32 $0x1, s2  }
0x5: {  	s6 =	sadd.s32 $0xCAE00, s0;
	s7 =	sadd.s32 $0xE5600, s0;
	s8 =	smul.u32 $0x18800, s16  }
0x6: {  	s9 =	sadd.s32 $0xC8E00, s0;
	s10 =	smul.u32 $0x1880, s16;
	s11 =	sadd.s32 $0xE3600, s0  }
0x7: {  	s25 =	sshll.u32 s16, $0x9;
	s4 =	ssub.s32 $0x2, s2;
	s14 =	smul.u32 $0x188000, s2  }
0x8: {  	s26 =	sor.u32 $0x20, s25;
	s17 =	sor.u32 $0x40, s25;
	s21 =	smul.u32 $0x9C40, s2  }
0x9: {  	s2 =	sshll.u32 s2, $0x8;
	s5 =	sshrl.u32 s4, $0x1;
	s12 =	sor.u32 $0x20, s10  }
0xa: {  	s22 =	sor.u32 $0x40, s10;
	s28 =	sadd.s32 s9, s26;
	s18 =	sadd.s32 s9, s17  }
0xb: {  	s19 =	sadd.s32 s11, s17;
	s2 =	sadd.s32 s2, s0;
	s17 =	simm.s32 $0x4600  }
0xc: {  	s15 =	ssub.s32 s4, s5;
	s4 =	sadd.s32 s6, s10;
	[dreg:$0x9] =	wrdreg s28  }
0xd: {  	s5 =	sadd.s32 s7, s10;
	s13 =	sadd.s32 s6, s12;
	[dreg:$0xb] =	wrdreg s18  }
0xe: {  	s12 =	sadd.s32 s7, s12;
	s23 =	sadd.s32 s6, s22;
	[dreg:$0xc] =	wrdreg s19  }
0xf: {  	s10 =	sor.u32 $0x60, s10;
	s24 =	sadd.s32 s7, s22;
	[dreg:$0x3] =	wrdreg s13  }
0x10: {  	s22 =	sadd.s32 s8, s14;
	s14 =	simm.s32 $0x2;
	[dreg:$0x4] =	wrdreg s12  }
0x11: {  	s18 =	simm.s32 $0x3;
	s19 =	simm.s32 $0x5;
	[dreg:$0x5] =	wrdreg s23  }
0x12: {  	[dreg:$0x6] =	wrdreg s24;
	s6 =	sadd.s32 s6, s10;
	s7 =	sadd.s32 s7, s10  }
0x13: {  	s12 =	sadd.s32 s9, s25;
	s13 =	sadd.s32 s11, s25;
	s23 =	sshll.u32 s16, $0x6  }
0x14: {  	s24 =	sadd.s32 s8, s1;
	s28 =	smax.u32 s15, $0x1;
	s8 =	simm.s32 $0x4400  }
0x15: {  	s10 =	simm.s32 $0x8;
	s15 =	simm.s32 $0x4;
	[dreg:$0x7] =	wrdreg s6  }
0x16: {  	[dreg:$0x8] =	wrdreg s7;
	s7 =	sadd.s32 s11, s26;
	s6 =	sor.u32 $0x60, s25  }
0x17: {  	s16 =	simm.s32 $0x9;
	[dreg:$0xa] =	wrdreg s7;
	s20 =	sadd.s32 s9, s6  }
0x18: {  	s6 =	sadd.s32 s11, s6;
	s7 =	sadd.s32 s21, s0;
	s9 =	simm.s32 $0x4500  }
0x19: {  	s11 =	simm.s32 $0x2400;
	s21 =	simm.s32 $0x6;
	[dreg:$0xd] =	wrdreg s20  }
0x1a: {  	[dreg:$0xe] =	wrdreg s6;
	s6 =	sshrl.u32 s22, $0x3;
	s22 =	sor.u32 $0x1C0A, s23  }
0x1b: {  	s23 =	sadd.s32 $0x1C8600, s7;
	_ =	strace $0x8000004A;
	[dreg:$0x10] =	wrdreg s24  }
0x1c: {  	s7 =	simm.s32 $0x1;
	s6 =	sadd.s32 s6, s0;
	[dreg:$0x14] =	wrdreg s28  }
0x1d: {  	s0 =	sadd.s32 $0xFE000, s0;
	s24 =	sadd.s32 $0xFDE00, s2;
	[dreg:$0x11] =	wrdreg s22  }
0x1e: {  	s2 =	simm.s32 $0x7;
	[dreg:$0xf] =	wrdreg s0;
	s25 =	sadd.s32 $0x23E000, s6  }
0x1f: {  	s26 =	sadd.s32 $0x1DC000, s6;
	s0 =	simm.s32 $0x2300;
	[dreg:$0x12] =	wrdreg s25  }
0x20: {  	s6 =	simm.s32 $0x200;
	[dreg:$0x13] =	wrdreg s26;
	s25 =	simm.s32 $0x0  }
.LBB2_1:
0x21: {  	s20 =	rddreg [dreg:$0x10]  }
0x22: {  	s26 =	sshrl.u32 s20, $0x3;
	s20 =	rddreg [dreg:$0xf]  }
0x23: {  	[dreg:$0x15] =	wrdreg s26  }
0x24: {  	[spmem:s26], [sflag:s22] =	dma.local [hbm:s20], $0x3100  }
0x25: {  	_ =	swait.ge [sflag:s29], $0x3100  }
0x26: {  	[sflag:s29] =	ssyncset.done $0x0  }
0x27: {  	[sflag:s29] =	ssyncadd.s32 $0xFFFFCF00  }
0x28: {  	[bflag:$0x0] =	sbarrier.arrive $0xFFFF  }
0x29: {  	[tilespmem:s3], [sflag:$0x7] =	stream.linear.gather [hbm4b:s4+s3], $0x100, $0x38;
	[tilespmem:$0x1EE00] =	vst v63  }
0x2a: {  	_ = 	snop  }
0x2b: {  	[tilespmem:s30], [sflag:$0x7] =	stream.linear.gather [hbm4b:s5+s3], $0x100, $0x38;
	[tilespmem:$0x1EE00] =	vst v63  }
0x2c: {  	s22 =	rddreg [dreg:$0x3]  }
0x2d: {  	[tilespmem:s31], [sflag:$0x8] =	stream.linear.gather [hbm4b:s22+s3], $0x100, $0x38;
	[tilespmem:$0x1EE00] =	vst v63  }
0x2e: {  	s26 =	rddreg [dreg:$0x4]  }
0x2f: {  	[tilespmem:s0], [sflag:$0x8] =	stream.linear.gather [hbm4b:s26+s3], $0x100, $0x38;
	[tilespmem:$0x1EE00] =	vst v63  }
0x30: {  	_ =	swait.ge [sflag:s2], $0x100  }
0x31: {  	[sflag:s2] =	ssyncset.done $0x0  }
0x32: {  	[sflag:s2] =	ssyncadd.s32 $0xFFFFFF00  }
0x33: {  	_ =	swait.ge [sflag:s2], $0x100  }
0x34: {  	[sflag:s2] =	ssyncset.done $0x0  }
0x35: {  	[sflag:s2] =	ssyncadd.s32 $0xFFFFFF00  }
0x36: {  	[tilespmem:s6], [sflag:$0x1] =	stream.indirect.gather [hbm4b:s23+s30], $0x20, s3, s30, $0xb8;
	[tilespmem:$0x1EE00] =	vst v63  }
0x37: {  	_ =	swait.ge [sflag:s7], $0x2000  }
0x38: {  	[sflag:s7] =	ssyncset.done $0x0  }
0x39: {  	[sflag:s7] =	ssyncadd.s32 $0xFFFFE000  }
0x3a: {  	[spmem:s1] =	stream.indirect.scatter.add.f32 [tilespmem:s6], [sflag:$0x4], $0x20, s30, s30, $0xb8;
	[tilespmem:$0x1EE00] =	vst v63  }
0x3b: {  	s22 =	rddreg [dreg:$0x5]  }
0x3c: {  	[tilespmem:s8], [sflag:$0x9] =	stream.linear.gather [hbm4b:s22+s3], $0x100, $0x38;
	[tilespmem:$0x1EE00] =	vst v63  }
0x3d: {  	s26 =	rddreg [dreg:$0x6]  }
0x3e: {  	[tilespmem:s9], [sflag:$0x9] =	stream.linear.gather [hbm4b:s26+s3], $0x100, $0x38;
	[tilespmem:$0x1EE00] =	vst v63  }
0x3f: {  	_ =	swait.ge [sflag:s10], $0x100  }
0x40: {  	[sflag:s10] =	ssyncset.done $0x0  }
0x41: {  	[sflag:s10] =	ssyncadd.s32 $0xFFFFFF00  }
0x42: {  	_ =	swait.ge [sflag:s10], $0x100  }
0x43: {  	[sflag:s10] =	ssyncset.done $0x0  }
0x44: {  	[sflag:s10] =	ssyncadd.s32 $0xFFFFFF00  }
0x45: {  	[tilespmem:s11], [sflag:$0x2] =	stream.indirect.gather [hbm4b:s23+s30], $0x20, s31, s30, $0xb8;
	[tilespmem:$0x1EE00] =	vst v63  }
0x46: {  	_ =	swait.ge [sflag:s14], $0x2000  }
0x47: {  	[sflag:s14] =	ssyncset.done $0x0  }
0x48: {  	[sflag:s14] =	ssyncadd.s32 $0xFFFFE000  }
0x49: {  	[spmem:s1] =	stream.indirect.scatter.add.f32 [tilespmem:s11], [sflag:$0x5], $0x20, s0, s30, $0xb8;
	[tilespmem:$0x1EE00] =	vst v63  }
0x4a: {  	_ =	swait.ge [sflag:s15], $0x2000  }
0x4b: {  	[sflag:s15] =	ssyncset.done $0x0  }
0x4c: {  	s22 =	rddreg [dreg:$0x7];
	[sflag:s15] =	ssyncadd.s32 $0xFFFFE000  }
0x4d: {  	[tilespmem:s3], [sflag:$0x7] =	stream.linear.gather [hbm4b:s22+s3], $0x100, $0x38;
	[tilespmem:$0x1EE00] =	vst v63  }
0x4e: {  	s26 =	rddreg [dreg:$0x8]  }
0x4f: {  	[tilespmem:s30], [sflag:$0x7] =	stream.linear.gather [hbm4b:s26+s3], $0x100, $0x38;
	[tilespmem:$0x1EE00] =	vst v63  }
0x50: {  	_ =	swait.ge [sflag:s16], $0x100  }
0x51: {  	[sflag:s16] =	ssyncset.done $0x0  }
0x52: {  	[sflag:s16] =	ssyncadd.s32 $0xFFFFFF00  }
0x53: {  	_ =	swait.ge [sflag:s16], $0x100  }
0x54: {  	[sflag:s16] =	ssyncset.done $0x0  }
0x55: {  	[sflag:s16] =	ssyncadd.s32 $0xFFFFFF00  }
0x56: {  	[tilespmem:s17], [sflag:$0x3] =	stream.indirect.gather [hbm4b:s23+s30], $0x20, s8, s30, $0xb8;
	[tilespmem:$0x1EE00] =	vst v63  }
0x57: {  	_ =	swait.ge [sflag:s18], $0x2000  }
0x58: {  	[sflag:s18] =	ssyncset.done $0x0  }
0x59: {  	[sflag:s18] =	ssyncadd.s32 $0xFFFFE000  }
0x5a: {  	[spmem:s1] =	stream.indirect.scatter.add.f32 [tilespmem:s17], [sflag:$0x6], $0x20, s9, s30, $0xb8;
	[tilespmem:$0x1EE00] =	vst v63  }
0x5b: {  	_ =	swait.ge [sflag:s19], $0x2000  }
0x5c: {  	s20 =	sadd.s32 $0x0, s4;
	[sflag:s19] =	ssyncset.done $0x0  }
0x5d: {  	s22 =	sadd.s32 $0x80, s20;
	s26 =	sadd.s32 $0x0, s5;
	[sflag:s19] =	ssyncadd.s32 $0xFFFFE000  }
0x5e: {  	[tilespmem:s31], [sflag:$0x8] =	stream.linear.gather [hbm4b:s22+s3], $0x100, $0x38;
	[tilespmem:$0x1EE00] =	vst v63  }
0x5f: {  	s22 =	sadd.s32 $0x80, s26  }
0x60: {  	[tilespmem:s0], [sflag:$0x8] =	stream.linear.gather [hbm4b:s22+s3], $0x100, $0x38;
	[tilespmem:$0x1EE00] =	vst v63  }
0x61: {  	_ =	swait.ge [sflag:s2], $0x100  }
0x62: {  	[sflag:s2] =	ssyncset.done $0x0  }
0x63: {  	[sflag:s2] =	ssyncadd.s32 $0xFFFFFF00  }
0x64: {  	_ =	swait.ge [sflag:s2], $0x100  }
0x65: {  	[sflag:s2] =	ssyncset.done $0x0  }
0x66: {  	[sflag:s2] =	ssyncadd.s32 $0xFFFFFF00  }
0x67: {  	[tilespmem:s6], [sflag:$0x1] =	stream.indirect.gather [hbm4b:s23+s30], $0x20, s3, s30, $0xb8;
	[tilespmem:$0x1EE00] =	vst v63  }
0x68: {  	_ =	swait.ge [sflag:s7], $0x2000  }
0x69: {  	[sflag:s7] =	ssyncset.done $0x0  }
0x6a: {  	[sflag:s7] =	ssyncadd.s32 $0xFFFFE000  }
0x6b: {  	[spmem:s1] =	stream.indirect.scatter.add.f32 [tilespmem:s6], [sflag:$0x4], $0x20, s30, s30, $0xb8;
	[tilespmem:$0x1EE00] =	vst v63  }
0x6c: {  	_ =	swait.ge [sflag:s21], $0x2000  }
0x6d: {  	[sflag:s21] =	ssyncset.done $0x0  }
0x6e: {  	s22 =	sadd.s32 $0xA0, s20;
	[sflag:s21] =	ssyncadd.s32 $0xFFFFE000  }
0x6f: {  	[tilespmem:s8], [sflag:$0x9] =	stream.linear.gather [hbm4b:s22+s3], $0x100, $0x38;
	[tilespmem:$0x1EE00] =	vst v63  }
0x70: {  	s22 =	sadd.s32 $0xA0, s26  }
0x71: {  	[tilespmem:s9], [sflag:$0x9] =	stream.linear.gather [hbm4b:s22+s3], $0x100, $0x38;
	[tilespmem:$0x1EE00] =	vst v63  }
0x72: {  	_ =	swait.ge [sflag:s10], $0x100  }
0x73: {  	[sflag:s10] =	ssyncset.done $0x0  }
0x74: {  	[sflag:s10] =	ssyncadd.s32 $0xFFFFFF00  }
0x75: {  	_ =	swait.ge [sflag:s10], $0x100  }
0x76: {  	[sflag:s10] =	ssyncset.done $0x0  }
0x77: {  	[sflag:s10] =	ssyncadd.s32 $0xFFFFFF00  }
0x78: {  	[tilespmem:s11], [sflag:$0x2] =	stream.indirect.gather [hbm4b:s23+s30], $0x20, s31, s30, $0xb8;
	[tilespmem:$0x1EE00] =	vst v63  }
0x79: {  	_ =	swait.ge [sflag:s14], $0x2000  }
0x7a: {  	[sflag:s14] =	ssyncset.done $0x0  }
0x7b: {  	[sflag:s14] =	ssyncadd.s32 $0xFFFFE000  }
0x7c: {  	[spmem:s1] =	stream.indirect.scatter.add.f32 [tilespmem:s11], [sflag:$0x5], $0x20, s0, s30, $0xb8;
	[tilespmem:$0x1EE00] =	vst v63  }
0x7d: {  	_ =	swait.ge [sflag:s15], $0x2000  }
0x7e: {  	[sflag:s15] =	ssyncset.done $0x0  }
0x7f: {  	s20 =	sadd.s32 $0xC0, s20;
	[sflag:s15] =	ssyncadd.s32 $0xFFFFE000  }
0x80: {  	[tilespmem:s3], [sflag:$0x7] =	stream.linear.gather [hbm4b:s20+s3], $0x100, $0x38;
	[tilespmem:$0x1EE00] =	vst v63  }
0x81: {  	s28 =	simm.s32 $0x60;
	s20 =	sadd.s32 $0xC0, s26  }
.LBB2_2:
0x82: {  	[tilespmem:s30], [sflag:$0x7] =	stream.linear.gather [hbm4b:s20+s3], $0x100, $0x38;
	[tilespmem:$0x1EE00] =	vst v63  }
0x83: {  	s22 =	smov.u32 s28  }
0x84: {  	p0 =	sne.s32 s28, $0x17A0;
	s28 =	sadd.s32 $0x60, s28;
	_ =	swait.ge [sflag:s16], $0x100  }
0x85: {  	[sflag:s16] =	ssyncset.done $0x0  }
0x86: {  	[sflag:s16] =	ssyncadd.s32 $0xFFFFFF00  }
0x87: {  	_ =	swait.ge [sflag:s16], $0x100  }
0x88: {  	[sflag:s16] =	ssyncset.done $0x0  }
0x89: {  	[sflag:s16] =	ssyncadd.s32 $0xFFFFFF00  }
0x8a: {  	[tilespmem:s17], [sflag:$0x3] =	stream.indirect.gather [hbm4b:s23+s30], $0x20, s8, s30, $0xb8;
	[tilespmem:$0x1EE00] =	vst v63  }
0x8b: {  	_ =	swait.ge [sflag:s18], $0x2000  }
0x8c: {  	[sflag:s18] =	ssyncset.done $0x0  }
0x8d: {  	[sflag:s18] =	ssyncadd.s32 $0xFFFFE000  }
0x8e: {  	[spmem:s1] =	stream.indirect.scatter.add.f32 [tilespmem:s17], [sflag:$0x6], $0x20, s9, s30, $0xb8;
	[tilespmem:$0x1EE00] =	vst v63  }
0x8f: {  	_ =	swait.ge [sflag:s19], $0x2000  }
0x90: {  	s20 =	sadd.s32 s22, s4;
	[sflag:s19] =	ssyncset.done $0x0  }
0x91: {  	s22 =	sadd.s32 s22, s5;
	s26 =	sadd.s32 $0x80, s20;
	[sflag:s19] =	ssyncadd.s32 $0xFFFFE000  }
0x92: {  	[tilespmem:s31], [sflag:$0x8] =	stream.linear.gather [hbm4b:s26+s3], $0x100, $0x38;
	[tilespmem:$0x1EE00] =	vst v63  }
0x93: {  	s26 =	sadd.s32 $0x80, s22  }
0x94: {  	[tilespmem:s0], [sflag:$0x8] =	stream.linear.gather [hbm4b:s26+s3], $0x100, $0x38;
	[tilespmem:$0x1EE00] =	vst v63  }
0x95: {  	_ =	swait.ge [sflag:s2], $0x100  }
0x96: {  	[sflag:s2] =	ssyncset.done $0x0  }
0x97: {  	[sflag:s2] =	ssyncadd.s32 $0xFFFFFF00  }
0x98: {  	_ =	swait.ge [sflag:s2], $0x100  }
0x99: {  	[sflag:s2] =	ssyncset.done $0x0  }
0x9a: {  	[sflag:s2] =	ssyncadd.s32 $0xFFFFFF00  }
0x9b: {  	[tilespmem:s6], [sflag:$0x1] =	stream.indirect.gather [hbm4b:s23+s30], $0x20, s3, s30, $0xb8;
	[tilespmem:$0x1EE00] =	vst v63  }
0x9c: {  	_ =	swait.ge [sflag:s7], $0x2000  }
0x9d: {  	[sflag:s7] =	ssyncset.done $0x0  }
0x9e: {  	[sflag:s7] =	ssyncadd.s32 $0xFFFFE000  }
0x9f: {  	[spmem:s1] =	stream.indirect.scatter.add.f32 [tilespmem:s6], [sflag:$0x4], $0x20, s30, s30, $0xb8;
	[tilespmem:$0x1EE00] =	vst v63  }
0xa0: {  	_ =	swait.ge [sflag:s21], $0x2000  }
0xa1: {  	[sflag:s21] =	ssyncset.done $0x0  }
0xa2: {  	s26 =	sadd.s32 $0xA0, s20;
	[sflag:s21] =	ssyncadd.s32 $0xFFFFE000  }
0xa3: {  	[tilespmem:s8], [sflag:$0x9] =	stream.linear.gather [hbm4b:s26+s3], $0x100, $0x38;
	[tilespmem:$0x1EE00] =	vst v63  }
0xa4: {  	s26 =	sadd.s32 $0xA0, s22  }
0xa5: {  	[tilespmem:s9], [sflag:$0x9] =	stream.linear.gather [hbm4b:s26+s3], $0x100, $0x38;
	[tilespmem:$0x1EE00] =	vst v63  }
0xa6: {  	_ =	swait.ge [sflag:s10], $0x100  }
0xa7: {  	[sflag:s10] =	ssyncset.done $0x0  }
0xa8: {  	[sflag:s10] =	ssyncadd.s32 $0xFFFFFF00  }
0xa9: {  	_ =	swait.ge [sflag:s10], $0x100  }
0xaa: {  	[sflag:s10] =	ssyncset.done $0x0  }
0xab: {  	[sflag:s10] =	ssyncadd.s32 $0xFFFFFF00  }
0xac: {  	[tilespmem:s11], [sflag:$0x2] =	stream.indirect.gather [hbm4b:s23+s30], $0x20, s31, s30, $0xb8;
	[tilespmem:$0x1EE00] =	vst v63  }
0xad: {  	_ =	swait.ge [sflag:s14], $0x2000  }
0xae: {  	[sflag:s14] =	ssyncset.done $0x0  }
0xaf: {  	[sflag:s14] =	ssyncadd.s32 $0xFFFFE000  }
0xb0: {  	[spmem:s1] =	stream.indirect.scatter.add.f32 [tilespmem:s11], [sflag:$0x5], $0x20, s0, s30, $0xb8;
	[tilespmem:$0x1EE00] =	vst v63  }
.Ltmp0:
0xb1: {  	_ =	swait.ge [sflag:s15], $0x2000;
	(pc) =	sbr.rel @p0 .LBB2_2-.Ltmp0, $4  }
0xb2: {  	[sflag:s15] =	ssyncset.done $0x0  }
0xb3: {  	s20 =	sadd.s32 $0xC0, s20;
	[sflag:s15] =	ssyncadd.s32 $0xFFFFE000  }
0xb4: {  	[tilespmem:s3], [sflag:$0x7] =	stream.linear.gather [hbm4b:s20+s3], $0x100, $0x38;
	[tilespmem:$0x1EE00] =	vst v63  }
0xb5: {  	s20 =	sadd.s32 $0xC0, s22  }
0xb6: {  	[tilespmem:s30], [sflag:$0x7] =	stream.linear.gather [hbm4b:s20+s3], $0x100, $0x38;
	[tilespmem:$0x1EE00] =	vst v63  }
0xb7: {  	_ =	swait.ge [sflag:s16], $0x100  }
0xb8: {  	[sflag:s16] =	ssyncset.done $0x0  }
0xb9: {  	[sflag:s16] =	ssyncadd.s32 $0xFFFFFF00  }
0xba: {  	_ =	swait.ge [sflag:s16], $0x100  }
0xbb: {  	[sflag:s16] =	ssyncset.done $0x0  }
0xbc: {  	[sflag:s16] =	ssyncadd.s32 $0xFFFFFF00  }
0xbd: {  	[tilespmem:s17], [sflag:$0x3] =	stream.indirect.gather [hbm4b:s23+s30], $0x20, s8, s30, $0xb8;
	[tilespmem:$0x1EE00] =	vst v63  }
0xbe: {  	_ =	swait.ge [sflag:s18], $0x2000  }
0xbf: {  	[sflag:s18] =	ssyncset.done $0x0  }
0xc0: {  	[sflag:s18] =	ssyncadd.s32 $0xFFFFE000  }
0xc1: {  	[spmem:s1] =	stream.indirect.scatter.add.f32 [tilespmem:s17], [sflag:$0x6], $0x20, s9, s30, $0xb8;
	[tilespmem:$0x1EE00] =	vst v63  }
0xc2: {  	_ =	swait.ge [sflag:s19], $0x2000  }
0xc3: {  	[sflag:s19] =	ssyncset.done $0x0  }
0xc4: {  	[sflag:s19] =	ssyncadd.s32 $0xFFFFE000  }
0xc5: {  	_ =	swait.ge [sflag:s2], $0x100  }
0xc6: {  	[sflag:s2] =	ssyncset.done $0x0  }
0xc7: {  	[sflag:s2] =	ssyncadd.s32 $0xFFFFFF00  }
0xc8: {  	_ =	swait.ge [sflag:s2], $0x100  }
0xc9: {  	[sflag:s2] =	ssyncset.done $0x0  }
0xca: {  	s20 =	simm.s32 $0x0;
	[sflag:s2] =	ssyncadd.s32 $0xFFFFFF00  }
0xcb: {  	[tilespmem:s6], [sflag:$0x1] =	stream.indirect.gather [hbm4b:s23+s30], $0x20, s20, s30, $0xb8;
	[tilespmem:$0x1EE00] =	vst v63  }
0xcc: {  	_ =	swait.ge [sflag:s7], $0x2000  }
0xcd: {  	[sflag:s7] =	ssyncset.done $0x0  }
0xce: {  	[sflag:s7] =	ssyncadd.s32 $0xFFFFE000  }
0xcf: {  	[spmem:s1] =	stream.indirect.scatter.add.f32 [tilespmem:s6], [sflag:$0x4], $0x20, s30, s30, $0xb8;
	[tilespmem:$0x1EE00] =	vst v63  }
0xd0: {  	_ =	swait.ge [sflag:s21], $0x2000  }
0xd1: {  	[sflag:s21] =	ssyncset.done $0x0  }
0xd2: {  	[sflag:s21] =	ssyncadd.s32 $0xFFFFE000  }
0xd3: {  	_ =	swait.ge [sflag:s15], $0x2000  }
0xd4: {  	[sflag:s15] =	ssyncset.done $0x0  }
0xd5: {  	[sflag:s15] =	ssyncadd.s32 $0xFFFFE000  }
0xd6: {  	[bflag:$0x0] =	sbarrier.arrive $0xFFFF  }
0xd7: {  	s26 =	rddreg [dreg:$0x11]  }
0xd8: {  	s22 =	rddreg [dreg:$0x12]  }
0xd9: {  	s28 =	rddreg [dreg:$0x15]  }
0xda: {  	[hbm:s22], [sflag:s26] =	dma.local [spmem:s28], $0x3100  }
0xdb: {  	_ =	swait.ge [sflag:s29], $0x3100  }
0xdc: {  	[sflag:s29] =	ssyncset.done $0x0  }
0xdd: {  	s22 =	rddreg [dreg:$0xf];
	[sflag:s29] =	ssyncadd.s32 $0xFFFFCF00  }
0xde: {  	[spmem:s28], [sflag:s26] =	dma.local [hbm:s22], $0x3100  }
0xdf: {  	_ =	swait.ge [sflag:s29], $0x3100  }
0xe0: {  	[sflag:s29] =	ssyncset.done $0x0  }
0xe1: {  	[sflag:s29] =	ssyncadd.s32 $0xFFFFCF00  }
0xe2: {  	[bflag:$0x0] =	sbarrier.arrive $0xFFFF  }
0xe3: {  	[tilespmem:s20], [sflag:$0x7] =	stream.linear.gather [hbm4b:s12+s20], $0x100, $0x38;
	[tilespmem:$0x1EE00] =	vst v63  }
0xe4: {  	_ = 	snop  }
0xe5: {  	[tilespmem:s30], [sflag:$0x7] =	stream.linear.gather [hbm4b:s13+s20], $0x100, $0x38;
	[tilespmem:$0x1EE00] =	vst v63  }
0xe6: {  	s26 =	rddreg [dreg:$0x9]  }
0xe7: {  	[tilespmem:s31], [sflag:$0x8] =	stream.linear.gather [hbm4b:s26+s20], $0x100, $0x38;
	[tilespmem:$0x1EE00] =	vst v63  }
0xe8: {  	s26 =	rddreg [dreg:$0xa]  }
0xe9: {  	[tilespmem:s0], [sflag:$0x8] =	stream.linear.gather [hbm4b:s26+s20], $0x100, $0x38;
	[tilespmem:$0x1EE00] =	vst v63  }
0xea: {  	_ =	swait.ge [sflag:s2], $0x100  }
0xeb: {  	[sflag:s2] =	ssyncset.done $0x0  }
0xec: {  	[sflag:s2] =	ssyncadd.s32 $0xFFFFFF00  }
0xed: {  	_ =	swait.ge [sflag:s2], $0x100  }
0xee: {  	[sflag:s2] =	ssyncset.done $0x0  }
0xef: {  	[sflag:s2] =	ssyncadd.s32 $0xFFFFFF00  }
0xf0: {  	[tilespmem:s6], [sflag:$0x1] =	stream.indirect.gather [hbm4b:s24+s30], $0x20, s20, s30, $0xb8;
	[tilespmem:$0x1EE00] =	vst v63  }
0xf1: {  	_ =	swait.ge [sflag:s7], $0x2000  }
0xf2: {  	[sflag:s7] =	ssyncset.done $0x0  }
0xf3: {  	[sflag:s7] =	ssyncadd.s32 $0xFFFFE000  }
0xf4: {  	[spmem:s1] =	stream.indirect.scatter.add.f32 [tilespmem:s6], [sflag:$0x4], $0x20, s30, s30, $0xb8;
	[tilespmem:$0x1EE00] =	vst v63  }
0xf5: {  	s26 =	rddreg [dreg:$0xb]  }
0xf6: {  	[tilespmem:s8], [sflag:$0x9] =	stream.linear.gather [hbm4b:s26+s20], $0x100, $0x38;
	[tilespmem:$0x1EE00] =	vst v63  }
0xf7: {  	s26 =	rddreg [dreg:$0xc]  }
0xf8: {  	[tilespmem:s9], [sflag:$0x9] =	stream.linear.gather [hbm4b:s26+s20], $0x100, $0x38;
	[tilespmem:$0x1EE00] =	vst v63  }
0xf9: {  	_ =	swait.ge [sflag:s10], $0x100  }
0xfa: {  	[sflag:s10] =	ssyncset.done $0x0  }
0xfb: {  	[sflag:s10] =	ssyncadd.s32 $0xFFFFFF00  }
0xfc: {  	_ =	swait.ge [sflag:s10], $0x100  }
0xfd: {  	[sflag:s10] =	ssyncset.done $0x0  }
0xfe: {  	[sflag:s10] =	ssyncadd.s32 $0xFFFFFF00  }
0xff: {  	[tilespmem:s11], [sflag:$0x2] =	stream.indirect.gather [hbm4b:s24+s30], $0x20, s31, s30, $0xb8;
	[tilespmem:$0x1EE00] =	vst v63  }
0x100: {  	_ =	swait.ge [sflag:s14], $0x2000  }
0x101: {  	[sflag:s14] =	ssyncset.done $0x0  }
0x102: {  	[sflag:s14] =	ssyncadd.s32 $0xFFFFE000  }
0x103: {  	[spmem:s1] =	stream.indirect.scatter.add.f32 [tilespmem:s11], [sflag:$0x5], $0x20, s0, s30, $0xb8;
	[tilespmem:$0x1EE00] =	vst v63  }
0x104: {  	_ =	swait.ge [sflag:s15], $0x2000  }
0x105: {  	[sflag:s15] =	ssyncset.done $0x0  }
0x106: {  	s26 =	rddreg [dreg:$0xd];
	[sflag:s15] =	ssyncadd.s32 $0xFFFFE000  }
0x107: {  	[tilespmem:s20], [sflag:$0x7] =	stream.linear.gather [hbm4b:s26+s20], $0x100, $0x38;
	[tilespmem:$0x1EE00] =	vst v63  }
0x108: {  	s26 =	rddreg [dreg:$0xe]  }
0x109: {  	[tilespmem:s30], [sflag:$0x7] =	stream.linear.gather [hbm4b:s26+s20], $0x100, $0x38;
	[tilespmem:$0x1EE00] =	vst v63  }
0x10a: {  	_ =	swait.ge [sflag:s16], $0x100  }
0x10b: {  	[sflag:s16] =	ssyncset.done $0x0  }
0x10c: {  	[sflag:s16] =	ssyncadd.s32 $0xFFFFFF00  }
0x10d: {  	_ =	swait.ge [sflag:s16], $0x100  }
0x10e: {  	[sflag:s16] =	ssyncset.done $0x0  }
0x10f: {  	[sflag:s16] =	ssyncadd.s32 $0xFFFFFF00  }
0x110: {  	[tilespmem:s17], [sflag:$0x3] =	stream.indirect.gather [hbm4b:s24+s30], $0x20, s8, s30, $0xb8;
	[tilespmem:$0x1EE00] =	vst v63  }
0x111: {  	_ =	swait.ge [sflag:s18], $0x2000  }
0x112: {  	[sflag:s18] =	ssyncset.done $0x0  }
0x113: {  	[sflag:s18] =	ssyncadd.s32 $0xFFFFE000  }
0x114: {  	[spmem:s1] =	stream.indirect.scatter.add.f32 [tilespmem:s17], [sflag:$0x6], $0x20, s9, s30, $0xb8;
	[tilespmem:$0x1EE00] =	vst v63  }
0x115: {  	_ =	swait.ge [sflag:s19], $0x2000  }
0x116: {  	s20 =	sadd.s32 $0x0, s12;
	[sflag:s19] =	ssyncset.done $0x0  }
0x117: {  	s26 =	sadd.s32 $0x0, s13;
	s22 =	sadd.s32 $0x80, s20;
	[sflag:s19] =	ssyncadd.s32 $0xFFFFE000  }
0x118: {  	[tilespmem:s31], [sflag:$0x8] =	stream.linear.gather [hbm4b:s22+s3], $0x100, $0x38;
	[tilespmem:$0x1EE00] =	vst v63  }
0x119: {  	s22 =	sadd.s32 $0x80, s26  }
0x11a: {  	[tilespmem:s0], [sflag:$0x8] =	stream.linear.gather [hbm4b:s22+s3], $0x100, $0x38;
	[tilespmem:$0x1EE00] =	vst v63  }
0x11b: {  	_ =	swait.ge [sflag:s2], $0x100  }
0x11c: {  	[sflag:s2] =	ssyncset.done $0x0  }
0x11d: {  	[sflag:s2] =	ssyncadd.s32 $0xFFFFFF00  }
0x11e: {  	_ =	swait.ge [sflag:s2], $0x100  }
0x11f: {  	[sflag:s2] =	ssyncset.done $0x0  }
0x120: {  	[sflag:s2] =	ssyncadd.s32 $0xFFFFFF00  }
0x121: {  	[tilespmem:s6], [sflag:$0x1] =	stream.indirect.gather [hbm4b:s24+s30], $0x20, s3, s30, $0xb8;
	[tilespmem:$0x1EE00] =	vst v63  }
0x122: {  	_ =	swait.ge [sflag:s7], $0x2000  }
0x123: {  	[sflag:s7] =	ssyncset.done $0x0  }
0x124: {  	[sflag:s7] =	ssyncadd.s32 $0xFFFFE000  }
0x125: {  	[spmem:s1] =	stream.indirect.scatter.add.f32 [tilespmem:s6], [sflag:$0x4], $0x20, s30, s30, $0xb8;
	[tilespmem:$0x1EE00] =	vst v63  }
0x126: {  	_ =	swait.ge [sflag:s21], $0x2000  }
0x127: {  	[sflag:s21] =	ssyncset.done $0x0  }
0x128: {  	s22 =	sadd.s32 $0xA0, s20;
	[sflag:s21] =	ssyncadd.s32 $0xFFFFE000  }
0x129: {  	[tilespmem:s8], [sflag:$0x9] =	stream.linear.gather [hbm4b:s22+s3], $0x100, $0x38;
	[tilespmem:$0x1EE00] =	vst v63  }
0x12a: {  	s22 =	sadd.s32 $0xA0, s26  }
0x12b: {  	[tilespmem:s9], [sflag:$0x9] =	stream.linear.gather [hbm4b:s22+s3], $0x100, $0x38;
	[tilespmem:$0x1EE00] =	vst v63  }
0x12c: {  	_ =	swait.ge [sflag:s10], $0x100  }
0x12d: {  	[sflag:s10] =	ssyncset.done $0x0  }
0x12e: {  	[sflag:s10] =	ssyncadd.s32 $0xFFFFFF00  }
0x12f: {  	_ =	swait.ge [sflag:s10], $0x100  }
0x130: {  	[sflag:s10] =	ssyncset.done $0x0  }
0x131: {  	[sflag:s10] =	ssyncadd.s32 $0xFFFFFF00  }
0x132: {  	[tilespmem:s11], [sflag:$0x2] =	stream.indirect.gather [hbm4b:s24+s30], $0x20, s31, s30, $0xb8;
	[tilespmem:$0x1EE00] =	vst v63  }
0x133: {  	_ =	swait.ge [sflag:s14], $0x2000  }
0x134: {  	[sflag:s14] =	ssyncset.done $0x0  }
0x135: {  	[sflag:s14] =	ssyncadd.s32 $0xFFFFE000  }
0x136: {  	[spmem:s1] =	stream.indirect.scatter.add.f32 [tilespmem:s11], [sflag:$0x5], $0x20, s0, s30, $0xb8;
	[tilespmem:$0x1EE00] =	vst v63  }
0x137: {  	_ =	swait.ge [sflag:s15], $0x2000  }
0x138: {  	[sflag:s15] =	ssyncset.done $0x0  }
0x139: {  	s20 =	sadd.s32 $0xC0, s20;
	[sflag:s15] =	ssyncadd.s32 $0xFFFFE000  }
0x13a: {  	[tilespmem:s3], [sflag:$0x7] =	stream.linear.gather [hbm4b:s20+s3], $0x100, $0x38;
	[tilespmem:$0x1EE00] =	vst v63  }
0x13b: {  	s28 =	simm.s32 $0x60;
	s20 =	sadd.s32 $0xC0, s26  }
.LBB2_4:
0x13c: {  	[tilespmem:s30], [sflag:$0x7] =	stream.linear.gather [hbm4b:s20+s3], $0x100, $0x38;
	[tilespmem:$0x1EE00] =	vst v63  }
0x13d: {  	s22 =	smov.u32 s28  }
0x13e: {  	p0 =	sne.s32 s28, $0x120;
	s28 =	sadd.s32 $0x60, s28;
	_ =	swait.ge [sflag:s16], $0x100  }
0x13f: {  	[sflag:s16] =	ssyncset.done $0x0  }
0x140: {  	[sflag:s16] =	ssyncadd.s32 $0xFFFFFF00  }
0x141: {  	_ =	swait.ge [sflag:s16], $0x100  }
0x142: {  	[sflag:s16] =	ssyncset.done $0x0  }
0x143: {  	[sflag:s16] =	ssyncadd.s32 $0xFFFFFF00  }
0x144: {  	[tilespmem:s17], [sflag:$0x3] =	stream.indirect.gather [hbm4b:s24+s30], $0x20, s8, s30, $0xb8;
	[tilespmem:$0x1EE00] =	vst v63  }
0x145: {  	_ =	swait.ge [sflag:s18], $0x2000  }
0x146: {  	[sflag:s18] =	ssyncset.done $0x0  }
0x147: {  	[sflag:s18] =	ssyncadd.s32 $0xFFFFE000  }
0x148: {  	[spmem:s1] =	stream.indirect.scatter.add.f32 [tilespmem:s17], [sflag:$0x6], $0x20, s9, s30, $0xb8;
	[tilespmem:$0x1EE00] =	vst v63  }
0x149: {  	_ =	swait.ge [sflag:s19], $0x2000  }
0x14a: {  	s20 =	sadd.s32 s22, s12;
	[sflag:s19] =	ssyncset.done $0x0  }
0x14b: {  	s22 =	sadd.s32 s22, s13;
	s26 =	sadd.s32 $0x80, s20;
	[sflag:s19] =	ssyncadd.s32 $0xFFFFE000  }
0x14c: {  	[tilespmem:s31], [sflag:$0x8] =	stream.linear.gather [hbm4b:s26+s3], $0x100, $0x38;
	[tilespmem:$0x1EE00] =	vst v63  }
0x14d: {  	s26 =	sadd.s32 $0x80, s22  }
0x14e: {  	[tilespmem:s0], [sflag:$0x8] =	stream.linear.gather [hbm4b:s26+s3], $0x100, $0x38;
	[tilespmem:$0x1EE00] =	vst v63  }
0x14f: {  	_ =	swait.ge [sflag:s2], $0x100  }
0x150: {  	[sflag:s2] =	ssyncset.done $0x0  }
0x151: {  	[sflag:s2] =	ssyncadd.s32 $0xFFFFFF00  }
0x152: {  	_ =	swait.ge [sflag:s2], $0x100  }
0x153: {  	[sflag:s2] =	ssyncset.done $0x0  }
0x154: {  	[sflag:s2] =	ssyncadd.s32 $0xFFFFFF00  }
0x155: {  	[tilespmem:s6], [sflag:$0x1] =	stream.indirect.gather [hbm4b:s24+s30], $0x20, s3, s30, $0xb8;
	[tilespmem:$0x1EE00] =	vst v63  }
0x156: {  	_ =	swait.ge [sflag:s7], $0x2000  }
0x157: {  	[sflag:s7] =	ssyncset.done $0x0  }
0x158: {  	[sflag:s7] =	ssyncadd.s32 $0xFFFFE000  }
0x159: {  	[spmem:s1] =	stream.indirect.scatter.add.f32 [tilespmem:s6], [sflag:$0x4], $0x20, s30, s30, $0xb8;
	[tilespmem:$0x1EE00] =	vst v63  }
0x15a: {  	_ =	swait.ge [sflag:s21], $0x2000  }
0x15b: {  	[sflag:s21] =	ssyncset.done $0x0  }
0x15c: {  	s26 =	sadd.s32 $0xA0, s20;
	[sflag:s21] =	ssyncadd.s32 $0xFFFFE000  }
0x15d: {  	[tilespmem:s8], [sflag:$0x9] =	stream.linear.gather [hbm4b:s26+s3], $0x100, $0x38;
	[tilespmem:$0x1EE00] =	vst v63  }
0x15e: {  	s26 =	sadd.s32 $0xA0, s22  }
0x15f: {  	[tilespmem:s9], [sflag:$0x9] =	stream.linear.gather [hbm4b:s26+s3], $0x100, $0x38;
	[tilespmem:$0x1EE00] =	vst v63  }
0x160: {  	_ =	swait.ge [sflag:s10], $0x100  }
0x161: {  	[sflag:s10] =	ssyncset.done $0x0  }
0x162: {  	[sflag:s10] =	ssyncadd.s32 $0xFFFFFF00  }
0x163: {  	_ =	swait.ge [sflag:s10], $0x100  }
0x164: {  	[sflag:s10] =	ssyncset.done $0x0  }
0x165: {  	[sflag:s10] =	ssyncadd.s32 $0xFFFFFF00  }
0x166: {  	[tilespmem:s11], [sflag:$0x2] =	stream.indirect.gather [hbm4b:s24+s30], $0x20, s31, s30, $0xb8;
	[tilespmem:$0x1EE00] =	vst v63  }
0x167: {  	_ =	swait.ge [sflag:s14], $0x2000  }
0x168: {  	[sflag:s14] =	ssyncset.done $0x0  }
0x169: {  	[sflag:s14] =	ssyncadd.s32 $0xFFFFE000  }
0x16a: {  	[spmem:s1] =	stream.indirect.scatter.add.f32 [tilespmem:s11], [sflag:$0x5], $0x20, s0, s30, $0xb8;
	[tilespmem:$0x1EE00] =	vst v63  }
.Ltmp1:
0x16b: {  	_ =	swait.ge [sflag:s15], $0x2000;
	(pc) =	sbr.rel @p0 .LBB2_4-.Ltmp1, $4  }
0x16c: {  	[sflag:s15] =	ssyncset.done $0x0  }
0x16d: {  	s20 =	sadd.s32 $0xC0, s20;
	[sflag:s15] =	ssyncadd.s32 $0xFFFFE000  }
0x16e: {  	[tilespmem:s3], [sflag:$0x7] =	stream.linear.gather [hbm4b:s20+s3], $0x100, $0x38;
	[tilespmem:$0x1EE00] =	vst v63  }
0x16f: {  	s20 =	sadd.s32 $0xC0, s22  }
0x170: {  	[tilespmem:s30], [sflag:$0x7] =	stream.linear.gather [hbm4b:s20+s3], $0x100, $0x38;
	[tilespmem:$0x1EE00] =	vst v63  }
0x171: {  	_ =	swait.ge [sflag:s16], $0x100  }
0x172: {  	[sflag:s16] =	ssyncset.done $0x0  }
0x173: {  	[sflag:s16] =	ssyncadd.s32 $0xFFFFFF00  }
0x174: {  	_ =	swait.ge [sflag:s16], $0x100  }
0x175: {  	[sflag:s16] =	ssyncset.done $0x0  }
0x176: {  	[sflag:s16] =	ssyncadd.s32 $0xFFFFFF00  }
0x177: {  	[tilespmem:s17], [sflag:$0x3] =	stream.indirect.gather [hbm4b:s24+s30], $0x20, s8, s30, $0xb8;
	[tilespmem:$0x1EE00] =	vst v63  }
0x178: {  	_ =	swait.ge [sflag:s18], $0x2000  }
0x179: {  	[sflag:s18] =	ssyncset.done $0x0  }
0x17a: {  	[sflag:s18] =	ssyncadd.s32 $0xFFFFE000  }
0x17b: {  	[spmem:s1] =	stream.indirect.scatter.add.f32 [tilespmem:s17], [sflag:$0x6], $0x20, s9, s30, $0xb8;
	[tilespmem:$0x1EE00] =	vst v63  }
0x17c: {  	_ =	swait.ge [sflag:s19], $0x2000  }
0x17d: {  	[sflag:s19] =	ssyncset.done $0x0  }
0x17e: {  	[sflag:s19] =	ssyncadd.s32 $0xFFFFE000  }
0x17f: {  	_ =	swait.ge [sflag:s2], $0x100  }
0x180: {  	[sflag:s2] =	ssyncset.done $0x0  }
0x181: {  	[sflag:s2] =	ssyncadd.s32 $0xFFFFFF00  }
0x182: {  	_ =	swait.ge [sflag:s2], $0x100  }
0x183: {  	[sflag:s2] =	ssyncset.done $0x0  }
0x184: {  	[sflag:s2] =	ssyncadd.s32 $0xFFFFFF00  }
0x185: {  	[tilespmem:s6], [sflag:$0x1] =	stream.indirect.gather [hbm4b:s24+s30], $0x20, s3, s30, $0xb8;
	[tilespmem:$0x1EE00] =	vst v63  }
0x186: {  	_ =	swait.ge [sflag:s7], $0x2000  }
0x187: {  	[sflag:s7] =	ssyncset.done $0x0  }
0x188: {  	[sflag:s7] =	ssyncadd.s32 $0xFFFFE000  }
0x189: {  	[spmem:s1] =	stream.indirect.scatter.add.f32 [tilespmem:s6], [sflag:$0x4], $0x20, s30, s30, $0xb8;
	[tilespmem:$0x1EE00] =	vst v63  }
0x18a: {  	_ =	swait.ge [sflag:s21], $0x2000  }
0x18b: {  	[sflag:s21] =	ssyncset.done $0x0  }
0x18c: {  	[sflag:s21] =	ssyncadd.s32 $0xFFFFE000  }
0x18d: {  	_ =	swait.ge [sflag:s15], $0x2000  }
0x18e: {  	[sflag:s15] =	ssyncset.done $0x0  }
0x18f: {  	[sflag:s15] =	ssyncadd.s32 $0xFFFFE000  }
0x190: {  	[bflag:$0x0] =	sbarrier.arrive $0xFFFF  }
0x191: {  	s22 =	rddreg [dreg:$0x11]  }
0x192: {  	s28 =	rddreg [dreg:$0x13]  }
0x193: {  	s26 =	rddreg [dreg:$0x15]  }
0x194: {  	[hbm:s28], [sflag:s22] =	dma.local [spmem:s26], $0x3100  }
0x195: {  	_ =	swait.ge [sflag:s29], $0x3100  }
0x196: {  	s25 =	sadd.s32 $0x1, s25;
	s28 =	rddreg [dreg:$0x14]  }
0x197: {  	p0 =	sne.s32 s25, s28  }
.Ltmp2:
0x198: {  	_ = 	snop;
	(pc) =	sbr.rel @p0 .LBB2_1-.Ltmp2, $3  }
0x199: {  	_ =	sdelay $0x1  }
0x19a: {  	[sflag:s29] =	ssyncset.done $0x0  }
0x19b: {  	[sflag:s29] =	ssyncadd.s32 $0xFFFFCF00  }
0x19c: {  	_ =	sfence.sel $0x180000  }
0x19d: {  	[bflag:$0x0] =	sbarrier.arrive $0xFFFF  }
0x19e: {  	_ =	strace $0x9000004A  }
0x19f: {  	s0 =	stileid.u32;
	[bflag:$0x2] =	sbarrier.arrive $0xFFFF  }
0x1a0: {  	p0 =	sne.s32 s0, $0x0;
	s0 =	rddreg [dreg:$0x2]  }
0x1a1: {  	s0 =	sadd.s32 @!p0 $0x100000, s0  }
0x1a2: {  	[sflag:s0] =	ssyncadd.tile.s32 @!p0 $0x1;
	_ =	shalt  }
.Lfunc_end2:
_tile_overlayer_lowered:
.L_overlay_start_2:
0x1a3: {  	(tag) =	ssettag $0x2  }
0x1a4: {  	s0 =	rddreg [dreg:$0x0];
	s2 =	stileid.u32  }
0x1a5: {  	s1 =	rddreg [dreg:$0x1];
	p0 =	sne.s32 s2, $0x0  }
0x1a6: {  	s3 =	rddreg [dreg:$0x2];
	[bflag:$0x3] =	sbarrier.arrive $0xFFFF;
	s2 =	simm.s32 @!p0 $0x1C0A  }
0x1a7: {  	[timem:s3], [sflag:s2] =	dma.local @!p0 [hbm:s0], s1  }
0x1a8: {  	s0 =	simm.s32 @!p0 $0xA  }
0x1a9: {  	_ =	swait.ge @!p0 [sflag:s0], s1  }
0x1aa: {  	s1 =	ssub.s32 @!p0 $0x0, s1;
	[sflag:s0] =	ssyncset.done @!p0 $0x0  }
0x1ab: {  	[sflag:s0] =	ssyncadd.s32 @!p0 s1  }
0x1ac: {  	[bflag:$0x3] =	sbarrier.arrive $0xFFFF  }
0x1ad: {  	_ =	shalt  }

// kernel: kernel.14.cloned.1.call-start
scs
__scs_entry_jumppad:
0x0: {  	(pc) =	sbr.rel $0x88, $3  }
0x1: {  	(tag) =	ssettag $0x0;
	lr =	simm.s32 $0x1  }
0x2: {  	[smem:$0x3F86] =	sst lr;
	_ =	strace $0xD0000000  }
0x3: {  	_ = 	snop  }
0x4: {  	_ = 	snop  }
0x5: {  	_ = 	snop  }
0x6: {  	_ = 	snop  }
0x7: {  	_ = 	snop  }
__scs_overlays_trampoline_lowered:
0x8: {  	[smem:$0x3F95] =	sst s0  }
0x9: {  	[smem:$0x3F96] =	sst s1  }
0xa: {  	[smem:$0x3F97] =	sst s2  }
0xb: {  	[smem:$0x3F98] =	sst s3  }
0xc: {  	[smem:$0x3F99] =	sst s4  }
0xd: {  	[smem:$0x3F9A] =	sst s5  }
0xe: {  	[smem:$0x3F9B] =	sst s6  }
0xf: {  	[smem:$0x3F9C] =	sst s7  }
0x10: {  	[smem:$0x3F9D] =	sst s8  }
0x11: {  	[smem:$0x3F9E] =	sst s9;
	s0 =	simm.s32 @!p0 $0x0  }
0x12: {  	s1 =	sld [smem:$0x3F84];
	s0 =	simm.s32 @p0 $0x1  }
0x13: {  	[smem:$0x3F9F] =	sst s0;
	s0 =	simm.s32 @!p1 $0x0  }
0x14: {  	s2 =	sld [smem:$0x3F83];
	s0 =	simm.s32 @p1 $0x1  }
0x15: {  	[smem:$0x3FA0] =	sst s0;
	s0 =	simm.s32 @!p2 $0x0  }
0x16: {  	s3 =	sld [smem:$0x3FDB];
	s0 =	simm.s32 @p2 $0x1  }
0x17: {  	s4 =	simm.s32 $0x1BF5;
	[smem:$0x3FA2] =	sst s0  }
0x18: {  	s0 =	sld [smem:$0x3F85];
	_ =	swait.ge [sflag:s4], $0x0  }
0x19: {  	s7 =	sld [smem:$0x3F86]  }
0x1a: {  	s8 =	sadd.s32 $0xFFFFE003, lr  }
0x1b: {  	s9 =	sadd.s32 $0xFFFFFEF7, lr;
	s5 =	simm.s32 $0xFFFFFFFF;
	p2 =	slt.u32 s8, $0xFFFFF086  }
0x1c: {  	p1 =	slt.u32 s9, $0xF7A;
	s5 =	simm.s32 @!p2 $0x0  }
0x1d: {  	s5 =	simm.s32 @p1 $0x1;
	p0 =	seq.s32 s7, s2  }
0x1e: {  	s7 =	smul.u32 @!p0 $0xF7A, s2;
	p2 =	seq.s32 @!p0 s5, $0x0  }
0x1f: {  	s9 =	smul.u32 $0xF7A, s1;
	s8 =	simm.s32 @!p0 $0x1BF5;
	p2 =	por !p2, p0  }
0x20: {  	[sflag:s8] =	ssyncset.s32 @!p0 $0xFFFFF086;
	s6 =	sadd.s32 @!p0 s3, s7;
	s7 =	simm.s32 @!p0 $0x108  }
0x21: {  	s3 =	sadd.s32 s3, s9;
	s6 =	sadd.s32 @!p0 $0x88, s6;
	s7 =	simm.s32 @p2 $0x1082  }
0x22: {  	[simem:s7], [sflag:s8] =	dma.local @!p0 [hbm:s6], $0xF7A  }
0x23: {  	s9 =	sor.u32 $0xD0000000, s2;
	s6 =	simm.s32 $0x108;
	_ =	swait.ge @!p0 [sflag:s8], $0x0  }
0x24: {  	s3 =	sadd.s32 $0x88, s3;
	s6 =	simm.s32 @!p1 $0x1082;
	[sflag:s4] =	ssyncset.s32 $0xFFFFF086  }
0x25: {  	[simem:s6], [sflag:s4] =	dma.local [hbm:s3], $0xF7A  }
0x26: {  	[smem:$0x3F86] =	sst s1;
	(tag) =	ssettag s2;
	_ =	strace s9  }
0x27: {  	s1 =	sld [smem:$0x3F96]  }
0x28: {  	s2 =	sld [smem:$0x3F97]  }
0x29: {  	s4 =	sld [smem:$0x3F99]  }
0x2a: {  	p0 =	seq.s32 s5, $0x0;
	s5 =	sld [smem:$0x3F9A]  }
0x2b: {  	s6 =	sld [smem:$0x3F9B]  }
0x2c: {  	s7 =	sld [smem:$0x3F9C]  }
0x2d: {  	s3 =	simm.s32 $0x108;
	s8 =	sld [smem:$0x3F9D]  }
0x2e: {  	s3 =	simm.s32 @!p0 $0x1082;
	s9 =	sld [smem:$0x3F9E]  }
0x2f: {  	lr =	sadd.s32 s0, s3;
	s0 =	sld [smem:$0x3F95]  }
0x30: {  	s3 =	sld [smem:$0x3F98]  }
0x31: {  	[smem:$0x3FA1] =	sst s10  }
0x32: {  	s10 =	sld [smem:$0x3F9F];
	_ =	sdelay $0x3  }
0x33: {  	p0 =	seq.s32 s10, $0x1;
	s10 =	sld [smem:$0x3FA1];
	_ =	sdelay $0x3  }
0x34: {  	[smem:$0x3FA1] =	sst s10  }
0x35: {  	s10 =	sld [smem:$0x3FA0];
	_ =	sdelay $0x3  }
0x36: {  	p1 =	seq.s32 s10, $0x1;
	s10 =	sld [smem:$0x3FA1];
	_ =	sdelay $0x3  }
0x37: {  	[smem:$0x3FA1] =	sst s10  }
0x38: {  	s10 =	sld [smem:$0x3FA2]  }
0x39: {  	_ = 	snop;
	(pc) =	sbr.ind lr, $3  }
0x3a: {  	_ = 	snop  }
0x3b: {  	_ = 	snop  }
0x3c: {  	p2 =	seq.s32 s10, $0x1;
	s10 =	sld [smem:$0x3FA1]  }
0x3d: {  	_ =	shalt  }
0x3e: {  	_ =	shalt  }
0x3f: {  	_ =	shalt  }
0x40: {  	_ =	shalt  }
0x41: {  	_ =	shalt  }
0x42: {  	_ =	shalt  }
0x43: {  	_ =	shalt  }
0x44: {  	_ =	shalt  }
0x45: {  	_ =	shalt  }
0x46: {  	_ =	shalt  }
0x47: {  	_ =	shalt  }
0x48: {  	_ =	shalt  }
0x49: {  	_ =	shalt  }
0x4a: {  	_ =	shalt  }
0x4b: {  	_ =	shalt  }
0x4c: {  	_ =	shalt  }
0x4d: {  	_ =	shalt  }
0x4e: {  	_ =	shalt  }
0x4f: {  	_ =	shalt  }
0x50: {  	_ =	shalt  }
0x51: {  	_ =	shalt  }
0x52: {  	_ =	shalt  }
0x53: {  	_ =	shalt  }
0x54: {  	_ =	shalt  }
0x55: {  	_ =	shalt  }
0x56: {  	_ =	shalt  }
0x57: {  	_ =	shalt  }
0x58: {  	_ =	shalt  }
0x59: {  	_ =	shalt  }
0x5a: {  	_ =	shalt  }
0x5b: {  	_ =	shalt  }
0x5c: {  	_ =	shalt  }
0x5d: {  	_ =	shalt  }
0x5e: {  	_ =	shalt  }
0x5f: {  	_ =	shalt  }
0x60: {  	_ =	shalt  }
0x61: {  	_ =	shalt  }
0x62: {  	_ =	shalt  }
0x63: {  	_ =	shalt  }
0x64: {  	_ =	shalt  }
0x65: {  	_ =	shalt  }
0x66: {  	_ =	shalt  }
0x67: {  	_ =	shalt  }
0x68: {  	_ =	shalt  }
0x69: {  	_ =	shalt  }
0x6a: {  	_ =	shalt  }
0x6b: {  	_ =	shalt  }
0x6c: {  	_ =	shalt  }
0x6d: {  	_ =	shalt  }
0x6e: {  	_ =	shalt  }
0x6f: {  	_ =	shalt  }
0x70: {  	_ =	shalt  }
0x71: {  	_ =	shalt  }
0x72: {  	_ =	shalt  }
0x73: {  	_ =	shalt  }
0x74: {  	_ =	shalt  }
0x75: {  	_ =	shalt  }
0x76: {  	_ =	shalt  }
0x77: {  	_ =	shalt  }
0x78: {  	_ =	shalt  }
0x79: {  	_ =	shalt  }
0x7a: {  	_ =	shalt  }
0x7b: {  	_ =	shalt  }
0x7c: {  	_ =	shalt  }
0x7d: {  	_ =	shalt  }
0x7e: {  	_ =	shalt  }
0x7f: {  	_ =	shalt  }
0x80: {  	_ =	shalt  }
0x81: {  	_ =	shalt  }
0x82: {  	_ =	shalt  }
0x83: {  	_ =	shalt  }
0x84: {  	_ =	shalt  }
0x85: {  	_ =	shalt  }
0x86: {  	_ =	shalt  }
0x87: {  	_ =	shalt  }
.Lfunc_end0:
.L_simem_size_0:
called_computation.2_lowered:
.L_overlay_start_0:
0x88: {  	s2 =	sld [smem:$0x3FD9]  }
0x89: {  	s3 =	sld [smem:$0x3FFE];
	_ =	sdelay $0x1  }
0x8a: {  	s1 =	srdreg.scid  }
0x8b: {  	s0 =	sand.u32 $0x1, s1  }
0x8c: {  	s14 =	sshll.u32 s0, $0xA;
	s2 =	sadd.s32 s3, s2  }
0x8d: {  	s2 =	sadd.s32 s2, s14  }
0x8e: {  	[smem:$0x3FAD] =	sst s2  }
0x8f: {  	_ = 	snop  }
0x90: {  	s2 =	sld [smem:$0x3FD0];
	_ =	sdelay $0x2  }
0x91: {  	s15 =	simm.s32 $0xC;
	s4 =	simm.s32 $0x10  }
0x92: {  	[smem:s4], [sflag:s15] =	dma.local [hbm:s2], $0x1  }
0x93: {  	_ =	swait.eq [sflag:s15], $0x1  }
0x94: {  	[sflag:s15] =	ssyncset.done $0x0  }
0x95: {  	s16 =	sld [smem:$0x10];
	[sflag:s15] =	ssyncadd.s32 $0xFFFFFFFF  }
0x96: {  	s17 =	sld [smem:$0x11];
	(tm) =	ssettm $0x1  }
0x97: {  	s18 =	sld [smem:$0x3FFB];
	_ =	sdelay $0x3  }
0x98: {  	_ =	strace s18  }
0x99: {  	s4 =	sld [smem:$0x3FFC];
	_ =	sdelay $0x3  }
0x9a: {  	_ =	strace s4  }
0x9b: {  	s4 =	sld [smem:$0x3FFD];
	_ =	sdelay $0x3  }
0x9c: {  	_ =	strace s4  }
0x9d: {  	_ =	strace $0x8FFFFFFF  }
0x9e: {  	s19 =	sld [smem:$0x3FDB];
	_ =	sdelay $0x1  }
0x9f: {  	s5 =	simm.s32 $_scs_section_size  }
0xa0: {  	s6 =	simm.s32 $_size__tile_overlayer_lowered;
	s7 =	simm.s32 $_tile_overlayer_lowered  }
0xa1: {  	s22 =	simm.s32 $0x1BFF;
	s21 =	sshll.u32 s7, $0x1;
	s4 =	sadd.s32 s5, s19  }
0xa2: {  	s8 =	simm.s32 $0x0;
	s20 =	sshll.u32 s6, $0x1;
	s6 =	sadd.s32 s21, s4  }
0xa3: {  	[timem:s8], [sflag:s22] =	dma.local [hbm:s6], s20  }
0xa4: {  	_ =	swait.ge [sflag:s22], s20  }
0xa5: {  	s5 =	ssub.s32 $0x0, s20;
	[sflag:s22] =	ssyncset.done $0x0  }
0xa6: {  	[sflag:s22] =	ssyncadd.s32 s5;
	_ =	sdelay $0x1  }
0xa7: {  	s23 =	simm.s32 $0x1B8B  }
0xa8: {  	_ =	swait.ge [sflag:s23], $0x1  }
0xa9: {  	[sflag:s23] =	ssyncset.done $0x0  }
0xaa: {  	s25 =	simm.s32 $0x1B8E;
	s24 =	sld [smem:$0x3FFE];
	[sflag:s23] =	ssyncadd.s32 $0xFFFFFFFF  }
0xab: {  	s26 =	simm.s32 $execute0_lowered;
	[smem:$0x3FD2] =	sst s25  }
0xac: {  	s6 =	sshll.u32 s26, $0x1;
	_ =	strace $0x80000046;
	[dreg:$0x1] =	wrdreg $0xFFFFFFFF  }
0xad: {  	s28 =	simm.s32 $_size_execute0_lowered;
	s4 =	sadd.s32 s4, s6;
	[dreg:$0x0] =	wrdreg $0x0  }
0xae: {  	s6 =	sshll.u32 s28, $0x1;
	[dreg:$0x2] =	wrdreg s4  }
0xaf: {  	[dreg:$0x3] =	wrdreg s6  }
0xb0: {  	[dreg:$0x4] =	wrdreg $0xC0  }
0xb1: {  	_ =	task [dreg:s8], $0x5FFFF  }
0xb2: {  	[dreg:$0x1] =	wrdreg $0xFFFFFFFF  }
0xb3: {  	[dreg:$0x0] =	wrdreg $0x60  }
0xb4: {  	[dreg:$0x2] =	wrdreg s16  }
0xb5: {  	[dreg:$0x3] =	wrdreg s24  }
0xb6: {  	[dreg:$0x4] =	wrdreg s17  }
0xb7: {  	[dreg:$0x5] =	wrdreg $0xCE000  }
0xb8: {  	[dreg:$0x6] =	wrdreg $0x16C000  }
0xb9: {  	[dreg:$0x7] =	wrdreg $0xB  }
0xba: {  	_ =	task.clear_ibuf [dreg:s8], $0x8FFFF;
	_ =	strace $0x90000046  }
0xbb: {  	s29 =	simm.s32 $0xB;
	_ =	strace $0x80000048  }
0xbc: {  	_ =	swait.ge [sflag:s29], $0x1  }
0xbd: {  	[sflag:s29] =	ssyncadd.s32 $0xFFFFFFFF  }
0xbe: {  	_ =	strace $0x90000048  }
0xbf: {  	_ =	sfence  }
0xc0: {  	s30 =	sld [smem:$0x0];
	_ =	sdelay $0x2  }
0xc1: {  	s31 =	sshll.u32 s1, $0xD;
	s1 =	sshrl.u32 s1, $0x2  }
0xc2: {  	s3 =	sand.u32 $0x4000, s31;
	s1 =	sadd.s32 s1, s30  }
0xc3: {  	s0 =	sor.u32 s3, s0;
	s1 =	sshll.u32 s1, $0x11  }
0xc4: {  	s0 =	sor.u32 s1, s0  }
0xc5: {  	s0 =	sadd.s32 $0x8F2B, s0  }
0xc6: {  	[sflag:s0] =	ssyncadd.remote.s32 $0x1  }
0xc7: {  	_ =	sfence.sel $0xFFFF  }
0xc8: {  	[dreg:$0x0] =	wrdreg $0xFFFFFFFF;
	(pc) =	sbr.abs _section_cstart, $3  }
0xc9: {  	[dreg:$0x1] =	wrdreg $0xFFFFFFFF  }
0xca: {  	_ =	task.clear_ibuf [dreg:s8], $0x2FFFF;
	_ =	strace $0x9FFFFFFF  }
0xcb: {  	(tm) =	ssettm $0x7FFFFFFF  }
tec
execute0_lowered:
.L_overlay_start_1:
0x0: {  	(tag) =	ssettag $0x1  }
0x1: {  	s2 =	rddreg [dreg:$0x0]  }
0x2: {  	s4 =	rddreg [dreg:$0x1]  }
0x3: {  	s3 =	rddreg [dreg:$0x3]  }
0x4: {  	s5 =	rddreg [dreg:$0x4];
	s22 =	stileid.u32  }
0x5: {  	s6 =	simm.s32 $0x0;
	s0 =	srdreg.scid;
	s10 =	smul.u32 $0x9E00, s22  }
0x6: {  	s9 =	sand.u32 $0x1, s0;
	s21 =	sshll.u32 s22, $0x1;
	s16 =	smul.u32 $0x13C0, s22  }
0x7: {  	[smem:$0x7FF] =	sst s6;
	s7 =	sadd.s32 $0x10A00, s4;
	s11 =	smul.u32 $0x9E000, s9  }
0x8: {  	s1 =	sadd.s32 $0x29200, s4;
	s12 =	sor.u32 s9, s21;
	s21 =	smul.u32 $0x13C00, s9  }
0x9: {  	s13 =	sadd.s32 $0x5A00, s4;
	_ =	strace $0x80000047;
	s8 =	smul.u32 $0x6200, s9  }
0xa: {  	s18 =	ssub.s32 $0x2, s9;
	s9 =	smul.u32 $0x1400, s9;
	[dreg:$0xa] =	wrdreg s7  }
0xb: {  	s14 =	sadd.s32 $0xB200, s4;
	[dreg:$0xb] =	wrdreg s1;
	s15 =	smul.u32 $0x6200, s12  }
0xc: {  	s17 =	smul.u32 $0x1400, s12;
	s19 =	sshrl.u32 s18, $0x1;
	s25 =	sshll.u32 s12, $0x6  }
0xd: {  	s0 =	ssub.s32 s18, s19;
	s19 =	smul.u32 $0xC400, s22;
	s26 =	sadd.s32 s13, s25  }
0xe: {  	s18 =	sor.u32 $0x20, s25;
	s23 =	sadd.s32 $0x500, s15;
	[dreg:$0xc] =	wrdreg s26  }
0xf: {  	s11 =	sadd.s32 s10, s11;
	s24 =	sadd.s32 $0x600, s15;
	[dreg:$0x6] =	wrdreg s23  }
0x10: {  	s20 =	sadd.s32 $0x500, s17;
	s17 =	sadd.s32 $0x600, s17;
	[dreg:$0x7] =	wrdreg s24  }
0x11: {  	s13 =	sadd.s32 s13, s18;
	s26 =	sadd.s32 s16, s21;
	[dreg:$0x8] =	wrdreg s20  }
0x12: {  	s11 =	sshrl.u32 s11, $0x3;
	s0 =	smax.u32 s0, $0x1;
	[dreg:$0x9] =	wrdreg s17  }
0x13: {  	s23 =	sadd.s32 s14, s25;
	s24 =	smul.u32 $0x2800, s22;
	[dreg:$0xe] =	wrdreg s13  }
0x14: {  	s25 =	sadd.s32 s14, s18;
	s13 =	sadd.s32 $0x6200, s4;
	[smem:$0x7F8] =	sst s0  }
0x15: {  	s17 =	sadd.s32 s8, s19;
	s14 =	sadd.s32 $0xBA00, s4;
	[dreg:$0xd] =	wrdreg s23  }
0x16: {  	s8 =	sadd.s32 $0x41A00, s4;
	s18 =	sshrl.u32 s26, $0x3;
	[dreg:$0xf] =	wrdreg s25  }
0x17: {  	s11 =	sadd.s32 s11, s4;
	s26 =	sadd.s32 s16, s5;
	[dreg:$0x11] =	wrdreg s8  }
0x18: {  	s20 =	sadd.s32 $0x41E00, s4;
	s18 =	sadd.s32 s18, s4;
	[dreg:$0x17] =	wrdreg s26  }
0x19: {  	s8 =	sadd.s32 $0x42200, s4;
	s4 =	sadd.s32 $0x41C00, s4;
	[dreg:$0x10] =	wrdreg s13  }
0x1a: {  	s23 =	sshll.u32 s22, $0x6;
	s25 =	sadd.s32 s10, s3;
	[dreg:$0x14] =	wrdreg s4  }
0x1b: {  	s9 =	sadd.s32 s9, s24;
	s24 =	smul.u32 $0xC40, s12;
	[dreg:$0x15] =	wrdreg s25  }
0x1c: {  	s16 =	smov.u32 s20;
	s19 =	sor.u32 $0x1C0A, s23;
	[dreg:$0x12] =	wrdreg s8  }
0x1d: {  	s23 =	sshrl.u32 s15, $0x3;
	[dreg:$0x13] =	wrdreg s16;
	s10 =	sadd.s32 s7, s24  }
0x1e: {  	s25 =	sadd.s32 $0x40, s23;
	s22 =	sadd.s32 s1, s24;
	[dreg:$0x18] =	wrdreg s10  }
0x1f: {  	s21 =	sor.u32 $0x20, s24;
	s26 =	sadd.s32 s7, s25;
	[dreg:$0x19] =	wrdreg s22  }
0x20: {  	s24 =	sadd.s32 s7, s21;
	[dreg:$0x1c] =	wrdreg s26  }
0x21: {  	s4 =	sadd.s32 s1, s21;
	s10 =	sadd.s32 $0x60, s23;
	[dreg:$0x1a] =	wrdreg s24  }
0x22: {  	[dreg:$0x1b] =	wrdreg s4;
	s4 =	smul.u32 $0x280, s12;
	s12 =	sadd.s32 s1, s25  }
0x23: {  	s15 =	sadd.s32 s7, s10;
	[dreg:$0x1d] =	wrdreg s12  }
0x24: {  	s10 =	sadd.s32 s1, s10;
	[dreg:$0x1e] =	wrdreg s15  }
0x25: {  	[dreg:$0x1f] =	wrdreg s10;
	s12 =	sadd.s32 $0x43600, s11  }
0x26: {  	s15 =	sadd.s32 $0x6FE00, s11;
	[smem:$0x7F2] =	sst s12  }
0x27: {  	s28 =	simm.s32 $0x8600;
	s22 =	sadd.s32 s13, s4;
	[smem:$0x7F3] =	sst s15  }
0x28: {  	s20 =	sor.u32 $0x20, s4;
	s23 =	sadd.s32 s14, s4;
	[smem:$0x7EC] =	sst s22  }
0x29: {  	s29 =	simm.s32 $0x3;
	s21 =	sadd.s32 s13, s20;
	[smem:$0x7ED] =	sst s23  }
0x2a: {  	s24 =	sor.u32 $0x40, s4;
	s10 =	sadd.s32 s14, s20;
	[smem:$0x7EA] =	sst s21  }
0x2b: {  	s4 =	sor.u32 $0x60, s4;
	s25 =	sadd.s32 s13, s24;
	[smem:$0x7EB] =	sst s10  }
0x2c: {  	s30 =	simm.s32 $0x5;
	s26 =	sadd.s32 s13, s4;
	[smem:$0x7EE] =	sst s25  }
0x2d: {  	s31 =	simm.s32 $0x6;
	s4 =	sadd.s32 s14, s4;
	[smem:$0x7F0] =	sst s26  }
0x2e: {  	s9 =	sadd.s32 $0x400, s9;
	s20 =	sadd.s32 $0x9C600, s11;
	[smem:$0x7F1] =	sst s4  }
0x2f: {  	s15 =	simm.s32 $0x9;
	s22 =	sadd.s32 $0x97600, s18;
	[smem:$0x7F4] =	sst s20  }
0x30: {  	s23 =	sadd.s32 $0xC3E00, s18;
	s10 =	sadd.s32 s14, s24;
	[smem:$0x7F6] =	sst s22  }
0x31: {  	s21 =	sadd.s32 $0x6AE00, s18;
	[smem:$0x7F7] =	sst s23;
	s24 =	sadd.s32 $0x400, s17  }
0x32: {  	s17 =	smov.u32 s19;
	s26 =	sshrl.u32 s9, $0x3;
	s20 =	simm.s32 $0xA  }
0x33: {  	s4 =	simm.s32 $0xC600;
	s9 =	simm.s32 $0x100;
	s18 =	simm.s32 $0x200  }
0x34: {  	s19 =	simm.s32 $0x1;
	s22 =	simm.s32 $0x8500;
	[smem:$0x7EF] =	sst s10  }
0x35: {  	s23 =	simm.s32 $0x8;
	[smem:$0x7F5] =	sst s21;
	s25 =	sshrl.u32 s24, $0x3  }
0x36: {  	s11 =	sadd.s32 s26, s14;
	s12 =	sadd.s32 s26, s13;
	[dreg:$0x16] =	wrdreg s17  }
0x37: {  	s21 =	simm.s32 $0x8400;
	s24 =	simm.s32 $0x4400;
	[smem:$0x7FB] =	sst s11  }
0x38: {  	s26 =	simm.s32 $0x4;
	s13 =	simm.s32 $0x0;
	[smem:$0x7FC] =	sst s12  }
0x39: {  	s10 =	sadd.s32 s25, s1;
	s0 =	sadd.s32 s25, s7;
	[smem:$0x7FD] =	sst s13  }
0x3a: {  	s11 =	simm.s32 $0x4300;
	s12 =	simm.s32 $0x7;
	[smem:$0x7F9] =	sst s10  }
0x3b: {  	s25 =	simm.s32 $0x2;
	[smem:$0x7FA] =	sst s0;
	s10 =	simm.s32 $0x4200  }
.LBB2_1:
0x3c: {  	s0 =	rddreg [dreg:$0x15]  }
0x3d: {  	s0 =	sshrl.u32 s0, $0x3  }
0x3e: {  	[smem:$0x7E8] =	sst s0  }
0x3f: {  	[spmem:s0], [sflag:s17] =	dma.local [hbm:s8], $0x13C0  }
0x40: {  	_ =	swait.ge [sflag:s20], $0x13C0  }
0x41: {  	s13 =	rddreg [dreg:$0x17]  }
0x42: {  	[sflag:s20] =	ssyncset.done $0x0;
	s0 =	sshrl.u32 s13, $0x3  }
0x43: {  	[sflag:s20] =	ssyncadd.s32 $0xFFFFEC40;
	[smem:$0x7E9] =	sst s0  }
0x44: {  	[spmem:s0], [sflag:s17] =	dma.local [hbm:s16], $0x278  }
0x45: {  	_ =	swait.ge [sflag:s20], $0x278  }
0x46: {  	[sflag:s20] =	ssyncset.done $0x0  }
0x47: {  	s17 =	rddreg [dreg:$0x14];
	[sflag:s20] =	ssyncadd.s32 $0xFFFFFD88  }
0x48: {  	[tilespmem:s4], [sflag:$0xA] =	stream.linear.gather [hbm4b:s17+s6], $0x800, $0x38;
	[tilespmem:$0x17FC0] =	vst v63  }
0x49: {  	_ =	swait.ge [sflag:s20], $0x800  }
0x4a: {  	[sflag:s20] =	ssyncset.done $0x0  }
0x4b: {  	[sflag:s20] =	ssyncadd.s32 $0xFFFFF800  }
0x4c: {  	[bflag:$0x0] =	sbarrier.arrive $0xFFFF  }
0x4d: {  	s8 =	rddreg [dreg:$0x18]  }
0x4e: {  	[tilespmem:s6], [sflag:$0x7] =	stream.linear.gather [hbm4b:s8+s6], $0x100, $0x38;
	[tilespmem:$0x17FC0] =	vst v63  }
0x4f: {  	s13 =	rddreg [dreg:$0x19]  }
0x50: {  	[tilespmem:s9], [sflag:$0x7] =	stream.linear.gather [hbm4b:s13+s6], $0x100, $0x38;
	[tilespmem:$0x17FC0] =	vst v63  }
0x51: {  	s16 =	rddreg [dreg:$0x1a]  }
0x52: {  	[tilespmem:s10], [sflag:$0x8] =	stream.linear.gather [hbm4b:s16+s6], $0x100, $0x38;
	[tilespmem:$0x17FC0] =	vst v63  }
0x53: {  	s17 =	rddreg [dreg:$0x1b]  }
0x54: {  	[tilespmem:s11], [sflag:$0x8] =	stream.linear.gather [hbm4b:s17+s6], $0x100, $0x38;
	[tilespmem:$0x17FC0] =	vst v63  }
0x55: {  	_ =	swait.ge [sflag:s12], $0x100  }
0x56: {  	[sflag:s12] =	ssyncset.done $0x0  }
0x57: {  	[sflag:s12] =	ssyncadd.s32 $0xFFFFFF00  }
0x58: {  	_ =	swait.ge [sflag:s12], $0x100  }
0x59: {  	[sflag:s12] =	ssyncset.done $0x0  }
0x5a: {  	[sflag:s12] =	ssyncadd.s32 $0xFFFFFF00  }
0x5b: {  	[tilespmem:s18], [sflag:$0x1] =	stream.indirect.gather [hbm4b:s2+s9], $0x40, s6, s9, $0xb8;
	[tilespmem:$0x17FC0] =	vst v63  }
0x5c: {  	_ =	swait.ge [sflag:s19], $0x4000  }
0x5d: {  	[sflag:s19] =	ssyncset.done $0x0  }
0x5e: {  	[sflag:s19] =	ssyncadd.s32 $0xFFFFC000  }
0x5f: {  	[spmem:s3] =	stream.indirect.scatter.add.f32 [tilespmem:s18], [sflag:$0x4], $0x40, s9, s9, $0xb8;
	[tilespmem:$0x17FC0] =	vst v63  }
0x60: {  	_ = 	snop  }
0x61: {  	[spmem:s5] =	stream.indirect.scatter.add.f32 [tilespmem:s4], [sflag:$0x4], $0x8, s9, s9, $0xb8;
	[tilespmem:$0x17FC0] =	vst v63  }
0x62: {  	s20 =	rddreg [dreg:$0x1c]  }
0x63: {  	[tilespmem:s21], [sflag:$0x9] =	stream.linear.gather [hbm4b:s20+s6], $0x100, $0x38;
	[tilespmem:$0x17FC0] =	vst v63  }
0x64: {  	s8 =	rddreg [dreg:$0x1d]  }
0x65: {  	[tilespmem:s22], [sflag:$0x9] =	stream.linear.gather [hbm4b:s8+s6], $0x100, $0x38;
	[tilespmem:$0x17FC0] =	vst v63  }
0x66: {  	_ =	swait.ge [sflag:s23], $0x100  }
0x67: {  	[sflag:s23] =	ssyncset.done $0x0  }
0x68: {  	[sflag:s23] =	ssyncadd.s32 $0xFFFFFF00  }
0x69: {  	_ =	swait.ge [sflag:s23], $0x100  }
0x6a: {  	[sflag:s23] =	ssyncset.done $0x0  }
0x6b: {  	[sflag:s23] =	ssyncadd.s32 $0xFFFFFF00  }
0x6c: {  	[tilespmem:s24], [sflag:$0x2] =	stream.indirect.gather [hbm4b:s2+s9], $0x40, s10, s9, $0xb8;
	[tilespmem:$0x17FC0] =	vst v63  }
0x6d: {  	_ =	swait.ge [sflag:s25], $0x4000  }
0x6e: {  	[sflag:s25] =	ssyncset.done $0x0  }
0x6f: {  	[sflag:s25] =	ssyncadd.s32 $0xFFFFC000  }
0x70: {  	[spmem:s3] =	stream.indirect.scatter.add.f32 [tilespmem:s24], [sflag:$0x5], $0x40, s11, s9, $0xb8;
	[tilespmem:$0x17FC0] =	vst v63  }
0x71: {  	_ = 	snop  }
0x72: {  	[spmem:s5] =	stream.indirect.scatter.add.f32 [tilespmem:s4], [sflag:$0x5], $0x8, s11, s9, $0xb8;
	[tilespmem:$0x17FC0] =	vst v63  }
0x73: {  	_ =	swait.ge [sflag:s26], $0x4000  }
0x74: {  	[sflag:s26] =	ssyncset.done $0x0  }
0x75: {  	[sflag:s26] =	ssyncadd.s32 $0xFFFFC000  }
0x76: {  	_ =	swait.ge [sflag:s26], $0x800  }
0x77: {  	[sflag:s26] =	ssyncset.done $0x0  }
0x78: {  	s13 =	rddreg [dreg:$0x1e];
	[sflag:s26] =	ssyncadd.s32 $0xFFFFF800  }
0x79: {  	[tilespmem:s6], [sflag:$0x7] =	stream.linear.gather [hbm4b:s13+s6], $0x100, $0x38;
	[tilespmem:$0x17FC0] =	vst v63  }
0x7a: {  	s16 =	rddreg [dreg:$0x1f]  }
0x7b: {  	[tilespmem:s9], [sflag:$0x7] =	stream.linear.gather [hbm4b:s16+s6], $0x100, $0x38;
	[tilespmem:$0x17FC0] =	vst v63  }
0x7c: {  	_ =	swait.ge [sflag:s15], $0x100  }
0x7d: {  	[sflag:s15] =	ssyncset.done $0x0  }
0x7e: {  	[sflag:s15] =	ssyncadd.s32 $0xFFFFFF00  }
0x7f: {  	_ =	swait.ge [sflag:s15], $0x100  }
0x80: {  	[sflag:s15] =	ssyncset.done $0x0  }
0x81: {  	[sflag:s15] =	ssyncadd.s32 $0xFFFFFF00  }
0x82: {  	[tilespmem:s28], [sflag:$0x3] =	stream.indirect.gather [hbm4b:s2+s9], $0x40, s21, s9, $0xb8;
	[tilespmem:$0x17FC0] =	vst v63  }
0x83: {  	_ =	swait.ge [sflag:s29], $0x4000  }
0x84: {  	[sflag:s29] =	ssyncset.done $0x0  }
0x85: {  	[sflag:s29] =	ssyncadd.s32 $0xFFFFC000  }
0x86: {  	[spmem:s3] =	stream.indirect.scatter.add.f32 [tilespmem:s28], [sflag:$0x6], $0x40, s22, s9, $0xb8;
	[tilespmem:$0x17FC0] =	vst v63  }
0x87: {  	_ = 	snop  }
0x88: {  	[spmem:s5] =	stream.indirect.scatter.add.f32 [tilespmem:s4], [sflag:$0x6], $0x8, s22, s9, $0xb8;
	[tilespmem:$0x17FC0] =	vst v63  }
0x89: {  	_ =	swait.ge [sflag:s30], $0x4000  }
0x8a: {  	[sflag:s30] =	ssyncset.done $0x0  }
0x8b: {  	[sflag:s30] =	ssyncadd.s32 $0xFFFFC000  }
0x8c: {  	_ =	swait.ge [sflag:s30], $0x800  }
0x8d: {  	s13 =	sld [smem:$0x7FA]  }
0x8e: {  	[sflag:s30] =	ssyncset.done $0x0  }
0x8f: {  	s8 =	sld [smem:$0x7F9];
	[sflag:s30] =	ssyncadd.s32 $0xFFFFF800  }
0x90: {  	[tilespmem:s10], [sflag:$0x8] =	stream.linear.gather [hbm4b:s13+s6], $0x100, $0x38;
	[tilespmem:$0x17FC0] =	vst v63  }
0x91: {  	_ = 	snop  }
0x92: {  	[tilespmem:s11], [sflag:$0x8] =	stream.linear.gather [hbm4b:s8+s6], $0x100, $0x38;
	[tilespmem:$0x17FC0] =	vst v63  }
0x93: {  	_ =	swait.ge [sflag:s12], $0x100  }
0x94: {  	[sflag:s12] =	ssyncset.done $0x0  }
0x95: {  	[sflag:s12] =	ssyncadd.s32 $0xFFFFFF00  }
0x96: {  	_ =	swait.ge [sflag:s12], $0x100  }
0x97: {  	[sflag:s12] =	ssyncset.done $0x0  }
0x98: {  	[sflag:s12] =	ssyncadd.s32 $0xFFFFFF00  }
0x99: {  	[tilespmem:s18], [sflag:$0x1] =	stream.indirect.gather [hbm4b:s2+s9], $0x40, s6, s9, $0xb8;
	[tilespmem:$0x17FC0] =	vst v63  }
0x9a: {  	_ =	swait.ge [sflag:s19], $0x4000  }
0x9b: {  	[sflag:s19] =	ssyncset.done $0x0  }
0x9c: {  	[sflag:s19] =	ssyncadd.s32 $0xFFFFC000  }
0x9d: {  	[spmem:s3] =	stream.indirect.scatter.add.f32 [tilespmem:s18], [sflag:$0x4], $0x40, s9, s9, $0xb8;
	[tilespmem:$0x17FC0] =	vst v63  }
0x9e: {  	_ = 	snop  }
0x9f: {  	[spmem:s5] =	stream.indirect.scatter.add.f32 [tilespmem:s4], [sflag:$0x4], $0x8, s9, s9, $0xb8;
	[tilespmem:$0x17FC0] =	vst v63  }
0xa0: {  	_ =	swait.ge [sflag:s31], $0x4000  }
0xa1: {  	[sflag:s31] =	ssyncset.done $0x0  }
0xa2: {  	[sflag:s31] =	ssyncadd.s32 $0xFFFFC000  }
0xa3: {  	s20 =	smin.u32 s6, $0x5C;
	_ =	swait.ge [sflag:s31], $0x800  }
0xa4: {  	s16 =	sshll.u32 s20, $0x8;
	s17 =	rddreg [dreg:$0x6]  }
0xa5: {  	s0 =	sadd.s32 s16, s17  }
0xa6: {  	[sflag:s31] =	ssyncset.done $0x0;
	s0 =	sshrl.u32 s0, $0x3  }
0xa7: {  	[sflag:s31] =	ssyncadd.s32 $0xFFFFF800;
	s17 =	sadd.s32 s7, s0  }
0xa8: {  	[tilespmem:s21], [sflag:$0x9] =	stream.linear.gather [hbm4b:s17+s6], $0x100, $0x38;
	[tilespmem:$0x17FC0] =	vst v63  }
0xa9: {  	s0 =	sadd.s32 s1, s0  }
0xaa: {  	[tilespmem:s22], [sflag:$0x9] =	stream.linear.gather [hbm4b:s0+s6], $0x100, $0x38;
	[tilespmem:$0x17FC0] =	vst v63  }
0xab: {  	_ =	swait.ge [sflag:s23], $0x100  }
0xac: {  	[sflag:s23] =	ssyncset.done $0x0  }
0xad: {  	[sflag:s23] =	ssyncadd.s32 $0xFFFFFF00  }
0xae: {  	_ =	swait.ge [sflag:s23], $0x100  }
0xaf: {  	[sflag:s23] =	ssyncset.done $0x0  }
0xb0: {  	[sflag:s23] =	ssyncadd.s32 $0xFFFFFF00  }
0xb1: {  	[tilespmem:s24], [sflag:$0x2] =	stream.indirect.gather [hbm4b:s2+s9], $0x40, s10, s9, $0xb8;
	[tilespmem:$0x17FC0] =	vst v63  }
0xb2: {  	_ =	swait.ge [sflag:s25], $0x4000  }
0xb3: {  	[sflag:s25] =	ssyncset.done $0x0  }
0xb4: {  	[sflag:s25] =	ssyncadd.s32 $0xFFFFC000  }
0xb5: {  	[spmem:s3] =	stream.indirect.scatter.add.f32 [tilespmem:s24], [sflag:$0x5], $0x40, s11, s9, $0xb8;
	[tilespmem:$0x17FC0] =	vst v63  }
0xb6: {  	_ = 	snop  }
0xb7: {  	[spmem:s5] =	stream.indirect.scatter.add.f32 [tilespmem:s4], [sflag:$0x5], $0x8, s11, s9, $0xb8;
	[tilespmem:$0x17FC0] =	vst v63  }
0xb8: {  	_ =	swait.ge [sflag:s26], $0x4000  }
0xb9: {  	[sflag:s26] =	ssyncset.done $0x0  }
0xba: {  	[sflag:s26] =	ssyncadd.s32 $0xFFFFC000  }
0xbb: {  	s17 =	smin.u32 s6, $0x5B;
	_ =	swait.ge [sflag:s26], $0x800  }
0xbc: {  	s16 =	sshll.u32 s17, $0x8;
	s20 =	rddreg [dreg:$0x7]  }
0xbd: {  	s0 =	sadd.s32 s16, s20  }
0xbe: {  	s17 =	simm.s32 $0x3;
	[sflag:s26] =	ssyncset.done $0x0;
	s0 =	sshrl.u32 s0, $0x3  }
0xbf: {  	[sflag:s26] =	ssyncadd.s32 $0xFFFFF800;
	s16 =	sadd.s32 $0x60, s8;
	s20 =	sadd.s32 s7, s0  }
0xc0: {  	[tilespmem:s6], [sflag:$0x7] =	stream.linear.gather [hbm4b:s20+s6], $0x100, $0x38;
	[tilespmem:$0x17FC0] =	vst v63  }
0xc1: {  	s8 =	smov.u32 s1;
	s0 =	sadd.s32 s1, s0;
	s20 =	sadd.s32 $0x60, s13  }
.LBB2_2:
0xc2: {  	[tilespmem:s9], [sflag:$0x7] =	stream.linear.gather [hbm4b:s0+s6], $0x100, $0x38;
	[tilespmem:$0x17FC0] =	vst v63  }
0xc3: {  	_ =	swait.ge [sflag:s15], $0x100  }
0xc4: {  	[sflag:s15] =	ssyncset.done $0x0  }
0xc5: {  	[sflag:s15] =	ssyncadd.s32 $0xFFFFFF00  }
0xc6: {  	_ =	swait.ge [sflag:s15], $0x100  }
0xc7: {  	[sflag:s15] =	ssyncset.done $0x0  }
0xc8: {  	[sflag:s15] =	ssyncadd.s32 $0xFFFFFF00  }
0xc9: {  	[tilespmem:s28], [sflag:$0x3] =	stream.indirect.gather [hbm4b:s2+s9], $0x40, s21, s9, $0xb8;
	[tilespmem:$0x17FC0] =	vst v63  }
0xca: {  	_ =	swait.ge [sflag:s29], $0x4000  }
0xcb: {  	[sflag:s29] =	ssyncset.done $0x0  }
0xcc: {  	[sflag:s29] =	ssyncadd.s32 $0xFFFFC000  }
0xcd: {  	[spmem:s3] =	stream.indirect.scatter.add.f32 [tilespmem:s28], [sflag:$0x6], $0x40, s22, s9, $0xb8;
	[tilespmem:$0x17FC0] =	vst v63  }
0xce: {  	_ = 	snop  }
0xcf: {  	[spmem:s5] =	stream.indirect.scatter.add.f32 [tilespmem:s4], [sflag:$0x6], $0x8, s22, s9, $0xb8;
	[tilespmem:$0x17FC0] =	vst v63  }
0xd0: {  	_ =	swait.ge [sflag:s30], $0x4000  }
0xd1: {  	[sflag:s30] =	ssyncset.done $0x0  }
0xd2: {  	[sflag:s30] =	ssyncadd.s32 $0xFFFFC000  }
0xd3: {  	_ =	swait.ge [sflag:s30], $0x800  }
0xd4: {  	[sflag:s30] =	ssyncset.done $0x0  }
0xd5: {  	[sflag:s30] =	ssyncadd.s32 $0xFFFFF800  }
0xd6: {  	[tilespmem:s10], [sflag:$0x8] =	stream.linear.gather [hbm4b:s20+s6], $0x100, $0x38;
	[tilespmem:$0x17FC0] =	vst v63  }
0xd7: {  	_ = 	snop  }
0xd8: {  	[tilespmem:s11], [sflag:$0x8] =	stream.linear.gather [hbm4b:s16+s6], $0x100, $0x38;
	[tilespmem:$0x17FC0] =	vst v63  }
0xd9: {  	_ =	swait.ge [sflag:s12], $0x100  }
0xda: {  	[sflag:s12] =	ssyncset.done $0x0  }
0xdb: {  	[sflag:s12] =	ssyncadd.s32 $0xFFFFFF00  }
0xdc: {  	_ =	swait.ge [sflag:s12], $0x100  }
0xdd: {  	[sflag:s12] =	ssyncset.done $0x0  }
0xde: {  	[sflag:s12] =	ssyncadd.s32 $0xFFFFFF00  }
0xdf: {  	[tilespmem:s18], [sflag:$0x1] =	stream.indirect.gather [hbm4b:s2+s9], $0x40, s6, s9, $0xb8;
	[tilespmem:$0x17FC0] =	vst v63  }
0xe0: {  	_ =	swait.ge [sflag:s19], $0x4000  }
0xe1: {  	[sflag:s19] =	ssyncset.done $0x0  }
0xe2: {  	[sflag:s19] =	ssyncadd.s32 $0xFFFFC000  }
0xe3: {  	[spmem:s3] =	stream.indirect.scatter.add.f32 [tilespmem:s18], [sflag:$0x4], $0x40, s9, s9, $0xb8;
	[tilespmem:$0x17FC0] =	vst v63  }
0xe4: {  	_ = 	snop  }
0xe5: {  	[spmem:s5] =	stream.indirect.scatter.add.f32 [tilespmem:s4], [sflag:$0x4], $0x8, s9, s9, $0xb8;
	[tilespmem:$0x17FC0] =	vst v63  }
0xe6: {  	_ =	swait.ge [sflag:s31], $0x4000  }
0xe7: {  	[sflag:s31] =	ssyncset.done $0x0  }
0xe8: {  	s0 =	smov.u32 s17;
	[sflag:s31] =	ssyncadd.s32 $0xFFFFC000  }
0xe9: {  	s13 =	smov.u32 s2;
	s2 =	smin.u32 s0, $0x5C;
	_ =	swait.ge [sflag:s31], $0x800  }
0xea: {  	s2 =	sshll.u32 s2, $0x8;
	s1 =	rddreg [dreg:$0x6]  }
0xeb: {  	s1 =	sadd.s32 s2, s1  }
0xec: {  	[sflag:s31] =	ssyncset.done $0x0;
	s1 =	sshrl.u32 s1, $0x3  }
0xed: {  	[sflag:s31] =	ssyncadd.s32 $0xFFFFF800;
	s2 =	sadd.s32 s7, s1  }
0xee: {  	[tilespmem:s21], [sflag:$0x9] =	stream.linear.gather [hbm4b:s2+s6], $0x100, $0x38;
	[tilespmem:$0x17FC0] =	vst v63  }
0xef: {  	s1 =	sadd.s32 s8, s1  }
0xf0: {  	[tilespmem:s22], [sflag:$0x9] =	stream.linear.gather [hbm4b:s1+s6], $0x100, $0x38;
	[tilespmem:$0x17FC0] =	vst v63  }
0xf1: {  	_ =	swait.ge [sflag:s23], $0x100  }
0xf2: {  	[sflag:s23] =	ssyncset.done $0x0  }
0xf3: {  	[sflag:s23] =	ssyncadd.s32 $0xFFFFFF00  }
0xf4: {  	_ =	swait.ge [sflag:s23], $0x100  }
0xf5: {  	[sflag:s23] =	ssyncset.done $0x0  }
0xf6: {  	[sflag:s23] =	ssyncadd.s32 $0xFFFFFF00  }
0xf7: {  	[tilespmem:s24], [sflag:$0x2] =	stream.indirect.gather [hbm4b:s13+s9], $0x40, s10, s9, $0xb8;
	[tilespmem:$0x17FC0] =	vst v63  }
0xf8: {  	_ =	swait.ge [sflag:s25], $0x4000  }
0xf9: {  	[sflag:s25] =	ssyncset.done $0x0  }
0xfa: {  	[sflag:s25] =	ssyncadd.s32 $0xFFFFC000  }
0xfb: {  	[spmem:s3] =	stream.indirect.scatter.add.f32 [tilespmem:s24], [sflag:$0x5], $0x40, s11, s9, $0xb8;
	[tilespmem:$0x17FC0] =	vst v63  }
0xfc: {  	_ = 	snop  }
0xfd: {  	[spmem:s5] =	stream.indirect.scatter.add.f32 [tilespmem:s4], [sflag:$0x5], $0x8, s11, s9, $0xb8;
	[tilespmem:$0x17FC0] =	vst v63  }
0xfe: {  	_ =	swait.ge [sflag:s26], $0x4000  }
0xff: {  	[sflag:s26] =	ssyncset.done $0x0  }
0x100: {  	p0 =	sne.s32 s17, $0x5D;
	[sflag:s26] =	ssyncadd.s32 $0xFFFFC000  }
0x101: {  	s17 =	sadd.s32 $0x3, s17;
	s0 =	smin.u32 s0, $0x5B;
	_ =	swait.ge [sflag:s26], $0x800  }
.Ltmp0:
0x102: {  	s0 =	sshll.u32 s0, $0x8;
	s1 =	rddreg [dreg:$0x7];
	(pc) =	sbr.rel @p0 .LBB2_2-.Ltmp0, $4  }
0x103: {  	s20 =	sadd.s32 $0x60, s20;
	s16 =	sadd.s32 $0x60, s16;
	s0 =	sadd.s32 s0, s1  }
0x104: {  	s2 =	smov.u32 s13;
	[sflag:s26] =	ssyncset.done $0x0;
	s0 =	sshrl.u32 s0, $0x3  }
0x105: {  	[sflag:s26] =	ssyncadd.s32 $0xFFFFF800;
	s1 =	sadd.s32 s7, s0;
	s0 =	sadd.s32 s8, s0  }
0x106: {  	[tilespmem:s6], [sflag:$0x7] =	stream.linear.gather [hbm4b:s1+s6], $0x100, $0x38;
	[tilespmem:$0x17FC0] =	vst v63  }
0x107: {  	[tilespmem:s9], [sflag:$0x7] =	stream.linear.gather [hbm4b:s0+s6], $0x100, $0x38;
	[tilespmem:$0x17FC0] =	vst v63  }
0x108: {  	_ =	swait.ge [sflag:s15], $0x100  }
0x109: {  	[sflag:s15] =	ssyncset.done $0x0  }
0x10a: {  	[sflag:s15] =	ssyncadd.s32 $0xFFFFFF00  }
0x10b: {  	_ =	swait.ge [sflag:s15], $0x100  }
0x10c: {  	[sflag:s15] =	ssyncset.done $0x0  }
0x10d: {  	[sflag:s15] =	ssyncadd.s32 $0xFFFFFF00  }
0x10e: {  	_ =	swait.ge [sflag:s12], $0x100  }
0x10f: {  	[sflag:s12] =	ssyncset.done $0x0  }
0x110: {  	[sflag:s12] =	ssyncadd.s32 $0xFFFFFF00  }
0x111: {  	_ =	swait.ge [sflag:s12], $0x100  }
0x112: {  	[sflag:s12] =	ssyncset.done $0x0  }
0x113: {  	[sflag:s12] =	ssyncadd.s32 $0xFFFFFF00  }
0x114: {  	_ =	swait.ge [sflag:s30], $0x4000  }
0x115: {  	[sflag:s30] =	ssyncset.done $0x0  }
0x116: {  	[sflag:s30] =	ssyncadd.s32 $0xFFFFC000  }
0x117: {  	_ =	swait.ge [sflag:s30], $0x800  }
0x118: {  	[sflag:s30] =	ssyncset.done $0x0  }
0x119: {  	[sflag:s30] =	ssyncadd.s32 $0xFFFFF800  }
0x11a: {  	[bflag:$0x0] =	sbarrier.arrive $0xFFFF  }
0x11b: {  	s8 =	sld [smem:$0x7F2]  }
0x11c: {  	s7 =	sld [smem:$0x7E8];
	_ =	sdelay $0x1  }
0x11d: {  	s2 =	simm.s32 $0xA;
	s1 =	rddreg [dreg:$0x16]  }
0x11e: {  	[hbm:s8], [sflag:s1] =	dma.local [spmem:s7], $0x13C0  }
0x11f: {  	_ =	swait.ge [sflag:s2], $0x13C0  }
0x120: {  	s16 =	sld [smem:$0x7F5]  }
0x121: {  	s8 =	sld [smem:$0x7E9]  }
0x122: {  	[sflag:s2] =	ssyncset.done $0x0  }
0x123: {  	[sflag:s2] =	ssyncadd.s32 $0xFFFFEC40  }
0x124: {  	[hbm:s16], [sflag:s1] =	dma.local [spmem:s8], $0x278  }
0x125: {  	_ =	swait.ge [sflag:s2], $0x278  }
0x126: {  	[sflag:s2] =	ssyncset.done $0x0  }
0x127: {  	s17 =	rddreg [dreg:$0x12];
	[sflag:s2] =	ssyncadd.s32 $0xFFFFFD88  }
0x128: {  	[spmem:s7], [sflag:s1] =	dma.local [hbm:s17], $0x13C0  }
0x129: {  	_ =	swait.ge [sflag:s2], $0x13C0  }
0x12a: {  	[sflag:s2] =	ssyncset.done $0x0  }
0x12b: {  	s20 =	rddreg [dreg:$0x13];
	[sflag:s2] =	ssyncadd.s32 $0xFFFFEC40  }
0x12c: {  	[spmem:s8], [sflag:s1] =	dma.local [hbm:s20], $0x278  }
0x12d: {  	_ =	swait.ge [sflag:s2], $0x278  }
0x12e: {  	[sflag:s2] =	ssyncset.done $0x0  }
0x12f: {  	[sflag:s2] =	ssyncadd.s32 $0xFFFFFD88  }
0x130: {  	[bflag:$0x0] =	sbarrier.arrive $0xFFFF  }
0x131: {  	s7 =	sld [smem:$0x7EC];
	_ =	sdelay $0x1  }
0x132: {  	s0 =	simm.s32 $0x0;
	s8 =	sld [smem:$0x7ED]  }
0x133: {  	[tilespmem:s0], [sflag:$0x7] =	stream.linear.gather [hbm4b:s7+s0], $0x100, $0x38;
	[tilespmem:$0x17FC0] =	vst v63  }
0x134: {  	s16 =	sld [smem:$0x7EA]  }
0x135: {  	[tilespmem:s9], [sflag:$0x7] =	stream.linear.gather [hbm4b:s8+s0], $0x100, $0x38;
	[tilespmem:$0x17FC0] =	vst v63  }
0x136: {  	s17 =	sld [smem:$0x7EB]  }
0x137: {  	[tilespmem:s10], [sflag:$0x8] =	stream.linear.gather [hbm4b:s16+s0], $0x100, $0x38;
	[tilespmem:$0x17FC0] =	vst v63  }
0x138: {  	_ = 	snop  }
0x139: {  	[tilespmem:s11], [sflag:$0x8] =	stream.linear.gather [hbm4b:s17+s0], $0x100, $0x38;
	[tilespmem:$0x17FC0] =	vst v63  }
0x13a: {  	_ =	swait.ge [sflag:s12], $0x100  }
0x13b: {  	[sflag:s12] =	ssyncset.done $0x0  }
0x13c: {  	[sflag:s12] =	ssyncadd.s32 $0xFFFFFF00  }
0x13d: {  	_ =	swait.ge [sflag:s12], $0x100  }
0x13e: {  	[sflag:s12] =	ssyncset.done $0x0  }
0x13f: {  	[sflag:s12] =	ssyncadd.s32 $0xFFFFFF00  }
0x140: {  	s16 =	rddreg [dreg:$0x2]  }
0x141: {  	[tilespmem:s18], [sflag:$0x1] =	stream.indirect.gather [hbm4b:s16+s9], $0x40, s0, s9, $0xb8;
	[tilespmem:$0x17FC0] =	vst v63  }
0x142: {  	_ =	swait.ge [sflag:s19], $0x4000  }
0x143: {  	[sflag:s19] =	ssyncset.done $0x0  }
0x144: {  	[sflag:s19] =	ssyncadd.s32 $0xFFFFC000  }
0x145: {  	[spmem:s3] =	stream.indirect.scatter.add.f32 [tilespmem:s18], [sflag:$0x4], $0x40, s9, s9, $0xb8;
	[tilespmem:$0x17FC0] =	vst v63  }
0x146: {  	s20 =	sld [smem:$0x7EE]  }
0x147: {  	[spmem:s5] =	stream.indirect.scatter.add.f32 [tilespmem:s4], [sflag:$0x4], $0x8, s9, s9, $0xb8;
	[tilespmem:$0x17FC0] =	vst v63  }
0x148: {  	s2 =	sld [smem:$0x7EF]  }
0x149: {  	[tilespmem:s21], [sflag:$0x9] =	stream.linear.gather [hbm4b:s20+s0], $0x100, $0x38;
	[tilespmem:$0x17FC0] =	vst v63  }
0x14a: {  	_ = 	snop  }
0x14b: {  	[tilespmem:s22], [sflag:$0x9] =	stream.linear.gather [hbm4b:s2+s0], $0x100, $0x38;
	[tilespmem:$0x17FC0] =	vst v63  }
0x14c: {  	_ =	swait.ge [sflag:s23], $0x100  }
0x14d: {  	[sflag:s23] =	ssyncset.done $0x0  }
0x14e: {  	[sflag:s23] =	ssyncadd.s32 $0xFFFFFF00  }
0x14f: {  	_ =	swait.ge [sflag:s23], $0x100  }
0x150: {  	[sflag:s23] =	ssyncset.done $0x0  }
0x151: {  	[sflag:s23] =	ssyncadd.s32 $0xFFFFFF00  }
0x152: {  	[tilespmem:s24], [sflag:$0x2] =	stream.indirect.gather [hbm4b:s16+s9], $0x40, s10, s9, $0xb8;
	[tilespmem:$0x17FC0] =	vst v63  }
0x153: {  	_ =	swait.ge [sflag:s25], $0x4000  }
0x154: {  	[sflag:s25] =	ssyncset.done $0x0  }
0x155: {  	[sflag:s25] =	ssyncadd.s32 $0xFFFFC000  }
0x156: {  	[spmem:s3] =	stream.indirect.scatter.add.f32 [tilespmem:s24], [sflag:$0x5], $0x40, s11, s9, $0xb8;
	[tilespmem:$0x17FC0] =	vst v63  }
0x157: {  	_ = 	snop  }
0x158: {  	[spmem:s5] =	stream.indirect.scatter.add.f32 [tilespmem:s4], [sflag:$0x5], $0x8, s11, s9, $0xb8;
	[tilespmem:$0x17FC0] =	vst v63  }
0x159: {  	_ =	swait.ge [sflag:s26], $0x4000  }
0x15a: {  	[sflag:s26] =	ssyncset.done $0x0  }
0x15b: {  	[sflag:s26] =	ssyncadd.s32 $0xFFFFC000  }
0x15c: {  	_ =	swait.ge [sflag:s26], $0x800  }
0x15d: {  	s7 =	sld [smem:$0x7F0]  }
0x15e: {  	[sflag:s26] =	ssyncset.done $0x0  }
0x15f: {  	s8 =	sld [smem:$0x7F1];
	[sflag:s26] =	ssyncadd.s32 $0xFFFFF800  }
0x160: {  	[tilespmem:s0], [sflag:$0x7] =	stream.linear.gather [hbm4b:s7+s0], $0x100, $0x38;
	[tilespmem:$0x17FC0] =	vst v63  }
0x161: {  	_ = 	snop  }
0x162: {  	[tilespmem:s9], [sflag:$0x7] =	stream.linear.gather [hbm4b:s8+s0], $0x100, $0x38;
	[tilespmem:$0x17FC0] =	vst v63  }
0x163: {  	_ =	swait.ge [sflag:s15], $0x100  }
0x164: {  	[sflag:s15] =	ssyncset.done $0x0  }
0x165: {  	[sflag:s15] =	ssyncadd.s32 $0xFFFFFF00  }
0x166: {  	_ =	swait.ge [sflag:s15], $0x100  }
0x167: {  	[sflag:s15] =	ssyncset.done $0x0  }
0x168: {  	[sflag:s15] =	ssyncadd.s32 $0xFFFFFF00  }
0x169: {  	[tilespmem:s28], [sflag:$0x3] =	stream.indirect.gather [hbm4b:s16+s9], $0x40, s21, s9, $0xb8;
	[tilespmem:$0x17FC0] =	vst v63  }
0x16a: {  	_ =	swait.ge [sflag:s29], $0x4000  }
0x16b: {  	[sflag:s29] =	ssyncset.done $0x0  }
0x16c: {  	[sflag:s29] =	ssyncadd.s32 $0xFFFFC000  }
0x16d: {  	[spmem:s3] =	stream.indirect.scatter.add.f32 [tilespmem:s28], [sflag:$0x6], $0x40, s22, s9, $0xb8;
	[tilespmem:$0x17FC0] =	vst v63  }
0x16e: {  	_ = 	snop  }
0x16f: {  	[spmem:s5] =	stream.indirect.scatter.add.f32 [tilespmem:s4], [sflag:$0x6], $0x8, s22, s9, $0xb8;
	[tilespmem:$0x17FC0] =	vst v63  }
0x170: {  	_ =	swait.ge [sflag:s30], $0x4000  }
0x171: {  	[sflag:s30] =	ssyncset.done $0x0  }
0x172: {  	[sflag:s30] =	ssyncadd.s32 $0xFFFFC000  }
0x173: {  	_ =	swait.ge [sflag:s30], $0x800  }
0x174: {  	s8 =	sld [smem:$0x7FC]  }
0x175: {  	[sflag:s30] =	ssyncset.done $0x0  }
0x176: {  	s20 =	sld [smem:$0x7FB];
	[sflag:s30] =	ssyncadd.s32 $0xFFFFF800  }
0x177: {  	[tilespmem:s10], [sflag:$0x8] =	stream.linear.gather [hbm4b:s8+s6], $0x100, $0x38;
	[tilespmem:$0x17FC0] =	vst v63  }
0x178: {  	_ = 	snop  }
0x179: {  	[tilespmem:s11], [sflag:$0x8] =	stream.linear.gather [hbm4b:s20+s6], $0x100, $0x38;
	[tilespmem:$0x17FC0] =	vst v63  }
0x17a: {  	_ =	swait.ge [sflag:s12], $0x100  }
0x17b: {  	[sflag:s12] =	ssyncset.done $0x0  }
0x17c: {  	[sflag:s12] =	ssyncadd.s32 $0xFFFFFF00  }
0x17d: {  	_ =	swait.ge [sflag:s12], $0x100  }
0x17e: {  	[sflag:s12] =	ssyncset.done $0x0  }
0x17f: {  	[sflag:s12] =	ssyncadd.s32 $0xFFFFFF00  }
0x180: {  	[tilespmem:s18], [sflag:$0x1] =	stream.indirect.gather [hbm4b:s16+s9], $0x40, s6, s9, $0xb8;
	[tilespmem:$0x17FC0] =	vst v63  }
0x181: {  	_ =	swait.ge [sflag:s19], $0x4000  }
0x182: {  	[sflag:s19] =	ssyncset.done $0x0  }
0x183: {  	[sflag:s19] =	ssyncadd.s32 $0xFFFFC000  }
0x184: {  	[spmem:s3] =	stream.indirect.scatter.add.f32 [tilespmem:s18], [sflag:$0x4], $0x40, s9, s9, $0xb8;
	[tilespmem:$0x17FC0] =	vst v63  }
0x185: {  	_ = 	snop  }
0x186: {  	[spmem:s5] =	stream.indirect.scatter.add.f32 [tilespmem:s4], [sflag:$0x4], $0x8, s9, s9, $0xb8;
	[tilespmem:$0x17FC0] =	vst v63  }
0x187: {  	_ =	swait.ge [sflag:s31], $0x4000  }
0x188: {  	[sflag:s31] =	ssyncset.done $0x0  }
0x189: {  	[sflag:s31] =	ssyncadd.s32 $0xFFFFC000  }
0x18a: {  	s7 =	smin.u32 s0, $0xE;
	_ =	swait.ge [sflag:s31], $0x800  }
0x18b: {  	s2 =	sshll.u32 s7, $0x8;
	s17 =	rddreg [dreg:$0x8]  }
0x18c: {  	s1 =	sadd.s32 s2, s17  }
0x18d: {  	[sflag:s31] =	ssyncset.done $0x0;
	s7 =	rddreg [dreg:$0x10];
	s1 =	sshrl.u32 s1, $0x3  }
0x18e: {  	[sflag:s31] =	ssyncadd.s32 $0xFFFFF800;
	s17 =	sadd.s32 s7, s1  }
0x18f: {  	[tilespmem:s21], [sflag:$0x9] =	stream.linear.gather [hbm4b:s17+s6], $0x100, $0x38;
	[tilespmem:$0x17FC0] =	vst v63  }
0x190: {  	s1 =	sadd.s32 s14, s1  }
0x191: {  	[tilespmem:s22], [sflag:$0x9] =	stream.linear.gather [hbm4b:s1+s6], $0x100, $0x38;
	[tilespmem:$0x17FC0] =	vst v63  }
0x192: {  	_ =	swait.ge [sflag:s23], $0x100  }
0x193: {  	[sflag:s23] =	ssyncset.done $0x0  }
0x194: {  	[sflag:s23] =	ssyncadd.s32 $0xFFFFFF00  }
0x195: {  	_ =	swait.ge [sflag:s23], $0x100  }
0x196: {  	[sflag:s23] =	ssyncset.done $0x0  }
0x197: {  	[sflag:s23] =	ssyncadd.s32 $0xFFFFFF00  }
0x198: {  	[tilespmem:s24], [sflag:$0x2] =	stream.indirect.gather [hbm4b:s16+s9], $0x40, s10, s9, $0xb8;
	[tilespmem:$0x17FC0] =	vst v63  }
0x199: {  	_ =	swait.ge [sflag:s25], $0x4000  }
0x19a: {  	[sflag:s25] =	ssyncset.done $0x0  }
0x19b: {  	[sflag:s25] =	ssyncadd.s32 $0xFFFFC000  }
0x19c: {  	[spmem:s3] =	stream.indirect.scatter.add.f32 [tilespmem:s24], [sflag:$0x5], $0x40, s11, s9, $0xb8;
	[tilespmem:$0x17FC0] =	vst v63  }
0x19d: {  	_ = 	snop  }
0x19e: {  	[spmem:s5] =	stream.indirect.scatter.add.f32 [tilespmem:s4], [sflag:$0x5], $0x8, s11, s9, $0xb8;
	[tilespmem:$0x17FC0] =	vst v63  }
0x19f: {  	_ =	swait.ge [sflag:s26], $0x4000  }
0x1a0: {  	[sflag:s26] =	ssyncset.done $0x0  }
0x1a1: {  	[sflag:s26] =	ssyncadd.s32 $0xFFFFC000  }
0x1a2: {  	s0 =	smin.u32 s0, $0xD;
	_ =	swait.ge [sflag:s26], $0x800  }
0x1a3: {  	s0 =	sshll.u32 s0, $0x8;
	s2 =	smov.u32 s16;
	s16 =	rddreg [dreg:$0x9]  }
0x1a4: {  	s0 =	sadd.s32 s0, s16  }
0x1a5: {  	[sflag:s26] =	ssyncset.done $0x0;
	s0 =	sshrl.u32 s0, $0x3  }
0x1a6: {  	[sflag:s26] =	ssyncadd.s32 $0xFFFFF800;
	s16 =	sadd.s32 $0x60, s20;
	s17 =	sadd.s32 s7, s0  }
0x1a7: {  	[tilespmem:s6], [sflag:$0x7] =	stream.linear.gather [hbm4b:s17+s6], $0x100, $0x38;
	[tilespmem:$0x17FC0] =	vst v63  }
0x1a8: {  	s20 =	sadd.s32 $0x60, s8;
	s0 =	sadd.s32 s14, s0;
	s17 =	simm.s32 $0x3  }
.LBB2_4:
0x1a9: {  	[tilespmem:s9], [sflag:$0x7] =	stream.linear.gather [hbm4b:s0+s6], $0x100, $0x38;
	[tilespmem:$0x17FC0] =	vst v63  }
0x1aa: {  	_ =	swait.ge [sflag:s15], $0x100  }
0x1ab: {  	[sflag:s15] =	ssyncset.done $0x0  }
0x1ac: {  	[sflag:s15] =	ssyncadd.s32 $0xFFFFFF00  }
0x1ad: {  	_ =	swait.ge [sflag:s15], $0x100  }
0x1ae: {  	[sflag:s15] =	ssyncset.done $0x0  }
0x1af: {  	[sflag:s15] =	ssyncadd.s32 $0xFFFFFF00  }
0x1b0: {  	[tilespmem:s28], [sflag:$0x3] =	stream.indirect.gather [hbm4b:s2+s9], $0x40, s21, s9, $0xb8;
	[tilespmem:$0x17FC0] =	vst v63  }
0x1b1: {  	_ =	swait.ge [sflag:s29], $0x4000  }
0x1b2: {  	[sflag:s29] =	ssyncset.done $0x0  }
0x1b3: {  	[sflag:s29] =	ssyncadd.s32 $0xFFFFC000  }
0x1b4: {  	[spmem:s3] =	stream.indirect.scatter.add.f32 [tilespmem:s28], [sflag:$0x6], $0x40, s22, s9, $0xb8;
	[tilespmem:$0x17FC0] =	vst v63  }
0x1b5: {  	_ = 	snop  }
0x1b6: {  	[spmem:s5] =	stream.indirect.scatter.add.f32 [tilespmem:s4], [sflag:$0x6], $0x8, s22, s9, $0xb8;
	[tilespmem:$0x17FC0] =	vst v63  }
0x1b7: {  	_ =	swait.ge [sflag:s30], $0x4000  }
0x1b8: {  	[sflag:s30] =	ssyncset.done $0x0  }
0x1b9: {  	[sflag:s30] =	ssyncadd.s32 $0xFFFFC000  }
0x1ba: {  	_ =	swait.ge [sflag:s30], $0x800  }
0x1bb: {  	[sflag:s30] =	ssyncset.done $0x0  }
0x1bc: {  	[sflag:s30] =	ssyncadd.s32 $0xFFFFF800  }
0x1bd: {  	[tilespmem:s10], [sflag:$0x8] =	stream.linear.gather [hbm4b:s20+s6], $0x100, $0x38;
	[tilespmem:$0x17FC0] =	vst v63  }
0x1be: {  	_ = 	snop  }
0x1bf: {  	[tilespmem:s11], [sflag:$0x8] =	stream.linear.gather [hbm4b:s16+s6], $0x100, $0x38;
	[tilespmem:$0x17FC0] =	vst v63  }
0x1c0: {  	_ =	swait.ge [sflag:s12], $0x100  }
0x1c1: {  	[sflag:s12] =	ssyncset.done $0x0  }
0x1c2: {  	[sflag:s12] =	ssyncadd.s32 $0xFFFFFF00  }
0x1c3: {  	_ =	swait.ge [sflag:s12], $0x100  }
0x1c4: {  	[sflag:s12] =	ssyncset.done $0x0  }
0x1c5: {  	[sflag:s12] =	ssyncadd.s32 $0xFFFFFF00  }
0x1c6: {  	[tilespmem:s18], [sflag:$0x1] =	stream.indirect.gather [hbm4b:s2+s9], $0x40, s6, s9, $0xb8;
	[tilespmem:$0x17FC0] =	vst v63  }
0x1c7: {  	_ =	swait.ge [sflag:s19], $0x4000  }
0x1c8: {  	[sflag:s19] =	ssyncset.done $0x0  }
0x1c9: {  	[sflag:s19] =	ssyncadd.s32 $0xFFFFC000  }
0x1ca: {  	[spmem:s3] =	stream.indirect.scatter.add.f32 [tilespmem:s18], [sflag:$0x4], $0x40, s9, s9, $0xb8;
	[tilespmem:$0x17FC0] =	vst v63  }
0x1cb: {  	_ = 	snop  }
0x1cc: {  	[spmem:s5] =	stream.indirect.scatter.add.f32 [tilespmem:s4], [sflag:$0x4], $0x8, s9, s9, $0xb8;
	[tilespmem:$0x17FC0] =	vst v63  }
0x1cd: {  	_ =	swait.ge [sflag:s31], $0x4000  }
0x1ce: {  	[sflag:s31] =	ssyncset.done $0x0  }
0x1cf: {  	s0 =	smov.u32 s17;
	[sflag:s31] =	ssyncadd.s32 $0xFFFFC000  }
0x1d0: {  	s8 =	smin.u32 s0, $0xE;
	_ =	swait.ge [sflag:s31], $0x800  }
0x1d1: {  	s2 =	sshll.u32 s8, $0x8;
	s1 =	rddreg [dreg:$0x8]  }
0x1d2: {  	s1 =	sadd.s32 s2, s1  }
0x1d3: {  	[sflag:s31] =	ssyncset.done $0x0;
	s1 =	sshrl.u32 s1, $0x3  }
0x1d4: {  	[sflag:s31] =	ssyncadd.s32 $0xFFFFF800;
	s8 =	sadd.s32 s7, s1  }
0x1d5: {  	[tilespmem:s21], [sflag:$0x9] =	stream.linear.gather [hbm4b:s8+s6], $0x100, $0x38;
	[tilespmem:$0x17FC0] =	vst v63  }
0x1d6: {  	s1 =	sadd.s32 s14, s1  }
0x1d7: {  	[tilespmem:s22], [sflag:$0x9] =	stream.linear.gather [hbm4b:s1+s6], $0x100, $0x38;
	[tilespmem:$0x17FC0] =	vst v63  }
0x1d8: {  	s2 =	rddreg [dreg:$0x2];
	_ =	swait.ge [sflag:s23], $0x100  }
0x1d9: {  	[sflag:s23] =	ssyncset.done $0x0  }
0x1da: {  	[sflag:s23] =	ssyncadd.s32 $0xFFFFFF00  }
0x1db: {  	_ =	swait.ge [sflag:s23], $0x100  }
0x1dc: {  	[sflag:s23] =	ssyncset.done $0x0  }
0x1dd: {  	[sflag:s23] =	ssyncadd.s32 $0xFFFFFF00  }
0x1de: {  	[tilespmem:s24], [sflag:$0x2] =	stream.indirect.gather [hbm4b:s2+s9], $0x40, s10, s9, $0xb8;
	[tilespmem:$0x17FC0] =	vst v63  }
0x1df: {  	_ =	swait.ge [sflag:s25], $0x4000  }
0x1e0: {  	[sflag:s25] =	ssyncset.done $0x0  }
0x1e1: {  	[sflag:s25] =	ssyncadd.s32 $0xFFFFC000  }
0x1e2: {  	[spmem:s3] =	stream.indirect.scatter.add.f32 [tilespmem:s24], [sflag:$0x5], $0x40, s11, s9, $0xb8;
	[tilespmem:$0x17FC0] =	vst v63  }
0x1e3: {  	_ = 	snop  }
0x1e4: {  	[spmem:s5] =	stream.indirect.scatter.add.f32 [tilespmem:s4], [sflag:$0x5], $0x8, s11, s9, $0xb8;
	[tilespmem:$0x17FC0] =	vst v63  }
0x1e5: {  	_ =	swait.ge [sflag:s26], $0x4000  }
0x1e6: {  	[sflag:s26] =	ssyncset.done $0x0  }
0x1e7: {  	[sflag:s26] =	ssyncadd.s32 $0xFFFFC000  }
0x1e8: {  	p0 =	sne.s32 s17, $0xF;
	s0 =	smin.u32 s0, $0xD;
	_ =	swait.ge [sflag:s26], $0x800  }
.Ltmp1:
0x1e9: {  	s0 =	sshll.u32 s0, $0x8;
	s8 =	rddreg [dreg:$0x9];
	(pc) =	sbr.rel @p0 .LBB2_4-.Ltmp1, $4  }
0x1ea: {  	s17 =	sadd.s32 $0x3, s17;
	s20 =	sadd.s32 $0x60, s20;
	s0 =	sadd.s32 s0, s8  }
0x1eb: {  	s16 =	sadd.s32 $0x60, s16;
	[sflag:s26] =	ssyncset.done $0x0;
	s0 =	sshrl.u32 s0, $0x3  }
0x1ec: {  	[sflag:s26] =	ssyncadd.s32 $0xFFFFF800;
	s8 =	sadd.s32 s7, s0;
	s0 =	sadd.s32 s14, s0  }
0x1ed: {  	[tilespmem:s6], [sflag:$0x7] =	stream.linear.gather [hbm4b:s8+s6], $0x100, $0x38;
	[tilespmem:$0x17FC0] =	vst v63  }
0x1ee: {  	[tilespmem:s9], [sflag:$0x7] =	stream.linear.gather [hbm4b:s0+s6], $0x100, $0x38;
	[tilespmem:$0x17FC0] =	vst v63  }
0x1ef: {  	_ =	swait.ge [sflag:s15], $0x100  }
0x1f0: {  	[sflag:s15] =	ssyncset.done $0x0  }
0x1f1: {  	[sflag:s15] =	ssyncadd.s32 $0xFFFFFF00  }
0x1f2: {  	_ =	swait.ge [sflag:s15], $0x100  }
0x1f3: {  	[sflag:s15] =	ssyncset.done $0x0  }
0x1f4: {  	[sflag:s15] =	ssyncadd.s32 $0xFFFFFF00  }
0x1f5: {  	_ =	swait.ge [sflag:s12], $0x100  }
0x1f6: {  	[sflag:s12] =	ssyncset.done $0x0  }
0x1f7: {  	[sflag:s12] =	ssyncadd.s32 $0xFFFFFF00  }
0x1f8: {  	_ =	swait.ge [sflag:s12], $0x100  }
0x1f9: {  	[sflag:s12] =	ssyncset.done $0x0  }
0x1fa: {  	[sflag:s12] =	ssyncadd.s32 $0xFFFFFF00  }
0x1fb: {  	_ =	swait.ge [sflag:s30], $0x4000  }
0x1fc: {  	[sflag:s30] =	ssyncset.done $0x0  }
0x1fd: {  	[sflag:s30] =	ssyncadd.s32 $0xFFFFC000  }
0x1fe: {  	_ =	swait.ge [sflag:s30], $0x800  }
0x1ff: {  	[sflag:s30] =	ssyncset.done $0x0  }
0x200: {  	[sflag:s30] =	ssyncadd.s32 $0xFFFFF800  }
0x201: {  	[bflag:$0x0] =	sbarrier.arrive $0xFFFF  }
0x202: {  	s8 =	sld [smem:$0x7F3]  }
0x203: {  	s1 =	sld [smem:$0x7E8];
	_ =	sdelay $0x1  }
0x204: {  	s20 =	simm.s32 $0xA;
	s17 =	rddreg [dreg:$0x16]  }
0x205: {  	[hbm:s8], [sflag:s17] =	dma.local [spmem:s1], $0x13C0  }
0x206: {  	_ =	swait.ge [sflag:s20], $0x13C0  }
0x207: {  	s16 =	sld [smem:$0x7F6]  }
0x208: {  	s2 =	sld [smem:$0x7E9]  }
0x209: {  	[sflag:s20] =	ssyncset.done $0x0  }
0x20a: {  	[sflag:s20] =	ssyncadd.s32 $0xFFFFEC40  }
0x20b: {  	[hbm:s16], [sflag:s17] =	dma.local [spmem:s2], $0x278  }
0x20c: {  	_ =	swait.ge [sflag:s20], $0x278  }
0x20d: {  	[sflag:s20] =	ssyncset.done $0x0  }
0x20e: {  	s8 =	rddreg [dreg:$0x12];
	[sflag:s20] =	ssyncadd.s32 $0xFFFFFD88  }
0x20f: {  	[spmem:s1], [sflag:s17] =	dma.local [hbm:s8], $0x13C0  }
0x210: {  	_ =	swait.ge [sflag:s20], $0x13C0  }
0x211: {  	[sflag:s20] =	ssyncset.done $0x0  }
0x212: {  	s16 =	rddreg [dreg:$0x13];
	[sflag:s20] =	ssyncadd.s32 $0xFFFFEC40  }
0x213: {  	[spmem:s2], [sflag:s17] =	dma.local [hbm:s16], $0x278  }
0x214: {  	_ =	swait.ge [sflag:s20], $0x278  }
0x215: {  	[sflag:s20] =	ssyncset.done $0x0  }
0x216: {  	[sflag:s20] =	ssyncadd.s32 $0xFFFFFD88  }
0x217: {  	[bflag:$0x0] =	sbarrier.arrive $0xFFFF  }
0x218: {  	s7 =	rddreg [dreg:$0xc]  }
0x219: {  	[tilespmem:s6], [sflag:$0x7] =	stream.linear.gather [hbm4b:s7+s6], $0x100, $0x38;
	[tilespmem:$0x17FC0] =	vst v63  }
0x21a: {  	s7 =	rddreg [dreg:$0xd]  }
0x21b: {  	[tilespmem:s9], [sflag:$0x7] =	stream.linear.gather [hbm4b:s7+s6], $0x100, $0x38;
	[tilespmem:$0x17FC0] =	vst v63  }
0x21c: {  	s7 =	rddreg [dreg:$0xe]  }
0x21d: {  	[tilespmem:s10], [sflag:$0x8] =	stream.linear.gather [hbm4b:s7+s6], $0x100, $0x38;
	[tilespmem:$0x17FC0] =	vst v63  }
0x21e: {  	s7 =	rddreg [dreg:$0xf]  }
0x21f: {  	[tilespmem:s11], [sflag:$0x8] =	stream.linear.gather [hbm4b:s7+s6], $0x100, $0x38;
	[tilespmem:$0x17FC0] =	vst v63  }
0x220: {  	_ =	swait.ge [sflag:s12], $0x100  }
0x221: {  	[sflag:s12] =	ssyncset.done $0x0  }
0x222: {  	[sflag:s12] =	ssyncadd.s32 $0xFFFFFF00  }
0x223: {  	_ =	swait.ge [sflag:s12], $0x100  }
0x224: {  	[sflag:s12] =	ssyncset.done $0x0  }
0x225: {  	s7 =	rddreg [dreg:$0x11];
	[sflag:s12] =	ssyncadd.s32 $0xFFFFFF00  }
0x226: {  	[tilespmem:s18], [sflag:$0x1] =	stream.indirect.gather [hbm4b:s7+s9], $0x40, s6, s9, $0xb8;
	[tilespmem:$0x17FC0] =	vst v63  }
0x227: {  	_ =	swait.ge [sflag:s19], $0x4000  }
0x228: {  	[sflag:s19] =	ssyncset.done $0x0  }
0x229: {  	[sflag:s19] =	ssyncadd.s32 $0xFFFFC000  }
0x22a: {  	[spmem:s3] =	stream.indirect.scatter.add.f32 [tilespmem:s18], [sflag:$0x4], $0x40, s9, s9, $0xb8;
	[tilespmem:$0x17FC0] =	vst v63  }
0x22b: {  	_ = 	snop  }
0x22c: {  	[spmem:s5] =	stream.indirect.scatter.add.f32 [tilespmem:s4], [sflag:$0x4], $0x8, s9, s9, $0xb8;
	[tilespmem:$0x17FC0] =	vst v63  }
0x22d: {  	_ =	swait.ge [sflag:s23], $0x100  }
0x22e: {  	[sflag:s23] =	ssyncset.done $0x0  }
0x22f: {  	[sflag:s23] =	ssyncadd.s32 $0xFFFFFF00  }
0x230: {  	_ =	swait.ge [sflag:s23], $0x100  }
0x231: {  	[sflag:s23] =	ssyncset.done $0x0  }
0x232: {  	[sflag:s23] =	ssyncadd.s32 $0xFFFFFF00  }
0x233: {  	[tilespmem:s24], [sflag:$0x2] =	stream.indirect.gather [hbm4b:s7+s9], $0x40, s10, s9, $0xb8;
	[tilespmem:$0x17FC0] =	vst v63  }
0x234: {  	_ =	swait.ge [sflag:s25], $0x4000  }
0x235: {  	[sflag:s25] =	ssyncset.done $0x0  }
0x236: {  	[sflag:s25] =	ssyncadd.s32 $0xFFFFC000  }
0x237: {  	[spmem:s3] =	stream.indirect.scatter.add.f32 [tilespmem:s24], [sflag:$0x5], $0x40, s11, s9, $0xb8;
	[tilespmem:$0x17FC0] =	vst v63  }
0x238: {  	_ = 	snop  }
0x239: {  	[spmem:s5] =	stream.indirect.scatter.add.f32 [tilespmem:s4], [sflag:$0x5], $0x8, s11, s9, $0xb8;
	[tilespmem:$0x17FC0] =	vst v63  }
0x23a: {  	_ =	swait.ge [sflag:s26], $0x4000  }
0x23b: {  	[sflag:s26] =	ssyncset.done $0x0  }
0x23c: {  	[sflag:s26] =	ssyncadd.s32 $0xFFFFC000  }
0x23d: {  	_ =	swait.ge [sflag:s26], $0x800  }
0x23e: {  	[sflag:s26] =	ssyncset.done $0x0  }
0x23f: {  	[sflag:s26] =	ssyncadd.s32 $0xFFFFF800  }
0x240: {  	_ =	swait.ge [sflag:s30], $0x4000  }
0x241: {  	[sflag:s30] =	ssyncset.done $0x0  }
0x242: {  	[sflag:s30] =	ssyncadd.s32 $0xFFFFC000  }
0x243: {  	_ =	swait.ge [sflag:s30], $0x800  }
0x244: {  	[sflag:s30] =	ssyncset.done $0x0  }
0x245: {  	[sflag:s30] =	ssyncadd.s32 $0xFFFFF800  }
0x246: {  	[bflag:$0x0] =	sbarrier.arrive $0xFFFF  }
0x247: {  	s7 =	sld [smem:$0x7F4];
	_ =	sdelay $0x2  }
0x248: {  	[hbm:s7], [sflag:s17] =	dma.local [spmem:s1], $0x13C0  }
0x249: {  	_ =	swait.ge [sflag:s20], $0x13C0  }
0x24a: {  	s1 =	sld [smem:$0x7F7]  }
0x24b: {  	[sflag:s20] =	ssyncset.done $0x0  }
0x24c: {  	[sflag:s20] =	ssyncadd.s32 $0xFFFFEC40  }
0x24d: {  	[hbm:s1], [sflag:s17] =	dma.local [spmem:s2], $0x278  }
0x24e: {  	_ =	swait.ge [sflag:s20], $0x278  }
0x24f: {  	s2 =	sld [smem:$0x7FD]  }
0x250: {  	s7 =	sld [smem:$0x7F8];
	_ =	sdelay $0x1  }
0x251: {  	s1 =	sadd.s32 $0x1, s2  }
0x252: {  	p0 =	sne.s32 s1, s7  }
.Ltmp2:
0x253: {  	_ = 	snop;
	(pc) =	sbr.rel @p0 .LBB2_1-.Ltmp2, $4  }
0x254: {  	_ = 	snop  }
0x255: {  	[smem:$0x7FD] =	sst s1  }
0x256: {  	[sflag:s20] =	ssyncset.done $0x0;
	s7 =	rddreg [dreg:$0xa]  }
0x257: {  	[sflag:s20] =	ssyncadd.s32 $0xFFFFFD88;
	s2 =	smov.u32 s13;
	s1 =	rddreg [dreg:$0xb]  }
0x258: {  	_ =	sfence.sel $0x180000  }
0x259: {  	[bflag:$0x0] =	sbarrier.arrive $0xFFFF  }
0x25a: {  	_ =	strace $0x90000047  }
0x25b: {  	s0 =	stileid.u32;
	[bflag:$0x2] =	sbarrier.arrive $0xFFFF  }
0x25c: {  	p0 =	sne.s32 s0, $0x0;
	s0 =	rddreg [dreg:$0x5]  }
0x25d: {  	s0 =	sadd.s32 @!p0 $0x100000, s0  }
0x25e: {  	[sflag:s0] =	ssyncadd.tile.s32 @!p0 $0x1;
	_ =	shalt  }
.Lfunc_end2:
_tile_overlayer_lowered:
.L_overlay_start_2:
0x25f: {  	(tag) =	ssettag $0x2  }
0x260: {  	s0 =	rddreg [dreg:$0x0];
	s2 =	stileid.u32  }
0x261: {  	s1 =	rddreg [dreg:$0x1];
	p0 =	sne.s32 s2, $0x0  }
0x262: {  	s3 =	rddreg [dreg:$0x2];
	[bflag:$0x3] =	sbarrier.arrive $0xFFFF;
	s2 =	simm.s32 @!p0 $0x1C0A  }
0x263: {  	[timem:s3], [sflag:s2] =	dma.local @!p0 [hbm:s0], s1  }
0x264: {  	s0 =	simm.s32 @!p0 $0xA  }
0x265: {  	_ =	swait.ge @!p0 [sflag:s0], s1  }
0x266: {  	s1 =	ssub.s32 @!p0 $0x0, s1;
	[sflag:s0] =	ssyncset.done @!p0 $0x0  }
0x267: {  	[sflag:s0] =	ssyncadd.s32 @!p0 s1  }
0x268: {  	[bflag:$0x3] =	sbarrier.arrive $0xFFFF  }
0x269: {  	_ =	shalt  }

// kernel: kernel.8.cloned.1.call-start
scs
__scs_entry_jumppad:
0x0: {  	(pc) =	sbr.rel $0x88, $3  }
0x1: {  	(tag) =	ssettag $0x0;
	lr =	simm.s32 $0x1  }
0x2: {  	[smem:$0x3F86] =	sst lr;
	_ =	strace $0xD0000000  }
0x3: {  	_ = 	snop  }
0x4: {  	_ = 	snop  }
0x5: {  	_ = 	snop  }
0x6: {  	_ = 	snop  }
0x7: {  	_ = 	snop  }
__scs_overlays_trampoline_lowered:
0x8: {  	[smem:$0x3F95] =	sst s0  }
0x9: {  	[smem:$0x3F96] =	sst s1  }
0xa: {  	[smem:$0x3F97] =	sst s2  }
0xb: {  	[smem:$0x3F98] =	sst s3  }
0xc: {  	[smem:$0x3F99] =	sst s4  }
0xd: {  	[smem:$0x3F9A] =	sst s5  }
0xe: {  	[smem:$0x3F9B] =	sst s6  }
0xf: {  	[smem:$0x3F9C] =	sst s7  }
0x10: {  	[smem:$0x3F9D] =	sst s8  }
0x11: {  	[smem:$0x3F9E] =	sst s9;
	s0 =	simm.s32 @!p0 $0x0  }
0x12: {  	s1 =	sld [smem:$0x3F84];
	s0 =	simm.s32 @p0 $0x1  }
0x13: {  	[smem:$0x3F9F] =	sst s0;
	s0 =	simm.s32 @!p1 $0x0  }
0x14: {  	s2 =	sld [smem:$0x3F83];
	s0 =	simm.s32 @p1 $0x1  }
0x15: {  	[smem:$0x3FA0] =	sst s0;
	s0 =	simm.s32 @!p2 $0x0  }
0x16: {  	s3 =	sld [smem:$0x3FDB];
	s0 =	simm.s32 @p2 $0x1  }
0x17: {  	s4 =	simm.s32 $0x1BF5;
	[smem:$0x3FA2] =	sst s0  }
0x18: {  	s0 =	sld [smem:$0x3F85];
	_ =	swait.ge [sflag:s4], $0x0  }
0x19: {  	s7 =	sld [smem:$0x3F86]  }
0x1a: {  	s8 =	sadd.s32 $0xFFFFE003, lr  }
0x1b: {  	s9 =	sadd.s32 $0xFFFFFEF7, lr;
	s5 =	simm.s32 $0xFFFFFFFF;
	p2 =	slt.u32 s8, $0xFFFFF086  }
0x1c: {  	p1 =	slt.u32 s9, $0xF7A;
	s5 =	simm.s32 @!p2 $0x0  }
0x1d: {  	s5 =	simm.s32 @p1 $0x1;
	p0 =	seq.s32 s7, s2  }
0x1e: {  	s7 =	smul.u32 @!p0 $0xF7A, s2;
	p2 =	seq.s32 @!p0 s5, $0x0  }
0x1f: {  	s9 =	smul.u32 $0xF7A, s1;
	s8 =	simm.s32 @!p0 $0x1BF5;
	p2 =	por !p2, p0  }
0x20: {  	[sflag:s8] =	ssyncset.s32 @!p0 $0xFFFFF086;
	s6 =	sadd.s32 @!p0 s3, s7;
	s7 =	simm.s32 @!p0 $0x108  }
0x21: {  	s3 =	sadd.s32 s3, s9;
	s6 =	sadd.s32 @!p0 $0x88, s6;
	s7 =	simm.s32 @p2 $0x1082  }
0x22: {  	[simem:s7], [sflag:s8] =	dma.local @!p0 [hbm:s6], $0xF7A  }
0x23: {  	s9 =	sor.u32 $0xD0000000, s2;
	s6 =	simm.s32 $0x108;
	_ =	swait.ge @!p0 [sflag:s8], $0x0  }
0x24: {  	s3 =	sadd.s32 $0x88, s3;
	s6 =	simm.s32 @!p1 $0x1082;
	[sflag:s4] =	ssyncset.s32 $0xFFFFF086  }
0x25: {  	[simem:s6], [sflag:s4] =	dma.local [hbm:s3], $0xF7A  }
0x26: {  	[smem:$0x3F86] =	sst s1;
	(tag) =	ssettag s2;
	_ =	strace s9  }
0x27: {  	s1 =	sld [smem:$0x3F96]  }
0x28: {  	s2 =	sld [smem:$0x3F97]  }
0x29: {  	s4 =	sld [smem:$0x3F99]  }
0x2a: {  	p0 =	seq.s32 s5, $0x0;
	s5 =	sld [smem:$0x3F9A]  }
0x2b: {  	s6 =	sld [smem:$0x3F9B]  }
0x2c: {  	s7 =	sld [smem:$0x3F9C]  }
0x2d: {  	s3 =	simm.s32 $0x108;
	s8 =	sld [smem:$0x3F9D]  }
0x2e: {  	s3 =	simm.s32 @!p0 $0x1082;
	s9 =	sld [smem:$0x3F9E]  }
0x2f: {  	lr =	sadd.s32 s0, s3;
	s0 =	sld [smem:$0x3F95]  }
0x30: {  	s3 =	sld [smem:$0x3F98]  }
0x31: {  	[smem:$0x3FA1] =	sst s10  }
0x32: {  	s10 =	sld [smem:$0x3F9F];
	_ =	sdelay $0x3  }
0x33: {  	p0 =	seq.s32 s10, $0x1;
	s10 =	sld [smem:$0x3FA1];
	_ =	sdelay $0x3  }
0x34: {  	[smem:$0x3FA1] =	sst s10  }
0x35: {  	s10 =	sld [smem:$0x3FA0];
	_ =	sdelay $0x3  }
0x36: {  	p1 =	seq.s32 s10, $0x1;
	s10 =	sld [smem:$0x3FA1];
	_ =	sdelay $0x3  }
0x37: {  	[smem:$0x3FA1] =	sst s10  }
0x38: {  	s10 =	sld [smem:$0x3FA2]  }
0x39: {  	_ = 	snop;
	(pc) =	sbr.ind lr, $3  }
0x3a: {  	_ = 	snop  }
0x3b: {  	_ = 	snop  }
0x3c: {  	p2 =	seq.s32 s10, $0x1;
	s10 =	sld [smem:$0x3FA1]  }
0x3d: {  	_ =	shalt  }
0x3e: {  	_ =	shalt  }
0x3f: {  	_ =	shalt  }
0x40: {  	_ =	shalt  }
0x41: {  	_ =	shalt  }
0x42: {  	_ =	shalt  }
0x43: {  	_ =	shalt  }
0x44: {  	_ =	shalt  }
0x45: {  	_ =	shalt  }
0x46: {  	_ =	shalt  }
0x47: {  	_ =	shalt  }
0x48: {  	_ =	shalt  }
0x49: {  	_ =	shalt  }
0x4a: {  	_ =	shalt  }
0x4b: {  	_ =	shalt  }
0x4c: {  	_ =	shalt  }
0x4d: {  	_ =	shalt  }
0x4e: {  	_ =	shalt  }
0x4f: {  	_ =	shalt  }
0x50: {  	_ =	shalt  }
0x51: {  	_ =	shalt  }
0x52: {  	_ =	shalt  }
0x53: {  	_ =	shalt  }
0x54: {  	_ =	shalt  }
0x55: {  	_ =	shalt  }
0x56: {  	_ =	shalt  }
0x57: {  	_ =	shalt  }
0x58: {  	_ =	shalt  }
0x59: {  	_ =	shalt  }
0x5a: {  	_ =	shalt  }
0x5b: {  	_ =	shalt  }
0x5c: {  	_ =	shalt  }
0x5d: {  	_ =	shalt  }
0x5e: {  	_ =	shalt  }
0x5f: {  	_ =	shalt  }
0x60: {  	_ =	shalt  }
0x61: {  	_ =	shalt  }
0x62: {  	_ =	shalt  }
0x63: {  	_ =	shalt  }
0x64: {  	_ =	shalt  }
0x65: {  	_ =	shalt  }
0x66: {  	_ =	shalt  }
0x67: {  	_ =	shalt  }
0x68: {  	_ =	shalt  }
0x69: {  	_ =	shalt  }
0x6a: {  	_ =	shalt  }
0x6b: {  	_ =	shalt  }
0x6c: {  	_ =	shalt  }
0x6d: {  	_ =	shalt  }
0x6e: {  	_ =	shalt  }
0x6f: {  	_ =	shalt  }
0x70: {  	_ =	shalt  }
0x71: {  	_ =	shalt  }
0x72: {  	_ =	shalt  }
0x73: {  	_ =	shalt  }
0x74: {  	_ =	shalt  }
0x75: {  	_ =	shalt  }
0x76: {  	_ =	shalt  }
0x77: {  	_ =	shalt  }
0x78: {  	_ =	shalt  }
0x79: {  	_ =	shalt  }
0x7a: {  	_ =	shalt  }
0x7b: {  	_ =	shalt  }
0x7c: {  	_ =	shalt  }
0x7d: {  	_ =	shalt  }
0x7e: {  	_ =	shalt  }
0x7f: {  	_ =	shalt  }
0x80: {  	_ =	shalt  }
0x81: {  	_ =	shalt  }
0x82: {  	_ =	shalt  }
0x83: {  	_ =	shalt  }
0x84: {  	_ =	shalt  }
0x85: {  	_ =	shalt  }
0x86: {  	_ =	shalt  }
0x87: {  	_ =	shalt  }
.Lfunc_end0:
.L_simem_size_0:
called_computation_lowered:
.L_overlay_start_0:
0x88: {  	s2 =	sld [smem:$0x3FD9]  }
0x89: {  	s3 =	sld [smem:$0x3FFE];
	_ =	sdelay $0x1  }
0x8a: {  	s1 =	srdreg.scid  }
0x8b: {  	s0 =	sand.u32 $0x1, s1  }
0x8c: {  	s17 =	sshll.u32 s0, $0xA;
	s2 =	sadd.s32 s3, s2  }
0x8d: {  	s2 =	sadd.s32 s2, s17  }
0x8e: {  	[smem:$0x3FAD] =	sst s2  }
0x8f: {  	_ = 	snop  }
0x90: {  	(tm) =	ssettm $0x1  }
0x91: {  	s18 =	sld [smem:$0x3FFB];
	_ =	sdelay $0x3  }
0x92: {  	_ =	strace s18  }
0x93: {  	s2 =	sld [smem:$0x3FFC];
	_ =	sdelay $0x3  }
0x94: {  	_ =	strace s2  }
0x95: {  	s2 =	sld [smem:$0x3FFD];
	_ =	sdelay $0x3  }
0x96: {  	_ =	strace s2  }
0x97: {  	_ =	strace $0x8FFFFFFF  }
0x98: {  	s19 =	sld [smem:$0x3FDB];
	_ =	sdelay $0x1  }
0x99: {  	s20 =	simm.s32 $_scs_section_size  }
0x9a: {  	s4 =	simm.s32 $_size__tile_overlayer_lowered;
	s5 =	simm.s32 $_tile_overlayer_lowered  }
0x9b: {  	s6 =	simm.s32 $0x1BFF;
	s21 =	sshll.u32 s5, $0x1;
	s3 =	sadd.s32 s20, s19  }
0x9c: {  	s22 =	simm.s32 $0x0;
	s4 =	sshll.u32 s4, $0x1;
	s5 =	sadd.s32 s21, s3  }
0x9d: {  	[timem:s22], [sflag:s6] =	dma.local [hbm:s5], s4  }
0x9e: {  	_ =	swait.ge [sflag:s6], s4  }
0x9f: {  	s4 =	ssub.s32 $0x0, s4;
	[sflag:s6] =	ssyncset.done $0x0  }
0xa0: {  	[sflag:s6] =	ssyncadd.s32 s4;
	_ =	sdelay $0x1  }
0xa1: {  	s23 =	simm.s32 $0x1B8B  }
0xa2: {  	_ =	swait.ge [sflag:s23], $0x1  }
0xa3: {  	[sflag:s23] =	ssyncset.done $0x0  }
0xa4: {  	[sflag:s23] =	ssyncadd.s32 $0xFFFFFFFF  }
0xa5: {  	s4 =	sld [smem:$0x0]  }
0xa6: {  	s5 =	sand.u32 $0xFFFFFFFE, s1  }
0xa7: {  	p0 =	sne.s32 s1, s5  }
0xa8: {  	s5 =	sshll.u32 @p0 s5, $0xE  }
0xa9: {  	s5 =	sadd.s32 @p0 $0x11B8D, s5;
	s6 =	sshll.u32 @p0 s4, $0x11  }
0xaa: {  	s5 =	sor.u32 @p0 s6, s5  }
0xab: {  	[sflag:s5] =	ssyncadd.remote.s32 @p0 $0x1;
	_ =	sdelay $0x1  }
0xac: {  	s5 =	simm.s32 @p0 $0x1B8D  }
0xad: {  	_ =	swait.eq @p0 [sflag:s5], $0x1  }
0xae: {  	[sflag:s5] =	ssyncadd.s32 @p0 $0xFFFFFFFF  }
0xaf: {  	s6 =	sshll.u32 @!p0 s1, $0xE  }
0xb0: {  	s6 =	sor.u32 @!p0 $0x4000, s6;
	s5 =	simm.s32 @!p0 $0x1B8D  }
0xb1: {  	s4 =	sshll.u32 @!p0 s4, $0x11;
	s6 =	sadd.s32 @!p0 $0x11B8D, s6;
	_ =	swait.eq @!p0 [sflag:s5], $0x1  }
0xb2: {  	s4 =	sor.u32 @!p0 s4, s6;
	[sflag:s5] =	ssyncadd.s32 @!p0 $0xFFFFFFFF  }
0xb3: {  	s25 =	simm.s32 $0x1B8E;
	s24 =	sld [smem:$0x3FFE];
	[sflag:s4] =	ssyncadd.remote.s32 @!p0 $0x1  }
0xb4: {  	s26 =	simm.s32 $execute0_lowered;
	[smem:$0x3FD2] =	sst s25  }
0xb5: {  	s5 =	sshll.u32 s26, $0x1;
	_ =	strace $0x8000004C;
	[dreg:$0x1] =	wrdreg $0xFFFFFFFF  }
0xb6: {  	s28 =	simm.s32 $_size_execute0_lowered;
	s3 =	sadd.s32 s3, s5;
	[dreg:$0x0] =	wrdreg $0x0  }
0xb7: {  	s5 =	sshll.u32 s28, $0x1;
	[dreg:$0x2] =	wrdreg s3  }
0xb8: {  	[dreg:$0x3] =	wrdreg s5  }
0xb9: {  	[dreg:$0x4] =	wrdreg $0xC0  }
0xba: {  	_ =	task [dreg:s22], $0x5FFFF  }
0xbb: {  	[dreg:$0x1] =	wrdreg $0xFFFFFFFF  }
0xbc: {  	[dreg:$0x0] =	wrdreg $0x60  }
0xbd: {  	[dreg:$0x2] =	wrdreg s24  }
0xbe: {  	[dreg:$0x3] =	wrdreg $0xB000  }
0xbf: {  	[dreg:$0x4] =	wrdreg $0x9  }
0xc0: {  	_ =	task.clear_ibuf [dreg:s22], $0x5FFFF;
	_ =	strace $0x9000004C  }
0xc1: {  	s29 =	simm.s32 $0x9;
	_ =	strace $0x8000004E  }
0xc2: {  	_ =	swait.ge [sflag:s29], $0x1  }
0xc3: {  	[sflag:s29] =	ssyncadd.s32 $0xFFFFFFFF  }
0xc4: {  	_ =	strace $0x9000004E  }
0xc5: {  	_ =	sfence  }
0xc6: {  	s30 =	sld [smem:$0x0];
	_ =	sdelay $0x2  }
0xc7: {  	s31 =	sshll.u32 s1, $0xD;
	s1 =	sshrl.u32 s1, $0x2  }
0xc8: {  	s4 =	sand.u32 $0x4000, s31;
	s1 =	sadd.s32 s1, s30  }
0xc9: {  	s0 =	sor.u32 s4, s0;
	s1 =	sshll.u32 s1, $0x11  }
0xca: {  	s0 =	sor.u32 s1, s0  }
0xcb: {  	s0 =	sadd.s32 $0x8F2B, s0  }
0xcc: {  	[sflag:s0] =	ssyncadd.remote.s32 $0x1  }
0xcd: {  	_ =	sfence.sel $0xFFFF  }
0xce: {  	[dreg:$0x0] =	wrdreg $0xFFFFFFFF;
	(pc) =	sbr.abs _section_cstart, $3  }
0xcf: {  	[dreg:$0x1] =	wrdreg $0xFFFFFFFF  }
0xd0: {  	_ =	task.clear_ibuf [dreg:s22], $0x2FFFF;
	_ =	strace $0x9FFFFFFF  }
0xd1: {  	(tm) =	ssettm $0x7FFFFFFF  }
tec
execute0_lowered:
.L_overlay_start_1:
0x0: {  	(tag) =	ssettag $0x1  }
0x1: {  	s0 =	rddreg [dreg:$0x0]  }
0x2: {  	s2 =	rddreg [dreg:$0x1]  }
0x3: {  	s1 =	srdreg.scid;
	s13 =	stileid.u32  }
0x4: {  	s3 =	simm.s32 $0x0;
	s28 =	simm.s32 $0x7;
	s29 =	simm.s32 $0x300  }
0x5: {  	s30 =	simm.s32 $0x100;
	s31 =	simm.s32 $0x4;
	s1 =	sand.u32 $0x1, s1  }
0x6: {  	s4 =	sshll.u32 s13, $0x1;
	s6 =	smul.u32 $0x6200, s13;
	[smem:$0x7FF] =	sst s3  }
0x7: {  	s9 =	sadd.s32 $0xE5600, s0;
	s14 =	sadd.s32 $0x41C00, s0;
	s22 =	smul.u32 $0xC400, s13  }
0x8: {  	s25 =	sshll.u32 s13, $0x6;
	s5 =	sor.u32 s1, s4;
	s7 =	smul.u32 $0x62000, s1  }
0x9: {  	_ =	strace $0x8000004D;
	s8 =	ssub.s32 $0x2, s1;
	s1 =	smul.u32 $0x6200, s1  }
0xa: {  	[dreg:$0x3] =	wrdreg s14;
	s4 =	sshll.u32 s5, $0x8;
	s12 =	smul.u32 $0x6200, s5  }
0xb: {  	s11 =	sshrl.u32 s8, $0x1;
	s5 =	smul.u32 $0xC40, s5;
	s10 =	sadd.s32 s4, s0  }
0xc: {  	s4 =	sadd.s32 $0x101200, s0;
	s7 =	sadd.s32 s6, s7;
	s11 =	ssub.s32 s8, s11  }
0xd: {  	s6 =	sadd.s32 s6, s2;
	s7 =	sshrl.u32 s7, $0x3;
	s26 =	sshrl.u32 s12, $0x3  }
0xe: {  	[dreg:$0x4] =	wrdreg s6;
	s14 =	sadd.s32 s9, s5;
	s21 =	sadd.s32 $0xE3600, s10  }
0xf: {  	s23 =	sadd.s32 $0xE3620, s10;
	s24 =	sadd.s32 $0xE3640, s10;
	s16 =	sadd.s32 $0xE36A0, s10  }
0x10: {  	s17 =	sadd.s32 $0xE36C0, s10;
	s6 =	simm.s32 $0x6;
	[dreg:$0x8] =	wrdreg s21  }
0x11: {  	s0 =	sadd.s32 s7, s0;
	s7 =	sor.u32 $0x1C07, s25;
	[dreg:$0x9] =	wrdreg s23  }
0x12: {  	s8 =	sadd.s32 s9, s26;
	[dreg:$0xa] =	wrdreg s24;
	s25 =	sadd.s32 $0xE3660, s10  }
0x13: {  	s26 =	sadd.s32 s1, s22;
	s24 =	sadd.s32 $0xE3680, s10;
	s15 =	smov.u32 s14  }
0x14: {  	s18 =	sadd.s32 $0x40, s8;
	s19 =	sadd.s32 $0x60, s8;
	[dreg:$0xb] =	wrdreg s25  }
0x15: {  	s20 =	sadd.s32 $0x2B8800, s0;
	s1 =	sadd.s32 $0x600, s26;
	[dreg:$0x5] =	wrdreg s18  }
0x16: {  	s5 =	sadd.s32 $0x500, s26;
	s25 =	sadd.s32 $0xE36E0, s10;
	[dreg:$0x6] =	wrdreg s19  }
0x17: {  	s10 =	simm.s32 $0x3;
	[dreg:$0x7] =	wrdreg s20;
	s18 =	sadd.s32 $0x2A0000, s0  }
0x18: {  	s19 =	smax.u32 s11, $0x1;
	s20 =	sadd.s32 $0xC20, s8;
	s1 =	sshrl.u32 s1, $0x3  }
0x19: {  	s5 =	sshrl.u32 s5, $0x3;
	s0 =	sadd.s32 $0x400, s26;
	s26 =	sadd.s32 $0x20, s14  }
0x1a: {  	s11 =	simm.s32 $0x0;
	s21 =	sadd.s32 s1, s9;
	s22 =	sadd.s32 s5, s9  }
0x1b: {  	s0 =	sshrl.u32 s0, $0x3;
	s1 =	simm.s32 $0x5;
	s5 =	simm.s32 $0x1  }
0x1c: {  	s23 =	sadd.s32 s0, s9;
	s0 =	simm.s32 $0x200;
	s9 =	simm.s32 $0x2  }
.LBB2_1:
0x1d: {  	s8 =	rddreg [dreg:$0x4]  }
0x1e: {  	s12 =	sshrl.u32 s8, $0x3  }
0x1f: {  	[spmem:s12], [sflag:s7] =	dma.local [hbm:s4], $0xC40  }
0x20: {  	_ =	swait.ge [sflag:s28], $0xC40  }
0x21: {  	[sflag:s28] =	ssyncset.done $0x0  }
0x22: {  	s13 =	rddreg [dreg:$0x3];
	[sflag:s28] =	ssyncadd.s32 $0xFFFFF3C0  }
0x23: {  	[tilespmem:s29], [sflag:$0x7] =	stream.linear.gather [hbm4b:s13+s3], $0x800, $0x38;
	[tilespmem:$0x6D00] =	vst v63  }
0x24: {  	_ =	swait.ge [sflag:s28], $0x800  }
0x25: {  	[sflag:s28] =	ssyncset.done $0x0  }
0x26: {  	[sflag:s28] =	ssyncadd.s32 $0xFFFFF800  }
0x27: {  	[bflag:$0x0] =	sbarrier.arrive $0xFFFF  }
0x28: {  	[tilespmem:s3], [sflag:$0x4] =	stream.linear.gather [hbm4b:s15+s3], $0x100, $0x38;
	[tilespmem:$0x6D00] =	vst v63  }
0x29: {  	_ = 	snop  }
0x2a: {  	[tilespmem:s30], [sflag:$0x5] =	stream.linear.gather [hbm4b:s26+s3], $0x100, $0x38;
	[tilespmem:$0x6D00] =	vst v63  }
0x2b: {  	_ =	swait.ge [sflag:s31], $0x100  }
0x2c: {  	[sflag:s31] =	ssyncset.done $0x0  }
0x2d: {  	[sflag:s31] =	ssyncadd.s32 $0xFFFFFF00  }
0x2e: {  	[spmem:s2] =	stream.indirect.scatter.add.f32 [tilespmem:s29], [sflag:$0x1], $0x8, s3, s30, $0xb8;
	[tilespmem:$0x6D00] =	vst v63  }
0x2f: {  	s14 =	rddreg [dreg:$0x5]  }
0x30: {  	[tilespmem:s0], [sflag:$0x6] =	stream.linear.gather [hbm4b:s14+s3], $0x100, $0x38;
	[tilespmem:$0x6D00] =	vst v63  }
0x31: {  	_ =	swait.ge [sflag:s1], $0x100  }
0x32: {  	[sflag:s1] =	ssyncset.done $0x0  }
0x33: {  	[sflag:s1] =	ssyncadd.s32 $0xFFFFFF00  }
0x34: {  	[spmem:s2] =	stream.indirect.scatter.add.f32 [tilespmem:s29], [sflag:$0x2], $0x8, s30, s30, $0xb8;
	[tilespmem:$0x6D00] =	vst v63  }
0x35: {  	_ =	swait.ge [sflag:s5], $0x800  }
0x36: {  	[sflag:s5] =	ssyncset.done $0x0  }
0x37: {  	s13 =	rddreg [dreg:$0x6];
	[sflag:s5] =	ssyncadd.s32 $0xFFFFF800  }
0x38: {  	[tilespmem:s3], [sflag:$0x4] =	stream.linear.gather [hbm4b:s13+s3], $0x100, $0x38;
	[tilespmem:$0x6D00] =	vst v63  }
0x39: {  	_ =	swait.ge [sflag:s6], $0x100  }
0x3a: {  	[sflag:s6] =	ssyncset.done $0x0  }
0x3b: {  	[sflag:s6] =	ssyncadd.s32 $0xFFFFFF00  }
0x3c: {  	[spmem:s2] =	stream.indirect.scatter.add.f32 [tilespmem:s29], [sflag:$0x3], $0x8, s0, s30, $0xb8;
	[tilespmem:$0x6D00] =	vst v63  }
0x3d: {  	_ =	swait.ge [sflag:s9], $0x800  }
0x3e: {  	[sflag:s9] =	ssyncset.done $0x0  }
0x3f: {  	s13 =	sadd.s32 $0x0, s23;
	[sflag:s9] =	ssyncadd.s32 $0xFFFFF800  }
0x40: {  	[tilespmem:s30], [sflag:$0x5] =	stream.linear.gather [hbm4b:s13+s3], $0x100, $0x38;
	[tilespmem:$0x6D00] =	vst v63  }
0x41: {  	_ =	swait.ge [sflag:s31], $0x100  }
0x42: {  	[sflag:s31] =	ssyncset.done $0x0  }
0x43: {  	[sflag:s31] =	ssyncadd.s32 $0xFFFFFF00  }
0x44: {  	[spmem:s2] =	stream.indirect.scatter.add.f32 [tilespmem:s29], [sflag:$0x1], $0x8, s3, s30, $0xb8;
	[tilespmem:$0x6D00] =	vst v63  }
0x45: {  	_ =	swait.ge [sflag:s10], $0x800  }
0x46: {  	[sflag:s10] =	ssyncset.done $0x0  }
0x47: {  	s14 =	sadd.s32 $0x0, s22;
	[sflag:s10] =	ssyncadd.s32 $0xFFFFF800  }
0x48: {  	[tilespmem:s0], [sflag:$0x6] =	stream.linear.gather [hbm4b:s14+s3], $0x100, $0x38;
	[tilespmem:$0x6D00] =	vst v63  }
0x49: {  	_ =	swait.ge [sflag:s1], $0x100  }
0x4a: {  	[sflag:s1] =	ssyncset.done $0x0  }
0x4b: {  	[sflag:s1] =	ssyncadd.s32 $0xFFFFFF00  }
0x4c: {  	[spmem:s2] =	stream.indirect.scatter.add.f32 [tilespmem:s29], [sflag:$0x2], $0x8, s30, s30, $0xb8;
	[tilespmem:$0x6D00] =	vst v63  }
0x4d: {  	_ =	swait.ge [sflag:s5], $0x800  }
0x4e: {  	[sflag:s5] =	ssyncset.done $0x0  }
0x4f: {  	s13 =	simm.s32 $0x60;
	s14 =	sadd.s32 $0x0, s21;
	[sflag:s5] =	ssyncadd.s32 $0xFFFFF800  }
.LBB2_2:
0x50: {  	[tilespmem:s3], [sflag:$0x4] =	stream.linear.gather [hbm4b:s14+s3], $0x100, $0x38;
	[tilespmem:$0x6D00] =	vst v63  }
0x51: {  	s14 =	smov.u32 s13  }
0x52: {  	p0 =	sne.s32 s13, $0xB40;
	s13 =	sadd.s32 $0x60, s13;
	_ =	swait.ge [sflag:s6], $0x100  }
0x53: {  	[sflag:s6] =	ssyncset.done $0x0  }
0x54: {  	[sflag:s6] =	ssyncadd.s32 $0xFFFFFF00  }
0x55: {  	[spmem:s2] =	stream.indirect.scatter.add.f32 [tilespmem:s29], [sflag:$0x3], $0x8, s0, s30, $0xb8;
	[tilespmem:$0x6D00] =	vst v63  }
0x56: {  	_ =	swait.ge [sflag:s9], $0x800  }
0x57: {  	[sflag:s9] =	ssyncset.done $0x0  }
0x58: {  	s8 =	sadd.s32 s14, s23;
	[sflag:s9] =	ssyncadd.s32 $0xFFFFF800  }
0x59: {  	[tilespmem:s30], [sflag:$0x5] =	stream.linear.gather [hbm4b:s8+s3], $0x100, $0x38;
	[tilespmem:$0x6D00] =	vst v63  }
0x5a: {  	_ =	swait.ge [sflag:s31], $0x100  }
0x5b: {  	[sflag:s31] =	ssyncset.done $0x0  }
0x5c: {  	[sflag:s31] =	ssyncadd.s32 $0xFFFFFF00  }
0x5d: {  	[spmem:s2] =	stream.indirect.scatter.add.f32 [tilespmem:s29], [sflag:$0x1], $0x8, s3, s30, $0xb8;
	[tilespmem:$0x6D00] =	vst v63  }
0x5e: {  	_ =	swait.ge [sflag:s10], $0x800  }
0x5f: {  	[sflag:s10] =	ssyncset.done $0x0  }
0x60: {  	s8 =	sadd.s32 s14, s22;
	[sflag:s10] =	ssyncadd.s32 $0xFFFFF800  }
0x61: {  	[tilespmem:s0], [sflag:$0x6] =	stream.linear.gather [hbm4b:s8+s3], $0x100, $0x38;
	[tilespmem:$0x6D00] =	vst v63  }
0x62: {  	_ =	swait.ge [sflag:s1], $0x100  }
0x63: {  	[sflag:s1] =	ssyncset.done $0x0  }
.Ltmp0:
0x64: {  	[sflag:s1] =	ssyncadd.s32 $0xFFFFFF00;
	(pc) =	sbr.rel @p0 .LBB2_2-.Ltmp0, $4  }
0x65: {  	[spmem:s2] =	stream.indirect.scatter.add.f32 [tilespmem:s29], [sflag:$0x2], $0x8, s30, s30, $0xb8;
	[tilespmem:$0x6D00] =	vst v63  }
0x66: {  	_ =	swait.ge [sflag:s5], $0x800  }
0x67: {  	[sflag:s5] =	ssyncset.done $0x0  }
0x68: {  	s14 =	sadd.s32 s14, s21;
	[sflag:s5] =	ssyncadd.s32 $0xFFFFF800  }
0x69: {  	[tilespmem:s3], [sflag:$0x4] =	stream.linear.gather [hbm4b:s14+s3], $0x100, $0x38;
	[tilespmem:$0x6D00] =	vst v63  }
0x6a: {  	_ =	swait.ge [sflag:s6], $0x100  }
0x6b: {  	[sflag:s6] =	ssyncset.done $0x0  }
0x6c: {  	[sflag:s6] =	ssyncadd.s32 $0xFFFFFF00  }
0x6d: {  	[spmem:s2] =	stream.indirect.scatter.add.f32 [tilespmem:s29], [sflag:$0x3], $0x8, s0, s30, $0xb8;
	[tilespmem:$0x6D00] =	vst v63  }
0x6e: {  	_ =	swait.ge [sflag:s9], $0x800  }
0x6f: {  	[sflag:s9] =	ssyncset.done $0x0  }
0x70: {  	[sflag:s9] =	ssyncadd.s32 $0xFFFFF800  }
0x71: {  	[tilespmem:s30], [sflag:$0x5] =	stream.linear.gather [hbm4b:s20+s3], $0x100, $0x38;
	[tilespmem:$0x6D00] =	vst v63  }
0x72: {  	_ =	swait.ge [sflag:s31], $0x100  }
0x73: {  	[sflag:s31] =	ssyncset.done $0x0  }
0x74: {  	[sflag:s31] =	ssyncadd.s32 $0xFFFFFF00  }
0x75: {  	[spmem:s2] =	stream.indirect.scatter.add.f32 [tilespmem:s29], [sflag:$0x1], $0x8, s3, s30, $0xb8;
	[tilespmem:$0x6D00] =	vst v63  }
0x76: {  	_ =	swait.ge [sflag:s10], $0x800  }
0x77: {  	[sflag:s10] =	ssyncset.done $0x0  }
0x78: {  	[sflag:s10] =	ssyncadd.s32 $0xFFFFF800  }
0x79: {  	[tilespmem:s0], [sflag:$0x6] =	stream.linear.gather [hbm4b:s20+s3], $0x100, $0x38;
	[tilespmem:$0x6D00] =	vst v63  }
0x7a: {  	_ =	swait.ge [sflag:s1], $0x100  }
0x7b: {  	[sflag:s1] =	ssyncset.done $0x0  }
0x7c: {  	[sflag:s1] =	ssyncadd.s32 $0xFFFFFF00  }
0x7d: {  	[spmem:s2] =	stream.indirect.scatter.add.f32 [tilespmem:s29], [sflag:$0x2], $0x8, s30, s30, $0xb8;
	[tilespmem:$0x6D00] =	vst v63  }
0x7e: {  	_ =	swait.ge [sflag:s5], $0x800  }
0x7f: {  	[sflag:s5] =	ssyncset.done $0x0  }
0x80: {  	[sflag:s5] =	ssyncadd.s32 $0xFFFFF800  }
0x81: {  	[tilespmem:s3], [sflag:$0x4] =	stream.linear.gather [hbm4b:s20+s3], $0x100, $0x38;
	[tilespmem:$0x6D00] =	vst v63  }
0x82: {  	_ =	swait.ge [sflag:s6], $0x100  }
0x83: {  	[sflag:s6] =	ssyncset.done $0x0  }
0x84: {  	[sflag:s6] =	ssyncadd.s32 $0xFFFFFF00  }
0x85: {  	_ =	swait.ge [sflag:s31], $0x100  }
0x86: {  	[sflag:s31] =	ssyncset.done $0x0  }
0x87: {  	[sflag:s31] =	ssyncadd.s32 $0xFFFFFF00  }
0x88: {  	_ =	swait.ge [sflag:s9], $0x800  }
0x89: {  	[sflag:s9] =	ssyncset.done $0x0  }
0x8a: {  	[sflag:s9] =	ssyncadd.s32 $0xFFFFF800  }
0x8b: {  	[bflag:$0x0] =	sbarrier.arrive $0xFFFF  }
0x8c: {  	s8 =	rddreg [dreg:$0x7]  }
0x8d: {  	[hbm:s8], [sflag:s7] =	dma.local [spmem:s12], $0xC40  }
0x8e: {  	_ =	swait.ge [sflag:s28], $0xC40  }
0x8f: {  	[sflag:s28] =	ssyncset.done $0x0  }
0x90: {  	[sflag:s28] =	ssyncadd.s32 $0xFFFFF3C0  }
0x91: {  	[spmem:s12], [sflag:s7] =	dma.local [hbm:s4], $0xC40  }
0x92: {  	_ =	swait.ge [sflag:s28], $0xC40  }
0x93: {  	[sflag:s28] =	ssyncset.done $0x0  }
0x94: {  	[sflag:s28] =	ssyncadd.s32 $0xFFFFF3C0  }
0x95: {  	[bflag:$0x0] =	sbarrier.arrive $0xFFFF  }
0x96: {  	s13 =	rddreg [dreg:$0x8]  }
0x97: {  	[tilespmem:s3], [sflag:$0x4] =	stream.linear.gather [hbm4b:s13+s3], $0x100, $0x38;
	[tilespmem:$0x6D00] =	vst v63  }
0x98: {  	s14 =	rddreg [dreg:$0x9]  }
0x99: {  	[tilespmem:s30], [sflag:$0x5] =	stream.linear.gather [hbm4b:s14+s3], $0x100, $0x38;
	[tilespmem:$0x6D00] =	vst v63  }
0x9a: {  	_ =	swait.ge [sflag:s31], $0x100  }
0x9b: {  	[sflag:s31] =	ssyncset.done $0x0  }
0x9c: {  	[sflag:s31] =	ssyncadd.s32 $0xFFFFFF00  }
0x9d: {  	[spmem:s2] =	stream.indirect.scatter.add.f32 [tilespmem:s29], [sflag:$0x1], $0x8, s3, s30, $0xb8;
	[tilespmem:$0x6D00] =	vst v63  }
0x9e: {  	s13 =	rddreg [dreg:$0xa]  }
0x9f: {  	[tilespmem:s0], [sflag:$0x6] =	stream.linear.gather [hbm4b:s13+s3], $0x100, $0x38;
	[tilespmem:$0x6D00] =	vst v63  }
0xa0: {  	_ =	swait.ge [sflag:s1], $0x100  }
0xa1: {  	[sflag:s1] =	ssyncset.done $0x0  }
0xa2: {  	[sflag:s1] =	ssyncadd.s32 $0xFFFFFF00  }
0xa3: {  	[spmem:s2] =	stream.indirect.scatter.add.f32 [tilespmem:s29], [sflag:$0x2], $0x8, s30, s30, $0xb8;
	[tilespmem:$0x6D00] =	vst v63  }
0xa4: {  	_ =	swait.ge [sflag:s5], $0x800  }
0xa5: {  	[sflag:s5] =	ssyncset.done $0x0  }
0xa6: {  	s14 =	rddreg [dreg:$0xb];
	[sflag:s5] =	ssyncadd.s32 $0xFFFFF800  }
0xa7: {  	[tilespmem:s3], [sflag:$0x4] =	stream.linear.gather [hbm4b:s14+s3], $0x100, $0x38;
	[tilespmem:$0x6D00] =	vst v63  }
0xa8: {  	_ =	swait.ge [sflag:s6], $0x100  }
0xa9: {  	[sflag:s6] =	ssyncset.done $0x0  }
0xaa: {  	[sflag:s6] =	ssyncadd.s32 $0xFFFFFF00  }
0xab: {  	[spmem:s2] =	stream.indirect.scatter.add.f32 [tilespmem:s29], [sflag:$0x3], $0x8, s0, s30, $0xb8;
	[tilespmem:$0x6D00] =	vst v63  }
0xac: {  	_ =	swait.ge [sflag:s9], $0x800  }
0xad: {  	[sflag:s9] =	ssyncset.done $0x0  }
0xae: {  	[sflag:s9] =	ssyncadd.s32 $0xFFFFF800  }
0xaf: {  	[tilespmem:s30], [sflag:$0x5] =	stream.linear.gather [hbm4b:s24+s3], $0x100, $0x38;
	[tilespmem:$0x6D00] =	vst v63  }
0xb0: {  	_ =	swait.ge [sflag:s31], $0x100  }
0xb1: {  	[sflag:s31] =	ssyncset.done $0x0  }
0xb2: {  	[sflag:s31] =	ssyncadd.s32 $0xFFFFFF00  }
0xb3: {  	[spmem:s2] =	stream.indirect.scatter.add.f32 [tilespmem:s29], [sflag:$0x1], $0x8, s3, s30, $0xb8;
	[tilespmem:$0x6D00] =	vst v63  }
0xb4: {  	_ =	swait.ge [sflag:s10], $0x800  }
0xb5: {  	[sflag:s10] =	ssyncset.done $0x0  }
0xb6: {  	[sflag:s10] =	ssyncadd.s32 $0xFFFFF800  }
0xb7: {  	[tilespmem:s0], [sflag:$0x6] =	stream.linear.gather [hbm4b:s16+s3], $0x100, $0x38;
	[tilespmem:$0x6D00] =	vst v63  }
0xb8: {  	_ =	swait.ge [sflag:s1], $0x100  }
0xb9: {  	[sflag:s1] =	ssyncset.done $0x0  }
0xba: {  	[sflag:s1] =	ssyncadd.s32 $0xFFFFFF00  }
0xbb: {  	[spmem:s2] =	stream.indirect.scatter.add.f32 [tilespmem:s29], [sflag:$0x2], $0x8, s30, s30, $0xb8;
	[tilespmem:$0x6D00] =	vst v63  }
0xbc: {  	_ =	swait.ge [sflag:s5], $0x800  }
0xbd: {  	[sflag:s5] =	ssyncset.done $0x0  }
0xbe: {  	[sflag:s5] =	ssyncadd.s32 $0xFFFFF800  }
0xbf: {  	[tilespmem:s3], [sflag:$0x4] =	stream.linear.gather [hbm4b:s17+s3], $0x100, $0x38;
	[tilespmem:$0x6D00] =	vst v63  }
0xc0: {  	_ =	swait.ge [sflag:s6], $0x100  }
0xc1: {  	[sflag:s6] =	ssyncset.done $0x0  }
0xc2: {  	[sflag:s6] =	ssyncadd.s32 $0xFFFFFF00  }
0xc3: {  	[spmem:s2] =	stream.indirect.scatter.add.f32 [tilespmem:s29], [sflag:$0x3], $0x8, s0, s30, $0xb8;
	[tilespmem:$0x6D00] =	vst v63  }
0xc4: {  	_ =	swait.ge [sflag:s9], $0x800  }
0xc5: {  	[sflag:s9] =	ssyncset.done $0x0  }
0xc6: {  	[sflag:s9] =	ssyncadd.s32 $0xFFFFF800  }
0xc7: {  	[tilespmem:s30], [sflag:$0x5] =	stream.linear.gather [hbm4b:s25+s3], $0x100, $0x38;
	[tilespmem:$0x6D00] =	vst v63  }
0xc8: {  	_ =	swait.ge [sflag:s31], $0x100  }
0xc9: {  	[sflag:s31] =	ssyncset.done $0x0  }
0xca: {  	[sflag:s31] =	ssyncadd.s32 $0xFFFFFF00  }
0xcb: {  	[spmem:s2] =	stream.indirect.scatter.add.f32 [tilespmem:s29], [sflag:$0x1], $0x8, s3, s30, $0xb8;
	[tilespmem:$0x6D00] =	vst v63  }
0xcc: {  	_ =	swait.ge [sflag:s10], $0x800  }
0xcd: {  	[sflag:s10] =	ssyncset.done $0x0  }
0xce: {  	[sflag:s10] =	ssyncadd.s32 $0xFFFFF800  }
0xcf: {  	[tilespmem:s0], [sflag:$0x6] =	stream.linear.gather [hbm4b:s25+s3], $0x100, $0x38;
	[tilespmem:$0x6D00] =	vst v63  }
0xd0: {  	_ =	swait.ge [sflag:s1], $0x100  }
0xd1: {  	[sflag:s1] =	ssyncset.done $0x0  }
0xd2: {  	[sflag:s1] =	ssyncadd.s32 $0xFFFFFF00  }
0xd3: {  	[spmem:s2] =	stream.indirect.scatter.add.f32 [tilespmem:s29], [sflag:$0x2], $0x8, s30, s30, $0xb8;
	[tilespmem:$0x6D00] =	vst v63  }
0xd4: {  	_ =	swait.ge [sflag:s5], $0x800  }
0xd5: {  	[sflag:s5] =	ssyncset.done $0x0  }
0xd6: {  	[sflag:s5] =	ssyncadd.s32 $0xFFFFF800  }
0xd7: {  	[tilespmem:s3], [sflag:$0x4] =	stream.linear.gather [hbm4b:s25+s3], $0x100, $0x38;
	[tilespmem:$0x6D00] =	vst v63  }
0xd8: {  	_ =	swait.ge [sflag:s6], $0x100  }
0xd9: {  	[sflag:s6] =	ssyncset.done $0x0  }
0xda: {  	[sflag:s6] =	ssyncadd.s32 $0xFFFFFF00  }
0xdb: {  	_ =	swait.ge [sflag:s31], $0x100  }
0xdc: {  	[sflag:s31] =	ssyncset.done $0x0  }
0xdd: {  	[sflag:s31] =	ssyncadd.s32 $0xFFFFFF00  }
0xde: {  	_ =	swait.ge [sflag:s9], $0x800  }
0xdf: {  	s11 =	sadd.s32 $0x1, s11;
	[sflag:s9] =	ssyncset.done $0x0  }
0xe0: {  	p0 =	sne.s32 s11, s19;
	[sflag:s9] =	ssyncadd.s32 $0xFFFFF800  }
.Ltmp1:
0xe1: {  	[bflag:$0x0] =	sbarrier.arrive $0xFFFF;
	(pc) =	sbr.rel @p0 .LBB2_1-.Ltmp1, $4  }
0xe2: {  	[hbm:s18], [sflag:s7] =	dma.local [spmem:s12], $0xC40  }
0xe3: {  	_ =	swait.ge [sflag:s28], $0xC40  }
0xe4: {  	[sflag:s28] =	ssyncset.done $0x0  }
0xe5: {  	[sflag:s28] =	ssyncadd.s32 $0xFFFFF3C0  }
0xe6: {  	_ =	sfence.sel $0x180000  }
0xe7: {  	[bflag:$0x0] =	sbarrier.arrive $0xFFFF  }
0xe8: {  	_ =	strace $0x9000004D  }
0xe9: {  	s0 =	stileid.u32;
	[bflag:$0x2] =	sbarrier.arrive $0xFFFF  }
0xea: {  	p0 =	sne.s32 s0, $0x0;
	s0 =	rddreg [dreg:$0x2]  }
0xeb: {  	s0 =	sadd.s32 @!p0 $0x100000, s0  }
0xec: {  	[sflag:s0] =	ssyncadd.tile.s32 @!p0 $0x1;
	_ =	shalt  }
.Lfunc_end2:
_tile_overlayer_lowered:
.L_overlay_start_2:
0xed: {  	(tag) =	ssettag $0x2  }
0xee: {  	s0 =	rddreg [dreg:$0x0];
	s2 =	stileid.u32  }
0xef: {  	s1 =	rddreg [dreg:$0x1];
	p0 =	sne.s32 s2, $0x0  }
0xf0: {  	s3 =	rddreg [dreg:$0x2];
	[bflag:$0x3] =	sbarrier.arrive $0xFFFF;
	s2 =	simm.s32 @!p0 $0x1C07  }
0xf1: {  	[timem:s3], [sflag:s2] =	dma.local @!p0 [hbm:s0], s1  }
0xf2: {  	s0 =	simm.s32 @!p0 $0x7  }
0xf3: {  	_ =	swait.ge @!p0 [sflag:s0], s1  }
0xf4: {  	s1 =	ssub.s32 @!p0 $0x0, s1;
	[sflag:s0] =	ssyncset.done @!p0 $0x0  }
0xf5: {  	[sflag:s0] =	ssyncadd.s32 @!p0 s1  }
0xf6: {  	[bflag:$0x3] =	sbarrier.arrive $0xFFFF  }
0xf7: {  	_ =	shalt  }

</sc_bundles>
